<compile_context>
chip_gen: v7x
topology: tpu7x:2x2x1
jax: 0.10.2.dev20260603
libtpu: 0.0.44.dev20260713+nightly
codegen_flags: <defaults>
</compile_context>

<pallas_src>
import functools

import jax
import jax.numpy as jnp
from jax import lax
from jax.experimental import pallas as pl
from jax.experimental.pallas import tpu as pltpu
from jax.experimental.pallas import tpu_sc as plsc

_B = 4096
_D = 8192
_NC = 2
_NS = 16
_NW = _NC * _NS
_BW = _B // _NW
_R = 2
_STEPS = _BW // _R
_NBUF = 7
_LOOK = 6

_mesh = plsc.VectorSubcoreMesh(core_axis_name="c", subcore_axis_name="s")


@functools.partial(
    pl.kernel,
    mesh=_mesh,
    out_type=jax.ShapeDtypeStruct((_B, _D), jnp.float32),
    scratch_types=(
        [pltpu.VMEM((_STEPS, _R), jnp.int32)]
        + [pltpu.VMEM((_R, _D), jnp.float32)] * _NBUF
        + [pltpu.SemaphoreType.DMA] * (2 * _NBUF)
    ),
)
def _gather_rows(table_hbm, idx_hbm, out_hbm, idx_v, *bufs_and_sems):
    bufs = bufs_and_sems[:_NBUF]
    gsems = bufs_and_sems[_NBUF:2 * _NBUF]
    ssems = bufs_and_sems[2 * _NBUF:]
    wid = lax.axis_index("s") * _NC + lax.axis_index("c")
    base = wid * _BW
    pltpu.sync_copy(idx_hbm.at[wid], idx_v)

    def gather_start(g, p):
        pltpu.async_copy(table_hbm.at[idx_v.at[g]], bufs[p], gsems[p])

    def gather_wait(p):
        pltpu.make_async_copy(table_hbm.at[idx_v.at[0]], bufs[p],
                              gsems[p]).wait()

    def scatter_start(g, p):
        pltpu.async_copy(bufs[p], out_hbm.at[pl.ds(base + g * _R, _R)],
                         ssems[p])

    def scatter_wait(g, p):
        pltpu.make_async_copy(bufs[p], out_hbm.at[pl.ds(base + g * _R, _R)],
                              ssems[p]).wait()

    for g in range(_LOOK):
        gather_start(g, g % _NBUF)
    for g in range(_STEPS):
        p = g % _NBUF
        gather_wait(p)
        scatter_start(g, p)
        if g + _LOOK < _STEPS:
            d = g + _LOOK - _NBUF
            if d >= 0:
                scatter_wait(d, d % _NBUF)
            gather_start(g + _LOOK, (g + _LOOK) % _NBUF)
    for g in range(_STEPS - _NBUF, _STEPS):
        scatter_wait(g, g % _NBUF)


def kernel(idx, logits):
    idx3 = idx.astype(jnp.int32).reshape(_NW, _STEPS, _R)
    return _gather_rows(logits, idx3)

# --- scband reference (transcript-rebuilt; emitter-appended) ---
"""Pipeline reference for scband-bigram-ref-13168369730155 (READ-ONLY COPY).

The authoritative reference and input builder live on the scoring server;
editing this copy changes nothing except your own understanding.
"""

import jax, jax.numpy as jnp
import numpy as np

V = 8192
B = 4096

def setup_inputs(seed: int = 0) -> dict:
    key = jax.random.key(seed)
    k1, k2 = jax.random.split(key)
    # counts buffer from __init__ (simulated integer bigram counts)
    counts = jax.random.randint(k1, (V, V), 0, 100).astype(jnp.float32)
    # __init__ precomputes the add-one-smoothed log-prob table as a buffer
    probs = (counts + 1.0) / (counts.sum(1, keepdims=True) + V)
    logits = jnp.log(probs)
    idx = jax.random.randint(k2, (B,), 0, V)
    return {"idx": idx, "logits": logits}

def reference(idx, logits):
    # forward: prev = idx; return self.logits[prev]  (pure row gather)
    prev = idx
    return jnp.take(logits, prev, axis=0)

if __name__ == "__main__":
    import jax
    _d = setup_inputs()
    print(jax.jit(kernel)(*tuple(_d.values())))

</pallas_src>

<mosaic_0001>
#map = affine_map<(d0, d1) -> (0, 0)>
#map1 = affine_map<(d0, d1) -> (0, 0, 0)>
module attributes {stable_mosaic.version = 14 : i64} {
  func.func @_gather_rows(%arg0: i32, %arg1: i32, %arg2: memref<8192x8192xf32, #tpu.memory_space<hbm>>, %arg3: memref<32x64x2xi32, #tpu.memory_space<hbm>>, %arg4: memref<4096x8192xf32, #tpu.memory_space<hbm>>, %arg5: memref<64x2xi32, #tpu.memory_space<vmem>>, %arg6: memref<2x8192xf32, #tpu.memory_space<vmem>>, %arg7: memref<2x8192xf32, #tpu.memory_space<vmem>>, %arg8: memref<2x8192xf32, #tpu.memory_space<vmem>>, %arg9: memref<2x8192xf32, #tpu.memory_space<vmem>>, %arg10: memref<2x8192xf32, #tpu.memory_space<vmem>>, %arg11: memref<2x8192xf32, #tpu.memory_space<vmem>>, %arg12: memref<2x8192xf32, #tpu.memory_space<vmem>>, %arg13: memref<!tpu.dma_semaphore, #tpu.memory_space<semaphore_mem>>, %arg14: memref<!tpu.dma_semaphore, #tpu.memory_space<semaphore_mem>>, %arg15: memref<!tpu.dma_semaphore, #tpu.memory_space<semaphore_mem>>, %arg16: memref<!tpu.dma_semaphore, #tpu.memory_space<semaphore_mem>>, %arg17: memref<!tpu.dma_semaphore, #tpu.memory_space<semaphore_mem>>, %arg18: memref<!tpu.dma_semaphore, #tpu.memory_space<semaphore_mem>>, %arg19: memref<!tpu.dma_semaphore, #tpu.memory_space<semaphore_mem>>, %arg20: memref<!tpu.dma_semaphore, #tpu.memory_space<semaphore_mem>>, %arg21: memref<!tpu.dma_semaphore, #tpu.memory_space<semaphore_mem>>, %arg22: memref<!tpu.dma_semaphore, #tpu.memory_space<semaphore_mem>>, %arg23: memref<!tpu.dma_semaphore, #tpu.memory_space<semaphore_mem>>, %arg24: memref<!tpu.dma_semaphore, #tpu.memory_space<semaphore_mem>>, %arg25: memref<!tpu.dma_semaphore, #tpu.memory_space<semaphore_mem>>, %arg26: memref<!tpu.dma_semaphore, #tpu.memory_space<semaphore_mem>>) attributes {dimension_semantics = [#tpu.dimension_semantics<core_parallel>, #tpu.dimension_semantics<subcore_parallel>], iteration_bounds = array<i64: 2, 16>, scalar_prefetch = 0 : i64, scratch_operands = 22 : i64, tpu.core_type = #tpu.core_type<sc_vector_subcore>, window_params = [{transform_indices = #map}, {transform_indices = #map1}, {transform_indices = #map}]} {
    %mul3A = arith.constant 2 : i32
    %mul3A_0 = arith.muli %arg1, %mul3A : i32
    %add3A = arith.addi %mul3A_0, %arg0 : i32
    %mul3A_1 = arith.constant 128 : i32
    %mul3A_2 = arith.muli %add3A, %mul3A_1 : i32
    "tpu.region"() ({
      %run_scoped3A = tpu.sem_alloc : memref<!tpu.dma_semaphore, #tpu.memory_space<semaphore_mem>>
      %dma_start3A_1665 = arith.constant 0 : i32
      %dma_start3A_1666 = arith.constant 0 : i32
      %dma_start3A_1667 = tpu.memref_slice %arg3[%add3A, %dma_start3A_1665, %dma_start3A_1666] : memref<32x64x2xi32, #tpu.memory_space<hbm>> -> memref<1x64x2xi32, #tpu.memory_space<hbm>>
      %dma_start3A_1668 = tpu.memref_squeeze %dma_start3A_1667 : memref<1x64x2xi32, #tpu.memory_space<hbm>> -> memref<64x2xi32, #tpu.memory_space<hbm>>
      %dma_start3A_1669 = arith.constant 0 : i32
      %dma_start3A_1670 = arith.constant 0 : i32
      %dma_start3A_1671 = tpu.memref_slice %arg3[%add3A, %dma_start3A_1669, %dma_start3A_1670] : memref<32x64x2xi32, #tpu.memory_space<hbm>> -> memref<1x64x2xi32, #tpu.memory_space<hbm>>
      %dma_start3A_1672 = tpu.memref_squeeze %dma_start3A_1671 : memref<1x64x2xi32, #tpu.memory_space<hbm>> -> memref<64x2xi32, #tpu.memory_space<hbm>>
      tpu.enqueue_dma source(%dma_start3A_1672 : memref<64x2xi32, #tpu.memory_space<hbm>>) target(%arg5 : memref<64x2xi32, #tpu.memory_space<vmem>>) target_semaphore(%run_scoped3A : memref<!tpu.dma_semaphore, #tpu.memory_space<semaphore_mem>>)
      %dma_wait3A_1673 = arith.constant 0 : i32
      %dma_wait3A_1674 = arith.constant 0 : i32
      %dma_wait3A_1675 = tpu.memref_slice %arg3[%add3A, %dma_wait3A_1673, %dma_wait3A_1674] : memref<32x64x2xi32, #tpu.memory_space<hbm>> -> memref<1x64x2xi32, #tpu.memory_space<hbm>>
      %dma_wait3A_1676 = tpu.memref_squeeze %dma_wait3A_1675 : memref<1x64x2xi32, #tpu.memory_space<hbm>> -> memref<64x2xi32, #tpu.memory_space<hbm>>
      %dma_wait3A_1677 = arith.constant 0 : i32
      %dma_wait3A_1678 = arith.constant 0 : i32
      %dma_wait3A_1679 = tpu.memref_slice %arg3[%add3A, %dma_wait3A_1677, %dma_wait3A_1678] : memref<32x64x2xi32, #tpu.memory_space<hbm>> -> memref<1x64x2xi32, #tpu.memory_space<hbm>>
      %dma_wait3A_1680 = tpu.memref_squeeze %dma_wait3A_1679 : memref<1x64x2xi32, #tpu.memory_space<hbm>> -> memref<64x2xi32, #tpu.memory_space<hbm>>
      tpu.wait_dma2 semaphore(%run_scoped3A : memref<!tpu.dma_semaphore, #tpu.memory_space<semaphore_mem>>) src(%dma_wait3A_1680 : memref<64x2xi32, #tpu.memory_space<hbm>>) dst(%arg5 : memref<64x2xi32, #tpu.memory_space<vmem>>)
      tpu.yield
    }) : () -> ()
    %dma_start3A = arith.constant 0 : i32
    %dma_start3A_3 = arith.constant 0 : i32
    %dma_start3A_4 = tpu.memref_slice %arg5[%dma_start3A, %dma_start3A_3] : memref<64x2xi32, #tpu.memory_space<vmem>> -> memref<1x2xi32, #tpu.memory_space<vmem>>
    %dma_start3A_5 = tpu.memref_squeeze %dma_start3A_4 : memref<1x2xi32, #tpu.memory_space<vmem>> -> memref<2xi32, #tpu.memory_space<vmem>>
    %dma_start3A_6 = arith.constant 0 : i32
    %dma_start3A_7 = arith.constant 0 : i32
    %dma_start3A_8 = tpu.memref_slice %arg2[%dma_start3A_6, %dma_start3A_7] : memref<8192x8192xf32, #tpu.memory_space<hbm>> -> memref<8192x8192xf32, #tpu.memory_space<hbm>>
    tpu.enqueue_indirect_dma source(%dma_start3A_8 : memref<8192x8192xf32, #tpu.memory_space<hbm>>) target(%arg6 : memref<2x8192xf32, #tpu.memory_space<vmem>>) offsets(%dma_start3A_5 : memref<2xi32, #tpu.memory_space<vmem>>) semaphore(%arg13 : memref<!tpu.dma_semaphore, #tpu.memory_space<semaphore_mem>>)
    %dma_start3A_9 = arith.constant 1 : i32
    %dma_start3A_10 = arith.constant 0 : i32
    %dma_start3A_11 = tpu.memref_slice %arg5[%dma_start3A_9, %dma_start3A_10] : memref<64x2xi32, #tpu.memory_space<vmem>> -> memref<1x2xi32, #tpu.memory_space<vmem>>
    %dma_start3A_12 = tpu.memref_squeeze %dma_start3A_11 : memref<1x2xi32, #tpu.memory_space<vmem>> -> memref<2xi32, #tpu.memory_space<vmem>>
    %dma_start3A_13 = arith.constant 0 : i32
    %dma_start3A_14 = arith.constant 0 : i32
    %dma_start3A_15 = tpu.memref_slice %arg2[%dma_start3A_13, %dma_start3A_14] : memref<8192x8192xf32, #tpu.memory_space<hbm>> -> memref<8192x8192xf32, #tpu.memory_space<hbm>>
    tpu.enqueue_indirect_dma source(%dma_start3A_15 : memref<8192x8192xf32, #tpu.memory_space<hbm>>) target(%arg7 : memref<2x8192xf32, #tpu.memory_space<vmem>>) offsets(%dma_start3A_12 : memref<2xi32, #tpu.memory_space<vmem>>) semaphore(%arg14 : memref<!tpu.dma_semaphore, #tpu.memory_space<semaphore_mem>>)
    %dma_start3A_16 = arith.constant 2 : i32
    %dma_start3A_17 = arith.constant 0 : i32
    %dma_start3A_18 = tpu.memref_slice %arg5[%dma_start3A_16, %dma_start3A_17] : memref<64x2xi32, #tpu.memory_space<vmem>> -> memref<1x2xi32, #tpu.memory_space<vmem>>
    %dma_start3A_19 = tpu.memref_squeeze %dma_start3A_18 : memref<1x2xi32, #tpu.memory_space<vmem>> -> memref<2xi32, #tpu.memory_space<vmem>>
    %dma_start3A_20 = arith.constant 0 : i32
    %dma_start3A_21 = arith.constant 0 : i32
    %dma_start3A_22 = tpu.memref_slice %arg2[%dma_start3A_20, %dma_start3A_21] : memref<8192x8192xf32, #tpu.memory_space<hbm>> -> memref<8192x8192xf32, #tpu.memory_space<hbm>>
    tpu.enqueue_indirect_dma source(%dma_start3A_22 : memref<8192x8192xf32, #tpu.memory_space<hbm>>) target(%arg8 : memref<2x8192xf32, #tpu.memory_space<vmem>>) offsets(%dma_start3A_19 : memref<2xi32, #tpu.memory_space<vmem>>) semaphore(%arg15 : memref<!tpu.dma_semaphore, #tpu.memory_space<semaphore_mem>>)
    %dma_start3A_23 = arith.constant 3 : i32
    %dma_start3A_24 = arith.constant 0 : i32
    %dma_start3A_25 = tpu.memref_slice %arg5[%dma_start3A_23, %dma_start3A_24] : memref<64x2xi32, #tpu.memory_space<vmem>> -> memref<1x2xi32, #tpu.memory_space<vmem>>
    %dma_start3A_26 = tpu.memref_squeeze %dma_start3A_25 : memref<1x2xi32, #tpu.memory_space<vmem>> -> memref<2xi32, #tpu.memory_space<vmem>>
    %dma_start3A_27 = arith.constant 0 : i32
    %dma_start3A_28 = arith.constant 0 : i32
    %dma_start3A_29 = tpu.memref_slice %arg2[%dma_start3A_27, %dma_start3A_28] : memref<8192x8192xf32, #tpu.memory_space<hbm>> -> memref<8192x8192xf32, #tpu.memory_space<hbm>>
    tpu.enqueue_indirect_dma source(%dma_start3A_29 : memref<8192x8192xf32, #tpu.memory_space<hbm>>) target(%arg9 : memref<2x8192xf32, #tpu.memory_space<vmem>>) offsets(%dma_start3A_26 : memref<2xi32, #tpu.memory_space<vmem>>) semaphore(%arg16 : memref<!tpu.dma_semaphore, #tpu.memory_space<semaphore_mem>>)
    %dma_start3A_30 = arith.constant 4 : i32
    %dma_start3A_31 = arith.constant 0 : i32
    %dma_start3A_32 = tpu.memref_slice %arg5[%dma_start3A_30, %dma_start3A_31] : memref<64x2xi32, #tpu.memory_space<vmem>> -> memref<1x2xi32, #tpu.memory_space<vmem>>
    %dma_start3A_33 = tpu.memref_squeeze %dma_start3A_32 : memref<1x2xi32, #tpu.memory_space<vmem>> -> memref<2xi32, #tpu.memory_space<vmem>>
    %dma_start3A_34 = arith.constant 0 : i32
    %dma_start3A_35 = arith.constant 0 : i32
    %dma_start3A_36 = tpu.memref_slice %arg2[%dma_start3A_34, %dma_start3A_35] : memref<8192x8192xf32, #tpu.memory_space<hbm>> -> memref<8192x8192xf32, #tpu.memory_space<hbm>>
    tpu.enqueue_indirect_dma source(%dma_start3A_36 : memref<8192x8192xf32, #tpu.memory_space<hbm>>) target(%arg10 : memref<2x8192xf32, #tpu.memory_space<vmem>>) offsets(%dma_start3A_33 : memref<2xi32, #tpu.memory_space<vmem>>) semaphore(%arg17 : memref<!tpu.dma_semaphore, #tpu.memory_space<semaphore_mem>>)
    %dma_start3A_37 = arith.constant 5 : i32
    %dma_start3A_38 = arith.constant 0 : i32
    %dma_start3A_39 = tpu.memref_slice %arg5[%dma_start3A_37, %dma_start3A_38] : memref<64x2xi32, #tpu.memory_space<vmem>> -> memref<1x2xi32, #tpu.memory_space<vmem>>
    %dma_start3A_40 = tpu.memref_squeeze %dma_start3A_39 : memref<1x2xi32, #tpu.memory_space<vmem>> -> memref<2xi32, #tpu.memory_space<vmem>>
    %dma_start3A_41 = arith.constant 0 : i32
    %dma_start3A_42 = arith.constant 0 : i32
    %dma_start3A_43 = tpu.memref_slice %arg2[%dma_start3A_41, %dma_start3A_42] : memref<8192x8192xf32, #tpu.memory_space<hbm>> -> memref<8192x8192xf32, #tpu.memory_space<hbm>>
    tpu.enqueue_indirect_dma source(%dma_start3A_43 : memref<8192x8192xf32, #tpu.memory_space<hbm>>) target(%arg11 : memref<2x8192xf32, #tpu.memory_space<vmem>>) offsets(%dma_start3A_40 : memref<2xi32, #tpu.memory_space<vmem>>) semaphore(%arg18 : memref<!tpu.dma_semaphore, #tpu.memory_space<semaphore_mem>>)
    %dma_wait3A = arith.constant 0 : i32
    %dma_wait3A_44 = arith.constant 0 : i32
    %dma_wait3A_45 = tpu.memref_slice %arg5[%dma_wait3A, %dma_wait3A_44] : memref<64x2xi32, #tpu.memory_space<vmem>> -> memref<1x2xi32, #tpu.memory_space<vmem>>
    %dma_wait3A_46 = tpu.memref_squeeze %dma_wait3A_45 : memref<1x2xi32, #tpu.memory_space<vmem>> -> memref<2xi32, #tpu.memory_space<vmem>>
    %dma_wait3A_47 = arith.constant 0 : i32
    %dma_wait3A_48 = arith.constant 0 : i32
    %dma_wait3A_49 = tpu.memref_slice %arg2[%dma_wait3A_47, %dma_wait3A_48] : memref<8192x8192xf32, #tpu.memory_space<hbm>> -> memref<8192x8192xf32, #tpu.memory_space<hbm>>
    tpu.wait_indirect_dma semaphore(%arg13 : memref<!tpu.dma_semaphore, #tpu.memory_space<semaphore_mem>>) src(%dma_wait3A_49 : memref<8192x8192xf32, #tpu.memory_space<hbm>>) dst(%arg6 : memref<2x8192xf32, #tpu.memory_space<vmem>>)
    %add3A_50 = arith.constant 0 : i32
    %add3A_51 = arith.addi %mul3A_2, %add3A_50 : i32
    %dma_start3A_52 = arith.constant 0 : i32
    %dma_start3A_53 = tpu.memref_slice %arg4[%add3A_51, %dma_start3A_52] : memref<4096x8192xf32, #tpu.memory_space<hbm>> -> memref<2x8192xf32, #tpu.memory_space<hbm>>
    %dma_start3A_54 = arith.constant 0 : i32
    %dma_start3A_55 = tpu.memref_slice %arg4[%add3A_51, %dma_start3A_54] : memref<4096x8192xf32, #tpu.memory_space<hbm>> -> memref<2x8192xf32, #tpu.memory_space<hbm>>
    tpu.enqueue_dma source(%arg6 : memref<2x8192xf32, #tpu.memory_space<vmem>>) target(%dma_start3A_55 : memref<2x8192xf32, #tpu.memory_space<hbm>>) target_semaphore(%arg20 : memref<!tpu.dma_semaphore, #tpu.memory_space<semaphore_mem>>)
    %dma_start3A_56 = arith.constant 6 : i32
    %dma_start3A_57 = arith.constant 0 : i32
    %dma_start3A_58 = tpu.memref_slice %arg5[%dma_start3A_56, %dma_start3A_57] : memref<64x2xi32, #tpu.memory_space<vmem>> -> memref<1x2xi32, #tpu.memory_space<vmem>>
    %dma_start3A_59 = tpu.memref_squeeze %dma_start3A_58 : memref<1x2xi32, #tpu.memory_space<vmem>> -> memref<2xi32, #tpu.memory_space<vmem>>
    %dma_start3A_60 = arith.constant 0 : i32
    %dma_start3A_61 = arith.constant 0 : i32
    %dma_start3A_62 = tpu.memref_slice %arg2[%dma_start3A_60, %dma_start3A_61] : memref<8192x8192xf32, #tpu.memory_space<hbm>> -> memref<8192x8192xf32, #tpu.memory_space<hbm>>
    tpu.enqueue_indirect_dma source(%dma_start3A_62 : memref<8192x8192xf32, #tpu.memory_space<hbm>>) target(%arg12 : memref<2x8192xf32, #tpu.memory_space<vmem>>) offsets(%dma_start3A_59 : memref<2xi32, #tpu.memory_space<vmem>>) semaphore(%arg19 : memref<!tpu.dma_semaphore, #tpu.memory_space<semaphore_mem>>)
    %dma_wait3A_63 = arith.constant 0 : i32
    %dma_wait3A_64 = arith.constant 0 : i32
    %dma_wait3A_65 = tpu.memref_slice %arg5[%dma_wait3A_63, %dma_wait3A_64] : memref<64x2xi32, #tpu.memory_space<vmem>> -> memref<1x2xi32, #tpu.memory_space<vmem>>
    %dma_wait3A_66 = tpu.memref_squeeze %dma_wait3A_65 : memref<1x2xi32, #tpu.memory_space<vmem>> -> memref<2xi32, #tpu.memory_space<vmem>>
    %dma_wait3A_67 = arith.constant 0 : i32
    %dma_wait3A_68 = arith.constant 0 : i32
    %dma_wait3A_69 = tpu.memref_slice %arg2[%dma_wait3A_67, %dma_wait3A_68] : memref<8192x8192xf32, #tpu.memory_space<hbm>> -> memref<8192x8192xf32, #tpu.memory_space<hbm>>
    tpu.wait_indirect_dma semaphore(%arg14 : memref<!tpu.dma_semaphore, #tpu.memory_space<semaphore_mem>>) src(%dma_wait3A_69 : memref<8192x8192xf32, #tpu.memory_space<hbm>>) dst(%arg7 : memref<2x8192xf32, #tpu.memory_space<vmem>>)
    %add3A_70 = arith.constant 2 : i32
    %add3A_71 = arith.addi %mul3A_2, %add3A_70 : i32
    %dma_start3A_72 = arith.constant 0 : i32
    %dma_start3A_73 = tpu.memref_slice %arg4[%add3A_71, %dma_start3A_72] : memref<4096x8192xf32, #tpu.memory_space<hbm>> -> memref<2x8192xf32, #tpu.memory_space<hbm>>
    %dma_start3A_74 = arith.constant 0 : i32
    %dma_start3A_75 = tpu.memref_slice %arg4[%add3A_71, %dma_start3A_74] : memref<4096x8192xf32, #tpu.memory_space<hbm>> -> memref<2x8192xf32, #tpu.memory_space<hbm>>
    tpu.enqueue_dma source(%arg7 : memref<2x8192xf32, #tpu.memory_space<vmem>>) target(%dma_start3A_75 : memref<2x8192xf32, #tpu.memory_space<hbm>>) target_semaphore(%arg21 : memref<!tpu.dma_semaphore, #tpu.memory_space<semaphore_mem>>)
    %add3A_76 = arith.constant 0 : i32
    %add3A_77 = arith.addi %mul3A_2, %add3A_76 : i32
    %dma_wait3A_78 = arith.constant 0 : i32
    %dma_wait3A_79 = tpu.memref_slice %arg4[%add3A_77, %dma_wait3A_78] : memref<4096x8192xf32, #tpu.memory_space<hbm>> -> memref<2x8192xf32, #tpu.memory_space<hbm>>
    %dma_wait3A_80 = arith.constant 0 : i32
    %dma_wait3A_81 = tpu.memref_slice %arg4[%add3A_77, %dma_wait3A_80] : memref<4096x8192xf32, #tpu.memory_space<hbm>> -> memref<2x8192xf32, #tpu.memory_space<hbm>>
    tpu.wait_dma2 semaphore(%arg20 : memref<!tpu.dma_semaphore, #tpu.memory_space<semaphore_mem>>) src(%arg6 : memref<2x8192xf32, #tpu.memory_space<vmem>>) dst(%dma_wait3A_81 : memref<2x8192xf32, #tpu.memory_space<hbm>>)
    %dma_start3A_82 = arith.constant 7 : i32
    %dma_start3A_83 = arith.constant 0 : i32
    %dma_start3A_84 = tpu.memref_slice %arg5[%dma_start3A_82, %dma_start3A_83] : memref<64x2xi32, #tpu.memory_space<vmem>> -> memref<1x2xi32, #tpu.memory_space<vmem>>
    %dma_start3A_85 = tpu.memref_squeeze %dma_start3A_84 : memref<1x2xi32, #tpu.memory_space<vmem>> -> memref<2xi32, #tpu.memory_space<vmem>>
    %dma_start3A_86 = arith.constant 0 : i32
    %dma_start3A_87 = arith.constant 0 : i32
    %dma_start3A_88 = tpu.memref_slice %arg2[%dma_start3A_86, %dma_start3A_87] : memref<8192x8192xf32, #tpu.memory_space<hbm>> -> memref<8192x8192xf32, #tpu.memory_space<hbm>>
    tpu.enqueue_indirect_dma source(%dma_start3A_88 : memref<8192x8192xf32, #tpu.memory_space<hbm>>) target(%arg6 : memref<2x8192xf32, #tpu.memory_space<vmem>>) offsets(%dma_start3A_85 : memref<2xi32, #tpu.memory_space<vmem>>) semaphore(%arg13 : memref<!tpu.dma_semaphore, #tpu.memory_space<semaphore_mem>>)
    %dma_wait3A_89 = arith.constant 0 : i32
    %dma_wait3A_90 = arith.constant 0 : i32
    %dma_wait3A_91 = tpu.memref_slice %arg5[%dma_wait3A_89, %dma_wait3A_90] : memref<64x2xi32, #tpu.memory_space<vmem>> -> memref<1x2xi32, #tpu.memory_space<vmem>>
    %dma_wait3A_92 = tpu.memref_squeeze %dma_wait3A_91 : memref<1x2xi32, #tpu.memory_space<vmem>> -> memref<2xi32, #tpu.memory_space<vmem>>
    %dma_wait3A_93 = arith.constant 0 : i32
    %dma_wait3A_94 = arith.constant 0 : i32
    %dma_wait3A_95 = tpu.memref_slice %arg2[%dma_wait3A_93, %dma_wait3A_94] : memref<8192x8192xf32, #tpu.memory_space<hbm>> -> memref<8192x8192xf32, #tpu.memory_space<hbm>>
    tpu.wait_indirect_dma semaphore(%arg15 : memref<!tpu.dma_semaphore, #tpu.memory_space<semaphore_mem>>) src(%dma_wait3A_95 : memref<8192x8192xf32, #tpu.memory_space<hbm>>) dst(%arg8 : memref<2x8192xf32, #tpu.memory_space<vmem>>)
    %add3A_96 = arith.constant 4 : i32
    %add3A_97 = arith.addi %mul3A_2, %add3A_96 : i32
    %dma_start3A_98 = arith.constant 0 : i32
    %dma_start3A_99 = tpu.memref_slice %arg4[%add3A_97, %dma_start3A_98] : memref<4096x8192xf32, #tpu.memory_space<hbm>> -> memref<2x8192xf32, #tpu.memory_space<hbm>>
    %dma_start3A_100 = arith.constant 0 : i32
    %dma_start3A_101 = tpu.memref_slice %arg4[%add3A_97, %dma_start3A_100] : memref<4096x8192xf32, #tpu.memory_space<hbm>> -> memref<2x8192xf32, #tpu.memory_space<hbm>>
    tpu.enqueue_dma source(%arg8 : memref<2x8192xf32, #tpu.memory_space<vmem>>) target(%dma_start3A_101 : memref<2x8192xf32, #tpu.memory_space<hbm>>) target_semaphore(%arg22 : memref<!tpu.dma_semaphore, #tpu.memory_space<semaphore_mem>>)
    %add3A_102 = arith.constant 2 : i32
    %add3A_103 = arith.addi %mul3A_2, %add3A_102 : i32
    %dma_wait3A_104 = arith.constant 0 : i32
    %dma_wait3A_105 = tpu.memref_slice %arg4[%add3A_103, %dma_wait3A_104] : memref<4096x8192xf32, #tpu.memory_space<hbm>> -> memref<2x8192xf32, #tpu.memory_space<hbm>>
    %dma_wait3A_106 = arith.constant 0 : i32
    %dma_wait3A_107 = tpu.memref_slice %arg4[%add3A_103, %dma_wait3A_106] : memref<4096x8192xf32, #tpu.memory_space<hbm>> -> memref<2x8192xf32, #tpu.memory_space<hbm>>
    tpu.wait_dma2 semaphore(%arg21 : memref<!tpu.dma_semaphore, #tpu.memory_space<semaphore_mem>>) src(%arg7 : memref<2x8192xf32, #tpu.memory_space<vmem>>) dst(%dma_wait3A_107 : memref<2x8192xf32, #tpu.memory_space<hbm>>)
    %dma_start3A_108 = arith.constant 8 : i32
    %dma_start3A_109 = arith.constant 0 : i32
    %dma_start3A_110 = tpu.memref_slice %arg5[%dma_start3A_108, %dma_start3A_109] : memref<64x2xi32, #tpu.memory_space<vmem>> -> memref<1x2xi32, #tpu.memory_space<vmem>>
    %dma_start3A_111 = tpu.memref_squeeze %dma_start3A_110 : memref<1x2xi32, #tpu.memory_space<vmem>> -> memref<2xi32, #tpu.memory_space<vmem>>
    %dma_start3A_112 = arith.constant 0 : i32
    %dma_start3A_113 = arith.constant 0 : i32
    %dma_start3A_114 = tpu.memref_slice %arg2[%dma_start3A_112, %dma_start3A_113] : memref<8192x8192xf32, #tpu.memory_space<hbm>> -> memref<8192x8192xf32, #tpu.memory_space<hbm>>
    tpu.enqueue_indirect_dma source(%dma_start3A_114 : memref<8192x8192xf32, #tpu.memory_space<hbm>>) target(%arg7 : memref<2x8192xf32, #tpu.memory_space<vmem>>) offsets(%dma_start3A_111 : memref<2xi32, #tpu.memory_space<vmem>>) semaphore(%arg14 : memref<!tpu.dma_semaphore, #tpu.memory_space<semaphore_mem>>)
    %dma_wait3A_115 = arith.constant 0 : i32
    %dma_wait3A_116 = arith.constant 0 : i32
    %dma_wait3A_117 = tpu.memref_slice %arg5[%dma_wait3A_115, %dma_wait3A_116] : memref<64x2xi32, #tpu.memory_space<vmem>> -> memref<1x2xi32, #tpu.memory_space<vmem>>
    %dma_wait3A_118 = tpu.memref_squeeze %dma_wait3A_117 : memref<1x2xi32, #tpu.memory_space<vmem>> -> memref<2xi32, #tpu.memory_space<vmem>>
    %dma_wait3A_119 = arith.constant 0 : i32
    %dma_wait3A_120 = arith.constant 0 : i32
    %dma_wait3A_121 = tpu.memref_slice %arg2[%dma_wait3A_119, %dma_wait3A_120] : memref<8192x8192xf32, #tpu.memory_space<hbm>> -> memref<8192x8192xf32, #tpu.memory_space<hbm>>
    tpu.wait_indirect_dma semaphore(%arg16 : memref<!tpu.dma_semaphore, #tpu.memory_space<semaphore_mem>>) src(%dma_wait3A_121 : memref<8192x8192xf32, #tpu.memory_space<hbm>>) dst(%arg9 : memref<2x8192xf32, #tpu.memory_space<vmem>>)
    %add3A_122 = arith.constant 6 : i32
    %add3A_123 = arith.addi %mul3A_2, %add3A_122 : i32
    %dma_start3A_124 = arith.constant 0 : i32
    %dma_start3A_125 = tpu.memref_slice %arg4[%add3A_123, %dma_start3A_124] : memref<4096x8192xf32, #tpu.memory_space<hbm>> -> memref<2x8192xf32, #tpu.memory_space<hbm>>
    %dma_start3A_126 = arith.constant 0 : i32
    %dma_start3A_127 = tpu.memref_slice %arg4[%add3A_123, %dma_start3A_126] : memref<4096x8192xf32, #tpu.memory_space<hbm>> -> memref<2x8192xf32, #tpu.memory_space<hbm>>
    tpu.enqueue_dma source(%arg9 : memref<2x8192xf32, #tpu.memory_space<vmem>>) target(%dma_start3A_127 : memref<2x8192xf32, #tpu.memory_space<hbm>>) target_semaphore(%arg23 : memref<!tpu.dma_semaphore, #tpu.memory_space<semaphore_mem>>)
    %add3A_128 = arith.constant 4 : i32
    %add3A_129 = arith.addi %mul3A_2, %add3A_128 : i32
    %dma_wait3A_130 = arith.constant 0 : i32
    %dma_wait3A_131 = tpu.memref_slice %arg4[%add3A_129, %dma_wait3A_130] : memref<4096x8192xf32, #tpu.memory_space<hbm>> -> memref<2x8192xf32, #tpu.memory_space<hbm>>
    %dma_wait3A_132 = arith.constant 0 : i32
    %dma_wait3A_133 = tpu.memref_slice %arg4[%add3A_129, %dma_wait3A_132] : memref<4096x8192xf32, #tpu.memory_space<hbm>> -> memref<2x8192xf32, #tpu.memory_space<hbm>>
    tpu.wait_dma2 semaphore(%arg22 : memref<!tpu.dma_semaphore, #tpu.memory_space<semaphore_mem>>) src(%arg8 : memref<2x8192xf32, #tpu.memory_space<vmem>>) dst(%dma_wait3A_133 : memref<2x8192xf32, #tpu.memory_space<hbm>>)
    %dma_start3A_134 = arith.constant 9 : i32
    %dma_start3A_135 = arith.constant 0 : i32
    %dma_start3A_136 = tpu.memref_slice %arg5[%dma_start3A_134, %dma_start3A_135] : memref<64x2xi32, #tpu.memory_space<vmem>> -> memref<1x2xi32, #tpu.memory_space<vmem>>
    %dma_start3A_137 = tpu.memref_squeeze %dma_start3A_136 : memref<1x2xi32, #tpu.memory_space<vmem>> -> memref<2xi32, #tpu.memory_space<vmem>>
    %dma_start3A_138 = arith.constant 0 : i32
    %dma_start3A_139 = arith.constant 0 : i32
    %dma_start3A_140 = tpu.memref_slice %arg2[%dma_start3A_138, %dma_start3A_139] : memref<8192x8192xf32, #tpu.memory_space<hbm>> -> memref<8192x8192xf32, #tpu.memory_space<hbm>>
    tpu.enqueue_indirect_dma source(%dma_start3A_140 : memref<8192x8192xf32, #tpu.memory_space<hbm>>) target(%arg8 : memref<2x8192xf32, #tpu.memory_space<vmem>>) offsets(%dma_start3A_137 : memref<2xi32, #tpu.memory_space<vmem>>) semaphore(%arg15 : memref<!tpu.dma_semaphore, #tpu.memory_space<semaphore_mem>>)
    %dma_wait3A_141 = arith.constant 0 : i32
    %dma_wait3A_142 = arith.constant 0 : i32
    %dma_wait3A_143 = tpu.memref_slice %arg5[%dma_wait3A_141, %dma_wait3A_142] : memref<64x2xi32, #tpu.memory_space<vmem>> -> memref<1x2xi32, #tpu.memory_space<vmem>>
    %dma_wait3A_144 = tpu.memref_squeeze %dma_wait3A_143 : memref<1x2xi32, #tpu.memory_space<vmem>> -> memref<2xi32, #tpu.memory_space<vmem>>
    %dma_wait3A_145 = arith.constant 0 : i32
    %dma_wait3A_146 = arith.constant 0 : i32
    %dma_wait3A_147 = tpu.memref_slice %arg2[%dma_wait3A_145, %dma_wait3A_146] : memref<8192x8192xf32, #tpu.memory_space<hbm>> -> memref<8192x8192xf32, #tpu.memory_space<hbm>>
    tpu.wait_indirect_dma semaphore(%arg17 : memref<!tpu.dma_semaphore, #tpu.memory_space<semaphore_mem>>) src(%dma_wait3A_147 : memref<8192x8192xf32, #tpu.memory_space<hbm>>) dst(%arg10 : memref<2x8192xf32, #tpu.memory_space<vmem>>)
    %add3A_148 = arith.constant 8 : i32
    %add3A_149 = arith.addi %mul3A_2, %add3A_148 : i32
    %dma_start3A_150 = arith.constant 0 : i32
    %dma_start3A_151 = tpu.memref_slice %arg4[%add3A_149, %dma_start3A_150] : memref<4096x8192xf32, #tpu.memory_space<hbm>> -> memref<2x8192xf32, #tpu.memory_space<hbm>>
    %dma_start3A_152 = arith.constant 0 : i32
    %dma_start3A_153 = tpu.memref_slice %arg4[%add3A_149, %dma_start3A_152] : memref<4096x8192xf32, #tpu.memory_space<hbm>> -> memref<2x8192xf32, #tpu.memory_space<hbm>>
    tpu.enqueue_dma source(%arg10 : memref<2x8192xf32, #tpu.memory_space<vmem>>) target(%dma_start3A_153 : memref<2x8192xf32, #tpu.memory_space<hbm>>) target_semaphore(%arg24 : memref<!tpu.dma_semaphore, #tpu.memory_space<semaphore_mem>>)
    %add3A_154 = arith.constant 6 : i32
    %add3A_155 = arith.addi %mul3A_2, %add3A_154 : i32
    %dma_wait3A_156 = arith.constant 0 : i32
    %dma_wait3A_157 = tpu.memref_slice %arg4[%add3A_155, %dma_wait3A_156] : memref<4096x8192xf32, #tpu.memory_space<hbm>> -> memref<2x8192xf32, #tpu.memory_space<hbm>>
    %dma_wait3A_158 = arith.constant 0 : i32
    %dma_wait3A_159 = tpu.memref_slice %arg4[%add3A_155, %dma_wait3A_158] : memref<4096x8192xf32, #tpu.memory_space<hbm>> -> memref<2x8192xf32, #tpu.memory_space<hbm>>
    tpu.wait_dma2 semaphore(%arg23 : memref<!tpu.dma_semaphore, #tpu.memory_space<semaphore_mem>>) src(%arg9 : memref<2x8192xf32, #tpu.memory_space<vmem>>) dst(%dma_wait3A_159 : memref<2x8192xf32, #tpu.memory_space<hbm>>)
    %dma_start3A_160 = arith.constant 10 : i32
    %dma_start3A_161 = arith.constant 0 : i32
    %dma_start3A_162 = tpu.memref_slice %arg5[%dma_start3A_160, %dma_start3A_161] : memref<64x2xi32, #tpu.memory_space<vmem>> -> memref<1x2xi32, #tpu.memory_space<vmem>>
    %dma_start3A_163 = tpu.memref_squeeze %dma_start3A_162 : memref<1x2xi32, #tpu.memory_space<vmem>> -> memref<2xi32, #tpu.memory_space<vmem>>
    %dma_start3A_164 = arith.constant 0 : i32
    %dma_start3A_165 = arith.constant 0 : i32
    %dma_start3A_166 = tpu.memref_slice %arg2[%dma_start3A_164, %dma_start3A_165] : memref<8192x8192xf32, #tpu.memory_space<hbm>> -> memref<8192x8192xf32, #tpu.memory_space<hbm>>
    tpu.enqueue_indirect_dma source(%dma_start3A_166 : memref<8192x8192xf32, #tpu.memory_space<hbm>>) target(%arg9 : memref<2x8192xf32, #tpu.memory_space<vmem>>) offsets(%dma_start3A_163 : memref<2xi32, #tpu.memory_space<vmem>>) semaphore(%arg16 : memref<!tpu.dma_semaphore, #tpu.memory_space<semaphore_mem>>)
    %dma_wait3A_167 = arith.constant 0 : i32
    %dma_wait3A_168 = arith.constant 0 : i32
    %dma_wait3A_169 = tpu.memref_slice %arg5[%dma_wait3A_167, %dma_wait3A_168] : memref<64x2xi32, #tpu.memory_space<vmem>> -> memref<1x2xi32, #tpu.memory_space<vmem>>
    %dma_wait3A_170 = tpu.memref_squeeze %dma_wait3A_169 : memref<1x2xi32, #tpu.memory_space<vmem>> -> memref<2xi32, #tpu.memory_space<vmem>>
    %dma_wait3A_171 = arith.constant 0 : i32
    %dma_wait3A_172 = arith.constant 0 : i32
    %dma_wait3A_173 = tpu.memref_slice %arg2[%dma_wait3A_171, %dma_wait3A_172] : memref<8192x8192xf32, #tpu.memory_space<hbm>> -> memref<8192x8192xf32, #tpu.memory_space<hbm>>
    tpu.wait_indirect_dma semaphore(%arg18 : memref<!tpu.dma_semaphore, #tpu.memory_space<semaphore_mem>>) src(%dma_wait3A_173 : memref<8192x8192xf32, #tpu.memory_space<hbm>>) dst(%arg11 : memref<2x8192xf32, #tpu.memory_space<vmem>>)
    %add3A_174 = arith.constant 10 : i32
    %add3A_175 = arith.addi %mul3A_2, %add3A_174 : i32
    %dma_start3A_176 = arith.constant 0 : i32
    %dma_start3A_177 = tpu.memref_slice %arg4[%add3A_175, %dma_start3A_176] : memref<4096x8192xf32, #tpu.memory_space<hbm>> -> memref<2x8192xf32, #tpu.memory_space<hbm>>
    %dma_start3A_178 = arith.constant 0 : i32
    %dma_start3A_179 = tpu.memref_slice %arg4[%add3A_175, %dma_start3A_178] : memref<4096x8192xf32, #tpu.memory_space<hbm>> -> memref<2x8192xf32, #tpu.memory_space<hbm>>
    tpu.enqueue_dma source(%arg11 : memref<2x8192xf32, #tpu.memory_space<vmem>>) target(%dma_start3A_179 : memref<2x8192xf32, #tpu.memory_space<hbm>>) target_semaphore(%arg25 : memref<!tpu.dma_semaphore, #tpu.memory_space<semaphore_mem>>)
    %add3A_180 = arith.constant 8 : i32
    %add3A_181 = arith.addi %mul3A_2, %add3A_180 : i32
    %dma_wait3A_182 = arith.constant 0 : i32
    %dma_wait3A_183 = tpu.memref_slice %arg4[%add3A_181, %dma_wait3A_182] : memref<4096x8192xf32, #tpu.memory_space<hbm>> -> memref<2x8192xf32, #tpu.memory_space<hbm>>
    %dma_wait3A_184 = arith.constant 0 : i32
    %dma_wait3A_185 = tpu.memref_slice %arg4[%add3A_181, %dma_wait3A_184] : memref<4096x8192xf32, #tpu.memory_space<hbm>> -> memref<2x8192xf32, #tpu.memory_space<hbm>>
    tpu.wait_dma2 semaphore(%arg24 : memref<!tpu.dma_semaphore, #tpu.memory_space<semaphore_mem>>) src(%arg10 : memref<2x8192xf32, #tpu.memory_space<vmem>>) dst(%dma_wait3A_185 : memref<2x8192xf32, #tpu.memory_space<hbm>>)
    %dma_start3A_186 = arith.constant 11 : i32
    %dma_start3A_187 = arith.constant 0 : i32
    %dma_start3A_188 = tpu.memref_slice %arg5[%dma_start3A_186, %dma_start3A_187] : memref<64x2xi32, #tpu.memory_space<vmem>> -> memref<1x2xi32, #tpu.memory_space<vmem>>
    %dma_start3A_189 = tpu.memref_squeeze %dma_start3A_188 : memref<1x2xi32, #tpu.memory_space<vmem>> -> memref<2xi32, #tpu.memory_space<vmem>>
    %dma_start3A_190 = arith.constant 0 : i32
    %dma_start3A_191 = arith.constant 0 : i32
    %dma_start3A_192 = tpu.memref_slice %arg2[%dma_start3A_190, %dma_start3A_191] : memref<8192x8192xf32, #tpu.memory_space<hbm>> -> memref<8192x8192xf32, #tpu.memory_space<hbm>>
    tpu.enqueue_indirect_dma source(%dma_start3A_192 : memref<8192x8192xf32, #tpu.memory_space<hbm>>) target(%arg10 : memref<2x8192xf32, #tpu.memory_space<vmem>>) offsets(%dma_start3A_189 : memref<2xi32, #tpu.memory_space<vmem>>) semaphore(%arg17 : memref<!tpu.dma_semaphore, #tpu.memory_space<semaphore_mem>>)
    %dma_wait3A_193 = arith.constant 0 : i32
    %dma_wait3A_194 = arith.constant 0 : i32
    %dma_wait3A_195 = tpu.memref_slice %arg5[%dma_wait3A_193, %dma_wait3A_194] : memref<64x2xi32, #tpu.memory_space<vmem>> -> memref<1x2xi32, #tpu.memory_space<vmem>>
    %dma_wait3A_196 = tpu.memref_squeeze %dma_wait3A_195 : memref<1x2xi32, #tpu.memory_space<vmem>> -> memref<2xi32, #tpu.memory_space<vmem>>
    %dma_wait3A_197 = arith.constant 0 : i32
    %dma_wait3A_198 = arith.constant 0 : i32
    %dma_wait3A_199 = tpu.memref_slice %arg2[%dma_wait3A_197, %dma_wait3A_198] : memref<8192x8192xf32, #tpu.memory_space<hbm>> -> memref<8192x8192xf32, #tpu.memory_space<hbm>>
    tpu.wait_indirect_dma semaphore(%arg19 : memref<!tpu.dma_semaphore, #tpu.memory_space<semaphore_mem>>) src(%dma_wait3A_199 : memref<8192x8192xf32, #tpu.memory_space<hbm>>) dst(%arg12 : memref<2x8192xf32, #tpu.memory_space<vmem>>)
    %add3A_200 = arith.constant 12 : i32
    %add3A_201 = arith.addi %mul3A_2, %add3A_200 : i32
    %dma_start3A_202 = arith.constant 0 : i32
    %dma_start3A_203 = tpu.memref_slice %arg4[%add3A_201, %dma_start3A_202] : memref<4096x8192xf32, #tpu.memory_space<hbm>> -> memref<2x8192xf32, #tpu.memory_space<hbm>>
    %dma_start3A_204 = arith.constant 0 : i32
    %dma_start3A_205 = tpu.memref_slice %arg4[%add3A_201, %dma_start3A_204] : memref<4096x8192xf32, #tpu.memory_space<hbm>> -> memref<2x8192xf32, #tpu.memory_space<hbm>>
    tpu.enqueue_dma source(%arg12 : memref<2x8192xf32, #tpu.memory_space<vmem>>) target(%dma_start3A_205 : memref<2x8192xf32, #tpu.memory_space<hbm>>) target_semaphore(%arg26 : memref<!tpu.dma_semaphore, #tpu.memory_space<semaphore_mem>>)
    %add3A_206 = arith.constant 10 : i32
    %add3A_207 = arith.addi %mul3A_2, %add3A_206 : i32
    %dma_wait3A_208 = arith.constant 0 : i32
    %dma_wait3A_209 = tpu.memref_slice %arg4[%add3A_207, %dma_wait3A_208] : memref<4096x8192xf32, #tpu.memory_space<hbm>> -> memref<2x8192xf32, #tpu.memory_space<hbm>>
    %dma_wait3A_210 = arith.constant 0 : i32
    %dma_wait3A_211 = tpu.memref_slice %arg4[%add3A_207, %dma_wait3A_210] : memref<4096x8192xf32, #tpu.memory_space<hbm>> -> memref<2x8192xf32, #tpu.memory_space<hbm>>
    tpu.wait_dma2 semaphore(%arg25 : memref<!tpu.dma_semaphore, #tpu.memory_space<semaphore_mem>>) src(%arg11 : memref<2x8192xf32, #tpu.memory_space<vmem>>) dst(%dma_wait3A_211 : memref<2x8192xf32, #tpu.memory_space<hbm>>)
    %dma_start3A_212 = arith.constant 12 : i32
    %dma_start3A_213 = arith.constant 0 : i32
    %dma_start3A_214 = tpu.memref_slice %arg5[%dma_start3A_212, %dma_start3A_213] : memref<64x2xi32, #tpu.memory_space<vmem>> -> memref<1x2xi32, #tpu.memory_space<vmem>>
    %dma_start3A_215 = tpu.memref_squeeze %dma_start3A_214 : memref<1x2xi32, #tpu.memory_space<vmem>> -> memref<2xi32, #tpu.memory_space<vmem>>
    %dma_start3A_216 = arith.constant 0 : i32
    %dma_start3A_217 = arith.constant 0 : i32
    %dma_start3A_218 = tpu.memref_slice %arg2[%dma_start3A_216, %dma_start3A_217] : memref<8192x8192xf32, #tpu.memory_space<hbm>> -> memref<8192x8192xf32, #tpu.memory_space<hbm>>
    tpu.enqueue_indirect_dma source(%dma_start3A_218 : memref<8192x8192xf32, #tpu.memory_space<hbm>>) target(%arg11 : memref<2x8192xf32, #tpu.memory_space<vmem>>) offsets(%dma_start3A_215 : memref<2xi32, #tpu.memory_space<vmem>>) semaphore(%arg18 : memref<!tpu.dma_semaphore, #tpu.memory_space<semaphore_mem>>)
    %dma_wait3A_219 = arith.constant 0 : i32
    %dma_wait3A_220 = arith.constant 0 : i32
    %dma_wait3A_221 = tpu.memref_slice %arg5[%dma_wait3A_219, %dma_wait3A_220] : memref<64x2xi32, #tpu.memory_space<vmem>> -> memref<1x2xi32, #tpu.memory_space<vmem>>
    %dma_wait3A_222 = tpu.memref_squeeze %dma_wait3A_221 : memref<1x2xi32, #tpu.memory_space<vmem>> -> memref<2xi32, #tpu.memory_space<vmem>>
    %dma_wait3A_223 = arith.constant 0 : i32
    %dma_wait3A_224 = arith.constant 0 : i32
    %dma_wait3A_225 = tpu.memref_slice %arg2[%dma_wait3A_223, %dma_wait3A_224] : memref<8192x8192xf32, #tpu.memory_space<hbm>> -> memref<8192x8192xf32, #tpu.memory_space<hbm>>
    tpu.wait_indirect_dma semaphore(%arg13 : memref<!tpu.dma_semaphore, #tpu.memory_space<semaphore_mem>>) src(%dma_wait3A_225 : memref<8192x8192xf32, #tpu.memory_space<hbm>>) dst(%arg6 : memref<2x8192xf32, #tpu.memory_space<vmem>>)
    %add3A_226 = arith.constant 14 : i32
    %add3A_227 = arith.addi %mul3A_2, %add3A_226 : i32
    %dma_start3A_228 = arith.constant 0 : i32
    %dma_start3A_229 = tpu.memref_slice %arg4[%add3A_227, %dma_start3A_228] : memref<4096x8192xf32, #tpu.memory_space<hbm>> -> memref<2x8192xf32, #tpu.memory_space<hbm>>
    %dma_start3A_230 = arith.constant 0 : i32
    %dma_start3A_231 = tpu.memref_slice %arg4[%add3A_227, %dma_start3A_230] : memref<4096x8192xf32, #tpu.memory_space<hbm>> -> memref<2x8192xf32, #tpu.memory_space<hbm>>
    tpu.enqueue_dma source(%arg6 : memref<2x8192xf32, #tpu.memory_space<vmem>>) target(%dma_start3A_231 : memref<2x8192xf32, #tpu.memory_space<hbm>>) target_semaphore(%arg20 : memref<!tpu.dma_semaphore, #tpu.memory_space<semaphore_mem>>)
    %add3A_232 = arith.constant 12 : i32
    %add3A_233 = arith.addi %mul3A_2, %add3A_232 : i32
    %dma_wait3A_234 = arith.constant 0 : i32
    %dma_wait3A_235 = tpu.memref_slice %arg4[%add3A_233, %dma_wait3A_234] : memref<4096x8192xf32, #tpu.memory_space<hbm>> -> memref<2x8192xf32, #tpu.memory_space<hbm>>
    %dma_wait3A_236 = arith.constant 0 : i32
    %dma_wait3A_237 = tpu.memref_slice %arg4[%add3A_233, %dma_wait3A_236] : memref<4096x8192xf32, #tpu.memory_space<hbm>> -> memref<2x8192xf32, #tpu.memory_space<hbm>>
    tpu.wait_dma2 semaphore(%arg26 : memref<!tpu.dma_semaphore, #tpu.memory_space<semaphore_mem>>) src(%arg12 : memref<2x8192xf32, #tpu.memory_space<vmem>>) dst(%dma_wait3A_237 : memref<2x8192xf32, #tpu.memory_space<hbm>>)
    %dma_start3A_238 = arith.constant 13 : i32
    %dma_start3A_239 = arith.constant 0 : i32
    %dma_start3A_240 = tpu.memref_slice %arg5[%dma_start3A_238, %dma_start3A_239] : memref<64x2xi32, #tpu.memory_space<vmem>> -> memref<1x2xi32, #tpu.memory_space<vmem>>
    %dma_start3A_241 = tpu.memref_squeeze %dma_start3A_240 : memref<1x2xi32, #tpu.memory_space<vmem>> -> memref<2xi32, #tpu.memory_space<vmem>>
    %dma_start3A_242 = arith.constant 0 : i32
    %dma_start3A_243 = arith.constant 0 : i32
    %dma_start3A_244 = tpu.memref_slice %arg2[%dma_start3A_242, %dma_start3A_243] : memref<8192x8192xf32, #tpu.memory_space<hbm>> -> memref<8192x8192xf32, #tpu.memory_space<hbm>>
    tpu.enqueue_indirect_dma source(%dma_start3A_244 : memref<8192x8192xf32, #tpu.memory_space<hbm>>) target(%arg12 : memref<2x8192xf32, #tpu.memory_space<vmem>>) offsets(%dma_start3A_241 : memref<2xi32, #tpu.memory_space<vmem>>) semaphore(%arg19 : memref<!tpu.dma_semaphore, #tpu.memory_space<semaphore_mem>>)
    %dma_wait3A_245 = arith.constant 0 : i32
    %dma_wait3A_246 = arith.constant 0 : i32
    %dma_wait3A_247 = tpu.memref_slice %arg5[%dma_wait3A_245, %dma_wait3A_246] : memref<64x2xi32, #tpu.memory_space<vmem>> -> memref<1x2xi32, #tpu.memory_space<vmem>>
    %dma_wait3A_248 = tpu.memref_squeeze %dma_wait3A_247 : memref<1x2xi32, #tpu.memory_space<vmem>> -> memref<2xi32, #tpu.memory_space<vmem>>
    %dma_wait3A_249 = arith.constant 0 : i32
    %dma_wait3A_250 = arith.constant 0 : i32
    %dma_wait3A_251 = tpu.memref_slice %arg2[%dma_wait3A_249, %dma_wait3A_250] : memref<8192x8192xf32, #tpu.memory_space<hbm>> -> memref<8192x8192xf32, #tpu.memory_space<hbm>>
    tpu.wait_indirect_dma semaphore(%arg14 : memref<!tpu.dma_semaphore, #tpu.memory_space<semaphore_mem>>) src(%dma_wait3A_251 : memref<8192x8192xf32, #tpu.memory_space<hbm>>) dst(%arg7 : memref<2x8192xf32, #tpu.memory_space<vmem>>)
    %add3A_252 = arith.constant 16 : i32
    %add3A_253 = arith.addi %mul3A_2, %add3A_252 : i32
    %dma_start3A_254 = arith.constant 0 : i32
    %dma_start3A_255 = tpu.memref_slice %arg4[%add3A_253, %dma_start3A_254] : memref<4096x8192xf32, #tpu.memory_space<hbm>> -> memref<2x8192xf32, #tpu.memory_space<hbm>>
    %dma_start3A_256 = arith.constant 0 : i32
    %dma_start3A_257 = tpu.memref_slice %arg4[%add3A_253, %dma_start3A_256] : memref<4096x8192xf32, #tpu.memory_space<hbm>> -> memref<2x8192xf32, #tpu.memory_space<hbm>>
    tpu.enqueue_dma source(%arg7 : memref<2x8192xf32, #tpu.memory_space<vmem>>) target(%dma_start3A_257 : memref<2x8192xf32, #tpu.memory_space<hbm>>) target_semaphore(%arg21 : memref<!tpu.dma_semaphore, #tpu.memory_space<semaphore_mem>>)
    %add3A_258 = arith.constant 14 : i32
    %add3A_259 = arith.addi %mul3A_2, %add3A_258 : i32
    %dma_wait3A_260 = arith.constant 0 : i32
    %dma_wait3A_261 = tpu.memref_slice %arg4[%add3A_259, %dma_wait3A_260] : memref<4096x8192xf32, #tpu.memory_space<hbm>> -> memref<2x8192xf32, #tpu.memory_space<hbm>>
    %dma_wait3A_262 = arith.constant 0 : i32
    %dma_wait3A_263 = tpu.memref_slice %arg4[%add3A_259, %dma_wait3A_262] : memref<4096x8192xf32, #tpu.memory_space<hbm>> -> memref<2x8192xf32, #tpu.memory_space<hbm>>
    tpu.wait_dma2 semaphore(%arg20 : memref<!tpu.dma_semaphore, #tpu.memory_space<semaphore_mem>>) src(%arg6 : memref<2x8192xf32, #tpu.memory_space<vmem>>) dst(%dma_wait3A_263 : memref<2x8192xf32, #tpu.memory_space<hbm>>)
    %dma_start3A_264 = arith.constant 14 : i32
    %dma_start3A_265 = arith.constant 0 : i32
    %dma_start3A_266 = tpu.memref_slice %arg5[%dma_start3A_264, %dma_start3A_265] : memref<64x2xi32, #tpu.memory_space<vmem>> -> memref<1x2xi32, #tpu.memory_space<vmem>>
    %dma_start3A_267 = tpu.memref_squeeze %dma_start3A_266 : memref<1x2xi32, #tpu.memory_space<vmem>> -> memref<2xi32, #tpu.memory_space<vmem>>
    %dma_start3A_268 = arith.constant 0 : i32
    %dma_start3A_269 = arith.constant 0 : i32
    %dma_start3A_270 = tpu.memref_slice %arg2[%dma_start3A_268, %dma_start3A_269] : memref<8192x8192xf32, #tpu.memory_space<hbm>> -> memref<8192x8192xf32, #tpu.memory_space<hbm>>
    tpu.enqueue_indirect_dma source(%dma_start3A_270 : memref<8192x8192xf32, #tpu.memory_space<hbm>>) target(%arg6 : memref<2x8192xf32, #tpu.memory_space<vmem>>) offsets(%dma_start3A_267 : memref<2xi32, #tpu.memory_space<vmem>>) semaphore(%arg13 : memref<!tpu.dma_semaphore, #tpu.memory_space<semaphore_mem>>)
    %dma_wait3A_271 = arith.constant 0 : i32
    %dma_wait3A_272 = arith.constant 0 : i32
    %dma_wait3A_273 = tpu.memref_slice %arg5[%dma_wait3A_271, %dma_wait3A_272] : memref<64x2xi32, #tpu.memory_space<vmem>> -> memref<1x2xi32, #tpu.memory_space<vmem>>
    %dma_wait3A_274 = tpu.memref_squeeze %dma_wait3A_273 : memref<1x2xi32, #tpu.memory_space<vmem>> -> memref<2xi32, #tpu.memory_space<vmem>>
    %dma_wait3A_275 = arith.constant 0 : i32
    %dma_wait3A_276 = arith.constant 0 : i32
    %dma_wait3A_277 = tpu.memref_slice %arg2[%dma_wait3A_275, %dma_wait3A_276] : memref<8192x8192xf32, #tpu.memory_space<hbm>> -> memref<8192x8192xf32, #tpu.memory_space<hbm>>
    tpu.wait_indirect_dma semaphore(%arg15 : memref<!tpu.dma_semaphore, #tpu.memory_space<semaphore_mem>>) src(%dma_wait3A_277 : memref<8192x8192xf32, #tpu.memory_space<hbm>>) dst(%arg8 : memref<2x8192xf32, #tpu.memory_space<vmem>>)
    %add3A_278 = arith.constant 18 : i32
    %add3A_279 = arith.addi %mul3A_2, %add3A_278 : i32
    %dma_start3A_280 = arith.constant 0 : i32
    %dma_start3A_281 = tpu.memref_slice %arg4[%add3A_279, %dma_start3A_280] : memref<4096x8192xf32, #tpu.memory_space<hbm>> -> memref<2x8192xf32, #tpu.memory_space<hbm>>
    %dma_start3A_282 = arith.constant 0 : i32
    %dma_start3A_283 = tpu.memref_slice %arg4[%add3A_279, %dma_start3A_282] : memref<4096x8192xf32, #tpu.memory_space<hbm>> -> memref<2x8192xf32, #tpu.memory_space<hbm>>
    tpu.enqueue_dma source(%arg8 : memref<2x8192xf32, #tpu.memory_space<vmem>>) target(%dma_start3A_283 : memref<2x8192xf32, #tpu.memory_space<hbm>>) target_semaphore(%arg22 : memref<!tpu.dma_semaphore, #tpu.memory_space<semaphore_mem>>)
    %add3A_284 = arith.constant 16 : i32
    %add3A_285 = arith.addi %mul3A_2, %add3A_284 : i32
    %dma_wait3A_286 = arith.constant 0 : i32
    %dma_wait3A_287 = tpu.memref_slice %arg4[%add3A_285, %dma_wait3A_286] : memref<4096x8192xf32, #tpu.memory_space<hbm>> -> memref<2x8192xf32, #tpu.memory_space<hbm>>
    %dma_wait3A_288 = arith.constant 0 : i32
    %dma_wait3A_289 = tpu.memref_slice %arg4[%add3A_285, %dma_wait3A_288] : memref<4096x8192xf32, #tpu.memory_space<hbm>> -> memref<2x8192xf32, #tpu.memory_space<hbm>>
    tpu.wait_dma2 semaphore(%arg21 : memref<!tpu.dma_semaphore, #tpu.memory_space<semaphore_mem>>) src(%arg7 : memref<2x8192xf32, #tpu.memory_space<vmem>>) dst(%dma_wait3A_289 : memref<2x8192xf32, #tpu.memory_space<hbm>>)
    %dma_start3A_290 = arith.constant 15 : i32
    %dma_start3A_291 = arith.constant 0 : i32
    %dma_start3A_292 = tpu.memref_slice %arg5[%dma_start3A_290, %dma_start3A_291] : memref<64x2xi32, #tpu.memory_space<vmem>> -> memref<1x2xi32, #tpu.memory_space<vmem>>
    %dma_start3A_293 = tpu.memref_squeeze %dma_start3A_292 : memref<1x2xi32, #tpu.memory_space<vmem>> -> memref<2xi32, #tpu.memory_space<vmem>>
    %dma_start3A_294 = arith.constant 0 : i32
    %dma_start3A_295 = arith.constant 0 : i32
    %dma_start3A_296 = tpu.memref_slice %arg2[%dma_start3A_294, %dma_start3A_295] : memref<8192x8192xf32, #tpu.memory_space<hbm>> -> memref<8192x8192xf32, #tpu.memory_space<hbm>>
    tpu.enqueue_indirect_dma source(%dma_start3A_296 : memref<8192x8192xf32, #tpu.memory_space<hbm>>) target(%arg7 : memref<2x8192xf32, #tpu.memory_space<vmem>>) offsets(%dma_start3A_293 : memref<2xi32, #tpu.memory_space<vmem>>) semaphore(%arg14 : memref<!tpu.dma_semaphore, #tpu.memory_space<semaphore_mem>>)
    %dma_wait3A_297 = arith.constant 0 : i32
    %dma_wait3A_298 = arith.constant 0 : i32
    %dma_wait3A_299 = tpu.memref_slice %arg5[%dma_wait3A_297, %dma_wait3A_298] : memref<64x2xi32, #tpu.memory_space<vmem>> -> memref<1x2xi32, #tpu.memory_space<vmem>>
    %dma_wait3A_300 = tpu.memref_squeeze %dma_wait3A_299 : memref<1x2xi32, #tpu.memory_space<vmem>> -> memref<2xi32, #tpu.memory_space<vmem>>
    %dma_wait3A_301 = arith.constant 0 : i32
    %dma_wait3A_302 = arith.constant 0 : i32
    %dma_wait3A_303 = tpu.memref_slice %arg2[%dma_wait3A_301, %dma_wait3A_302] : memref<8192x8192xf32, #tpu.memory_space<hbm>> -> memref<8192x8192xf32, #tpu.memory_space<hbm>>
    tpu.wait_indirect_dma semaphore(%arg16 : memref<!tpu.dma_semaphore, #tpu.memory_space<semaphore_mem>>) src(%dma_wait3A_303 : memref<8192x8192xf32, #tpu.memory_space<hbm>>) dst(%arg9 : memref<2x8192xf32, #tpu.memory_space<vmem>>)
    %add3A_304 = arith.constant 20 : i32
    %add3A_305 = arith.addi %mul3A_2, %add3A_304 : i32
    %dma_start3A_306 = arith.constant 0 : i32
    %dma_start3A_307 = tpu.memref_slice %arg4[%add3A_305, %dma_start3A_306] : memref<4096x8192xf32, #tpu.memory_space<hbm>> -> memref<2x8192xf32, #tpu.memory_space<hbm>>
    %dma_start3A_308 = arith.constant 0 : i32
    %dma_start3A_309 = tpu.memref_slice %arg4[%add3A_305, %dma_start3A_308] : memref<4096x8192xf32, #tpu.memory_space<hbm>> -> memref<2x8192xf32, #tpu.memory_space<hbm>>
    tpu.enqueue_dma source(%arg9 : memref<2x8192xf32, #tpu.memory_space<vmem>>) target(%dma_start3A_309 : memref<2x8192xf32, #tpu.memory_space<hbm>>) target_semaphore(%arg23 : memref<!tpu.dma_semaphore, #tpu.memory_space<semaphore_mem>>)
    %add3A_310 = arith.constant 18 : i32
    %add3A_311 = arith.addi %mul3A_2, %add3A_310 : i32
    %dma_wait3A_312 = arith.constant 0 : i32
    %dma_wait3A_313 = tpu.memref_slice %arg4[%add3A_311, %dma_wait3A_312] : memref<4096x8192xf32, #tpu.memory_space<hbm>> -> memref<2x8192xf32, #tpu.memory_space<hbm>>
    %dma_wait3A_314 = arith.constant 0 : i32
    %dma_wait3A_315 = tpu.memref_slice %arg4[%add3A_311, %dma_wait3A_314] : memref<4096x8192xf32, #tpu.memory_space<hbm>> -> memref<2x8192xf32, #tpu.memory_space<hbm>>
    tpu.wait_dma2 semaphore(%arg22 : memref<!tpu.dma_semaphore, #tpu.memory_space<semaphore_mem>>) src(%arg8 : memref<2x8192xf32, #tpu.memory_space<vmem>>) dst(%dma_wait3A_315 : memref<2x8192xf32, #tpu.memory_space<hbm>>)
    %dma_start3A_316 = arith.constant 16 : i32
    %dma_start3A_317 = arith.constant 0 : i32
    %dma_start3A_318 = tpu.memref_slice %arg5[%dma_start3A_316, %dma_start3A_317] : memref<64x2xi32, #tpu.memory_space<vmem>> -> memref<1x2xi32, #tpu.memory_space<vmem>>
    %dma_start3A_319 = tpu.memref_squeeze %dma_start3A_318 : memref<1x2xi32, #tpu.memory_space<vmem>> -> memref<2xi32, #tpu.memory_space<vmem>>
    %dma_start3A_320 = arith.constant 0 : i32
    %dma_start3A_321 = arith.constant 0 : i32
    %dma_start3A_322 = tpu.memref_slice %arg2[%dma_start3A_320, %dma_start3A_321] : memref<8192x8192xf32, #tpu.memory_space<hbm>> -> memref<8192x8192xf32, #tpu.memory_space<hbm>>
    tpu.enqueue_indirect_dma source(%dma_start3A_322 : memref<8192x8192xf32, #tpu.memory_space<hbm>>) target(%arg8 : memref<2x8192xf32, #tpu.memory_space<vmem>>) offsets(%dma_start3A_319 : memref<2xi32, #tpu.memory_space<vmem>>) semaphore(%arg15 : memref<!tpu.dma_semaphore, #tpu.memory_space<semaphore_mem>>)
    %dma_wait3A_323 = arith.constant 0 : i32
    %dma_wait3A_324 = arith.constant 0 : i32
    %dma_wait3A_325 = tpu.memref_slice %arg5[%dma_wait3A_323, %dma_wait3A_324] : memref<64x2xi32, #tpu.memory_space<vmem>> -> memref<1x2xi32, #tpu.memory_space<vmem>>
    %dma_wait3A_326 = tpu.memref_squeeze %dma_wait3A_325 : memref<1x2xi32, #tpu.memory_space<vmem>> -> memref<2xi32, #tpu.memory_space<vmem>>
    %dma_wait3A_327 = arith.constant 0 : i32
    %dma_wait3A_328 = arith.constant 0 : i32
    %dma_wait3A_329 = tpu.memref_slice %arg2[%dma_wait3A_327, %dma_wait3A_328] : memref<8192x8192xf32, #tpu.memory_space<hbm>> -> memref<8192x8192xf32, #tpu.memory_space<hbm>>
    tpu.wait_indirect_dma semaphore(%arg17 : memref<!tpu.dma_semaphore, #tpu.memory_space<semaphore_mem>>) src(%dma_wait3A_329 : memref<8192x8192xf32, #tpu.memory_space<hbm>>) dst(%arg10 : memref<2x8192xf32, #tpu.memory_space<vmem>>)
    %add3A_330 = arith.constant 22 : i32
    %add3A_331 = arith.addi %mul3A_2, %add3A_330 : i32
    %dma_start3A_332 = arith.constant 0 : i32
    %dma_start3A_333 = tpu.memref_slice %arg4[%add3A_331, %dma_start3A_332] : memref<4096x8192xf32, #tpu.memory_space<hbm>> -> memref<2x8192xf32, #tpu.memory_space<hbm>>
    %dma_start3A_334 = arith.constant 0 : i32
    %dma_start3A_335 = tpu.memref_slice %arg4[%add3A_331, %dma_start3A_334] : memref<4096x8192xf32, #tpu.memory_space<hbm>> -> memref<2x8192xf32, #tpu.memory_space<hbm>>
    tpu.enqueue_dma source(%arg10 : memref<2x8192xf32, #tpu.memory_space<vmem>>) target(%dma_start3A_335 : memref<2x8192xf32, #tpu.memory_space<hbm>>) target_semaphore(%arg24 : memref<!tpu.dma_semaphore, #tpu.memory_space<semaphore_mem>>)
    %add3A_336 = arith.constant 20 : i32
    %add3A_337 = arith.addi %mul3A_2, %add3A_336 : i32
    %dma_wait3A_338 = arith.constant 0 : i32
    %dma_wait3A_339 = tpu.memref_slice %arg4[%add3A_337, %dma_wait3A_338] : memref<4096x8192xf32, #tpu.memory_space<hbm>> -> memref<2x8192xf32, #tpu.memory_space<hbm>>
    %dma_wait3A_340 = arith.constant 0 : i32
    %dma_wait3A_341 = tpu.memref_slice %arg4[%add3A_337, %dma_wait3A_340] : memref<4096x8192xf32, #tpu.memory_space<hbm>> -> memref<2x8192xf32, #tpu.memory_space<hbm>>
    tpu.wait_dma2 semaphore(%arg23 : memref<!tpu.dma_semaphore, #tpu.memory_space<semaphore_mem>>) src(%arg9 : memref<2x8192xf32, #tpu.memory_space<vmem>>) dst(%dma_wait3A_341 : memref<2x8192xf32, #tpu.memory_space<hbm>>)
    %dma_start3A_342 = arith.constant 17 : i32
    %dma_start3A_343 = arith.constant 0 : i32
    %dma_start3A_344 = tpu.memref_slice %arg5[%dma_start3A_342, %dma_start3A_343] : memref<64x2xi32, #tpu.memory_space<vmem>> -> memref<1x2xi32, #tpu.memory_space<vmem>>
    %dma_start3A_345 = tpu.memref_squeeze %dma_start3A_344 : memref<1x2xi32, #tpu.memory_space<vmem>> -> memref<2xi32, #tpu.memory_space<vmem>>
    %dma_start3A_346 = arith.constant 0 : i32
    %dma_start3A_347 = arith.constant 0 : i32
    %dma_start3A_348 = tpu.memref_slice %arg2[%dma_start3A_346, %dma_start3A_347] : memref<8192x8192xf32, #tpu.memory_space<hbm>> -> memref<8192x8192xf32, #tpu.memory_space<hbm>>
    tpu.enqueue_indirect_dma source(%dma_start3A_348 : memref<8192x8192xf32, #tpu.memory_space<hbm>>) target(%arg9 : memref<2x8192xf32, #tpu.memory_space<vmem>>) offsets(%dma_start3A_345 : memref<2xi32, #tpu.memory_space<vmem>>) semaphore(%arg16 : memref<!tpu.dma_semaphore, #tpu.memory_space<semaphore_mem>>)
    %dma_wait3A_349 = arith.constant 0 : i32
    %dma_wait3A_350 = arith.constant 0 : i32
    %dma_wait3A_351 = tpu.memref_slice %arg5[%dma_wait3A_349, %dma_wait3A_350] : memref<64x2xi32, #tpu.memory_space<vmem>> -> memref<1x2xi32, #tpu.memory_space<vmem>>
    %dma_wait3A_352 = tpu.memref_squeeze %dma_wait3A_351 : memref<1x2xi32, #tpu.memory_space<vmem>> -> memref<2xi32, #tpu.memory_space<vmem>>
    %dma_wait3A_353 = arith.constant 0 : i32
    %dma_wait3A_354 = arith.constant 0 : i32
    %dma_wait3A_355 = tpu.memref_slice %arg2[%dma_wait3A_353, %dma_wait3A_354] : memref<8192x8192xf32, #tpu.memory_space<hbm>> -> memref<8192x8192xf32, #tpu.memory_space<hbm>>
    tpu.wait_indirect_dma semaphore(%arg18 : memref<!tpu.dma_semaphore, #tpu.memory_space<semaphore_mem>>) src(%dma_wait3A_355 : memref<8192x8192xf32, #tpu.memory_space<hbm>>) dst(%arg11 : memref<2x8192xf32, #tpu.memory_space<vmem>>)
    %add3A_356 = arith.constant 24 : i32
    %add3A_357 = arith.addi %mul3A_2, %add3A_356 : i32
    %dma_start3A_358 = arith.constant 0 : i32
    %dma_start3A_359 = tpu.memref_slice %arg4[%add3A_357, %dma_start3A_358] : memref<4096x8192xf32, #tpu.memory_space<hbm>> -> memref<2x8192xf32, #tpu.memory_space<hbm>>
    %dma_start3A_360 = arith.constant 0 : i32
    %dma_start3A_361 = tpu.memref_slice %arg4[%add3A_357, %dma_start3A_360] : memref<4096x8192xf32, #tpu.memory_space<hbm>> -> memref<2x8192xf32, #tpu.memory_space<hbm>>
    tpu.enqueue_dma source(%arg11 : memref<2x8192xf32, #tpu.memory_space<vmem>>) target(%dma_start3A_361 : memref<2x8192xf32, #tpu.memory_space<hbm>>) target_semaphore(%arg25 : memref<!tpu.dma_semaphore, #tpu.memory_space<semaphore_mem>>)
    %add3A_362 = arith.constant 22 : i32
    %add3A_363 = arith.addi %mul3A_2, %add3A_362 : i32
    %dma_wait3A_364 = arith.constant 0 : i32
    %dma_wait3A_365 = tpu.memref_slice %arg4[%add3A_363, %dma_wait3A_364] : memref<4096x8192xf32, #tpu.memory_space<hbm>> -> memref<2x8192xf32, #tpu.memory_space<hbm>>
    %dma_wait3A_366 = arith.constant 0 : i32
    %dma_wait3A_367 = tpu.memref_slice %arg4[%add3A_363, %dma_wait3A_366] : memref<4096x8192xf32, #tpu.memory_space<hbm>> -> memref<2x8192xf32, #tpu.memory_space<hbm>>
    tpu.wait_dma2 semaphore(%arg24 : memref<!tpu.dma_semaphore, #tpu.memory_space<semaphore_mem>>) src(%arg10 : memref<2x8192xf32, #tpu.memory_space<vmem>>) dst(%dma_wait3A_367 : memref<2x8192xf32, #tpu.memory_space<hbm>>)
    %dma_start3A_368 = arith.constant 18 : i32
    %dma_start3A_369 = arith.constant 0 : i32
    %dma_start3A_370 = tpu.memref_slice %arg5[%dma_start3A_368, %dma_start3A_369] : memref<64x2xi32, #tpu.memory_space<vmem>> -> memref<1x2xi32, #tpu.memory_space<vmem>>
    %dma_start3A_371 = tpu.memref_squeeze %dma_start3A_370 : memref<1x2xi32, #tpu.memory_space<vmem>> -> memref<2xi32, #tpu.memory_space<vmem>>
    %dma_start3A_372 = arith.constant 0 : i32
    %dma_start3A_373 = arith.constant 0 : i32
    %dma_start3A_374 = tpu.memref_slice %arg2[%dma_start3A_372, %dma_start3A_373] : memref<8192x8192xf32, #tpu.memory_space<hbm>> -> memref<8192x8192xf32, #tpu.memory_space<hbm>>
    tpu.enqueue_indirect_dma source(%dma_start3A_374 : memref<8192x8192xf32, #tpu.memory_space<hbm>>) target(%arg10 : memref<2x8192xf32, #tpu.memory_space<vmem>>) offsets(%dma_start3A_371 : memref<2xi32, #tpu.memory_space<vmem>>) semaphore(%arg17 : memref<!tpu.dma_semaphore, #tpu.memory_space<semaphore_mem>>)
    %dma_wait3A_375 = arith.constant 0 : i32
    %dma_wait3A_376 = arith.constant 0 : i32
    %dma_wait3A_377 = tpu.memref_slice %arg5[%dma_wait3A_375, %dma_wait3A_376] : memref<64x2xi32, #tpu.memory_space<vmem>> -> memref<1x2xi32, #tpu.memory_space<vmem>>
    %dma_wait3A_378 = tpu.memref_squeeze %dma_wait3A_377 : memref<1x2xi32, #tpu.memory_space<vmem>> -> memref<2xi32, #tpu.memory_space<vmem>>
    %dma_wait3A_379 = arith.constant 0 : i32
    %dma_wait3A_380 = arith.constant 0 : i32
    %dma_wait3A_381 = tpu.memref_slice %arg2[%dma_wait3A_379, %dma_wait3A_380] : memref<8192x8192xf32, #tpu.memory_space<hbm>> -> memref<8192x8192xf32, #tpu.memory_space<hbm>>
    tpu.wait_indirect_dma semaphore(%arg19 : memref<!tpu.dma_semaphore, #tpu.memory_space<semaphore_mem>>) src(%dma_wait3A_381 : memref<8192x8192xf32, #tpu.memory_space<hbm>>) dst(%arg12 : memref<2x8192xf32, #tpu.memory_space<vmem>>)
    %add3A_382 = arith.constant 26 : i32
    %add3A_383 = arith.addi %mul3A_2, %add3A_382 : i32
    %dma_start3A_384 = arith.constant 0 : i32
    %dma_start3A_385 = tpu.memref_slice %arg4[%add3A_383, %dma_start3A_384] : memref<4096x8192xf32, #tpu.memory_space<hbm>> -> memref<2x8192xf32, #tpu.memory_space<hbm>>
    %dma_start3A_386 = arith.constant 0 : i32
    %dma_start3A_387 = tpu.memref_slice %arg4[%add3A_383, %dma_start3A_386] : memref<4096x8192xf32, #tpu.memory_space<hbm>> -> memref<2x8192xf32, #tpu.memory_space<hbm>>
    tpu.enqueue_dma source(%arg12 : memref<2x8192xf32, #tpu.memory_space<vmem>>) target(%dma_start3A_387 : memref<2x8192xf32, #tpu.memory_space<hbm>>) target_semaphore(%arg26 : memref<!tpu.dma_semaphore, #tpu.memory_space<semaphore_mem>>)
    %add3A_388 = arith.constant 24 : i32
    %add3A_389 = arith.addi %mul3A_2, %add3A_388 : i32
    %dma_wait3A_390 = arith.constant 0 : i32
    %dma_wait3A_391 = tpu.memref_slice %arg4[%add3A_389, %dma_wait3A_390] : memref<4096x8192xf32, #tpu.memory_space<hbm>> -> memref<2x8192xf32, #tpu.memory_space<hbm>>
    %dma_wait3A_392 = arith.constant 0 : i32
    %dma_wait3A_393 = tpu.memref_slice %arg4[%add3A_389, %dma_wait3A_392] : memref<4096x8192xf32, #tpu.memory_space<hbm>> -> memref<2x8192xf32, #tpu.memory_space<hbm>>
    tpu.wait_dma2 semaphore(%arg25 : memref<!tpu.dma_semaphore, #tpu.memory_space<semaphore_mem>>) src(%arg11 : memref<2x8192xf32, #tpu.memory_space<vmem>>) dst(%dma_wait3A_393 : memref<2x8192xf32, #tpu.memory_space<hbm>>)
    %dma_start3A_394 = arith.constant 19 : i32
    %dma_start3A_395 = arith.constant 0 : i32
    %dma_start3A_396 = tpu.memref_slice %arg5[%dma_start3A_394, %dma_start3A_395] : memref<64x2xi32, #tpu.memory_space<vmem>> -> memref<1x2xi32, #tpu.memory_space<vmem>>
    %dma_start3A_397 = tpu.memref_squeeze %dma_start3A_396 : memref<1x2xi32, #tpu.memory_space<vmem>> -> memref<2xi32, #tpu.memory_space<vmem>>
    %dma_start3A_398 = arith.constant 0 : i32
    %dma_start3A_399 = arith.constant 0 : i32
    %dma_start3A_400 = tpu.memref_slice %arg2[%dma_start3A_398, %dma_start3A_399] : memref<8192x8192xf32, #tpu.memory_space<hbm>> -> memref<8192x8192xf32, #tpu.memory_space<hbm>>
    tpu.enqueue_indirect_dma source(%dma_start3A_400 : memref<8192x8192xf32, #tpu.memory_space<hbm>>) target(%arg11 : memref<2x8192xf32, #tpu.memory_space<vmem>>) offsets(%dma_start3A_397 : memref<2xi32, #tpu.memory_space<vmem>>) semaphore(%arg18 : memref<!tpu.dma_semaphore, #tpu.memory_space<semaphore_mem>>)
    %dma_wait3A_401 = arith.constant 0 : i32
    %dma_wait3A_402 = arith.constant 0 : i32
    %dma_wait3A_403 = tpu.memref_slice %arg5[%dma_wait3A_401, %dma_wait3A_402] : memref<64x2xi32, #tpu.memory_space<vmem>> -> memref<1x2xi32, #tpu.memory_space<vmem>>
    %dma_wait3A_404 = tpu.memref_squeeze %dma_wait3A_403 : memref<1x2xi32, #tpu.memory_space<vmem>> -> memref<2xi32, #tpu.memory_space<vmem>>
    %dma_wait3A_405 = arith.constant 0 : i32
    %dma_wait3A_406 = arith.constant 0 : i32
    %dma_wait3A_407 = tpu.memref_slice %arg2[%dma_wait3A_405, %dma_wait3A_406] : memref<8192x8192xf32, #tpu.memory_space<hbm>> -> memref<8192x8192xf32, #tpu.memory_space<hbm>>
    tpu.wait_indirect_dma semaphore(%arg13 : memref<!tpu.dma_semaphore, #tpu.memory_space<semaphore_mem>>) src(%dma_wait3A_407 : memref<8192x8192xf32, #tpu.memory_space<hbm>>) dst(%arg6 : memref<2x8192xf32, #tpu.memory_space<vmem>>)
    %add3A_408 = arith.constant 28 : i32
    %add3A_409 = arith.addi %mul3A_2, %add3A_408 : i32
    %dma_start3A_410 = arith.constant 0 : i32
    %dma_start3A_411 = tpu.memref_slice %arg4[%add3A_409, %dma_start3A_410] : memref<4096x8192xf32, #tpu.memory_space<hbm>> -> memref<2x8192xf32, #tpu.memory_space<hbm>>
    %dma_start3A_412 = arith.constant 0 : i32
    %dma_start3A_413 = tpu.memref_slice %arg4[%add3A_409, %dma_start3A_412] : memref<4096x8192xf32, #tpu.memory_space<hbm>> -> memref<2x8192xf32, #tpu.memory_space<hbm>>
    tpu.enqueue_dma source(%arg6 : memref<2x8192xf32, #tpu.memory_space<vmem>>) target(%dma_start3A_413 : memref<2x8192xf32, #tpu.memory_space<hbm>>) target_semaphore(%arg20 : memref<!tpu.dma_semaphore, #tpu.memory_space<semaphore_mem>>)
    %add3A_414 = arith.constant 26 : i32
    %add3A_415 = arith.addi %mul3A_2, %add3A_414 : i32
    %dma_wait3A_416 = arith.constant 0 : i32
    %dma_wait3A_417 = tpu.memref_slice %arg4[%add3A_415, %dma_wait3A_416] : memref<4096x8192xf32, #tpu.memory_space<hbm>> -> memref<2x8192xf32, #tpu.memory_space<hbm>>
    %dma_wait3A_418 = arith.constant 0 : i32
    %dma_wait3A_419 = tpu.memref_slice %arg4[%add3A_415, %dma_wait3A_418] : memref<4096x8192xf32, #tpu.memory_space<hbm>> -> memref<2x8192xf32, #tpu.memory_space<hbm>>
    tpu.wait_dma2 semaphore(%arg26 : memref<!tpu.dma_semaphore, #tpu.memory_space<semaphore_mem>>) src(%arg12 : memref<2x8192xf32, #tpu.memory_space<vmem>>) dst(%dma_wait3A_419 : memref<2x8192xf32, #tpu.memory_space<hbm>>)
    %dma_start3A_420 = arith.constant 20 : i32
    %dma_start3A_421 = arith.constant 0 : i32
    %dma_start3A_422 = tpu.memref_slice %arg5[%dma_start3A_420, %dma_start3A_421] : memref<64x2xi32, #tpu.memory_space<vmem>> -> memref<1x2xi32, #tpu.memory_space<vmem>>
    %dma_start3A_423 = tpu.memref_squeeze %dma_start3A_422 : memref<1x2xi32, #tpu.memory_space<vmem>> -> memref<2xi32, #tpu.memory_space<vmem>>
    %dma_start3A_424 = arith.constant 0 : i32
    %dma_start3A_425 = arith.constant 0 : i32
    %dma_start3A_426 = tpu.memref_slice %arg2[%dma_start3A_424, %dma_start3A_425] : memref<8192x8192xf32, #tpu.memory_space<hbm>> -> memref<8192x8192xf32, #tpu.memory_space<hbm>>
    tpu.enqueue_indirect_dma source(%dma_start3A_426 : memref<8192x8192xf32, #tpu.memory_space<hbm>>) target(%arg12 : memref<2x8192xf32, #tpu.memory_space<vmem>>) offsets(%dma_start3A_423 : memref<2xi32, #tpu.memory_space<vmem>>) semaphore(%arg19 : memref<!tpu.dma_semaphore, #tpu.memory_space<semaphore_mem>>)
    %dma_wait3A_427 = arith.constant 0 : i32
    %dma_wait3A_428 = arith.constant 0 : i32
    %dma_wait3A_429 = tpu.memref_slice %arg5[%dma_wait3A_427, %dma_wait3A_428] : memref<64x2xi32, #tpu.memory_space<vmem>> -> memref<1x2xi32, #tpu.memory_space<vmem>>
    %dma_wait3A_430 = tpu.memref_squeeze %dma_wait3A_429 : memref<1x2xi32, #tpu.memory_space<vmem>> -> memref<2xi32, #tpu.memory_space<vmem>>
    %dma_wait3A_431 = arith.constant 0 : i32
    %dma_wait3A_432 = arith.constant 0 : i32
    %dma_wait3A_433 = tpu.memref_slice %arg2[%dma_wait3A_431, %dma_wait3A_432] : memref<8192x8192xf32, #tpu.memory_space<hbm>> -> memref<8192x8192xf32, #tpu.memory_space<hbm>>
    tpu.wait_indirect_dma semaphore(%arg14 : memref<!tpu.dma_semaphore, #tpu.memory_space<semaphore_mem>>) src(%dma_wait3A_433 : memref<8192x8192xf32, #tpu.memory_space<hbm>>) dst(%arg7 : memref<2x8192xf32, #tpu.memory_space<vmem>>)
    %add3A_434 = arith.constant 30 : i32
    %add3A_435 = arith.addi %mul3A_2, %add3A_434 : i32
    %dma_start3A_436 = arith.constant 0 : i32
    %dma_start3A_437 = tpu.memref_slice %arg4[%add3A_435, %dma_start3A_436] : memref<4096x8192xf32, #tpu.memory_space<hbm>> -> memref<2x8192xf32, #tpu.memory_space<hbm>>
    %dma_start3A_438 = arith.constant 0 : i32
    %dma_start3A_439 = tpu.memref_slice %arg4[%add3A_435, %dma_start3A_438] : memref<4096x8192xf32, #tpu.memory_space<hbm>> -> memref<2x8192xf32, #tpu.memory_space<hbm>>
    tpu.enqueue_dma source(%arg7 : memref<2x8192xf32, #tpu.memory_space<vmem>>) target(%dma_start3A_439 : memref<2x8192xf32, #tpu.memory_space<hbm>>) target_semaphore(%arg21 : memref<!tpu.dma_semaphore, #tpu.memory_space<semaphore_mem>>)
    %add3A_440 = arith.constant 28 : i32
    %add3A_441 = arith.addi %mul3A_2, %add3A_440 : i32
    %dma_wait3A_442 = arith.constant 0 : i32
    %dma_wait3A_443 = tpu.memref_slice %arg4[%add3A_441, %dma_wait3A_442] : memref<4096x8192xf32, #tpu.memory_space<hbm>> -> memref<2x8192xf32, #tpu.memory_space<hbm>>
    %dma_wait3A_444 = arith.constant 0 : i32
    %dma_wait3A_445 = tpu.memref_slice %arg4[%add3A_441, %dma_wait3A_444] : memref<4096x8192xf32, #tpu.memory_space<hbm>> -> memref<2x8192xf32, #tpu.memory_space<hbm>>
    tpu.wait_dma2 semaphore(%arg20 : memref<!tpu.dma_semaphore, #tpu.memory_space<semaphore_mem>>) src(%arg6 : memref<2x8192xf32, #tpu.memory_space<vmem>>) dst(%dma_wait3A_445 : memref<2x8192xf32, #tpu.memory_space<hbm>>)
    %dma_start3A_446 = arith.constant 21 : i32
    %dma_start3A_447 = arith.constant 0 : i32
    %dma_start3A_448 = tpu.memref_slice %arg5[%dma_start3A_446, %dma_start3A_447] : memref<64x2xi32, #tpu.memory_space<vmem>> -> memref<1x2xi32, #tpu.memory_space<vmem>>
    %dma_start3A_449 = tpu.memref_squeeze %dma_start3A_448 : memref<1x2xi32, #tpu.memory_space<vmem>> -> memref<2xi32, #tpu.memory_space<vmem>>
    %dma_start3A_450 = arith.constant 0 : i32
    %dma_start3A_451 = arith.constant 0 : i32
    %dma_start3A_452 = tpu.memref_slice %arg2[%dma_start3A_450, %dma_start3A_451] : memref<8192x8192xf32, #tpu.memory_space<hbm>> -> memref<8192x8192xf32, #tpu.memory_space<hbm>>
    tpu.enqueue_indirect_dma source(%dma_start3A_452 : memref<8192x8192xf32, #tpu.memory_space<hbm>>) target(%arg6 : memref<2x8192xf32, #tpu.memory_space<vmem>>) offsets(%dma_start3A_449 : memref<2xi32, #tpu.memory_space<vmem>>) semaphore(%arg13 : memref<!tpu.dma_semaphore, #tpu.memory_space<semaphore_mem>>)
    %dma_wait3A_453 = arith.constant 0 : i32
    %dma_wait3A_454 = arith.constant 0 : i32
    %dma_wait3A_455 = tpu.memref_slice %arg5[%dma_wait3A_453, %dma_wait3A_454] : memref<64x2xi32, #tpu.memory_space<vmem>> -> memref<1x2xi32, #tpu.memory_space<vmem>>
    %dma_wait3A_456 = tpu.memref_squeeze %dma_wait3A_455 : memref<1x2xi32, #tpu.memory_space<vmem>> -> memref<2xi32, #tpu.memory_space<vmem>>
    %dma_wait3A_457 = arith.constant 0 : i32
    %dma_wait3A_458 = arith.constant 0 : i32
    %dma_wait3A_459 = tpu.memref_slice %arg2[%dma_wait3A_457, %dma_wait3A_458] : memref<8192x8192xf32, #tpu.memory_space<hbm>> -> memref<8192x8192xf32, #tpu.memory_space<hbm>>
    tpu.wait_indirect_dma semaphore(%arg15 : memref<!tpu.dma_semaphore, #tpu.memory_space<semaphore_mem>>) src(%dma_wait3A_459 : memref<8192x8192xf32, #tpu.memory_space<hbm>>) dst(%arg8 : memref<2x8192xf32, #tpu.memory_space<vmem>>)
    %add3A_460 = arith.constant 32 : i32
    %add3A_461 = arith.addi %mul3A_2, %add3A_460 : i32
    %dma_start3A_462 = arith.constant 0 : i32
    %dma_start3A_463 = tpu.memref_slice %arg4[%add3A_461, %dma_start3A_462] : memref<4096x8192xf32, #tpu.memory_space<hbm>> -> memref<2x8192xf32, #tpu.memory_space<hbm>>
    %dma_start3A_464 = arith.constant 0 : i32
    %dma_start3A_465 = tpu.memref_slice %arg4[%add3A_461, %dma_start3A_464] : memref<4096x8192xf32, #tpu.memory_space<hbm>> -> memref<2x8192xf32, #tpu.memory_space<hbm>>
    tpu.enqueue_dma source(%arg8 : memref<2x8192xf32, #tpu.memory_space<vmem>>) target(%dma_start3A_465 : memref<2x8192xf32, #tpu.memory_space<hbm>>) target_semaphore(%arg22 : memref<!tpu.dma_semaphore, #tpu.memory_space<semaphore_mem>>)
    %add3A_466 = arith.constant 30 : i32
    %add3A_467 = arith.addi %mul3A_2, %add3A_466 : i32
    %dma_wait3A_468 = arith.constant 0 : i32
    %dma_wait3A_469 = tpu.memref_slice %arg4[%add3A_467, %dma_wait3A_468] : memref<4096x8192xf32, #tpu.memory_space<hbm>> -> memref<2x8192xf32, #tpu.memory_space<hbm>>
    %dma_wait3A_470 = arith.constant 0 : i32
    %dma_wait3A_471 = tpu.memref_slice %arg4[%add3A_467, %dma_wait3A_470] : memref<4096x8192xf32, #tpu.memory_space<hbm>> -> memref<2x8192xf32, #tpu.memory_space<hbm>>
    tpu.wait_dma2 semaphore(%arg21 : memref<!tpu.dma_semaphore, #tpu.memory_space<semaphore_mem>>) src(%arg7 : memref<2x8192xf32, #tpu.memory_space<vmem>>) dst(%dma_wait3A_471 : memref<2x8192xf32, #tpu.memory_space<hbm>>)
    %dma_start3A_472 = arith.constant 22 : i32
    %dma_start3A_473 = arith.constant 0 : i32
    %dma_start3A_474 = tpu.memref_slice %arg5[%dma_start3A_472, %dma_start3A_473] : memref<64x2xi32, #tpu.memory_space<vmem>> -> memref<1x2xi32, #tpu.memory_space<vmem>>
    %dma_start3A_475 = tpu.memref_squeeze %dma_start3A_474 : memref<1x2xi32, #tpu.memory_space<vmem>> -> memref<2xi32, #tpu.memory_space<vmem>>
    %dma_start3A_476 = arith.constant 0 : i32
    %dma_start3A_477 = arith.constant 0 : i32
    %dma_start3A_478 = tpu.memref_slice %arg2[%dma_start3A_476, %dma_start3A_477] : memref<8192x8192xf32, #tpu.memory_space<hbm>> -> memref<8192x8192xf32, #tpu.memory_space<hbm>>
    tpu.enqueue_indirect_dma source(%dma_start3A_478 : memref<8192x8192xf32, #tpu.memory_space<hbm>>) target(%arg7 : memref<2x8192xf32, #tpu.memory_space<vmem>>) offsets(%dma_start3A_475 : memref<2xi32, #tpu.memory_space<vmem>>) semaphore(%arg14 : memref<!tpu.dma_semaphore, #tpu.memory_space<semaphore_mem>>)
    %dma_wait3A_479 = arith.constant 0 : i32
    %dma_wait3A_480 = arith.constant 0 : i32
    %dma_wait3A_481 = tpu.memref_slice %arg5[%dma_wait3A_479, %dma_wait3A_480] : memref<64x2xi32, #tpu.memory_space<vmem>> -> memref<1x2xi32, #tpu.memory_space<vmem>>
    %dma_wait3A_482 = tpu.memref_squeeze %dma_wait3A_481 : memref<1x2xi32, #tpu.memory_space<vmem>> -> memref<2xi32, #tpu.memory_space<vmem>>
    %dma_wait3A_483 = arith.constant 0 : i32
    %dma_wait3A_484 = arith.constant 0 : i32
    %dma_wait3A_485 = tpu.memref_slice %arg2[%dma_wait3A_483, %dma_wait3A_484] : memref<8192x8192xf32, #tpu.memory_space<hbm>> -> memref<8192x8192xf32, #tpu.memory_space<hbm>>
    tpu.wait_indirect_dma semaphore(%arg16 : memref<!tpu.dma_semaphore, #tpu.memory_space<semaphore_mem>>) src(%dma_wait3A_485 : memref<8192x8192xf32, #tpu.memory_space<hbm>>) dst(%arg9 : memref<2x8192xf32, #tpu.memory_space<vmem>>)
    %add3A_486 = arith.constant 34 : i32
    %add3A_487 = arith.addi %mul3A_2, %add3A_486 : i32
    %dma_start3A_488 = arith.constant 0 : i32
    %dma_start3A_489 = tpu.memref_slice %arg4[%add3A_487, %dma_start3A_488] : memref<4096x8192xf32, #tpu.memory_space<hbm>> -> memref<2x8192xf32, #tpu.memory_space<hbm>>
    %dma_start3A_490 = arith.constant 0 : i32
    %dma_start3A_491 = tpu.memref_slice %arg4[%add3A_487, %dma_start3A_490] : memref<4096x8192xf32, #tpu.memory_space<hbm>> -> memref<2x8192xf32, #tpu.memory_space<hbm>>
    tpu.enqueue_dma source(%arg9 : memref<2x8192xf32, #tpu.memory_space<vmem>>) target(%dma_start3A_491 : memref<2x8192xf32, #tpu.memory_space<hbm>>) target_semaphore(%arg23 : memref<!tpu.dma_semaphore, #tpu.memory_space<semaphore_mem>>)
    %add3A_492 = arith.constant 32 : i32
    %add3A_493 = arith.addi %mul3A_2, %add3A_492 : i32
    %dma_wait3A_494 = arith.constant 0 : i32
    %dma_wait3A_495 = tpu.memref_slice %arg4[%add3A_493, %dma_wait3A_494] : memref<4096x8192xf32, #tpu.memory_space<hbm>> -> memref<2x8192xf32, #tpu.memory_space<hbm>>
    %dma_wait3A_496 = arith.constant 0 : i32
    %dma_wait3A_497 = tpu.memref_slice %arg4[%add3A_493, %dma_wait3A_496] : memref<4096x8192xf32, #tpu.memory_space<hbm>> -> memref<2x8192xf32, #tpu.memory_space<hbm>>
    tpu.wait_dma2 semaphore(%arg22 : memref<!tpu.dma_semaphore, #tpu.memory_space<semaphore_mem>>) src(%arg8 : memref<2x8192xf32, #tpu.memory_space<vmem>>) dst(%dma_wait3A_497 : memref<2x8192xf32, #tpu.memory_space<hbm>>)
    %dma_start3A_498 = arith.constant 23 : i32
    %dma_start3A_499 = arith.constant 0 : i32
    %dma_start3A_500 = tpu.memref_slice %arg5[%dma_start3A_498, %dma_start3A_499] : memref<64x2xi32, #tpu.memory_space<vmem>> -> memref<1x2xi32, #tpu.memory_space<vmem>>
    %dma_start3A_501 = tpu.memref_squeeze %dma_start3A_500 : memref<1x2xi32, #tpu.memory_space<vmem>> -> memref<2xi32, #tpu.memory_space<vmem>>
    %dma_start3A_502 = arith.constant 0 : i32
    %dma_start3A_503 = arith.constant 0 : i32
    %dma_start3A_504 = tpu.memref_slice %arg2[%dma_start3A_502, %dma_start3A_503] : memref<8192x8192xf32, #tpu.memory_space<hbm>> -> memref<8192x8192xf32, #tpu.memory_space<hbm>>
    tpu.enqueue_indirect_dma source(%dma_start3A_504 : memref<8192x8192xf32, #tpu.memory_space<hbm>>) target(%arg8 : memref<2x8192xf32, #tpu.memory_space<vmem>>) offsets(%dma_start3A_501 : memref<2xi32, #tpu.memory_space<vmem>>) semaphore(%arg15 : memref<!tpu.dma_semaphore, #tpu.memory_space<semaphore_mem>>)
    %dma_wait3A_505 = arith.constant 0 : i32
    %dma_wait3A_506 = arith.constant 0 : i32
    %dma_wait3A_507 = tpu.memref_slice %arg5[%dma_wait3A_505, %dma_wait3A_506] : memref<64x2xi32, #tpu.memory_space<vmem>> -> memref<1x2xi32, #tpu.memory_space<vmem>>
    %dma_wait3A_508 = tpu.memref_squeeze %dma_wait3A_507 : memref<1x2xi32, #tpu.memory_space<vmem>> -> memref<2xi32, #tpu.memory_space<vmem>>
    %dma_wait3A_509 = arith.constant 0 : i32
    %dma_wait3A_510 = arith.constant 0 : i32
    %dma_wait3A_511 = tpu.memref_slice %arg2[%dma_wait3A_509, %dma_wait3A_510] : memref<8192x8192xf32, #tpu.memory_space<hbm>> -> memref<8192x8192xf32, #tpu.memory_space<hbm>>
    tpu.wait_indirect_dma semaphore(%arg17 : memref<!tpu.dma_semaphore, #tpu.memory_space<semaphore_mem>>) src(%dma_wait3A_511 : memref<8192x8192xf32, #tpu.memory_space<hbm>>) dst(%arg10 : memref<2x8192xf32, #tpu.memory_space<vmem>>)
    %add3A_512 = arith.constant 36 : i32
    %add3A_513 = arith.addi %mul3A_2, %add3A_512 : i32
    %dma_start3A_514 = arith.constant 0 : i32
    %dma_start3A_515 = tpu.memref_slice %arg4[%add3A_513, %dma_start3A_514] : memref<4096x8192xf32, #tpu.memory_space<hbm>> -> memref<2x8192xf32, #tpu.memory_space<hbm>>
    %dma_start3A_516 = arith.constant 0 : i32
    %dma_start3A_517 = tpu.memref_slice %arg4[%add3A_513, %dma_start3A_516] : memref<4096x8192xf32, #tpu.memory_space<hbm>> -> memref<2x8192xf32, #tpu.memory_space<hbm>>
    tpu.enqueue_dma source(%arg10 : memref<2x8192xf32, #tpu.memory_space<vmem>>) target(%dma_start3A_517 : memref<2x8192xf32, #tpu.memory_space<hbm>>) target_semaphore(%arg24 : memref<!tpu.dma_semaphore, #tpu.memory_space<semaphore_mem>>)
    %add3A_518 = arith.constant 34 : i32
    %add3A_519 = arith.addi %mul3A_2, %add3A_518 : i32
    %dma_wait3A_520 = arith.constant 0 : i32
    %dma_wait3A_521 = tpu.memref_slice %arg4[%add3A_519, %dma_wait3A_520] : memref<4096x8192xf32, #tpu.memory_space<hbm>> -> memref<2x8192xf32, #tpu.memory_space<hbm>>
    %dma_wait3A_522 = arith.constant 0 : i32
    %dma_wait3A_523 = tpu.memref_slice %arg4[%add3A_519, %dma_wait3A_522] : memref<4096x8192xf32, #tpu.memory_space<hbm>> -> memref<2x8192xf32, #tpu.memory_space<hbm>>
    tpu.wait_dma2 semaphore(%arg23 : memref<!tpu.dma_semaphore, #tpu.memory_space<semaphore_mem>>) src(%arg9 : memref<2x8192xf32, #tpu.memory_space<vmem>>) dst(%dma_wait3A_523 : memref<2x8192xf32, #tpu.memory_space<hbm>>)
    %dma_start3A_524 = arith.constant 24 : i32
    %dma_start3A_525 = arith.constant 0 : i32
    %dma_start3A_526 = tpu.memref_slice %arg5[%dma_start3A_524, %dma_start3A_525] : memref<64x2xi32, #tpu.memory_space<vmem>> -> memref<1x2xi32, #tpu.memory_space<vmem>>
    %dma_start3A_527 = tpu.memref_squeeze %dma_start3A_526 : memref<1x2xi32, #tpu.memory_space<vmem>> -> memref<2xi32, #tpu.memory_space<vmem>>
    %dma_start3A_528 = arith.constant 0 : i32
    %dma_start3A_529 = arith.constant 0 : i32
    %dma_start3A_530 = tpu.memref_slice %arg2[%dma_start3A_528, %dma_start3A_529] : memref<8192x8192xf32, #tpu.memory_space<hbm>> -> memref<8192x8192xf32, #tpu.memory_space<hbm>>
    tpu.enqueue_indirect_dma source(%dma_start3A_530 : memref<8192x8192xf32, #tpu.memory_space<hbm>>) target(%arg9 : memref<2x8192xf32, #tpu.memory_space<vmem>>) offsets(%dma_start3A_527 : memref<2xi32, #tpu.memory_space<vmem>>) semaphore(%arg16 : memref<!tpu.dma_semaphore, #tpu.memory_space<semaphore_mem>>)
    %dma_wait3A_531 = arith.constant 0 : i32
    %dma_wait3A_532 = arith.constant 0 : i32
    %dma_wait3A_533 = tpu.memref_slice %arg5[%dma_wait3A_531, %dma_wait3A_532] : memref<64x2xi32, #tpu.memory_space<vmem>> -> memref<1x2xi32, #tpu.memory_space<vmem>>
    %dma_wait3A_534 = tpu.memref_squeeze %dma_wait3A_533 : memref<1x2xi32, #tpu.memory_space<vmem>> -> memref<2xi32, #tpu.memory_space<vmem>>
    %dma_wait3A_535 = arith.constant 0 : i32
    %dma_wait3A_536 = arith.constant 0 : i32
    %dma_wait3A_537 = tpu.memref_slice %arg2[%dma_wait3A_535, %dma_wait3A_536] : memref<8192x8192xf32, #tpu.memory_space<hbm>> -> memref<8192x8192xf32, #tpu.memory_space<hbm>>
    tpu.wait_indirect_dma semaphore(%arg18 : memref<!tpu.dma_semaphore, #tpu.memory_space<semaphore_mem>>) src(%dma_wait3A_537 : memref<8192x8192xf32, #tpu.memory_space<hbm>>) dst(%arg11 : memref<2x8192xf32, #tpu.memory_space<vmem>>)
    %add3A_538 = arith.constant 38 : i32
    %add3A_539 = arith.addi %mul3A_2, %add3A_538 : i32
    %dma_start3A_540 = arith.constant 0 : i32
    %dma_start3A_541 = tpu.memref_slice %arg4[%add3A_539, %dma_start3A_540] : memref<4096x8192xf32, #tpu.memory_space<hbm>> -> memref<2x8192xf32, #tpu.memory_space<hbm>>
    %dma_start3A_542 = arith.constant 0 : i32
    %dma_start3A_543 = tpu.memref_slice %arg4[%add3A_539, %dma_start3A_542] : memref<4096x8192xf32, #tpu.memory_space<hbm>> -> memref<2x8192xf32, #tpu.memory_space<hbm>>
    tpu.enqueue_dma source(%arg11 : memref<2x8192xf32, #tpu.memory_space<vmem>>) target(%dma_start3A_543 : memref<2x8192xf32, #tpu.memory_space<hbm>>) target_semaphore(%arg25 : memref<!tpu.dma_semaphore, #tpu.memory_space<semaphore_mem>>)
    %add3A_544 = arith.constant 36 : i32
    %add3A_545 = arith.addi %mul3A_2, %add3A_544 : i32
    %dma_wait3A_546 = arith.constant 0 : i32
    %dma_wait3A_547 = tpu.memref_slice %arg4[%add3A_545, %dma_wait3A_546] : memref<4096x8192xf32, #tpu.memory_space<hbm>> -> memref<2x8192xf32, #tpu.memory_space<hbm>>
    %dma_wait3A_548 = arith.constant 0 : i32
    %dma_wait3A_549 = tpu.memref_slice %arg4[%add3A_545, %dma_wait3A_548] : memref<4096x8192xf32, #tpu.memory_space<hbm>> -> memref<2x8192xf32, #tpu.memory_space<hbm>>
    tpu.wait_dma2 semaphore(%arg24 : memref<!tpu.dma_semaphore, #tpu.memory_space<semaphore_mem>>) src(%arg10 : memref<2x8192xf32, #tpu.memory_space<vmem>>) dst(%dma_wait3A_549 : memref<2x8192xf32, #tpu.memory_space<hbm>>)
    %dma_start3A_550 = arith.constant 25 : i32
    %dma_start3A_551 = arith.constant 0 : i32
    %dma_start3A_552 = tpu.memref_slice %arg5[%dma_start3A_550, %dma_start3A_551] : memref<64x2xi32, #tpu.memory_space<vmem>> -> memref<1x2xi32, #tpu.memory_space<vmem>>
    %dma_start3A_553 = tpu.memref_squeeze %dma_start3A_552 : memref<1x2xi32, #tpu.memory_space<vmem>> -> memref<2xi32, #tpu.memory_space<vmem>>
    %dma_start3A_554 = arith.constant 0 : i32
    %dma_start3A_555 = arith.constant 0 : i32
    %dma_start3A_556 = tpu.memref_slice %arg2[%dma_start3A_554, %dma_start3A_555] : memref<8192x8192xf32, #tpu.memory_space<hbm>> -> memref<8192x8192xf32, #tpu.memory_space<hbm>>
    tpu.enqueue_indirect_dma source(%dma_start3A_556 : memref<8192x8192xf32, #tpu.memory_space<hbm>>) target(%arg10 : memref<2x8192xf32, #tpu.memory_space<vmem>>) offsets(%dma_start3A_553 : memref<2xi32, #tpu.memory_space<vmem>>) semaphore(%arg17 : memref<!tpu.dma_semaphore, #tpu.memory_space<semaphore_mem>>)
    %dma_wait3A_557 = arith.constant 0 : i32
    %dma_wait3A_558 = arith.constant 0 : i32
    %dma_wait3A_559 = tpu.memref_slice %arg5[%dma_wait3A_557, %dma_wait3A_558] : memref<64x2xi32, #tpu.memory_space<vmem>> -> memref<1x2xi32, #tpu.memory_space<vmem>>
    %dma_wait3A_560 = tpu.memref_squeeze %dma_wait3A_559 : memref<1x2xi32, #tpu.memory_space<vmem>> -> memref<2xi32, #tpu.memory_space<vmem>>
    %dma_wait3A_561 = arith.constant 0 : i32
    %dma_wait3A_562 = arith.constant 0 : i32
    %dma_wait3A_563 = tpu.memref_slice %arg2[%dma_wait3A_561, %dma_wait3A_562] : memref<8192x8192xf32, #tpu.memory_space<hbm>> -> memref<8192x8192xf32, #tpu.memory_space<hbm>>
    tpu.wait_indirect_dma semaphore(%arg19 : memref<!tpu.dma_semaphore, #tpu.memory_space<semaphore_mem>>) src(%dma_wait3A_563 : memref<8192x8192xf32, #tpu.memory_space<hbm>>) dst(%arg12 : memref<2x8192xf32, #tpu.memory_space<vmem>>)
    %add3A_564 = arith.constant 40 : i32
    %add3A_565 = arith.addi %mul3A_2, %add3A_564 : i32
    %dma_start3A_566 = arith.constant 0 : i32
    %dma_start3A_567 = tpu.memref_slice %arg4[%add3A_565, %dma_start3A_566] : memref<4096x8192xf32, #tpu.memory_space<hbm>> -> memref<2x8192xf32, #tpu.memory_space<hbm>>
    %dma_start3A_568 = arith.constant 0 : i32
    %dma_start3A_569 = tpu.memref_slice %arg4[%add3A_565, %dma_start3A_568] : memref<4096x8192xf32, #tpu.memory_space<hbm>> -> memref<2x8192xf32, #tpu.memory_space<hbm>>
    tpu.enqueue_dma source(%arg12 : memref<2x8192xf32, #tpu.memory_space<vmem>>) target(%dma_start3A_569 : memref<2x8192xf32, #tpu.memory_space<hbm>>) target_semaphore(%arg26 : memref<!tpu.dma_semaphore, #tpu.memory_space<semaphore_mem>>)
    %add3A_570 = arith.constant 38 : i32
    %add3A_571 = arith.addi %mul3A_2, %add3A_570 : i32
    %dma_wait3A_572 = arith.constant 0 : i32
    %dma_wait3A_573 = tpu.memref_slice %arg4[%add3A_571, %dma_wait3A_572] : memref<4096x8192xf32, #tpu.memory_space<hbm>> -> memref<2x8192xf32, #tpu.memory_space<hbm>>
    %dma_wait3A_574 = arith.constant 0 : i32
    %dma_wait3A_575 = tpu.memref_slice %arg4[%add3A_571, %dma_wait3A_574] : memref<4096x8192xf32, #tpu.memory_space<hbm>> -> memref<2x8192xf32, #tpu.memory_space<hbm>>
    tpu.wait_dma2 semaphore(%arg25 : memref<!tpu.dma_semaphore, #tpu.memory_space<semaphore_mem>>) src(%arg11 : memref<2x8192xf32, #tpu.memory_space<vmem>>) dst(%dma_wait3A_575 : memref<2x8192xf32, #tpu.memory_space<hbm>>)
    %dma_start3A_576 = arith.constant 26 : i32
    %dma_start3A_577 = arith.constant 0 : i32
    %dma_start3A_578 = tpu.memref_slice %arg5[%dma_start3A_576, %dma_start3A_577] : memref<64x2xi32, #tpu.memory_space<vmem>> -> memref<1x2xi32, #tpu.memory_space<vmem>>
    %dma_start3A_579 = tpu.memref_squeeze %dma_start3A_578 : memref<1x2xi32, #tpu.memory_space<vmem>> -> memref<2xi32, #tpu.memory_space<vmem>>
    %dma_start3A_580 = arith.constant 0 : i32
    %dma_start3A_581 = arith.constant 0 : i32
    %dma_start3A_582 = tpu.memref_slice %arg2[%dma_start3A_580, %dma_start3A_581] : memref<8192x8192xf32, #tpu.memory_space<hbm>> -> memref<8192x8192xf32, #tpu.memory_space<hbm>>
    tpu.enqueue_indirect_dma source(%dma_start3A_582 : memref<8192x8192xf32, #tpu.memory_space<hbm>>) target(%arg11 : memref<2x8192xf32, #tpu.memory_space<vmem>>) offsets(%dma_start3A_579 : memref<2xi32, #tpu.memory_space<vmem>>) semaphore(%arg18 : memref<!tpu.dma_semaphore, #tpu.memory_space<semaphore_mem>>)
    %dma_wait3A_583 = arith.constant 0 : i32
    %dma_wait3A_584 = arith.constant 0 : i32
    %dma_wait3A_585 = tpu.memref_slice %arg5[%dma_wait3A_583, %dma_wait3A_584] : memref<64x2xi32, #tpu.memory_space<vmem>> -> memref<1x2xi32, #tpu.memory_space<vmem>>
    %dma_wait3A_586 = tpu.memref_squeeze %dma_wait3A_585 : memref<1x2xi32, #tpu.memory_space<vmem>> -> memref<2xi32, #tpu.memory_space<vmem>>
    %dma_wait3A_587 = arith.constant 0 : i32
    %dma_wait3A_588 = arith.constant 0 : i32
    %dma_wait3A_589 = tpu.memref_slice %arg2[%dma_wait3A_587, %dma_wait3A_588] : memref<8192x8192xf32, #tpu.memory_space<hbm>> -> memref<8192x8192xf32, #tpu.memory_space<hbm>>
    tpu.wait_indirect_dma semaphore(%arg13 : memref<!tpu.dma_semaphore, #tpu.memory_space<semaphore_mem>>) src(%dma_wait3A_589 : memref<8192x8192xf32, #tpu.memory_space<hbm>>) dst(%arg6 : memref<2x8192xf32, #tpu.memory_space<vmem>>)
    %add3A_590 = arith.constant 42 : i32
    %add3A_591 = arith.addi %mul3A_2, %add3A_590 : i32
    %dma_start3A_592 = arith.constant 0 : i32
    %dma_start3A_593 = tpu.memref_slice %arg4[%add3A_591, %dma_start3A_592] : memref<4096x8192xf32, #tpu.memory_space<hbm>> -> memref<2x8192xf32, #tpu.memory_space<hbm>>
    %dma_start3A_594 = arith.constant 0 : i32
    %dma_start3A_595 = tpu.memref_slice %arg4[%add3A_591, %dma_start3A_594] : memref<4096x8192xf32, #tpu.memory_space<hbm>> -> memref<2x8192xf32, #tpu.memory_space<hbm>>
    tpu.enqueue_dma source(%arg6 : memref<2x8192xf32, #tpu.memory_space<vmem>>) target(%dma_start3A_595 : memref<2x8192xf32, #tpu.memory_space<hbm>>) target_semaphore(%arg20 : memref<!tpu.dma_semaphore, #tpu.memory_space<semaphore_mem>>)
    %add3A_596 = arith.constant 40 : i32
    %add3A_597 = arith.addi %mul3A_2, %add3A_596 : i32
    %dma_wait3A_598 = arith.constant 0 : i32
    %dma_wait3A_599 = tpu.memref_slice %arg4[%add3A_597, %dma_wait3A_598] : memref<4096x8192xf32, #tpu.memory_space<hbm>> -> memref<2x8192xf32, #tpu.memory_space<hbm>>
    %dma_wait3A_600 = arith.constant 0 : i32
    %dma_wait3A_601 = tpu.memref_slice %arg4[%add3A_597, %dma_wait3A_600] : memref<4096x8192xf32, #tpu.memory_space<hbm>> -> memref<2x8192xf32, #tpu.memory_space<hbm>>
    tpu.wait_dma2 semaphore(%arg26 : memref<!tpu.dma_semaphore, #tpu.memory_space<semaphore_mem>>) src(%arg12 : memref<2x8192xf32, #tpu.memory_space<vmem>>) dst(%dma_wait3A_601 : memref<2x8192xf32, #tpu.memory_space<hbm>>)
    %dma_start3A_602 = arith.constant 27 : i32
    %dma_start3A_603 = arith.constant 0 : i32
    %dma_start3A_604 = tpu.memref_slice %arg5[%dma_start3A_602, %dma_start3A_603] : memref<64x2xi32, #tpu.memory_space<vmem>> -> memref<1x2xi32, #tpu.memory_space<vmem>>
    %dma_start3A_605 = tpu.memref_squeeze %dma_start3A_604 : memref<1x2xi32, #tpu.memory_space<vmem>> -> memref<2xi32, #tpu.memory_space<vmem>>
    %dma_start3A_606 = arith.constant 0 : i32
    %dma_start3A_607 = arith.constant 0 : i32
    %dma_start3A_608 = tpu.memref_slice %arg2[%dma_start3A_606, %dma_start3A_607] : memref<8192x8192xf32, #tpu.memory_space<hbm>> -> memref<8192x8192xf32, #tpu.memory_space<hbm>>
    tpu.enqueue_indirect_dma source(%dma_start3A_608 : memref<8192x8192xf32, #tpu.memory_space<hbm>>) target(%arg12 : memref<2x8192xf32, #tpu.memory_space<vmem>>) offsets(%dma_start3A_605 : memref<2xi32, #tpu.memory_space<vmem>>) semaphore(%arg19 : memref<!tpu.dma_semaphore, #tpu.memory_space<semaphore_mem>>)
    %dma_wait3A_609 = arith.constant 0 : i32
    %dma_wait3A_610 = arith.constant 0 : i32
    %dma_wait3A_611 = tpu.memref_slice %arg5[%dma_wait3A_609, %dma_wait3A_610] : memref<64x2xi32, #tpu.memory_space<vmem>> -> memref<1x2xi32, #tpu.memory_space<vmem>>
    %dma_wait3A_612 = tpu.memref_squeeze %dma_wait3A_611 : memref<1x2xi32, #tpu.memory_space<vmem>> -> memref<2xi32, #tpu.memory_space<vmem>>
    %dma_wait3A_613 = arith.constant 0 : i32
    %dma_wait3A_614 = arith.constant 0 : i32
    %dma_wait3A_615 = tpu.memref_slice %arg2[%dma_wait3A_613, %dma_wait3A_614] : memref<8192x8192xf32, #tpu.memory_space<hbm>> -> memref<8192x8192xf32, #tpu.memory_space<hbm>>
    tpu.wait_indirect_dma semaphore(%arg14 : memref<!tpu.dma_semaphore, #tpu.memory_space<semaphore_mem>>) src(%dma_wait3A_615 : memref<8192x8192xf32, #tpu.memory_space<hbm>>) dst(%arg7 : memref<2x8192xf32, #tpu.memory_space<vmem>>)
    %add3A_616 = arith.constant 44 : i32
    %add3A_617 = arith.addi %mul3A_2, %add3A_616 : i32
    %dma_start3A_618 = arith.constant 0 : i32
    %dma_start3A_619 = tpu.memref_slice %arg4[%add3A_617, %dma_start3A_618] : memref<4096x8192xf32, #tpu.memory_space<hbm>> -> memref<2x8192xf32, #tpu.memory_space<hbm>>
    %dma_start3A_620 = arith.constant 0 : i32
    %dma_start3A_621 = tpu.memref_slice %arg4[%add3A_617, %dma_start3A_620] : memref<4096x8192xf32, #tpu.memory_space<hbm>> -> memref<2x8192xf32, #tpu.memory_space<hbm>>
    tpu.enqueue_dma source(%arg7 : memref<2x8192xf32, #tpu.memory_space<vmem>>) target(%dma_start3A_621 : memref<2x8192xf32, #tpu.memory_space<hbm>>) target_semaphore(%arg21 : memref<!tpu.dma_semaphore, #tpu.memory_space<semaphore_mem>>)
    %add3A_622 = arith.constant 42 : i32
    %add3A_623 = arith.addi %mul3A_2, %add3A_622 : i32
    %dma_wait3A_624 = arith.constant 0 : i32
    %dma_wait3A_625 = tpu.memref_slice %arg4[%add3A_623, %dma_wait3A_624] : memref<4096x8192xf32, #tpu.memory_space<hbm>> -> memref<2x8192xf32, #tpu.memory_space<hbm>>
    %dma_wait3A_626 = arith.constant 0 : i32
    %dma_wait3A_627 = tpu.memref_slice %arg4[%add3A_623, %dma_wait3A_626] : memref<4096x8192xf32, #tpu.memory_space<hbm>> -> memref<2x8192xf32, #tpu.memory_space<hbm>>
    tpu.wait_dma2 semaphore(%arg20 : memref<!tpu.dma_semaphore, #tpu.memory_space<semaphore_mem>>) src(%arg6 : memref<2x8192xf32, #tpu.memory_space<vmem>>) dst(%dma_wait3A_627 : memref<2x8192xf32, #tpu.memory_space<hbm>>)
    %dma_start3A_628 = arith.constant 28 : i32
    %dma_start3A_629 = arith.constant 0 : i32
    %dma_start3A_630 = tpu.memref_slice %arg5[%dma_start3A_628, %dma_start3A_629] : memref<64x2xi32, #tpu.memory_space<vmem>> -> memref<1x2xi32, #tpu.memory_space<vmem>>
    %dma_start3A_631 = tpu.memref_squeeze %dma_start3A_630 : memref<1x2xi32, #tpu.memory_space<vmem>> -> memref<2xi32, #tpu.memory_space<vmem>>
    %dma_start3A_632 = arith.constant 0 : i32
    %dma_start3A_633 = arith.constant 0 : i32
    %dma_start3A_634 = tpu.memref_slice %arg2[%dma_start3A_632, %dma_start3A_633] : memref<8192x8192xf32, #tpu.memory_space<hbm>> -> memref<8192x8192xf32, #tpu.memory_space<hbm>>
    tpu.enqueue_indirect_dma source(%dma_start3A_634 : memref<8192x8192xf32, #tpu.memory_space<hbm>>) target(%arg6 : memref<2x8192xf32, #tpu.memory_space<vmem>>) offsets(%dma_start3A_631 : memref<2xi32, #tpu.memory_space<vmem>>) semaphore(%arg13 : memref<!tpu.dma_semaphore, #tpu.memory_space<semaphore_mem>>)
    %dma_wait3A_635 = arith.constant 0 : i32
    %dma_wait3A_636 = arith.constant 0 : i32
    %dma_wait3A_637 = tpu.memref_slice %arg5[%dma_wait3A_635, %dma_wait3A_636] : memref<64x2xi32, #tpu.memory_space<vmem>> -> memref<1x2xi32, #tpu.memory_space<vmem>>
    %dma_wait3A_638 = tpu.memref_squeeze %dma_wait3A_637 : memref<1x2xi32, #tpu.memory_space<vmem>> -> memref<2xi32, #tpu.memory_space<vmem>>
    %dma_wait3A_639 = arith.constant 0 : i32
    %dma_wait3A_640 = arith.constant 0 : i32
    %dma_wait3A_641 = tpu.memref_slice %arg2[%dma_wait3A_639, %dma_wait3A_640] : memref<8192x8192xf32, #tpu.memory_space<hbm>> -> memref<8192x8192xf32, #tpu.memory_space<hbm>>
    tpu.wait_indirect_dma semaphore(%arg15 : memref<!tpu.dma_semaphore, #tpu.memory_space<semaphore_mem>>) src(%dma_wait3A_641 : memref<8192x8192xf32, #tpu.memory_space<hbm>>) dst(%arg8 : memref<2x8192xf32, #tpu.memory_space<vmem>>)
    %add3A_642 = arith.constant 46 : i32
    %add3A_643 = arith.addi %mul3A_2, %add3A_642 : i32
    %dma_start3A_644 = arith.constant 0 : i32
    %dma_start3A_645 = tpu.memref_slice %arg4[%add3A_643, %dma_start3A_644] : memref<4096x8192xf32, #tpu.memory_space<hbm>> -> memref<2x8192xf32, #tpu.memory_space<hbm>>
    %dma_start3A_646 = arith.constant 0 : i32
    %dma_start3A_647 = tpu.memref_slice %arg4[%add3A_643, %dma_start3A_646] : memref<4096x8192xf32, #tpu.memory_space<hbm>> -> memref<2x8192xf32, #tpu.memory_space<hbm>>
    tpu.enqueue_dma source(%arg8 : memref<2x8192xf32, #tpu.memory_space<vmem>>) target(%dma_start3A_647 : memref<2x8192xf32, #tpu.memory_space<hbm>>) target_semaphore(%arg22 : memref<!tpu.dma_semaphore, #tpu.memory_space<semaphore_mem>>)
    %add3A_648 = arith.constant 44 : i32
    %add3A_649 = arith.addi %mul3A_2, %add3A_648 : i32
    %dma_wait3A_650 = arith.constant 0 : i32
    %dma_wait3A_651 = tpu.memref_slice %arg4[%add3A_649, %dma_wait3A_650] : memref<4096x8192xf32, #tpu.memory_space<hbm>> -> memref<2x8192xf32, #tpu.memory_space<hbm>>
    %dma_wait3A_652 = arith.constant 0 : i32
    %dma_wait3A_653 = tpu.memref_slice %arg4[%add3A_649, %dma_wait3A_652] : memref<4096x8192xf32, #tpu.memory_space<hbm>> -> memref<2x8192xf32, #tpu.memory_space<hbm>>
    tpu.wait_dma2 semaphore(%arg21 : memref<!tpu.dma_semaphore, #tpu.memory_space<semaphore_mem>>) src(%arg7 : memref<2x8192xf32, #tpu.memory_space<vmem>>) dst(%dma_wait3A_653 : memref<2x8192xf32, #tpu.memory_space<hbm>>)
    %dma_start3A_654 = arith.constant 29 : i32
    %dma_start3A_655 = arith.constant 0 : i32
    %dma_start3A_656 = tpu.memref_slice %arg5[%dma_start3A_654, %dma_start3A_655] : memref<64x2xi32, #tpu.memory_space<vmem>> -> memref<1x2xi32, #tpu.memory_space<vmem>>
    %dma_start3A_657 = tpu.memref_squeeze %dma_start3A_656 : memref<1x2xi32, #tpu.memory_space<vmem>> -> memref<2xi32, #tpu.memory_space<vmem>>
    %dma_start3A_658 = arith.constant 0 : i32
    %dma_start3A_659 = arith.constant 0 : i32
    %dma_start3A_660 = tpu.memref_slice %arg2[%dma_start3A_658, %dma_start3A_659] : memref<8192x8192xf32, #tpu.memory_space<hbm>> -> memref<8192x8192xf32, #tpu.memory_space<hbm>>
    tpu.enqueue_indirect_dma source(%dma_start3A_660 : memref<8192x8192xf32, #tpu.memory_space<hbm>>) target(%arg7 : memref<2x8192xf32, #tpu.memory_space<vmem>>) offsets(%dma_start3A_657 : memref<2xi32, #tpu.memory_space<vmem>>) semaphore(%arg14 : memref<!tpu.dma_semaphore, #tpu.memory_space<semaphore_mem>>)
    %dma_wait3A_661 = arith.constant 0 : i32
    %dma_wait3A_662 = arith.constant 0 : i32
    %dma_wait3A_663 = tpu.memref_slice %arg5[%dma_wait3A_661, %dma_wait3A_662] : memref<64x2xi32, #tpu.memory_space<vmem>> -> memref<1x2xi32, #tpu.memory_space<vmem>>
    %dma_wait3A_664 = tpu.memref_squeeze %dma_wait3A_663 : memref<1x2xi32, #tpu.memory_space<vmem>> -> memref<2xi32, #tpu.memory_space<vmem>>
    %dma_wait3A_665 = arith.constant 0 : i32
    %dma_wait3A_666 = arith.constant 0 : i32
    %dma_wait3A_667 = tpu.memref_slice %arg2[%dma_wait3A_665, %dma_wait3A_666] : memref<8192x8192xf32, #tpu.memory_space<hbm>> -> memref<8192x8192xf32, #tpu.memory_space<hbm>>
    tpu.wait_indirect_dma semaphore(%arg16 : memref<!tpu.dma_semaphore, #tpu.memory_space<semaphore_mem>>) src(%dma_wait3A_667 : memref<8192x8192xf32, #tpu.memory_space<hbm>>) dst(%arg9 : memref<2x8192xf32, #tpu.memory_space<vmem>>)
    %add3A_668 = arith.constant 48 : i32
    %add3A_669 = arith.addi %mul3A_2, %add3A_668 : i32
    %dma_start3A_670 = arith.constant 0 : i32
    %dma_start3A_671 = tpu.memref_slice %arg4[%add3A_669, %dma_start3A_670] : memref<4096x8192xf32, #tpu.memory_space<hbm>> -> memref<2x8192xf32, #tpu.memory_space<hbm>>
    %dma_start3A_672 = arith.constant 0 : i32
    %dma_start3A_673 = tpu.memref_slice %arg4[%add3A_669, %dma_start3A_672] : memref<4096x8192xf32, #tpu.memory_space<hbm>> -> memref<2x8192xf32, #tpu.memory_space<hbm>>
    tpu.enqueue_dma source(%arg9 : memref<2x8192xf32, #tpu.memory_space<vmem>>) target(%dma_start3A_673 : memref<2x8192xf32, #tpu.memory_space<hbm>>) target_semaphore(%arg23 : memref<!tpu.dma_semaphore, #tpu.memory_space<semaphore_mem>>)
    %add3A_674 = arith.constant 46 : i32
    %add3A_675 = arith.addi %mul3A_2, %add3A_674 : i32
    %dma_wait3A_676 = arith.constant 0 : i32
    %dma_wait3A_677 = tpu.memref_slice %arg4[%add3A_675, %dma_wait3A_676] : memref<4096x8192xf32, #tpu.memory_space<hbm>> -> memref<2x8192xf32, #tpu.memory_space<hbm>>
    %dma_wait3A_678 = arith.constant 0 : i32
    %dma_wait3A_679 = tpu.memref_slice %arg4[%add3A_675, %dma_wait3A_678] : memref<4096x8192xf32, #tpu.memory_space<hbm>> -> memref<2x8192xf32, #tpu.memory_space<hbm>>
    tpu.wait_dma2 semaphore(%arg22 : memref<!tpu.dma_semaphore, #tpu.memory_space<semaphore_mem>>) src(%arg8 : memref<2x8192xf32, #tpu.memory_space<vmem>>) dst(%dma_wait3A_679 : memref<2x8192xf32, #tpu.memory_space<hbm>>)
    %dma_start3A_680 = arith.constant 30 : i32
    %dma_start3A_681 = arith.constant 0 : i32
    %dma_start3A_682 = tpu.memref_slice %arg5[%dma_start3A_680, %dma_start3A_681] : memref<64x2xi32, #tpu.memory_space<vmem>> -> memref<1x2xi32, #tpu.memory_space<vmem>>
    %dma_start3A_683 = tpu.memref_squeeze %dma_start3A_682 : memref<1x2xi32, #tpu.memory_space<vmem>> -> memref<2xi32, #tpu.memory_space<vmem>>
    %dma_start3A_684 = arith.constant 0 : i32
    %dma_start3A_685 = arith.constant 0 : i32
    %dma_start3A_686 = tpu.memref_slice %arg2[%dma_start3A_684, %dma_start3A_685] : memref<8192x8192xf32, #tpu.memory_space<hbm>> -> memref<8192x8192xf32, #tpu.memory_space<hbm>>
    tpu.enqueue_indirect_dma source(%dma_start3A_686 : memref<8192x8192xf32, #tpu.memory_space<hbm>>) target(%arg8 : memref<2x8192xf32, #tpu.memory_space<vmem>>) offsets(%dma_start3A_683 : memref<2xi32, #tpu.memory_space<vmem>>) semaphore(%arg15 : memref<!tpu.dma_semaphore, #tpu.memory_space<semaphore_mem>>)
    %dma_wait3A_687 = arith.constant 0 : i32
    %dma_wait3A_688 = arith.constant 0 : i32
    %dma_wait3A_689 = tpu.memref_slice %arg5[%dma_wait3A_687, %dma_wait3A_688] : memref<64x2xi32, #tpu.memory_space<vmem>> -> memref<1x2xi32, #tpu.memory_space<vmem>>
    %dma_wait3A_690 = tpu.memref_squeeze %dma_wait3A_689 : memref<1x2xi32, #tpu.memory_space<vmem>> -> memref<2xi32, #tpu.memory_space<vmem>>
    %dma_wait3A_691 = arith.constant 0 : i32
    %dma_wait3A_692 = arith.constant 0 : i32
    %dma_wait3A_693 = tpu.memref_slice %arg2[%dma_wait3A_691, %dma_wait3A_692] : memref<8192x8192xf32, #tpu.memory_space<hbm>> -> memref<8192x8192xf32, #tpu.memory_space<hbm>>
    tpu.wait_indirect_dma semaphore(%arg17 : memref<!tpu.dma_semaphore, #tpu.memory_space<semaphore_mem>>) src(%dma_wait3A_693 : memref<8192x8192xf32, #tpu.memory_space<hbm>>) dst(%arg10 : memref<2x8192xf32, #tpu.memory_space<vmem>>)
    %add3A_694 = arith.constant 50 : i32
    %add3A_695 = arith.addi %mul3A_2, %add3A_694 : i32
    %dma_start3A_696 = arith.constant 0 : i32
    %dma_start3A_697 = tpu.memref_slice %arg4[%add3A_695, %dma_start3A_696] : memref<4096x8192xf32, #tpu.memory_space<hbm>> -> memref<2x8192xf32, #tpu.memory_space<hbm>>
    %dma_start3A_698 = arith.constant 0 : i32
    %dma_start3A_699 = tpu.memref_slice %arg4[%add3A_695, %dma_start3A_698] : memref<4096x8192xf32, #tpu.memory_space<hbm>> -> memref<2x8192xf32, #tpu.memory_space<hbm>>
    tpu.enqueue_dma source(%arg10 : memref<2x8192xf32, #tpu.memory_space<vmem>>) target(%dma_start3A_699 : memref<2x8192xf32, #tpu.memory_space<hbm>>) target_semaphore(%arg24 : memref<!tpu.dma_semaphore, #tpu.memory_space<semaphore_mem>>)
    %add3A_700 = arith.constant 48 : i32
    %add3A_701 = arith.addi %mul3A_2, %add3A_700 : i32
    %dma_wait3A_702 = arith.constant 0 : i32
    %dma_wait3A_703 = tpu.memref_slice %arg4[%add3A_701, %dma_wait3A_702] : memref<4096x8192xf32, #tpu.memory_space<hbm>> -> memref<2x8192xf32, #tpu.memory_space<hbm>>
    %dma_wait3A_704 = arith.constant 0 : i32
    %dma_wait3A_705 = tpu.memref_slice %arg4[%add3A_701, %dma_wait3A_704] : memref<4096x8192xf32, #tpu.memory_space<hbm>> -> memref<2x8192xf32, #tpu.memory_space<hbm>>
    tpu.wait_dma2 semaphore(%arg23 : memref<!tpu.dma_semaphore, #tpu.memory_space<semaphore_mem>>) src(%arg9 : memref<2x8192xf32, #tpu.memory_space<vmem>>) dst(%dma_wait3A_705 : memref<2x8192xf32, #tpu.memory_space<hbm>>)
    %dma_start3A_706 = arith.constant 31 : i32
    %dma_start3A_707 = arith.constant 0 : i32
    %dma_start3A_708 = tpu.memref_slice %arg5[%dma_start3A_706, %dma_start3A_707] : memref<64x2xi32, #tpu.memory_space<vmem>> -> memref<1x2xi32, #tpu.memory_space<vmem>>
    %dma_start3A_709 = tpu.memref_squeeze %dma_start3A_708 : memref<1x2xi32, #tpu.memory_space<vmem>> -> memref<2xi32, #tpu.memory_space<vmem>>
    %dma_start3A_710 = arith.constant 0 : i32
    %dma_start3A_711 = arith.constant 0 : i32
    %dma_start3A_712 = tpu.memref_slice %arg2[%dma_start3A_710, %dma_start3A_711] : memref<8192x8192xf32, #tpu.memory_space<hbm>> -> memref<8192x8192xf32, #tpu.memory_space<hbm>>
    tpu.enqueue_indirect_dma source(%dma_start3A_712 : memref<8192x8192xf32, #tpu.memory_space<hbm>>) target(%arg9 : memref<2x8192xf32, #tpu.memory_space<vmem>>) offsets(%dma_start3A_709 : memref<2xi32, #tpu.memory_space<vmem>>) semaphore(%arg16 : memref<!tpu.dma_semaphore, #tpu.memory_space<semaphore_mem>>)
    %dma_wait3A_713 = arith.constant 0 : i32
    %dma_wait3A_714 = arith.constant 0 : i32
    %dma_wait3A_715 = tpu.memref_slice %arg5[%dma_wait3A_713, %dma_wait3A_714] : memref<64x2xi32, #tpu.memory_space<vmem>> -> memref<1x2xi32, #tpu.memory_space<vmem>>
    %dma_wait3A_716 = tpu.memref_squeeze %dma_wait3A_715 : memref<1x2xi32, #tpu.memory_space<vmem>> -> memref<2xi32, #tpu.memory_space<vmem>>
    %dma_wait3A_717 = arith.constant 0 : i32
    %dma_wait3A_718 = arith.constant 0 : i32
    %dma_wait3A_719 = tpu.memref_slice %arg2[%dma_wait3A_717, %dma_wait3A_718] : memref<8192x8192xf32, #tpu.memory_space<hbm>> -> memref<8192x8192xf32, #tpu.memory_space<hbm>>
    tpu.wait_indirect_dma semaphore(%arg18 : memref<!tpu.dma_semaphore, #tpu.memory_space<semaphore_mem>>) src(%dma_wait3A_719 : memref<8192x8192xf32, #tpu.memory_space<hbm>>) dst(%arg11 : memref<2x8192xf32, #tpu.memory_space<vmem>>)
    %add3A_720 = arith.constant 52 : i32
    %add3A_721 = arith.addi %mul3A_2, %add3A_720 : i32
    %dma_start3A_722 = arith.constant 0 : i32
    %dma_start3A_723 = tpu.memref_slice %arg4[%add3A_721, %dma_start3A_722] : memref<4096x8192xf32, #tpu.memory_space<hbm>> -> memref<2x8192xf32, #tpu.memory_space<hbm>>
    %dma_start3A_724 = arith.constant 0 : i32
    %dma_start3A_725 = tpu.memref_slice %arg4[%add3A_721, %dma_start3A_724] : memref<4096x8192xf32, #tpu.memory_space<hbm>> -> memref<2x8192xf32, #tpu.memory_space<hbm>>
    tpu.enqueue_dma source(%arg11 : memref<2x8192xf32, #tpu.memory_space<vmem>>) target(%dma_start3A_725 : memref<2x8192xf32, #tpu.memory_space<hbm>>) target_semaphore(%arg25 : memref<!tpu.dma_semaphore, #tpu.memory_space<semaphore_mem>>)
    %add3A_726 = arith.constant 50 : i32
    %add3A_727 = arith.addi %mul3A_2, %add3A_726 : i32
    %dma_wait3A_728 = arith.constant 0 : i32
    %dma_wait3A_729 = tpu.memref_slice %arg4[%add3A_727, %dma_wait3A_728] : memref<4096x8192xf32, #tpu.memory_space<hbm>> -> memref<2x8192xf32, #tpu.memory_space<hbm>>
    %dma_wait3A_730 = arith.constant 0 : i32
    %dma_wait3A_731 = tpu.memref_slice %arg4[%add3A_727, %dma_wait3A_730] : memref<4096x8192xf32, #tpu.memory_space<hbm>> -> memref<2x8192xf32, #tpu.memory_space<hbm>>
    tpu.wait_dma2 semaphore(%arg24 : memref<!tpu.dma_semaphore, #tpu.memory_space<semaphore_mem>>) src(%arg10 : memref<2x8192xf32, #tpu.memory_space<vmem>>) dst(%dma_wait3A_731 : memref<2x8192xf32, #tpu.memory_space<hbm>>)
    %dma_start3A_732 = arith.constant 32 : i32
    %dma_start3A_733 = arith.constant 0 : i32
    %dma_start3A_734 = tpu.memref_slice %arg5[%dma_start3A_732, %dma_start3A_733] : memref<64x2xi32, #tpu.memory_space<vmem>> -> memref<1x2xi32, #tpu.memory_space<vmem>>
    %dma_start3A_735 = tpu.memref_squeeze %dma_start3A_734 : memref<1x2xi32, #tpu.memory_space<vmem>> -> memref<2xi32, #tpu.memory_space<vmem>>
    %dma_start3A_736 = arith.constant 0 : i32
    %dma_start3A_737 = arith.constant 0 : i32
    %dma_start3A_738 = tpu.memref_slice %arg2[%dma_start3A_736, %dma_start3A_737] : memref<8192x8192xf32, #tpu.memory_space<hbm>> -> memref<8192x8192xf32, #tpu.memory_space<hbm>>
    tpu.enqueue_indirect_dma source(%dma_start3A_738 : memref<8192x8192xf32, #tpu.memory_space<hbm>>) target(%arg10 : memref<2x8192xf32, #tpu.memory_space<vmem>>) offsets(%dma_start3A_735 : memref<2xi32, #tpu.memory_space<vmem>>) semaphore(%arg17 : memref<!tpu.dma_semaphore, #tpu.memory_space<semaphore_mem>>)
    %dma_wait3A_739 = arith.constant 0 : i32
    %dma_wait3A_740 = arith.constant 0 : i32
    %dma_wait3A_741 = tpu.memref_slice %arg5[%dma_wait3A_739, %dma_wait3A_740] : memref<64x2xi32, #tpu.memory_space<vmem>> -> memref<1x2xi32, #tpu.memory_space<vmem>>
    %dma_wait3A_742 = tpu.memref_squeeze %dma_wait3A_741 : memref<1x2xi32, #tpu.memory_space<vmem>> -> memref<2xi32, #tpu.memory_space<vmem>>
    %dma_wait3A_743 = arith.constant 0 : i32
    %dma_wait3A_744 = arith.constant 0 : i32
    %dma_wait3A_745 = tpu.memref_slice %arg2[%dma_wait3A_743, %dma_wait3A_744] : memref<8192x8192xf32, #tpu.memory_space<hbm>> -> memref<8192x8192xf32, #tpu.memory_space<hbm>>
    tpu.wait_indirect_dma semaphore(%arg19 : memref<!tpu.dma_semaphore, #tpu.memory_space<semaphore_mem>>) src(%dma_wait3A_745 : memref<8192x8192xf32, #tpu.memory_space<hbm>>) dst(%arg12 : memref<2x8192xf32, #tpu.memory_space<vmem>>)
    %add3A_746 = arith.constant 54 : i32
    %add3A_747 = arith.addi %mul3A_2, %add3A_746 : i32
    %dma_start3A_748 = arith.constant 0 : i32
    %dma_start3A_749 = tpu.memref_slice %arg4[%add3A_747, %dma_start3A_748] : memref<4096x8192xf32, #tpu.memory_space<hbm>> -> memref<2x8192xf32, #tpu.memory_space<hbm>>
    %dma_start3A_750 = arith.constant 0 : i32
    %dma_start3A_751 = tpu.memref_slice %arg4[%add3A_747, %dma_start3A_750] : memref<4096x8192xf32, #tpu.memory_space<hbm>> -> memref<2x8192xf32, #tpu.memory_space<hbm>>
    tpu.enqueue_dma source(%arg12 : memref<2x8192xf32, #tpu.memory_space<vmem>>) target(%dma_start3A_751 : memref<2x8192xf32, #tpu.memory_space<hbm>>) target_semaphore(%arg26 : memref<!tpu.dma_semaphore, #tpu.memory_space<semaphore_mem>>)
    %add3A_752 = arith.constant 52 : i32
    %add3A_753 = arith.addi %mul3A_2, %add3A_752 : i32
    %dma_wait3A_754 = arith.constant 0 : i32
    %dma_wait3A_755 = tpu.memref_slice %arg4[%add3A_753, %dma_wait3A_754] : memref<4096x8192xf32, #tpu.memory_space<hbm>> -> memref<2x8192xf32, #tpu.memory_space<hbm>>
    %dma_wait3A_756 = arith.constant 0 : i32
    %dma_wait3A_757 = tpu.memref_slice %arg4[%add3A_753, %dma_wait3A_756] : memref<4096x8192xf32, #tpu.memory_space<hbm>> -> memref<2x8192xf32, #tpu.memory_space<hbm>>
    tpu.wait_dma2 semaphore(%arg25 : memref<!tpu.dma_semaphore, #tpu.memory_space<semaphore_mem>>) src(%arg11 : memref<2x8192xf32, #tpu.memory_space<vmem>>) dst(%dma_wait3A_757 : memref<2x8192xf32, #tpu.memory_space<hbm>>)
    %dma_start3A_758 = arith.constant 33 : i32
    %dma_start3A_759 = arith.constant 0 : i32
    %dma_start3A_760 = tpu.memref_slice %arg5[%dma_start3A_758, %dma_start3A_759] : memref<64x2xi32, #tpu.memory_space<vmem>> -> memref<1x2xi32, #tpu.memory_space<vmem>>
    %dma_start3A_761 = tpu.memref_squeeze %dma_start3A_760 : memref<1x2xi32, #tpu.memory_space<vmem>> -> memref<2xi32, #tpu.memory_space<vmem>>
    %dma_start3A_762 = arith.constant 0 : i32
    %dma_start3A_763 = arith.constant 0 : i32
    %dma_start3A_764 = tpu.memref_slice %arg2[%dma_start3A_762, %dma_start3A_763] : memref<8192x8192xf32, #tpu.memory_space<hbm>> -> memref<8192x8192xf32, #tpu.memory_space<hbm>>
    tpu.enqueue_indirect_dma source(%dma_start3A_764 : memref<8192x8192xf32, #tpu.memory_space<hbm>>) target(%arg11 : memref<2x8192xf32, #tpu.memory_space<vmem>>) offsets(%dma_start3A_761 : memref<2xi32, #tpu.memory_space<vmem>>) semaphore(%arg18 : memref<!tpu.dma_semaphore, #tpu.memory_space<semaphore_mem>>)
    %dma_wait3A_765 = arith.constant 0 : i32
    %dma_wait3A_766 = arith.constant 0 : i32
    %dma_wait3A_767 = tpu.memref_slice %arg5[%dma_wait3A_765, %dma_wait3A_766] : memref<64x2xi32, #tpu.memory_space<vmem>> -> memref<1x2xi32, #tpu.memory_space<vmem>>
    %dma_wait3A_768 = tpu.memref_squeeze %dma_wait3A_767 : memref<1x2xi32, #tpu.memory_space<vmem>> -> memref<2xi32, #tpu.memory_space<vmem>>
    %dma_wait3A_769 = arith.constant 0 : i32
    %dma_wait3A_770 = arith.constant 0 : i32
    %dma_wait3A_771 = tpu.memref_slice %arg2[%dma_wait3A_769, %dma_wait3A_770] : memref<8192x8192xf32, #tpu.memory_space<hbm>> -> memref<8192x8192xf32, #tpu.memory_space<hbm>>
    tpu.wait_indirect_dma semaphore(%arg13 : memref<!tpu.dma_semaphore, #tpu.memory_space<semaphore_mem>>) src(%dma_wait3A_771 : memref<8192x8192xf32, #tpu.memory_space<hbm>>) dst(%arg6 : memref<2x8192xf32, #tpu.memory_space<vmem>>)
    %add3A_772 = arith.constant 56 : i32
    %add3A_773 = arith.addi %mul3A_2, %add3A_772 : i32
    %dma_start3A_774 = arith.constant 0 : i32
    %dma_start3A_775 = tpu.memref_slice %arg4[%add3A_773, %dma_start3A_774] : memref<4096x8192xf32, #tpu.memory_space<hbm>> -> memref<2x8192xf32, #tpu.memory_space<hbm>>
    %dma_start3A_776 = arith.constant 0 : i32
    %dma_start3A_777 = tpu.memref_slice %arg4[%add3A_773, %dma_start3A_776] : memref<4096x8192xf32, #tpu.memory_space<hbm>> -> memref<2x8192xf32, #tpu.memory_space<hbm>>
    tpu.enqueue_dma source(%arg6 : memref<2x8192xf32, #tpu.memory_space<vmem>>) target(%dma_start3A_777 : memref<2x8192xf32, #tpu.memory_space<hbm>>) target_semaphore(%arg20 : memref<!tpu.dma_semaphore, #tpu.memory_space<semaphore_mem>>)
    %add3A_778 = arith.constant 54 : i32
    %add3A_779 = arith.addi %mul3A_2, %add3A_778 : i32
    %dma_wait3A_780 = arith.constant 0 : i32
    %dma_wait3A_781 = tpu.memref_slice %arg4[%add3A_779, %dma_wait3A_780] : memref<4096x8192xf32, #tpu.memory_space<hbm>> -> memref<2x8192xf32, #tpu.memory_space<hbm>>
    %dma_wait3A_782 = arith.constant 0 : i32
    %dma_wait3A_783 = tpu.memref_slice %arg4[%add3A_779, %dma_wait3A_782] : memref<4096x8192xf32, #tpu.memory_space<hbm>> -> memref<2x8192xf32, #tpu.memory_space<hbm>>
    tpu.wait_dma2 semaphore(%arg26 : memref<!tpu.dma_semaphore, #tpu.memory_space<semaphore_mem>>) src(%arg12 : memref<2x8192xf32, #tpu.memory_space<vmem>>) dst(%dma_wait3A_783 : memref<2x8192xf32, #tpu.memory_space<hbm>>)
    %dma_start3A_784 = arith.constant 34 : i32
    %dma_start3A_785 = arith.constant 0 : i32
    %dma_start3A_786 = tpu.memref_slice %arg5[%dma_start3A_784, %dma_start3A_785] : memref<64x2xi32, #tpu.memory_space<vmem>> -> memref<1x2xi32, #tpu.memory_space<vmem>>
    %dma_start3A_787 = tpu.memref_squeeze %dma_start3A_786 : memref<1x2xi32, #tpu.memory_space<vmem>> -> memref<2xi32, #tpu.memory_space<vmem>>
    %dma_start3A_788 = arith.constant 0 : i32
    %dma_start3A_789 = arith.constant 0 : i32
    %dma_start3A_790 = tpu.memref_slice %arg2[%dma_start3A_788, %dma_start3A_789] : memref<8192x8192xf32, #tpu.memory_space<hbm>> -> memref<8192x8192xf32, #tpu.memory_space<hbm>>
    tpu.enqueue_indirect_dma source(%dma_start3A_790 : memref<8192x8192xf32, #tpu.memory_space<hbm>>) target(%arg12 : memref<2x8192xf32, #tpu.memory_space<vmem>>) offsets(%dma_start3A_787 : memref<2xi32, #tpu.memory_space<vmem>>) semaphore(%arg19 : memref<!tpu.dma_semaphore, #tpu.memory_space<semaphore_mem>>)
    %dma_wait3A_791 = arith.constant 0 : i32
    %dma_wait3A_792 = arith.constant 0 : i32
    %dma_wait3A_793 = tpu.memref_slice %arg5[%dma_wait3A_791, %dma_wait3A_792] : memref<64x2xi32, #tpu.memory_space<vmem>> -> memref<1x2xi32, #tpu.memory_space<vmem>>
    %dma_wait3A_794 = tpu.memref_squeeze %dma_wait3A_793 : memref<1x2xi32, #tpu.memory_space<vmem>> -> memref<2xi32, #tpu.memory_space<vmem>>
    %dma_wait3A_795 = arith.constant 0 : i32
    %dma_wait3A_796 = arith.constant 0 : i32
    %dma_wait3A_797 = tpu.memref_slice %arg2[%dma_wait3A_795, %dma_wait3A_796] : memref<8192x8192xf32, #tpu.memory_space<hbm>> -> memref<8192x8192xf32, #tpu.memory_space<hbm>>
    tpu.wait_indirect_dma semaphore(%arg14 : memref<!tpu.dma_semaphore, #tpu.memory_space<semaphore_mem>>) src(%dma_wait3A_797 : memref<8192x8192xf32, #tpu.memory_space<hbm>>) dst(%arg7 : memref<2x8192xf32, #tpu.memory_space<vmem>>)
    %add3A_798 = arith.constant 58 : i32
    %add3A_799 = arith.addi %mul3A_2, %add3A_798 : i32
    %dma_start3A_800 = arith.constant 0 : i32
    %dma_start3A_801 = tpu.memref_slice %arg4[%add3A_799, %dma_start3A_800] : memref<4096x8192xf32, #tpu.memory_space<hbm>> -> memref<2x8192xf32, #tpu.memory_space<hbm>>
    %dma_start3A_802 = arith.constant 0 : i32
    %dma_start3A_803 = tpu.memref_slice %arg4[%add3A_799, %dma_start3A_802] : memref<4096x8192xf32, #tpu.memory_space<hbm>> -> memref<2x8192xf32, #tpu.memory_space<hbm>>
    tpu.enqueue_dma source(%arg7 : memref<2x8192xf32, #tpu.memory_space<vmem>>) target(%dma_start3A_803 : memref<2x8192xf32, #tpu.memory_space<hbm>>) target_semaphore(%arg21 : memref<!tpu.dma_semaphore, #tpu.memory_space<semaphore_mem>>)
    %add3A_804 = arith.constant 56 : i32
    %add3A_805 = arith.addi %mul3A_2, %add3A_804 : i32
    %dma_wait3A_806 = arith.constant 0 : i32
    %dma_wait3A_807 = tpu.memref_slice %arg4[%add3A_805, %dma_wait3A_806] : memref<4096x8192xf32, #tpu.memory_space<hbm>> -> memref<2x8192xf32, #tpu.memory_space<hbm>>
    %dma_wait3A_808 = arith.constant 0 : i32
    %dma_wait3A_809 = tpu.memref_slice %arg4[%add3A_805, %dma_wait3A_808] : memref<4096x8192xf32, #tpu.memory_space<hbm>> -> memref<2x8192xf32, #tpu.memory_space<hbm>>
    tpu.wait_dma2 semaphore(%arg20 : memref<!tpu.dma_semaphore, #tpu.memory_space<semaphore_mem>>) src(%arg6 : memref<2x8192xf32, #tpu.memory_space<vmem>>) dst(%dma_wait3A_809 : memref<2x8192xf32, #tpu.memory_space<hbm>>)
    %dma_start3A_810 = arith.constant 35 : i32
    %dma_start3A_811 = arith.constant 0 : i32
    %dma_start3A_812 = tpu.memref_slice %arg5[%dma_start3A_810, %dma_start3A_811] : memref<64x2xi32, #tpu.memory_space<vmem>> -> memref<1x2xi32, #tpu.memory_space<vmem>>
    %dma_start3A_813 = tpu.memref_squeeze %dma_start3A_812 : memref<1x2xi32, #tpu.memory_space<vmem>> -> memref<2xi32, #tpu.memory_space<vmem>>
    %dma_start3A_814 = arith.constant 0 : i32
    %dma_start3A_815 = arith.constant 0 : i32
    %dma_start3A_816 = tpu.memref_slice %arg2[%dma_start3A_814, %dma_start3A_815] : memref<8192x8192xf32, #tpu.memory_space<hbm>> -> memref<8192x8192xf32, #tpu.memory_space<hbm>>
    tpu.enqueue_indirect_dma source(%dma_start3A_816 : memref<8192x8192xf32, #tpu.memory_space<hbm>>) target(%arg6 : memref<2x8192xf32, #tpu.memory_space<vmem>>) offsets(%dma_start3A_813 : memref<2xi32, #tpu.memory_space<vmem>>) semaphore(%arg13 : memref<!tpu.dma_semaphore, #tpu.memory_space<semaphore_mem>>)
    %dma_wait3A_817 = arith.constant 0 : i32
    %dma_wait3A_818 = arith.constant 0 : i32
    %dma_wait3A_819 = tpu.memref_slice %arg5[%dma_wait3A_817, %dma_wait3A_818] : memref<64x2xi32, #tpu.memory_space<vmem>> -> memref<1x2xi32, #tpu.memory_space<vmem>>
    %dma_wait3A_820 = tpu.memref_squeeze %dma_wait3A_819 : memref<1x2xi32, #tpu.memory_space<vmem>> -> memref<2xi32, #tpu.memory_space<vmem>>
    %dma_wait3A_821 = arith.constant 0 : i32
    %dma_wait3A_822 = arith.constant 0 : i32
    %dma_wait3A_823 = tpu.memref_slice %arg2[%dma_wait3A_821, %dma_wait3A_822] : memref<8192x8192xf32, #tpu.memory_space<hbm>> -> memref<8192x8192xf32, #tpu.memory_space<hbm>>
    tpu.wait_indirect_dma semaphore(%arg15 : memref<!tpu.dma_semaphore, #tpu.memory_space<semaphore_mem>>) src(%dma_wait3A_823 : memref<8192x8192xf32, #tpu.memory_space<hbm>>) dst(%arg8 : memref<2x8192xf32, #tpu.memory_space<vmem>>)
    %add3A_824 = arith.constant 60 : i32
    %add3A_825 = arith.addi %mul3A_2, %add3A_824 : i32
    %dma_start3A_826 = arith.constant 0 : i32
    %dma_start3A_827 = tpu.memref_slice %arg4[%add3A_825, %dma_start3A_826] : memref<4096x8192xf32, #tpu.memory_space<hbm>> -> memref<2x8192xf32, #tpu.memory_space<hbm>>
    %dma_start3A_828 = arith.constant 0 : i32
    %dma_start3A_829 = tpu.memref_slice %arg4[%add3A_825, %dma_start3A_828] : memref<4096x8192xf32, #tpu.memory_space<hbm>> -> memref<2x8192xf32, #tpu.memory_space<hbm>>
    tpu.enqueue_dma source(%arg8 : memref<2x8192xf32, #tpu.memory_space<vmem>>) target(%dma_start3A_829 : memref<2x8192xf32, #tpu.memory_space<hbm>>) target_semaphore(%arg22 : memref<!tpu.dma_semaphore, #tpu.memory_space<semaphore_mem>>)
    %add3A_830 = arith.constant 58 : i32
    %add3A_831 = arith.addi %mul3A_2, %add3A_830 : i32
    %dma_wait3A_832 = arith.constant 0 : i32
    %dma_wait3A_833 = tpu.memref_slice %arg4[%add3A_831, %dma_wait3A_832] : memref<4096x8192xf32, #tpu.memory_space<hbm>> -> memref<2x8192xf32, #tpu.memory_space<hbm>>
    %dma_wait3A_834 = arith.constant 0 : i32
    %dma_wait3A_835 = tpu.memref_slice %arg4[%add3A_831, %dma_wait3A_834] : memref<4096x8192xf32, #tpu.memory_space<hbm>> -> memref<2x8192xf32, #tpu.memory_space<hbm>>
    tpu.wait_dma2 semaphore(%arg21 : memref<!tpu.dma_semaphore, #tpu.memory_space<semaphore_mem>>) src(%arg7 : memref<2x8192xf32, #tpu.memory_space<vmem>>) dst(%dma_wait3A_835 : memref<2x8192xf32, #tpu.memory_space<hbm>>)
    %dma_start3A_836 = arith.constant 36 : i32
    %dma_start3A_837 = arith.constant 0 : i32
    %dma_start3A_838 = tpu.memref_slice %arg5[%dma_start3A_836, %dma_start3A_837] : memref<64x2xi32, #tpu.memory_space<vmem>> -> memref<1x2xi32, #tpu.memory_space<vmem>>
    %dma_start3A_839 = tpu.memref_squeeze %dma_start3A_838 : memref<1x2xi32, #tpu.memory_space<vmem>> -> memref<2xi32, #tpu.memory_space<vmem>>
    %dma_start3A_840 = arith.constant 0 : i32
    %dma_start3A_841 = arith.constant 0 : i32
    %dma_start3A_842 = tpu.memref_slice %arg2[%dma_start3A_840, %dma_start3A_841] : memref<8192x8192xf32, #tpu.memory_space<hbm>> -> memref<8192x8192xf32, #tpu.memory_space<hbm>>
    tpu.enqueue_indirect_dma source(%dma_start3A_842 : memref<8192x8192xf32, #tpu.memory_space<hbm>>) target(%arg7 : memref<2x8192xf32, #tpu.memory_space<vmem>>) offsets(%dma_start3A_839 : memref<2xi32, #tpu.memory_space<vmem>>) semaphore(%arg14 : memref<!tpu.dma_semaphore, #tpu.memory_space<semaphore_mem>>)
    %dma_wait3A_843 = arith.constant 0 : i32
    %dma_wait3A_844 = arith.constant 0 : i32
    %dma_wait3A_845 = tpu.memref_slice %arg5[%dma_wait3A_843, %dma_wait3A_844] : memref<64x2xi32, #tpu.memory_space<vmem>> -> memref<1x2xi32, #tpu.memory_space<vmem>>
    %dma_wait3A_846 = tpu.memref_squeeze %dma_wait3A_845 : memref<1x2xi32, #tpu.memory_space<vmem>> -> memref<2xi32, #tpu.memory_space<vmem>>
    %dma_wait3A_847 = arith.constant 0 : i32
    %dma_wait3A_848 = arith.constant 0 : i32
    %dma_wait3A_849 = tpu.memref_slice %arg2[%dma_wait3A_847, %dma_wait3A_848] : memref<8192x8192xf32, #tpu.memory_space<hbm>> -> memref<8192x8192xf32, #tpu.memory_space<hbm>>
    tpu.wait_indirect_dma semaphore(%arg16 : memref<!tpu.dma_semaphore, #tpu.memory_space<semaphore_mem>>) src(%dma_wait3A_849 : memref<8192x8192xf32, #tpu.memory_space<hbm>>) dst(%arg9 : memref<2x8192xf32, #tpu.memory_space<vmem>>)
    %add3A_850 = arith.constant 62 : i32
    %add3A_851 = arith.addi %mul3A_2, %add3A_850 : i32
    %dma_start3A_852 = arith.constant 0 : i32
    %dma_start3A_853 = tpu.memref_slice %arg4[%add3A_851, %dma_start3A_852] : memref<4096x8192xf32, #tpu.memory_space<hbm>> -> memref<2x8192xf32, #tpu.memory_space<hbm>>
    %dma_start3A_854 = arith.constant 0 : i32
    %dma_start3A_855 = tpu.memref_slice %arg4[%add3A_851, %dma_start3A_854] : memref<4096x8192xf32, #tpu.memory_space<hbm>> -> memref<2x8192xf32, #tpu.memory_space<hbm>>
    tpu.enqueue_dma source(%arg9 : memref<2x8192xf32, #tpu.memory_space<vmem>>) target(%dma_start3A_855 : memref<2x8192xf32, #tpu.memory_space<hbm>>) target_semaphore(%arg23 : memref<!tpu.dma_semaphore, #tpu.memory_space<semaphore_mem>>)
    %add3A_856 = arith.constant 60 : i32
    %add3A_857 = arith.addi %mul3A_2, %add3A_856 : i32
    %dma_wait3A_858 = arith.constant 0 : i32
    %dma_wait3A_859 = tpu.memref_slice %arg4[%add3A_857, %dma_wait3A_858] : memref<4096x8192xf32, #tpu.memory_space<hbm>> -> memref<2x8192xf32, #tpu.memory_space<hbm>>
    %dma_wait3A_860 = arith.constant 0 : i32
    %dma_wait3A_861 = tpu.memref_slice %arg4[%add3A_857, %dma_wait3A_860] : memref<4096x8192xf32, #tpu.memory_space<hbm>> -> memref<2x8192xf32, #tpu.memory_space<hbm>>
    tpu.wait_dma2 semaphore(%arg22 : memref<!tpu.dma_semaphore, #tpu.memory_space<semaphore_mem>>) src(%arg8 : memref<2x8192xf32, #tpu.memory_space<vmem>>) dst(%dma_wait3A_861 : memref<2x8192xf32, #tpu.memory_space<hbm>>)
    %dma_start3A_862 = arith.constant 37 : i32
    %dma_start3A_863 = arith.constant 0 : i32
    %dma_start3A_864 = tpu.memref_slice %arg5[%dma_start3A_862, %dma_start3A_863] : memref<64x2xi32, #tpu.memory_space<vmem>> -> memref<1x2xi32, #tpu.memory_space<vmem>>
    %dma_start3A_865 = tpu.memref_squeeze %dma_start3A_864 : memref<1x2xi32, #tpu.memory_space<vmem>> -> memref<2xi32, #tpu.memory_space<vmem>>
    %dma_start3A_866 = arith.constant 0 : i32
    %dma_start3A_867 = arith.constant 0 : i32
    %dma_start3A_868 = tpu.memref_slice %arg2[%dma_start3A_866, %dma_start3A_867] : memref<8192x8192xf32, #tpu.memory_space<hbm>> -> memref<8192x8192xf32, #tpu.memory_space<hbm>>
    tpu.enqueue_indirect_dma source(%dma_start3A_868 : memref<8192x8192xf32, #tpu.memory_space<hbm>>) target(%arg8 : memref<2x8192xf32, #tpu.memory_space<vmem>>) offsets(%dma_start3A_865 : memref<2xi32, #tpu.memory_space<vmem>>) semaphore(%arg15 : memref<!tpu.dma_semaphore, #tpu.memory_space<semaphore_mem>>)
    %dma_wait3A_869 = arith.constant 0 : i32
    %dma_wait3A_870 = arith.constant 0 : i32
    %dma_wait3A_871 = tpu.memref_slice %arg5[%dma_wait3A_869, %dma_wait3A_870] : memref<64x2xi32, #tpu.memory_space<vmem>> -> memref<1x2xi32, #tpu.memory_space<vmem>>
    %dma_wait3A_872 = tpu.memref_squeeze %dma_wait3A_871 : memref<1x2xi32, #tpu.memory_space<vmem>> -> memref<2xi32, #tpu.memory_space<vmem>>
    %dma_wait3A_873 = arith.constant 0 : i32
    %dma_wait3A_874 = arith.constant 0 : i32
    %dma_wait3A_875 = tpu.memref_slice %arg2[%dma_wait3A_873, %dma_wait3A_874] : memref<8192x8192xf32, #tpu.memory_space<hbm>> -> memref<8192x8192xf32, #tpu.memory_space<hbm>>
    tpu.wait_indirect_dma semaphore(%arg17 : memref<!tpu.dma_semaphore, #tpu.memory_space<semaphore_mem>>) src(%dma_wait3A_875 : memref<8192x8192xf32, #tpu.memory_space<hbm>>) dst(%arg10 : memref<2x8192xf32, #tpu.memory_space<vmem>>)
    %add3A_876 = arith.constant 64 : i32
    %add3A_877 = arith.addi %mul3A_2, %add3A_876 : i32
    %dma_start3A_878 = arith.constant 0 : i32
    %dma_start3A_879 = tpu.memref_slice %arg4[%add3A_877, %dma_start3A_878] : memref<4096x8192xf32, #tpu.memory_space<hbm>> -> memref<2x8192xf32, #tpu.memory_space<hbm>>
    %dma_start3A_880 = arith.constant 0 : i32
    %dma_start3A_881 = tpu.memref_slice %arg4[%add3A_877, %dma_start3A_880] : memref<4096x8192xf32, #tpu.memory_space<hbm>> -> memref<2x8192xf32, #tpu.memory_space<hbm>>
    tpu.enqueue_dma source(%arg10 : memref<2x8192xf32, #tpu.memory_space<vmem>>) target(%dma_start3A_881 : memref<2x8192xf32, #tpu.memory_space<hbm>>) target_semaphore(%arg24 : memref<!tpu.dma_semaphore, #tpu.memory_space<semaphore_mem>>)
    %add3A_882 = arith.constant 62 : i32
    %add3A_883 = arith.addi %mul3A_2, %add3A_882 : i32
    %dma_wait3A_884 = arith.constant 0 : i32
    %dma_wait3A_885 = tpu.memref_slice %arg4[%add3A_883, %dma_wait3A_884] : memref<4096x8192xf32, #tpu.memory_space<hbm>> -> memref<2x8192xf32, #tpu.memory_space<hbm>>
    %dma_wait3A_886 = arith.constant 0 : i32
    %dma_wait3A_887 = tpu.memref_slice %arg4[%add3A_883, %dma_wait3A_886] : memref<4096x8192xf32, #tpu.memory_space<hbm>> -> memref<2x8192xf32, #tpu.memory_space<hbm>>
    tpu.wait_dma2 semaphore(%arg23 : memref<!tpu.dma_semaphore, #tpu.memory_space<semaphore_mem>>) src(%arg9 : memref<2x8192xf32, #tpu.memory_space<vmem>>) dst(%dma_wait3A_887 : memref<2x8192xf32, #tpu.memory_space<hbm>>)
    %dma_start3A_888 = arith.constant 38 : i32
    %dma_start3A_889 = arith.constant 0 : i32
    %dma_start3A_890 = tpu.memref_slice %arg5[%dma_start3A_888, %dma_start3A_889] : memref<64x2xi32, #tpu.memory_space<vmem>> -> memref<1x2xi32, #tpu.memory_space<vmem>>
    %dma_start3A_891 = tpu.memref_squeeze %dma_start3A_890 : memref<1x2xi32, #tpu.memory_space<vmem>> -> memref<2xi32, #tpu.memory_space<vmem>>
    %dma_start3A_892 = arith.constant 0 : i32
    %dma_start3A_893 = arith.constant 0 : i32
    %dma_start3A_894 = tpu.memref_slice %arg2[%dma_start3A_892, %dma_start3A_893] : memref<8192x8192xf32, #tpu.memory_space<hbm>> -> memref<8192x8192xf32, #tpu.memory_space<hbm>>
    tpu.enqueue_indirect_dma source(%dma_start3A_894 : memref<8192x8192xf32, #tpu.memory_space<hbm>>) target(%arg9 : memref<2x8192xf32, #tpu.memory_space<vmem>>) offsets(%dma_start3A_891 : memref<2xi32, #tpu.memory_space<vmem>>) semaphore(%arg16 : memref<!tpu.dma_semaphore, #tpu.memory_space<semaphore_mem>>)
    %dma_wait3A_895 = arith.constant 0 : i32
    %dma_wait3A_896 = arith.constant 0 : i32
    %dma_wait3A_897 = tpu.memref_slice %arg5[%dma_wait3A_895, %dma_wait3A_896] : memref<64x2xi32, #tpu.memory_space<vmem>> -> memref<1x2xi32, #tpu.memory_space<vmem>>
    %dma_wait3A_898 = tpu.memref_squeeze %dma_wait3A_897 : memref<1x2xi32, #tpu.memory_space<vmem>> -> memref<2xi32, #tpu.memory_space<vmem>>
    %dma_wait3A_899 = arith.constant 0 : i32
    %dma_wait3A_900 = arith.constant 0 : i32
    %dma_wait3A_901 = tpu.memref_slice %arg2[%dma_wait3A_899, %dma_wait3A_900] : memref<8192x8192xf32, #tpu.memory_space<hbm>> -> memref<8192x8192xf32, #tpu.memory_space<hbm>>
    tpu.wait_indirect_dma semaphore(%arg18 : memref<!tpu.dma_semaphore, #tpu.memory_space<semaphore_mem>>) src(%dma_wait3A_901 : memref<8192x8192xf32, #tpu.memory_space<hbm>>) dst(%arg11 : memref<2x8192xf32, #tpu.memory_space<vmem>>)
    %add3A_902 = arith.constant 66 : i32
    %add3A_903 = arith.addi %mul3A_2, %add3A_902 : i32
    %dma_start3A_904 = arith.constant 0 : i32
    %dma_start3A_905 = tpu.memref_slice %arg4[%add3A_903, %dma_start3A_904] : memref<4096x8192xf32, #tpu.memory_space<hbm>> -> memref<2x8192xf32, #tpu.memory_space<hbm>>
    %dma_start3A_906 = arith.constant 0 : i32
    %dma_start3A_907 = tpu.memref_slice %arg4[%add3A_903, %dma_start3A_906] : memref<4096x8192xf32, #tpu.memory_space<hbm>> -> memref<2x8192xf32, #tpu.memory_space<hbm>>
    tpu.enqueue_dma source(%arg11 : memref<2x8192xf32, #tpu.memory_space<vmem>>) target(%dma_start3A_907 : memref<2x8192xf32, #tpu.memory_space<hbm>>) target_semaphore(%arg25 : memref<!tpu.dma_semaphore, #tpu.memory_space<semaphore_mem>>)
    %add3A_908 = arith.constant 64 : i32
    %add3A_909 = arith.addi %mul3A_2, %add3A_908 : i32
    %dma_wait3A_910 = arith.constant 0 : i32
    %dma_wait3A_911 = tpu.memref_slice %arg4[%add3A_909, %dma_wait3A_910] : memref<4096x8192xf32, #tpu.memory_space<hbm>> -> memref<2x8192xf32, #tpu.memory_space<hbm>>
    %dma_wait3A_912 = arith.constant 0 : i32
    %dma_wait3A_913 = tpu.memref_slice %arg4[%add3A_909, %dma_wait3A_912] : memref<4096x8192xf32, #tpu.memory_space<hbm>> -> memref<2x8192xf32, #tpu.memory_space<hbm>>
    tpu.wait_dma2 semaphore(%arg24 : memref<!tpu.dma_semaphore, #tpu.memory_space<semaphore_mem>>) src(%arg10 : memref<2x8192xf32, #tpu.memory_space<vmem>>) dst(%dma_wait3A_913 : memref<2x8192xf32, #tpu.memory_space<hbm>>)
    %dma_start3A_914 = arith.constant 39 : i32
    %dma_start3A_915 = arith.constant 0 : i32
    %dma_start3A_916 = tpu.memref_slice %arg5[%dma_start3A_914, %dma_start3A_915] : memref<64x2xi32, #tpu.memory_space<vmem>> -> memref<1x2xi32, #tpu.memory_space<vmem>>
    %dma_start3A_917 = tpu.memref_squeeze %dma_start3A_916 : memref<1x2xi32, #tpu.memory_space<vmem>> -> memref<2xi32, #tpu.memory_space<vmem>>
    %dma_start3A_918 = arith.constant 0 : i32
    %dma_start3A_919 = arith.constant 0 : i32
    %dma_start3A_920 = tpu.memref_slice %arg2[%dma_start3A_918, %dma_start3A_919] : memref<8192x8192xf32, #tpu.memory_space<hbm>> -> memref<8192x8192xf32, #tpu.memory_space<hbm>>
    tpu.enqueue_indirect_dma source(%dma_start3A_920 : memref<8192x8192xf32, #tpu.memory_space<hbm>>) target(%arg10 : memref<2x8192xf32, #tpu.memory_space<vmem>>) offsets(%dma_start3A_917 : memref<2xi32, #tpu.memory_space<vmem>>) semaphore(%arg17 : memref<!tpu.dma_semaphore, #tpu.memory_space<semaphore_mem>>)
    %dma_wait3A_921 = arith.constant 0 : i32
    %dma_wait3A_922 = arith.constant 0 : i32
    %dma_wait3A_923 = tpu.memref_slice %arg5[%dma_wait3A_921, %dma_wait3A_922] : memref<64x2xi32, #tpu.memory_space<vmem>> -> memref<1x2xi32, #tpu.memory_space<vmem>>
    %dma_wait3A_924 = tpu.memref_squeeze %dma_wait3A_923 : memref<1x2xi32, #tpu.memory_space<vmem>> -> memref<2xi32, #tpu.memory_space<vmem>>
    %dma_wait3A_925 = arith.constant 0 : i32
    %dma_wait3A_926 = arith.constant 0 : i32
    %dma_wait3A_927 = tpu.memref_slice %arg2[%dma_wait3A_925, %dma_wait3A_926] : memref<8192x8192xf32, #tpu.memory_space<hbm>> -> memref<8192x8192xf32, #tpu.memory_space<hbm>>
    tpu.wait_indirect_dma semaphore(%arg19 : memref<!tpu.dma_semaphore, #tpu.memory_space<semaphore_mem>>) src(%dma_wait3A_927 : memref<8192x8192xf32, #tpu.memory_space<hbm>>) dst(%arg12 : memref<2x8192xf32, #tpu.memory_space<vmem>>)
    %add3A_928 = arith.constant 68 : i32
    %add3A_929 = arith.addi %mul3A_2, %add3A_928 : i32
    %dma_start3A_930 = arith.constant 0 : i32
    %dma_start3A_931 = tpu.memref_slice %arg4[%add3A_929, %dma_start3A_930] : memref<4096x8192xf32, #tpu.memory_space<hbm>> -> memref<2x8192xf32, #tpu.memory_space<hbm>>
    %dma_start3A_932 = arith.constant 0 : i32
    %dma_start3A_933 = tpu.memref_slice %arg4[%add3A_929, %dma_start3A_932] : memref<4096x8192xf32, #tpu.memory_space<hbm>> -> memref<2x8192xf32, #tpu.memory_space<hbm>>
    tpu.enqueue_dma source(%arg12 : memref<2x8192xf32, #tpu.memory_space<vmem>>) target(%dma_start3A_933 : memref<2x8192xf32, #tpu.memory_space<hbm>>) target_semaphore(%arg26 : memref<!tpu.dma_semaphore, #tpu.memory_space<semaphore_mem>>)
    %add3A_934 = arith.constant 66 : i32
    %add3A_935 = arith.addi %mul3A_2, %add3A_934 : i32
    %dma_wait3A_936 = arith.constant 0 : i32
    %dma_wait3A_937 = tpu.memref_slice %arg4[%add3A_935, %dma_wait3A_936] : memref<4096x8192xf32, #tpu.memory_space<hbm>> -> memref<2x8192xf32, #tpu.memory_space<hbm>>
    %dma_wait3A_938 = arith.constant 0 : i32
    %dma_wait3A_939 = tpu.memref_slice %arg4[%add3A_935, %dma_wait3A_938] : memref<4096x8192xf32, #tpu.memory_space<hbm>> -> memref<2x8192xf32, #tpu.memory_space<hbm>>
    tpu.wait_dma2 semaphore(%arg25 : memref<!tpu.dma_semaphore, #tpu.memory_space<semaphore_mem>>) src(%arg11 : memref<2x8192xf32, #tpu.memory_space<vmem>>) dst(%dma_wait3A_939 : memref<2x8192xf32, #tpu.memory_space<hbm>>)
    %dma_start3A_940 = arith.constant 40 : i32
    %dma_start3A_941 = arith.constant 0 : i32
    %dma_start3A_942 = tpu.memref_slice %arg5[%dma_start3A_940, %dma_start3A_941] : memref<64x2xi32, #tpu.memory_space<vmem>> -> memref<1x2xi32, #tpu.memory_space<vmem>>
    %dma_start3A_943 = tpu.memref_squeeze %dma_start3A_942 : memref<1x2xi32, #tpu.memory_space<vmem>> -> memref<2xi32, #tpu.memory_space<vmem>>
    %dma_start3A_944 = arith.constant 0 : i32
    %dma_start3A_945 = arith.constant 0 : i32
    %dma_start3A_946 = tpu.memref_slice %arg2[%dma_start3A_944, %dma_start3A_945] : memref<8192x8192xf32, #tpu.memory_space<hbm>> -> memref<8192x8192xf32, #tpu.memory_space<hbm>>
    tpu.enqueue_indirect_dma source(%dma_start3A_946 : memref<8192x8192xf32, #tpu.memory_space<hbm>>) target(%arg11 : memref<2x8192xf32, #tpu.memory_space<vmem>>) offsets(%dma_start3A_943 : memref<2xi32, #tpu.memory_space<vmem>>) semaphore(%arg18 : memref<!tpu.dma_semaphore, #tpu.memory_space<semaphore_mem>>)
    %dma_wait3A_947 = arith.constant 0 : i32
    %dma_wait3A_948 = arith.constant 0 : i32
    %dma_wait3A_949 = tpu.memref_slice %arg5[%dma_wait3A_947, %dma_wait3A_948] : memref<64x2xi32, #tpu.memory_space<vmem>> -> memref<1x2xi32, #tpu.memory_space<vmem>>
    %dma_wait3A_950 = tpu.memref_squeeze %dma_wait3A_949 : memref<1x2xi32, #tpu.memory_space<vmem>> -> memref<2xi32, #tpu.memory_space<vmem>>
    %dma_wait3A_951 = arith.constant 0 : i32
    %dma_wait3A_952 = arith.constant 0 : i32
    %dma_wait3A_953 = tpu.memref_slice %arg2[%dma_wait3A_951, %dma_wait3A_952] : memref<8192x8192xf32, #tpu.memory_space<hbm>> -> memref<8192x8192xf32, #tpu.memory_space<hbm>>
    tpu.wait_indirect_dma semaphore(%arg13 : memref<!tpu.dma_semaphore, #tpu.memory_space<semaphore_mem>>) src(%dma_wait3A_953 : memref<8192x8192xf32, #tpu.memory_space<hbm>>) dst(%arg6 : memref<2x8192xf32, #tpu.memory_space<vmem>>)
    %add3A_954 = arith.constant 70 : i32
    %add3A_955 = arith.addi %mul3A_2, %add3A_954 : i32
    %dma_start3A_956 = arith.constant 0 : i32
    %dma_start3A_957 = tpu.memref_slice %arg4[%add3A_955, %dma_start3A_956] : memref<4096x8192xf32, #tpu.memory_space<hbm>> -> memref<2x8192xf32, #tpu.memory_space<hbm>>
    %dma_start3A_958 = arith.constant 0 : i32
    %dma_start3A_959 = tpu.memref_slice %arg4[%add3A_955, %dma_start3A_958] : memref<4096x8192xf32, #tpu.memory_space<hbm>> -> memref<2x8192xf32, #tpu.memory_space<hbm>>
    tpu.enqueue_dma source(%arg6 : memref<2x8192xf32, #tpu.memory_space<vmem>>) target(%dma_start3A_959 : memref<2x8192xf32, #tpu.memory_space<hbm>>) target_semaphore(%arg20 : memref<!tpu.dma_semaphore, #tpu.memory_space<semaphore_mem>>)
    %add3A_960 = arith.constant 68 : i32
    %add3A_961 = arith.addi %mul3A_2, %add3A_960 : i32
    %dma_wait3A_962 = arith.constant 0 : i32
    %dma_wait3A_963 = tpu.memref_slice %arg4[%add3A_961, %dma_wait3A_962] : memref<4096x8192xf32, #tpu.memory_space<hbm>> -> memref<2x8192xf32, #tpu.memory_space<hbm>>
    %dma_wait3A_964 = arith.constant 0 : i32
    %dma_wait3A_965 = tpu.memref_slice %arg4[%add3A_961, %dma_wait3A_964] : memref<4096x8192xf32, #tpu.memory_space<hbm>> -> memref<2x8192xf32, #tpu.memory_space<hbm>>
    tpu.wait_dma2 semaphore(%arg26 : memref<!tpu.dma_semaphore, #tpu.memory_space<semaphore_mem>>) src(%arg12 : memref<2x8192xf32, #tpu.memory_space<vmem>>) dst(%dma_wait3A_965 : memref<2x8192xf32, #tpu.memory_space<hbm>>)
    %dma_start3A_966 = arith.constant 41 : i32
    %dma_start3A_967 = arith.constant 0 : i32
    %dma_start3A_968 = tpu.memref_slice %arg5[%dma_start3A_966, %dma_start3A_967] : memref<64x2xi32, #tpu.memory_space<vmem>> -> memref<1x2xi32, #tpu.memory_space<vmem>>
    %dma_start3A_969 = tpu.memref_squeeze %dma_start3A_968 : memref<1x2xi32, #tpu.memory_space<vmem>> -> memref<2xi32, #tpu.memory_space<vmem>>
    %dma_start3A_970 = arith.constant 0 : i32
    %dma_start3A_971 = arith.constant 0 : i32
    %dma_start3A_972 = tpu.memref_slice %arg2[%dma_start3A_970, %dma_start3A_971] : memref<8192x8192xf32, #tpu.memory_space<hbm>> -> memref<8192x8192xf32, #tpu.memory_space<hbm>>
    tpu.enqueue_indirect_dma source(%dma_start3A_972 : memref<8192x8192xf32, #tpu.memory_space<hbm>>) target(%arg12 : memref<2x8192xf32, #tpu.memory_space<vmem>>) offsets(%dma_start3A_969 : memref<2xi32, #tpu.memory_space<vmem>>) semaphore(%arg19 : memref<!tpu.dma_semaphore, #tpu.memory_space<semaphore_mem>>)
    %dma_wait3A_973 = arith.constant 0 : i32
    %dma_wait3A_974 = arith.constant 0 : i32
    %dma_wait3A_975 = tpu.memref_slice %arg5[%dma_wait3A_973, %dma_wait3A_974] : memref<64x2xi32, #tpu.memory_space<vmem>> -> memref<1x2xi32, #tpu.memory_space<vmem>>
    %dma_wait3A_976 = tpu.memref_squeeze %dma_wait3A_975 : memref<1x2xi32, #tpu.memory_space<vmem>> -> memref<2xi32, #tpu.memory_space<vmem>>
    %dma_wait3A_977 = arith.constant 0 : i32
    %dma_wait3A_978 = arith.constant 0 : i32
    %dma_wait3A_979 = tpu.memref_slice %arg2[%dma_wait3A_977, %dma_wait3A_978] : memref<8192x8192xf32, #tpu.memory_space<hbm>> -> memref<8192x8192xf32, #tpu.memory_space<hbm>>
    tpu.wait_indirect_dma semaphore(%arg14 : memref<!tpu.dma_semaphore, #tpu.memory_space<semaphore_mem>>) src(%dma_wait3A_979 : memref<8192x8192xf32, #tpu.memory_space<hbm>>) dst(%arg7 : memref<2x8192xf32, #tpu.memory_space<vmem>>)
    %add3A_980 = arith.constant 72 : i32
    %add3A_981 = arith.addi %mul3A_2, %add3A_980 : i32
    %dma_start3A_982 = arith.constant 0 : i32
    %dma_start3A_983 = tpu.memref_slice %arg4[%add3A_981, %dma_start3A_982] : memref<4096x8192xf32, #tpu.memory_space<hbm>> -> memref<2x8192xf32, #tpu.memory_space<hbm>>
    %dma_start3A_984 = arith.constant 0 : i32
    %dma_start3A_985 = tpu.memref_slice %arg4[%add3A_981, %dma_start3A_984] : memref<4096x8192xf32, #tpu.memory_space<hbm>> -> memref<2x8192xf32, #tpu.memory_space<hbm>>
    tpu.enqueue_dma source(%arg7 : memref<2x8192xf32, #tpu.memory_space<vmem>>) target(%dma_start3A_985 : memref<2x8192xf32, #tpu.memory_space<hbm>>) target_semaphore(%arg21 : memref<!tpu.dma_semaphore, #tpu.memory_space<semaphore_mem>>)
    %add3A_986 = arith.constant 70 : i32
    %add3A_987 = arith.addi %mul3A_2, %add3A_986 : i32
    %dma_wait3A_988 = arith.constant 0 : i32
    %dma_wait3A_989 = tpu.memref_slice %arg4[%add3A_987, %dma_wait3A_988] : memref<4096x8192xf32, #tpu.memory_space<hbm>> -> memref<2x8192xf32, #tpu.memory_space<hbm>>
    %dma_wait3A_990 = arith.constant 0 : i32
    %dma_wait3A_991 = tpu.memref_slice %arg4[%add3A_987, %dma_wait3A_990] : memref<4096x8192xf32, #tpu.memory_space<hbm>> -> memref<2x8192xf32, #tpu.memory_space<hbm>>
    tpu.wait_dma2 semaphore(%arg20 : memref<!tpu.dma_semaphore, #tpu.memory_space<semaphore_mem>>) src(%arg6 : memref<2x8192xf32, #tpu.memory_space<vmem>>) dst(%dma_wait3A_991 : memref<2x8192xf32, #tpu.memory_space<hbm>>)
    %dma_start3A_992 = arith.constant 42 : i32
    %dma_start3A_993 = arith.constant 0 : i32
    %dma_start3A_994 = tpu.memref_slice %arg5[%dma_start3A_992, %dma_start3A_993] : memref<64x2xi32, #tpu.memory_space<vmem>> -> memref<1x2xi32, #tpu.memory_space<vmem>>
    %dma_start3A_995 = tpu.memref_squeeze %dma_start3A_994 : memref<1x2xi32, #tpu.memory_space<vmem>> -> memref<2xi32, #tpu.memory_space<vmem>>
    %dma_start3A_996 = arith.constant 0 : i32
    %dma_start3A_997 = arith.constant 0 : i32
    %dma_start3A_998 = tpu.memref_slice %arg2[%dma_start3A_996, %dma_start3A_997] : memref<8192x8192xf32, #tpu.memory_space<hbm>> -> memref<8192x8192xf32, #tpu.memory_space<hbm>>
    tpu.enqueue_indirect_dma source(%dma_start3A_998 : memref<8192x8192xf32, #tpu.memory_space<hbm>>) target(%arg6 : memref<2x8192xf32, #tpu.memory_space<vmem>>) offsets(%dma_start3A_995 : memref<2xi32, #tpu.memory_space<vmem>>) semaphore(%arg13 : memref<!tpu.dma_semaphore, #tpu.memory_space<semaphore_mem>>)
    %dma_wait3A_999 = arith.constant 0 : i32
    %dma_wait3A_1000 = arith.constant 0 : i32
    %dma_wait3A_1001 = tpu.memref_slice %arg5[%dma_wait3A_999, %dma_wait3A_1000] : memref<64x2xi32, #tpu.memory_space<vmem>> -> memref<1x2xi32, #tpu.memory_space<vmem>>
    %dma_wait3A_1002 = tpu.memref_squeeze %dma_wait3A_1001 : memref<1x2xi32, #tpu.memory_space<vmem>> -> memref<2xi32, #tpu.memory_space<vmem>>
    %dma_wait3A_1003 = arith.constant 0 : i32
    %dma_wait3A_1004 = arith.constant 0 : i32
    %dma_wait3A_1005 = tpu.memref_slice %arg2[%dma_wait3A_1003, %dma_wait3A_1004] : memref<8192x8192xf32, #tpu.memory_space<hbm>> -> memref<8192x8192xf32, #tpu.memory_space<hbm>>
    tpu.wait_indirect_dma semaphore(%arg15 : memref<!tpu.dma_semaphore, #tpu.memory_space<semaphore_mem>>) src(%dma_wait3A_1005 : memref<8192x8192xf32, #tpu.memory_space<hbm>>) dst(%arg8 : memref<2x8192xf32, #tpu.memory_space<vmem>>)
    %add3A_1006 = arith.constant 74 : i32
    %add3A_1007 = arith.addi %mul3A_2, %add3A_1006 : i32
    %dma_start3A_1008 = arith.constant 0 : i32
    %dma_start3A_1009 = tpu.memref_slice %arg4[%add3A_1007, %dma_start3A_1008] : memref<4096x8192xf32, #tpu.memory_space<hbm>> -> memref<2x8192xf32, #tpu.memory_space<hbm>>
    %dma_start3A_1010 = arith.constant 0 : i32
    %dma_start3A_1011 = tpu.memref_slice %arg4[%add3A_1007, %dma_start3A_1010] : memref<4096x8192xf32, #tpu.memory_space<hbm>> -> memref<2x8192xf32, #tpu.memory_space<hbm>>
    tpu.enqueue_dma source(%arg8 : memref<2x8192xf32, #tpu.memory_space<vmem>>) target(%dma_start3A_1011 : memref<2x8192xf32, #tpu.memory_space<hbm>>) target_semaphore(%arg22 : memref<!tpu.dma_semaphore, #tpu.memory_space<semaphore_mem>>)
    %add3A_1012 = arith.constant 72 : i32
    %add3A_1013 = arith.addi %mul3A_2, %add3A_1012 : i32
    %dma_wait3A_1014 = arith.constant 0 : i32
    %dma_wait3A_1015 = tpu.memref_slice %arg4[%add3A_1013, %dma_wait3A_1014] : memref<4096x8192xf32, #tpu.memory_space<hbm>> -> memref<2x8192xf32, #tpu.memory_space<hbm>>
    %dma_wait3A_1016 = arith.constant 0 : i32
    %dma_wait3A_1017 = tpu.memref_slice %arg4[%add3A_1013, %dma_wait3A_1016] : memref<4096x8192xf32, #tpu.memory_space<hbm>> -> memref<2x8192xf32, #tpu.memory_space<hbm>>
    tpu.wait_dma2 semaphore(%arg21 : memref<!tpu.dma_semaphore, #tpu.memory_space<semaphore_mem>>) src(%arg7 : memref<2x8192xf32, #tpu.memory_space<vmem>>) dst(%dma_wait3A_1017 : memref<2x8192xf32, #tpu.memory_space<hbm>>)
    %dma_start3A_1018 = arith.constant 43 : i32
    %dma_start3A_1019 = arith.constant 0 : i32
    %dma_start3A_1020 = tpu.memref_slice %arg5[%dma_start3A_1018, %dma_start3A_1019] : memref<64x2xi32, #tpu.memory_space<vmem>> -> memref<1x2xi32, #tpu.memory_space<vmem>>
    %dma_start3A_1021 = tpu.memref_squeeze %dma_start3A_1020 : memref<1x2xi32, #tpu.memory_space<vmem>> -> memref<2xi32, #tpu.memory_space<vmem>>
    %dma_start3A_1022 = arith.constant 0 : i32
    %dma_start3A_1023 = arith.constant 0 : i32
    %dma_start3A_1024 = tpu.memref_slice %arg2[%dma_start3A_1022, %dma_start3A_1023] : memref<8192x8192xf32, #tpu.memory_space<hbm>> -> memref<8192x8192xf32, #tpu.memory_space<hbm>>
    tpu.enqueue_indirect_dma source(%dma_start3A_1024 : memref<8192x8192xf32, #tpu.memory_space<hbm>>) target(%arg7 : memref<2x8192xf32, #tpu.memory_space<vmem>>) offsets(%dma_start3A_1021 : memref<2xi32, #tpu.memory_space<vmem>>) semaphore(%arg14 : memref<!tpu.dma_semaphore, #tpu.memory_space<semaphore_mem>>)
    %dma_wait3A_1025 = arith.constant 0 : i32
    %dma_wait3A_1026 = arith.constant 0 : i32
    %dma_wait3A_1027 = tpu.memref_slice %arg5[%dma_wait3A_1025, %dma_wait3A_1026] : memref<64x2xi32, #tpu.memory_space<vmem>> -> memref<1x2xi32, #tpu.memory_space<vmem>>
    %dma_wait3A_1028 = tpu.memref_squeeze %dma_wait3A_1027 : memref<1x2xi32, #tpu.memory_space<vmem>> -> memref<2xi32, #tpu.memory_space<vmem>>
    %dma_wait3A_1029 = arith.constant 0 : i32
    %dma_wait3A_1030 = arith.constant 0 : i32
    %dma_wait3A_1031 = tpu.memref_slice %arg2[%dma_wait3A_1029, %dma_wait3A_1030] : memref<8192x8192xf32, #tpu.memory_space<hbm>> -> memref<8192x8192xf32, #tpu.memory_space<hbm>>
    tpu.wait_indirect_dma semaphore(%arg16 : memref<!tpu.dma_semaphore, #tpu.memory_space<semaphore_mem>>) src(%dma_wait3A_1031 : memref<8192x8192xf32, #tpu.memory_space<hbm>>) dst(%arg9 : memref<2x8192xf32, #tpu.memory_space<vmem>>)
    %add3A_1032 = arith.constant 76 : i32
    %add3A_1033 = arith.addi %mul3A_2, %add3A_1032 : i32
    %dma_start3A_1034 = arith.constant 0 : i32
    %dma_start3A_1035 = tpu.memref_slice %arg4[%add3A_1033, %dma_start3A_1034] : memref<4096x8192xf32, #tpu.memory_space<hbm>> -> memref<2x8192xf32, #tpu.memory_space<hbm>>
    %dma_start3A_1036 = arith.constant 0 : i32
    %dma_start3A_1037 = tpu.memref_slice %arg4[%add3A_1033, %dma_start3A_1036] : memref<4096x8192xf32, #tpu.memory_space<hbm>> -> memref<2x8192xf32, #tpu.memory_space<hbm>>
    tpu.enqueue_dma source(%arg9 : memref<2x8192xf32, #tpu.memory_space<vmem>>) target(%dma_start3A_1037 : memref<2x8192xf32, #tpu.memory_space<hbm>>) target_semaphore(%arg23 : memref<!tpu.dma_semaphore, #tpu.memory_space<semaphore_mem>>)
    %add3A_1038 = arith.constant 74 : i32
    %add3A_1039 = arith.addi %mul3A_2, %add3A_1038 : i32
    %dma_wait3A_1040 = arith.constant 0 : i32
    %dma_wait3A_1041 = tpu.memref_slice %arg4[%add3A_1039, %dma_wait3A_1040] : memref<4096x8192xf32, #tpu.memory_space<hbm>> -> memref<2x8192xf32, #tpu.memory_space<hbm>>
    %dma_wait3A_1042 = arith.constant 0 : i32
    %dma_wait3A_1043 = tpu.memref_slice %arg4[%add3A_1039, %dma_wait3A_1042] : memref<4096x8192xf32, #tpu.memory_space<hbm>> -> memref<2x8192xf32, #tpu.memory_space<hbm>>
    tpu.wait_dma2 semaphore(%arg22 : memref<!tpu.dma_semaphore, #tpu.memory_space<semaphore_mem>>) src(%arg8 : memref<2x8192xf32, #tpu.memory_space<vmem>>) dst(%dma_wait3A_1043 : memref<2x8192xf32, #tpu.memory_space<hbm>>)
    %dma_start3A_1044 = arith.constant 44 : i32
    %dma_start3A_1045 = arith.constant 0 : i32
    %dma_start3A_1046 = tpu.memref_slice %arg5[%dma_start3A_1044, %dma_start3A_1045] : memref<64x2xi32, #tpu.memory_space<vmem>> -> memref<1x2xi32, #tpu.memory_space<vmem>>
    %dma_start3A_1047 = tpu.memref_squeeze %dma_start3A_1046 : memref<1x2xi32, #tpu.memory_space<vmem>> -> memref<2xi32, #tpu.memory_space<vmem>>
    %dma_start3A_1048 = arith.constant 0 : i32
    %dma_start3A_1049 = arith.constant 0 : i32
    %dma_start3A_1050 = tpu.memref_slice %arg2[%dma_start3A_1048, %dma_start3A_1049] : memref<8192x8192xf32, #tpu.memory_space<hbm>> -> memref<8192x8192xf32, #tpu.memory_space<hbm>>
    tpu.enqueue_indirect_dma source(%dma_start3A_1050 : memref<8192x8192xf32, #tpu.memory_space<hbm>>) target(%arg8 : memref<2x8192xf32, #tpu.memory_space<vmem>>) offsets(%dma_start3A_1047 : memref<2xi32, #tpu.memory_space<vmem>>) semaphore(%arg15 : memref<!tpu.dma_semaphore, #tpu.memory_space<semaphore_mem>>)
    %dma_wait3A_1051 = arith.constant 0 : i32
    %dma_wait3A_1052 = arith.constant 0 : i32
    %dma_wait3A_1053 = tpu.memref_slice %arg5[%dma_wait3A_1051, %dma_wait3A_1052] : memref<64x2xi32, #tpu.memory_space<vmem>> -> memref<1x2xi32, #tpu.memory_space<vmem>>
    %dma_wait3A_1054 = tpu.memref_squeeze %dma_wait3A_1053 : memref<1x2xi32, #tpu.memory_space<vmem>> -> memref<2xi32, #tpu.memory_space<vmem>>
    %dma_wait3A_1055 = arith.constant 0 : i32
    %dma_wait3A_1056 = arith.constant 0 : i32
    %dma_wait3A_1057 = tpu.memref_slice %arg2[%dma_wait3A_1055, %dma_wait3A_1056] : memref<8192x8192xf32, #tpu.memory_space<hbm>> -> memref<8192x8192xf32, #tpu.memory_space<hbm>>
    tpu.wait_indirect_dma semaphore(%arg17 : memref<!tpu.dma_semaphore, #tpu.memory_space<semaphore_mem>>) src(%dma_wait3A_1057 : memref<8192x8192xf32, #tpu.memory_space<hbm>>) dst(%arg10 : memref<2x8192xf32, #tpu.memory_space<vmem>>)
    %add3A_1058 = arith.constant 78 : i32
    %add3A_1059 = arith.addi %mul3A_2, %add3A_1058 : i32
    %dma_start3A_1060 = arith.constant 0 : i32
    %dma_start3A_1061 = tpu.memref_slice %arg4[%add3A_1059, %dma_start3A_1060] : memref<4096x8192xf32, #tpu.memory_space<hbm>> -> memref<2x8192xf32, #tpu.memory_space<hbm>>
    %dma_start3A_1062 = arith.constant 0 : i32
    %dma_start3A_1063 = tpu.memref_slice %arg4[%add3A_1059, %dma_start3A_1062] : memref<4096x8192xf32, #tpu.memory_space<hbm>> -> memref<2x8192xf32, #tpu.memory_space<hbm>>
    tpu.enqueue_dma source(%arg10 : memref<2x8192xf32, #tpu.memory_space<vmem>>) target(%dma_start3A_1063 : memref<2x8192xf32, #tpu.memory_space<hbm>>) target_semaphore(%arg24 : memref<!tpu.dma_semaphore, #tpu.memory_space<semaphore_mem>>)
    %add3A_1064 = arith.constant 76 : i32
    %add3A_1065 = arith.addi %mul3A_2, %add3A_1064 : i32
    %dma_wait3A_1066 = arith.constant 0 : i32
    %dma_wait3A_1067 = tpu.memref_slice %arg4[%add3A_1065, %dma_wait3A_1066] : memref<4096x8192xf32, #tpu.memory_space<hbm>> -> memref<2x8192xf32, #tpu.memory_space<hbm>>
    %dma_wait3A_1068 = arith.constant 0 : i32
    %dma_wait3A_1069 = tpu.memref_slice %arg4[%add3A_1065, %dma_wait3A_1068] : memref<4096x8192xf32, #tpu.memory_space<hbm>> -> memref<2x8192xf32, #tpu.memory_space<hbm>>
    tpu.wait_dma2 semaphore(%arg23 : memref<!tpu.dma_semaphore, #tpu.memory_space<semaphore_mem>>) src(%arg9 : memref<2x8192xf32, #tpu.memory_space<vmem>>) dst(%dma_wait3A_1069 : memref<2x8192xf32, #tpu.memory_space<hbm>>)
    %dma_start3A_1070 = arith.constant 45 : i32
    %dma_start3A_1071 = arith.constant 0 : i32
    %dma_start3A_1072 = tpu.memref_slice %arg5[%dma_start3A_1070, %dma_start3A_1071] : memref<64x2xi32, #tpu.memory_space<vmem>> -> memref<1x2xi32, #tpu.memory_space<vmem>>
    %dma_start3A_1073 = tpu.memref_squeeze %dma_start3A_1072 : memref<1x2xi32, #tpu.memory_space<vmem>> -> memref<2xi32, #tpu.memory_space<vmem>>
    %dma_start3A_1074 = arith.constant 0 : i32
    %dma_start3A_1075 = arith.constant 0 : i32
    %dma_start3A_1076 = tpu.memref_slice %arg2[%dma_start3A_1074, %dma_start3A_1075] : memref<8192x8192xf32, #tpu.memory_space<hbm>> -> memref<8192x8192xf32, #tpu.memory_space<hbm>>
    tpu.enqueue_indirect_dma source(%dma_start3A_1076 : memref<8192x8192xf32, #tpu.memory_space<hbm>>) target(%arg9 : memref<2x8192xf32, #tpu.memory_space<vmem>>) offsets(%dma_start3A_1073 : memref<2xi32, #tpu.memory_space<vmem>>) semaphore(%arg16 : memref<!tpu.dma_semaphore, #tpu.memory_space<semaphore_mem>>)
    %dma_wait3A_1077 = arith.constant 0 : i32
    %dma_wait3A_1078 = arith.constant 0 : i32
    %dma_wait3A_1079 = tpu.memref_slice %arg5[%dma_wait3A_1077, %dma_wait3A_1078] : memref<64x2xi32, #tpu.memory_space<vmem>> -> memref<1x2xi32, #tpu.memory_space<vmem>>
    %dma_wait3A_1080 = tpu.memref_squeeze %dma_wait3A_1079 : memref<1x2xi32, #tpu.memory_space<vmem>> -> memref<2xi32, #tpu.memory_space<vmem>>
    %dma_wait3A_1081 = arith.constant 0 : i32
    %dma_wait3A_1082 = arith.constant 0 : i32
    %dma_wait3A_1083 = tpu.memref_slice %arg2[%dma_wait3A_1081, %dma_wait3A_1082] : memref<8192x8192xf32, #tpu.memory_space<hbm>> -> memref<8192x8192xf32, #tpu.memory_space<hbm>>
    tpu.wait_indirect_dma semaphore(%arg18 : memref<!tpu.dma_semaphore, #tpu.memory_space<semaphore_mem>>) src(%dma_wait3A_1083 : memref<8192x8192xf32, #tpu.memory_space<hbm>>) dst(%arg11 : memref<2x8192xf32, #tpu.memory_space<vmem>>)
    %add3A_1084 = arith.constant 80 : i32
    %add3A_1085 = arith.addi %mul3A_2, %add3A_1084 : i32
    %dma_start3A_1086 = arith.constant 0 : i32
    %dma_start3A_1087 = tpu.memref_slice %arg4[%add3A_1085, %dma_start3A_1086] : memref<4096x8192xf32, #tpu.memory_space<hbm>> -> memref<2x8192xf32, #tpu.memory_space<hbm>>
    %dma_start3A_1088 = arith.constant 0 : i32
    %dma_start3A_1089 = tpu.memref_slice %arg4[%add3A_1085, %dma_start3A_1088] : memref<4096x8192xf32, #tpu.memory_space<hbm>> -> memref<2x8192xf32, #tpu.memory_space<hbm>>
    tpu.enqueue_dma source(%arg11 : memref<2x8192xf32, #tpu.memory_space<vmem>>) target(%dma_start3A_1089 : memref<2x8192xf32, #tpu.memory_space<hbm>>) target_semaphore(%arg25 : memref<!tpu.dma_semaphore, #tpu.memory_space<semaphore_mem>>)
    %add3A_1090 = arith.constant 78 : i32
    %add3A_1091 = arith.addi %mul3A_2, %add3A_1090 : i32
    %dma_wait3A_1092 = arith.constant 0 : i32
    %dma_wait3A_1093 = tpu.memref_slice %arg4[%add3A_1091, %dma_wait3A_1092] : memref<4096x8192xf32, #tpu.memory_space<hbm>> -> memref<2x8192xf32, #tpu.memory_space<hbm>>
    %dma_wait3A_1094 = arith.constant 0 : i32
    %dma_wait3A_1095 = tpu.memref_slice %arg4[%add3A_1091, %dma_wait3A_1094] : memref<4096x8192xf32, #tpu.memory_space<hbm>> -> memref<2x8192xf32, #tpu.memory_space<hbm>>
    tpu.wait_dma2 semaphore(%arg24 : memref<!tpu.dma_semaphore, #tpu.memory_space<semaphore_mem>>) src(%arg10 : memref<2x8192xf32, #tpu.memory_space<vmem>>) dst(%dma_wait3A_1095 : memref<2x8192xf32, #tpu.memory_space<hbm>>)
    %dma_start3A_1096 = arith.constant 46 : i32
    %dma_start3A_1097 = arith.constant 0 : i32
    %dma_start3A_1098 = tpu.memref_slice %arg5[%dma_start3A_1096, %dma_start3A_1097] : memref<64x2xi32, #tpu.memory_space<vmem>> -> memref<1x2xi32, #tpu.memory_space<vmem>>
    %dma_start3A_1099 = tpu.memref_squeeze %dma_start3A_1098 : memref<1x2xi32, #tpu.memory_space<vmem>> -> memref<2xi32, #tpu.memory_space<vmem>>
    %dma_start3A_1100 = arith.constant 0 : i32
    %dma_start3A_1101 = arith.constant 0 : i32
    %dma_start3A_1102 = tpu.memref_slice %arg2[%dma_start3A_1100, %dma_start3A_1101] : memref<8192x8192xf32, #tpu.memory_space<hbm>> -> memref<8192x8192xf32, #tpu.memory_space<hbm>>
    tpu.enqueue_indirect_dma source(%dma_start3A_1102 : memref<8192x8192xf32, #tpu.memory_space<hbm>>) target(%arg10 : memref<2x8192xf32, #tpu.memory_space<vmem>>) offsets(%dma_start3A_1099 : memref<2xi32, #tpu.memory_space<vmem>>) semaphore(%arg17 : memref<!tpu.dma_semaphore, #tpu.memory_space<semaphore_mem>>)
    %dma_wait3A_1103 = arith.constant 0 : i32
    %dma_wait3A_1104 = arith.constant 0 : i32
    %dma_wait3A_1105 = tpu.memref_slice %arg5[%dma_wait3A_1103, %dma_wait3A_1104] : memref<64x2xi32, #tpu.memory_space<vmem>> -> memref<1x2xi32, #tpu.memory_space<vmem>>
    %dma_wait3A_1106 = tpu.memref_squeeze %dma_wait3A_1105 : memref<1x2xi32, #tpu.memory_space<vmem>> -> memref<2xi32, #tpu.memory_space<vmem>>
    %dma_wait3A_1107 = arith.constant 0 : i32
    %dma_wait3A_1108 = arith.constant 0 : i32
    %dma_wait3A_1109 = tpu.memref_slice %arg2[%dma_wait3A_1107, %dma_wait3A_1108] : memref<8192x8192xf32, #tpu.memory_space<hbm>> -> memref<8192x8192xf32, #tpu.memory_space<hbm>>
    tpu.wait_indirect_dma semaphore(%arg19 : memref<!tpu.dma_semaphore, #tpu.memory_space<semaphore_mem>>) src(%dma_wait3A_1109 : memref<8192x8192xf32, #tpu.memory_space<hbm>>) dst(%arg12 : memref<2x8192xf32, #tpu.memory_space<vmem>>)
    %add3A_1110 = arith.constant 82 : i32
    %add3A_1111 = arith.addi %mul3A_2, %add3A_1110 : i32
    %dma_start3A_1112 = arith.constant 0 : i32
    %dma_start3A_1113 = tpu.memref_slice %arg4[%add3A_1111, %dma_start3A_1112] : memref<4096x8192xf32, #tpu.memory_space<hbm>> -> memref<2x8192xf32, #tpu.memory_space<hbm>>
    %dma_start3A_1114 = arith.constant 0 : i32
    %dma_start3A_1115 = tpu.memref_slice %arg4[%add3A_1111, %dma_start3A_1114] : memref<4096x8192xf32, #tpu.memory_space<hbm>> -> memref<2x8192xf32, #tpu.memory_space<hbm>>
    tpu.enqueue_dma source(%arg12 : memref<2x8192xf32, #tpu.memory_space<vmem>>) target(%dma_start3A_1115 : memref<2x8192xf32, #tpu.memory_space<hbm>>) target_semaphore(%arg26 : memref<!tpu.dma_semaphore, #tpu.memory_space<semaphore_mem>>)
    %add3A_1116 = arith.constant 80 : i32
    %add3A_1117 = arith.addi %mul3A_2, %add3A_1116 : i32
    %dma_wait3A_1118 = arith.constant 0 : i32
    %dma_wait3A_1119 = tpu.memref_slice %arg4[%add3A_1117, %dma_wait3A_1118] : memref<4096x8192xf32, #tpu.memory_space<hbm>> -> memref<2x8192xf32, #tpu.memory_space<hbm>>
    %dma_wait3A_1120 = arith.constant 0 : i32
    %dma_wait3A_1121 = tpu.memref_slice %arg4[%add3A_1117, %dma_wait3A_1120] : memref<4096x8192xf32, #tpu.memory_space<hbm>> -> memref<2x8192xf32, #tpu.memory_space<hbm>>
    tpu.wait_dma2 semaphore(%arg25 : memref<!tpu.dma_semaphore, #tpu.memory_space<semaphore_mem>>) src(%arg11 : memref<2x8192xf32, #tpu.memory_space<vmem>>) dst(%dma_wait3A_1121 : memref<2x8192xf32, #tpu.memory_space<hbm>>)
    %dma_start3A_1122 = arith.constant 47 : i32
    %dma_start3A_1123 = arith.constant 0 : i32
    %dma_start3A_1124 = tpu.memref_slice %arg5[%dma_start3A_1122, %dma_start3A_1123] : memref<64x2xi32, #tpu.memory_space<vmem>> -> memref<1x2xi32, #tpu.memory_space<vmem>>
    %dma_start3A_1125 = tpu.memref_squeeze %dma_start3A_1124 : memref<1x2xi32, #tpu.memory_space<vmem>> -> memref<2xi32, #tpu.memory_space<vmem>>
    %dma_start3A_1126 = arith.constant 0 : i32
    %dma_start3A_1127 = arith.constant 0 : i32
    %dma_start3A_1128 = tpu.memref_slice %arg2[%dma_start3A_1126, %dma_start3A_1127] : memref<8192x8192xf32, #tpu.memory_space<hbm>> -> memref<8192x8192xf32, #tpu.memory_space<hbm>>
    tpu.enqueue_indirect_dma source(%dma_start3A_1128 : memref<8192x8192xf32, #tpu.memory_space<hbm>>) target(%arg11 : memref<2x8192xf32, #tpu.memory_space<vmem>>) offsets(%dma_start3A_1125 : memref<2xi32, #tpu.memory_space<vmem>>) semaphore(%arg18 : memref<!tpu.dma_semaphore, #tpu.memory_space<semaphore_mem>>)
    %dma_wait3A_1129 = arith.constant 0 : i32
    %dma_wait3A_1130 = arith.constant 0 : i32
    %dma_wait3A_1131 = tpu.memref_slice %arg5[%dma_wait3A_1129, %dma_wait3A_1130] : memref<64x2xi32, #tpu.memory_space<vmem>> -> memref<1x2xi32, #tpu.memory_space<vmem>>
    %dma_wait3A_1132 = tpu.memref_squeeze %dma_wait3A_1131 : memref<1x2xi32, #tpu.memory_space<vmem>> -> memref<2xi32, #tpu.memory_space<vmem>>
    %dma_wait3A_1133 = arith.constant 0 : i32
    %dma_wait3A_1134 = arith.constant 0 : i32
    %dma_wait3A_1135 = tpu.memref_slice %arg2[%dma_wait3A_1133, %dma_wait3A_1134] : memref<8192x8192xf32, #tpu.memory_space<hbm>> -> memref<8192x8192xf32, #tpu.memory_space<hbm>>
    tpu.wait_indirect_dma semaphore(%arg13 : memref<!tpu.dma_semaphore, #tpu.memory_space<semaphore_mem>>) src(%dma_wait3A_1135 : memref<8192x8192xf32, #tpu.memory_space<hbm>>) dst(%arg6 : memref<2x8192xf32, #tpu.memory_space<vmem>>)
    %add3A_1136 = arith.constant 84 : i32
    %add3A_1137 = arith.addi %mul3A_2, %add3A_1136 : i32
    %dma_start3A_1138 = arith.constant 0 : i32
    %dma_start3A_1139 = tpu.memref_slice %arg4[%add3A_1137, %dma_start3A_1138] : memref<4096x8192xf32, #tpu.memory_space<hbm>> -> memref<2x8192xf32, #tpu.memory_space<hbm>>
    %dma_start3A_1140 = arith.constant 0 : i32
    %dma_start3A_1141 = tpu.memref_slice %arg4[%add3A_1137, %dma_start3A_1140] : memref<4096x8192xf32, #tpu.memory_space<hbm>> -> memref<2x8192xf32, #tpu.memory_space<hbm>>
    tpu.enqueue_dma source(%arg6 : memref<2x8192xf32, #tpu.memory_space<vmem>>) target(%dma_start3A_1141 : memref<2x8192xf32, #tpu.memory_space<hbm>>) target_semaphore(%arg20 : memref<!tpu.dma_semaphore, #tpu.memory_space<semaphore_mem>>)
    %add3A_1142 = arith.constant 82 : i32
    %add3A_1143 = arith.addi %mul3A_2, %add3A_1142 : i32
    %dma_wait3A_1144 = arith.constant 0 : i32
    %dma_wait3A_1145 = tpu.memref_slice %arg4[%add3A_1143, %dma_wait3A_1144] : memref<4096x8192xf32, #tpu.memory_space<hbm>> -> memref<2x8192xf32, #tpu.memory_space<hbm>>
    %dma_wait3A_1146 = arith.constant 0 : i32
    %dma_wait3A_1147 = tpu.memref_slice %arg4[%add3A_1143, %dma_wait3A_1146] : memref<4096x8192xf32, #tpu.memory_space<hbm>> -> memref<2x8192xf32, #tpu.memory_space<hbm>>
    tpu.wait_dma2 semaphore(%arg26 : memref<!tpu.dma_semaphore, #tpu.memory_space<semaphore_mem>>) src(%arg12 : memref<2x8192xf32, #tpu.memory_space<vmem>>) dst(%dma_wait3A_1147 : memref<2x8192xf32, #tpu.memory_space<hbm>>)
    %dma_start3A_1148 = arith.constant 48 : i32
    %dma_start3A_1149 = arith.constant 0 : i32
    %dma_start3A_1150 = tpu.memref_slice %arg5[%dma_start3A_1148, %dma_start3A_1149] : memref<64x2xi32, #tpu.memory_space<vmem>> -> memref<1x2xi32, #tpu.memory_space<vmem>>
    %dma_start3A_1151 = tpu.memref_squeeze %dma_start3A_1150 : memref<1x2xi32, #tpu.memory_space<vmem>> -> memref<2xi32, #tpu.memory_space<vmem>>
    %dma_start3A_1152 = arith.constant 0 : i32
    %dma_start3A_1153 = arith.constant 0 : i32
    %dma_start3A_1154 = tpu.memref_slice %arg2[%dma_start3A_1152, %dma_start3A_1153] : memref<8192x8192xf32, #tpu.memory_space<hbm>> -> memref<8192x8192xf32, #tpu.memory_space<hbm>>
    tpu.enqueue_indirect_dma source(%dma_start3A_1154 : memref<8192x8192xf32, #tpu.memory_space<hbm>>) target(%arg12 : memref<2x8192xf32, #tpu.memory_space<vmem>>) offsets(%dma_start3A_1151 : memref<2xi32, #tpu.memory_space<vmem>>) semaphore(%arg19 : memref<!tpu.dma_semaphore, #tpu.memory_space<semaphore_mem>>)
    %dma_wait3A_1155 = arith.constant 0 : i32
    %dma_wait3A_1156 = arith.constant 0 : i32
    %dma_wait3A_1157 = tpu.memref_slice %arg5[%dma_wait3A_1155, %dma_wait3A_1156] : memref<64x2xi32, #tpu.memory_space<vmem>> -> memref<1x2xi32, #tpu.memory_space<vmem>>
    %dma_wait3A_1158 = tpu.memref_squeeze %dma_wait3A_1157 : memref<1x2xi32, #tpu.memory_space<vmem>> -> memref<2xi32, #tpu.memory_space<vmem>>
    %dma_wait3A_1159 = arith.constant 0 : i32
    %dma_wait3A_1160 = arith.constant 0 : i32
    %dma_wait3A_1161 = tpu.memref_slice %arg2[%dma_wait3A_1159, %dma_wait3A_1160] : memref<8192x8192xf32, #tpu.memory_space<hbm>> -> memref<8192x8192xf32, #tpu.memory_space<hbm>>
    tpu.wait_indirect_dma semaphore(%arg14 : memref<!tpu.dma_semaphore, #tpu.memory_space<semaphore_mem>>) src(%dma_wait3A_1161 : memref<8192x8192xf32, #tpu.memory_space<hbm>>) dst(%arg7 : memref<2x8192xf32, #tpu.memory_space<vmem>>)
    %add3A_1162 = arith.constant 86 : i32
    %add3A_1163 = arith.addi %mul3A_2, %add3A_1162 : i32
    %dma_start3A_1164 = arith.constant 0 : i32
    %dma_start3A_1165 = tpu.memref_slice %arg4[%add3A_1163, %dma_start3A_1164] : memref<4096x8192xf32, #tpu.memory_space<hbm>> -> memref<2x8192xf32, #tpu.memory_space<hbm>>
    %dma_start3A_1166 = arith.constant 0 : i32
    %dma_start3A_1167 = tpu.memref_slice %arg4[%add3A_1163, %dma_start3A_1166] : memref<4096x8192xf32, #tpu.memory_space<hbm>> -> memref<2x8192xf32, #tpu.memory_space<hbm>>
    tpu.enqueue_dma source(%arg7 : memref<2x8192xf32, #tpu.memory_space<vmem>>) target(%dma_start3A_1167 : memref<2x8192xf32, #tpu.memory_space<hbm>>) target_semaphore(%arg21 : memref<!tpu.dma_semaphore, #tpu.memory_space<semaphore_mem>>)
    %add3A_1168 = arith.constant 84 : i32
    %add3A_1169 = arith.addi %mul3A_2, %add3A_1168 : i32
    %dma_wait3A_1170 = arith.constant 0 : i32
    %dma_wait3A_1171 = tpu.memref_slice %arg4[%add3A_1169, %dma_wait3A_1170] : memref<4096x8192xf32, #tpu.memory_space<hbm>> -> memref<2x8192xf32, #tpu.memory_space<hbm>>
    %dma_wait3A_1172 = arith.constant 0 : i32
    %dma_wait3A_1173 = tpu.memref_slice %arg4[%add3A_1169, %dma_wait3A_1172] : memref<4096x8192xf32, #tpu.memory_space<hbm>> -> memref<2x8192xf32, #tpu.memory_space<hbm>>
    tpu.wait_dma2 semaphore(%arg20 : memref<!tpu.dma_semaphore, #tpu.memory_space<semaphore_mem>>) src(%arg6 : memref<2x8192xf32, #tpu.memory_space<vmem>>) dst(%dma_wait3A_1173 : memref<2x8192xf32, #tpu.memory_space<hbm>>)
    %dma_start3A_1174 = arith.constant 49 : i32
    %dma_start3A_1175 = arith.constant 0 : i32
    %dma_start3A_1176 = tpu.memref_slice %arg5[%dma_start3A_1174, %dma_start3A_1175] : memref<64x2xi32, #tpu.memory_space<vmem>> -> memref<1x2xi32, #tpu.memory_space<vmem>>
    %dma_start3A_1177 = tpu.memref_squeeze %dma_start3A_1176 : memref<1x2xi32, #tpu.memory_space<vmem>> -> memref<2xi32, #tpu.memory_space<vmem>>
    %dma_start3A_1178 = arith.constant 0 : i32
    %dma_start3A_1179 = arith.constant 0 : i32
    %dma_start3A_1180 = tpu.memref_slice %arg2[%dma_start3A_1178, %dma_start3A_1179] : memref<8192x8192xf32, #tpu.memory_space<hbm>> -> memref<8192x8192xf32, #tpu.memory_space<hbm>>
    tpu.enqueue_indirect_dma source(%dma_start3A_1180 : memref<8192x8192xf32, #tpu.memory_space<hbm>>) target(%arg6 : memref<2x8192xf32, #tpu.memory_space<vmem>>) offsets(%dma_start3A_1177 : memref<2xi32, #tpu.memory_space<vmem>>) semaphore(%arg13 : memref<!tpu.dma_semaphore, #tpu.memory_space<semaphore_mem>>)
    %dma_wait3A_1181 = arith.constant 0 : i32
    %dma_wait3A_1182 = arith.constant 0 : i32
    %dma_wait3A_1183 = tpu.memref_slice %arg5[%dma_wait3A_1181, %dma_wait3A_1182] : memref<64x2xi32, #tpu.memory_space<vmem>> -> memref<1x2xi32, #tpu.memory_space<vmem>>
    %dma_wait3A_1184 = tpu.memref_squeeze %dma_wait3A_1183 : memref<1x2xi32, #tpu.memory_space<vmem>> -> memref<2xi32, #tpu.memory_space<vmem>>
    %dma_wait3A_1185 = arith.constant 0 : i32
    %dma_wait3A_1186 = arith.constant 0 : i32
    %dma_wait3A_1187 = tpu.memref_slice %arg2[%dma_wait3A_1185, %dma_wait3A_1186] : memref<8192x8192xf32, #tpu.memory_space<hbm>> -> memref<8192x8192xf32, #tpu.memory_space<hbm>>
    tpu.wait_indirect_dma semaphore(%arg15 : memref<!tpu.dma_semaphore, #tpu.memory_space<semaphore_mem>>) src(%dma_wait3A_1187 : memref<8192x8192xf32, #tpu.memory_space<hbm>>) dst(%arg8 : memref<2x8192xf32, #tpu.memory_space<vmem>>)
    %add3A_1188 = arith.constant 88 : i32
    %add3A_1189 = arith.addi %mul3A_2, %add3A_1188 : i32
    %dma_start3A_1190 = arith.constant 0 : i32
    %dma_start3A_1191 = tpu.memref_slice %arg4[%add3A_1189, %dma_start3A_1190] : memref<4096x8192xf32, #tpu.memory_space<hbm>> -> memref<2x8192xf32, #tpu.memory_space<hbm>>
    %dma_start3A_1192 = arith.constant 0 : i32
    %dma_start3A_1193 = tpu.memref_slice %arg4[%add3A_1189, %dma_start3A_1192] : memref<4096x8192xf32, #tpu.memory_space<hbm>> -> memref<2x8192xf32, #tpu.memory_space<hbm>>
    tpu.enqueue_dma source(%arg8 : memref<2x8192xf32, #tpu.memory_space<vmem>>) target(%dma_start3A_1193 : memref<2x8192xf32, #tpu.memory_space<hbm>>) target_semaphore(%arg22 : memref<!tpu.dma_semaphore, #tpu.memory_space<semaphore_mem>>)
    %add3A_1194 = arith.constant 86 : i32
    %add3A_1195 = arith.addi %mul3A_2, %add3A_1194 : i32
    %dma_wait3A_1196 = arith.constant 0 : i32
    %dma_wait3A_1197 = tpu.memref_slice %arg4[%add3A_1195, %dma_wait3A_1196] : memref<4096x8192xf32, #tpu.memory_space<hbm>> -> memref<2x8192xf32, #tpu.memory_space<hbm>>
    %dma_wait3A_1198 = arith.constant 0 : i32
    %dma_wait3A_1199 = tpu.memref_slice %arg4[%add3A_1195, %dma_wait3A_1198] : memref<4096x8192xf32, #tpu.memory_space<hbm>> -> memref<2x8192xf32, #tpu.memory_space<hbm>>
    tpu.wait_dma2 semaphore(%arg21 : memref<!tpu.dma_semaphore, #tpu.memory_space<semaphore_mem>>) src(%arg7 : memref<2x8192xf32, #tpu.memory_space<vmem>>) dst(%dma_wait3A_1199 : memref<2x8192xf32, #tpu.memory_space<hbm>>)
    %dma_start3A_1200 = arith.constant 50 : i32
    %dma_start3A_1201 = arith.constant 0 : i32
    %dma_start3A_1202 = tpu.memref_slice %arg5[%dma_start3A_1200, %dma_start3A_1201] : memref<64x2xi32, #tpu.memory_space<vmem>> -> memref<1x2xi32, #tpu.memory_space<vmem>>
    %dma_start3A_1203 = tpu.memref_squeeze %dma_start3A_1202 : memref<1x2xi32, #tpu.memory_space<vmem>> -> memref<2xi32, #tpu.memory_space<vmem>>
    %dma_start3A_1204 = arith.constant 0 : i32
    %dma_start3A_1205 = arith.constant 0 : i32
    %dma_start3A_1206 = tpu.memref_slice %arg2[%dma_start3A_1204, %dma_start3A_1205] : memref<8192x8192xf32, #tpu.memory_space<hbm>> -> memref<8192x8192xf32, #tpu.memory_space<hbm>>
    tpu.enqueue_indirect_dma source(%dma_start3A_1206 : memref<8192x8192xf32, #tpu.memory_space<hbm>>) target(%arg7 : memref<2x8192xf32, #tpu.memory_space<vmem>>) offsets(%dma_start3A_1203 : memref<2xi32, #tpu.memory_space<vmem>>) semaphore(%arg14 : memref<!tpu.dma_semaphore, #tpu.memory_space<semaphore_mem>>)
    %dma_wait3A_1207 = arith.constant 0 : i32
    %dma_wait3A_1208 = arith.constant 0 : i32
    %dma_wait3A_1209 = tpu.memref_slice %arg5[%dma_wait3A_1207, %dma_wait3A_1208] : memref<64x2xi32, #tpu.memory_space<vmem>> -> memref<1x2xi32, #tpu.memory_space<vmem>>
    %dma_wait3A_1210 = tpu.memref_squeeze %dma_wait3A_1209 : memref<1x2xi32, #tpu.memory_space<vmem>> -> memref<2xi32, #tpu.memory_space<vmem>>
    %dma_wait3A_1211 = arith.constant 0 : i32
    %dma_wait3A_1212 = arith.constant 0 : i32
    %dma_wait3A_1213 = tpu.memref_slice %arg2[%dma_wait3A_1211, %dma_wait3A_1212] : memref<8192x8192xf32, #tpu.memory_space<hbm>> -> memref<8192x8192xf32, #tpu.memory_space<hbm>>
    tpu.wait_indirect_dma semaphore(%arg16 : memref<!tpu.dma_semaphore, #tpu.memory_space<semaphore_mem>>) src(%dma_wait3A_1213 : memref<8192x8192xf32, #tpu.memory_space<hbm>>) dst(%arg9 : memref<2x8192xf32, #tpu.memory_space<vmem>>)
    %add3A_1214 = arith.constant 90 : i32
    %add3A_1215 = arith.addi %mul3A_2, %add3A_1214 : i32
    %dma_start3A_1216 = arith.constant 0 : i32
    %dma_start3A_1217 = tpu.memref_slice %arg4[%add3A_1215, %dma_start3A_1216] : memref<4096x8192xf32, #tpu.memory_space<hbm>> -> memref<2x8192xf32, #tpu.memory_space<hbm>>
    %dma_start3A_1218 = arith.constant 0 : i32
    %dma_start3A_1219 = tpu.memref_slice %arg4[%add3A_1215, %dma_start3A_1218] : memref<4096x8192xf32, #tpu.memory_space<hbm>> -> memref<2x8192xf32, #tpu.memory_space<hbm>>
    tpu.enqueue_dma source(%arg9 : memref<2x8192xf32, #tpu.memory_space<vmem>>) target(%dma_start3A_1219 : memref<2x8192xf32, #tpu.memory_space<hbm>>) target_semaphore(%arg23 : memref<!tpu.dma_semaphore, #tpu.memory_space<semaphore_mem>>)
    %add3A_1220 = arith.constant 88 : i32
    %add3A_1221 = arith.addi %mul3A_2, %add3A_1220 : i32
    %dma_wait3A_1222 = arith.constant 0 : i32
    %dma_wait3A_1223 = tpu.memref_slice %arg4[%add3A_1221, %dma_wait3A_1222] : memref<4096x8192xf32, #tpu.memory_space<hbm>> -> memref<2x8192xf32, #tpu.memory_space<hbm>>
    %dma_wait3A_1224 = arith.constant 0 : i32
    %dma_wait3A_1225 = tpu.memref_slice %arg4[%add3A_1221, %dma_wait3A_1224] : memref<4096x8192xf32, #tpu.memory_space<hbm>> -> memref<2x8192xf32, #tpu.memory_space<hbm>>
    tpu.wait_dma2 semaphore(%arg22 : memref<!tpu.dma_semaphore, #tpu.memory_space<semaphore_mem>>) src(%arg8 : memref<2x8192xf32, #tpu.memory_space<vmem>>) dst(%dma_wait3A_1225 : memref<2x8192xf32, #tpu.memory_space<hbm>>)
    %dma_start3A_1226 = arith.constant 51 : i32
    %dma_start3A_1227 = arith.constant 0 : i32
    %dma_start3A_1228 = tpu.memref_slice %arg5[%dma_start3A_1226, %dma_start3A_1227] : memref<64x2xi32, #tpu.memory_space<vmem>> -> memref<1x2xi32, #tpu.memory_space<vmem>>
    %dma_start3A_1229 = tpu.memref_squeeze %dma_start3A_1228 : memref<1x2xi32, #tpu.memory_space<vmem>> -> memref<2xi32, #tpu.memory_space<vmem>>
    %dma_start3A_1230 = arith.constant 0 : i32
    %dma_start3A_1231 = arith.constant 0 : i32
    %dma_start3A_1232 = tpu.memref_slice %arg2[%dma_start3A_1230, %dma_start3A_1231] : memref<8192x8192xf32, #tpu.memory_space<hbm>> -> memref<8192x8192xf32, #tpu.memory_space<hbm>>
    tpu.enqueue_indirect_dma source(%dma_start3A_1232 : memref<8192x8192xf32, #tpu.memory_space<hbm>>) target(%arg8 : memref<2x8192xf32, #tpu.memory_space<vmem>>) offsets(%dma_start3A_1229 : memref<2xi32, #tpu.memory_space<vmem>>) semaphore(%arg15 : memref<!tpu.dma_semaphore, #tpu.memory_space<semaphore_mem>>)
    %dma_wait3A_1233 = arith.constant 0 : i32
    %dma_wait3A_1234 = arith.constant 0 : i32
    %dma_wait3A_1235 = tpu.memref_slice %arg5[%dma_wait3A_1233, %dma_wait3A_1234] : memref<64x2xi32, #tpu.memory_space<vmem>> -> memref<1x2xi32, #tpu.memory_space<vmem>>
    %dma_wait3A_1236 = tpu.memref_squeeze %dma_wait3A_1235 : memref<1x2xi32, #tpu.memory_space<vmem>> -> memref<2xi32, #tpu.memory_space<vmem>>
    %dma_wait3A_1237 = arith.constant 0 : i32
    %dma_wait3A_1238 = arith.constant 0 : i32
    %dma_wait3A_1239 = tpu.memref_slice %arg2[%dma_wait3A_1237, %dma_wait3A_1238] : memref<8192x8192xf32, #tpu.memory_space<hbm>> -> memref<8192x8192xf32, #tpu.memory_space<hbm>>
    tpu.wait_indirect_dma semaphore(%arg17 : memref<!tpu.dma_semaphore, #tpu.memory_space<semaphore_mem>>) src(%dma_wait3A_1239 : memref<8192x8192xf32, #tpu.memory_space<hbm>>) dst(%arg10 : memref<2x8192xf32, #tpu.memory_space<vmem>>)
    %add3A_1240 = arith.constant 92 : i32
    %add3A_1241 = arith.addi %mul3A_2, %add3A_1240 : i32
    %dma_start3A_1242 = arith.constant 0 : i32
    %dma_start3A_1243 = tpu.memref_slice %arg4[%add3A_1241, %dma_start3A_1242] : memref<4096x8192xf32, #tpu.memory_space<hbm>> -> memref<2x8192xf32, #tpu.memory_space<hbm>>
    %dma_start3A_1244 = arith.constant 0 : i32
    %dma_start3A_1245 = tpu.memref_slice %arg4[%add3A_1241, %dma_start3A_1244] : memref<4096x8192xf32, #tpu.memory_space<hbm>> -> memref<2x8192xf32, #tpu.memory_space<hbm>>
    tpu.enqueue_dma source(%arg10 : memref<2x8192xf32, #tpu.memory_space<vmem>>) target(%dma_start3A_1245 : memref<2x8192xf32, #tpu.memory_space<hbm>>) target_semaphore(%arg24 : memref<!tpu.dma_semaphore, #tpu.memory_space<semaphore_mem>>)
    %add3A_1246 = arith.constant 90 : i32
    %add3A_1247 = arith.addi %mul3A_2, %add3A_1246 : i32
    %dma_wait3A_1248 = arith.constant 0 : i32
    %dma_wait3A_1249 = tpu.memref_slice %arg4[%add3A_1247, %dma_wait3A_1248] : memref<4096x8192xf32, #tpu.memory_space<hbm>> -> memref<2x8192xf32, #tpu.memory_space<hbm>>
    %dma_wait3A_1250 = arith.constant 0 : i32
    %dma_wait3A_1251 = tpu.memref_slice %arg4[%add3A_1247, %dma_wait3A_1250] : memref<4096x8192xf32, #tpu.memory_space<hbm>> -> memref<2x8192xf32, #tpu.memory_space<hbm>>
    tpu.wait_dma2 semaphore(%arg23 : memref<!tpu.dma_semaphore, #tpu.memory_space<semaphore_mem>>) src(%arg9 : memref<2x8192xf32, #tpu.memory_space<vmem>>) dst(%dma_wait3A_1251 : memref<2x8192xf32, #tpu.memory_space<hbm>>)
    %dma_start3A_1252 = arith.constant 52 : i32
    %dma_start3A_1253 = arith.constant 0 : i32
    %dma_start3A_1254 = tpu.memref_slice %arg5[%dma_start3A_1252, %dma_start3A_1253] : memref<64x2xi32, #tpu.memory_space<vmem>> -> memref<1x2xi32, #tpu.memory_space<vmem>>
    %dma_start3A_1255 = tpu.memref_squeeze %dma_start3A_1254 : memref<1x2xi32, #tpu.memory_space<vmem>> -> memref<2xi32, #tpu.memory_space<vmem>>
    %dma_start3A_1256 = arith.constant 0 : i32
    %dma_start3A_1257 = arith.constant 0 : i32
    %dma_start3A_1258 = tpu.memref_slice %arg2[%dma_start3A_1256, %dma_start3A_1257] : memref<8192x8192xf32, #tpu.memory_space<hbm>> -> memref<8192x8192xf32, #tpu.memory_space<hbm>>
    tpu.enqueue_indirect_dma source(%dma_start3A_1258 : memref<8192x8192xf32, #tpu.memory_space<hbm>>) target(%arg9 : memref<2x8192xf32, #tpu.memory_space<vmem>>) offsets(%dma_start3A_1255 : memref<2xi32, #tpu.memory_space<vmem>>) semaphore(%arg16 : memref<!tpu.dma_semaphore, #tpu.memory_space<semaphore_mem>>)
    %dma_wait3A_1259 = arith.constant 0 : i32
    %dma_wait3A_1260 = arith.constant 0 : i32
    %dma_wait3A_1261 = tpu.memref_slice %arg5[%dma_wait3A_1259, %dma_wait3A_1260] : memref<64x2xi32, #tpu.memory_space<vmem>> -> memref<1x2xi32, #tpu.memory_space<vmem>>
    %dma_wait3A_1262 = tpu.memref_squeeze %dma_wait3A_1261 : memref<1x2xi32, #tpu.memory_space<vmem>> -> memref<2xi32, #tpu.memory_space<vmem>>
    %dma_wait3A_1263 = arith.constant 0 : i32
    %dma_wait3A_1264 = arith.constant 0 : i32
    %dma_wait3A_1265 = tpu.memref_slice %arg2[%dma_wait3A_1263, %dma_wait3A_1264] : memref<8192x8192xf32, #tpu.memory_space<hbm>> -> memref<8192x8192xf32, #tpu.memory_space<hbm>>
    tpu.wait_indirect_dma semaphore(%arg18 : memref<!tpu.dma_semaphore, #tpu.memory_space<semaphore_mem>>) src(%dma_wait3A_1265 : memref<8192x8192xf32, #tpu.memory_space<hbm>>) dst(%arg11 : memref<2x8192xf32, #tpu.memory_space<vmem>>)
    %add3A_1266 = arith.constant 94 : i32
    %add3A_1267 = arith.addi %mul3A_2, %add3A_1266 : i32
    %dma_start3A_1268 = arith.constant 0 : i32
    %dma_start3A_1269 = tpu.memref_slice %arg4[%add3A_1267, %dma_start3A_1268] : memref<4096x8192xf32, #tpu.memory_space<hbm>> -> memref<2x8192xf32, #tpu.memory_space<hbm>>
    %dma_start3A_1270 = arith.constant 0 : i32
    %dma_start3A_1271 = tpu.memref_slice %arg4[%add3A_1267, %dma_start3A_1270] : memref<4096x8192xf32, #tpu.memory_space<hbm>> -> memref<2x8192xf32, #tpu.memory_space<hbm>>
    tpu.enqueue_dma source(%arg11 : memref<2x8192xf32, #tpu.memory_space<vmem>>) target(%dma_start3A_1271 : memref<2x8192xf32, #tpu.memory_space<hbm>>) target_semaphore(%arg25 : memref<!tpu.dma_semaphore, #tpu.memory_space<semaphore_mem>>)
    %add3A_1272 = arith.constant 92 : i32
    %add3A_1273 = arith.addi %mul3A_2, %add3A_1272 : i32
    %dma_wait3A_1274 = arith.constant 0 : i32
    %dma_wait3A_1275 = tpu.memref_slice %arg4[%add3A_1273, %dma_wait3A_1274] : memref<4096x8192xf32, #tpu.memory_space<hbm>> -> memref<2x8192xf32, #tpu.memory_space<hbm>>
    %dma_wait3A_1276 = arith.constant 0 : i32
    %dma_wait3A_1277 = tpu.memref_slice %arg4[%add3A_1273, %dma_wait3A_1276] : memref<4096x8192xf32, #tpu.memory_space<hbm>> -> memref<2x8192xf32, #tpu.memory_space<hbm>>
    tpu.wait_dma2 semaphore(%arg24 : memref<!tpu.dma_semaphore, #tpu.memory_space<semaphore_mem>>) src(%arg10 : memref<2x8192xf32, #tpu.memory_space<vmem>>) dst(%dma_wait3A_1277 : memref<2x8192xf32, #tpu.memory_space<hbm>>)
    %dma_start3A_1278 = arith.constant 53 : i32
    %dma_start3A_1279 = arith.constant 0 : i32
    %dma_start3A_1280 = tpu.memref_slice %arg5[%dma_start3A_1278, %dma_start3A_1279] : memref<64x2xi32, #tpu.memory_space<vmem>> -> memref<1x2xi32, #tpu.memory_space<vmem>>
    %dma_start3A_1281 = tpu.memref_squeeze %dma_start3A_1280 : memref<1x2xi32, #tpu.memory_space<vmem>> -> memref<2xi32, #tpu.memory_space<vmem>>
    %dma_start3A_1282 = arith.constant 0 : i32
    %dma_start3A_1283 = arith.constant 0 : i32
    %dma_start3A_1284 = tpu.memref_slice %arg2[%dma_start3A_1282, %dma_start3A_1283] : memref<8192x8192xf32, #tpu.memory_space<hbm>> -> memref<8192x8192xf32, #tpu.memory_space<hbm>>
    tpu.enqueue_indirect_dma source(%dma_start3A_1284 : memref<8192x8192xf32, #tpu.memory_space<hbm>>) target(%arg10 : memref<2x8192xf32, #tpu.memory_space<vmem>>) offsets(%dma_start3A_1281 : memref<2xi32, #tpu.memory_space<vmem>>) semaphore(%arg17 : memref<!tpu.dma_semaphore, #tpu.memory_space<semaphore_mem>>)
    %dma_wait3A_1285 = arith.constant 0 : i32
    %dma_wait3A_1286 = arith.constant 0 : i32
    %dma_wait3A_1287 = tpu.memref_slice %arg5[%dma_wait3A_1285, %dma_wait3A_1286] : memref<64x2xi32, #tpu.memory_space<vmem>> -> memref<1x2xi32, #tpu.memory_space<vmem>>
    %dma_wait3A_1288 = tpu.memref_squeeze %dma_wait3A_1287 : memref<1x2xi32, #tpu.memory_space<vmem>> -> memref<2xi32, #tpu.memory_space<vmem>>
    %dma_wait3A_1289 = arith.constant 0 : i32
    %dma_wait3A_1290 = arith.constant 0 : i32
    %dma_wait3A_1291 = tpu.memref_slice %arg2[%dma_wait3A_1289, %dma_wait3A_1290] : memref<8192x8192xf32, #tpu.memory_space<hbm>> -> memref<8192x8192xf32, #tpu.memory_space<hbm>>
    tpu.wait_indirect_dma semaphore(%arg19 : memref<!tpu.dma_semaphore, #tpu.memory_space<semaphore_mem>>) src(%dma_wait3A_1291 : memref<8192x8192xf32, #tpu.memory_space<hbm>>) dst(%arg12 : memref<2x8192xf32, #tpu.memory_space<vmem>>)
    %add3A_1292 = arith.constant 96 : i32
    %add3A_1293 = arith.addi %mul3A_2, %add3A_1292 : i32
    %dma_start3A_1294 = arith.constant 0 : i32
    %dma_start3A_1295 = tpu.memref_slice %arg4[%add3A_1293, %dma_start3A_1294] : memref<4096x8192xf32, #tpu.memory_space<hbm>> -> memref<2x8192xf32, #tpu.memory_space<hbm>>
    %dma_start3A_1296 = arith.constant 0 : i32
    %dma_start3A_1297 = tpu.memref_slice %arg4[%add3A_1293, %dma_start3A_1296] : memref<4096x8192xf32, #tpu.memory_space<hbm>> -> memref<2x8192xf32, #tpu.memory_space<hbm>>
    tpu.enqueue_dma source(%arg12 : memref<2x8192xf32, #tpu.memory_space<vmem>>) target(%dma_start3A_1297 : memref<2x8192xf32, #tpu.memory_space<hbm>>) target_semaphore(%arg26 : memref<!tpu.dma_semaphore, #tpu.memory_space<semaphore_mem>>)
    %add3A_1298 = arith.constant 94 : i32
    %add3A_1299 = arith.addi %mul3A_2, %add3A_1298 : i32
    %dma_wait3A_1300 = arith.constant 0 : i32
    %dma_wait3A_1301 = tpu.memref_slice %arg4[%add3A_1299, %dma_wait3A_1300] : memref<4096x8192xf32, #tpu.memory_space<hbm>> -> memref<2x8192xf32, #tpu.memory_space<hbm>>
    %dma_wait3A_1302 = arith.constant 0 : i32
    %dma_wait3A_1303 = tpu.memref_slice %arg4[%add3A_1299, %dma_wait3A_1302] : memref<4096x8192xf32, #tpu.memory_space<hbm>> -> memref<2x8192xf32, #tpu.memory_space<hbm>>
    tpu.wait_dma2 semaphore(%arg25 : memref<!tpu.dma_semaphore, #tpu.memory_space<semaphore_mem>>) src(%arg11 : memref<2x8192xf32, #tpu.memory_space<vmem>>) dst(%dma_wait3A_1303 : memref<2x8192xf32, #tpu.memory_space<hbm>>)
    %dma_start3A_1304 = arith.constant 54 : i32
    %dma_start3A_1305 = arith.constant 0 : i32
    %dma_start3A_1306 = tpu.memref_slice %arg5[%dma_start3A_1304, %dma_start3A_1305] : memref<64x2xi32, #tpu.memory_space<vmem>> -> memref<1x2xi32, #tpu.memory_space<vmem>>
    %dma_start3A_1307 = tpu.memref_squeeze %dma_start3A_1306 : memref<1x2xi32, #tpu.memory_space<vmem>> -> memref<2xi32, #tpu.memory_space<vmem>>
    %dma_start3A_1308 = arith.constant 0 : i32
    %dma_start3A_1309 = arith.constant 0 : i32
    %dma_start3A_1310 = tpu.memref_slice %arg2[%dma_start3A_1308, %dma_start3A_1309] : memref<8192x8192xf32, #tpu.memory_space<hbm>> -> memref<8192x8192xf32, #tpu.memory_space<hbm>>
    tpu.enqueue_indirect_dma source(%dma_start3A_1310 : memref<8192x8192xf32, #tpu.memory_space<hbm>>) target(%arg11 : memref<2x8192xf32, #tpu.memory_space<vmem>>) offsets(%dma_start3A_1307 : memref<2xi32, #tpu.memory_space<vmem>>) semaphore(%arg18 : memref<!tpu.dma_semaphore, #tpu.memory_space<semaphore_mem>>)
    %dma_wait3A_1311 = arith.constant 0 : i32
    %dma_wait3A_1312 = arith.constant 0 : i32
    %dma_wait3A_1313 = tpu.memref_slice %arg5[%dma_wait3A_1311, %dma_wait3A_1312] : memref<64x2xi32, #tpu.memory_space<vmem>> -> memref<1x2xi32, #tpu.memory_space<vmem>>
    %dma_wait3A_1314 = tpu.memref_squeeze %dma_wait3A_1313 : memref<1x2xi32, #tpu.memory_space<vmem>> -> memref<2xi32, #tpu.memory_space<vmem>>
    %dma_wait3A_1315 = arith.constant 0 : i32
    %dma_wait3A_1316 = arith.constant 0 : i32
    %dma_wait3A_1317 = tpu.memref_slice %arg2[%dma_wait3A_1315, %dma_wait3A_1316] : memref<8192x8192xf32, #tpu.memory_space<hbm>> -> memref<8192x8192xf32, #tpu.memory_space<hbm>>
    tpu.wait_indirect_dma semaphore(%arg13 : memref<!tpu.dma_semaphore, #tpu.memory_space<semaphore_mem>>) src(%dma_wait3A_1317 : memref<8192x8192xf32, #tpu.memory_space<hbm>>) dst(%arg6 : memref<2x8192xf32, #tpu.memory_space<vmem>>)
    %add3A_1318 = arith.constant 98 : i32
    %add3A_1319 = arith.addi %mul3A_2, %add3A_1318 : i32
    %dma_start3A_1320 = arith.constant 0 : i32
    %dma_start3A_1321 = tpu.memref_slice %arg4[%add3A_1319, %dma_start3A_1320] : memref<4096x8192xf32, #tpu.memory_space<hbm>> -> memref<2x8192xf32, #tpu.memory_space<hbm>>
    %dma_start3A_1322 = arith.constant 0 : i32
    %dma_start3A_1323 = tpu.memref_slice %arg4[%add3A_1319, %dma_start3A_1322] : memref<4096x8192xf32, #tpu.memory_space<hbm>> -> memref<2x8192xf32, #tpu.memory_space<hbm>>
    tpu.enqueue_dma source(%arg6 : memref<2x8192xf32, #tpu.memory_space<vmem>>) target(%dma_start3A_1323 : memref<2x8192xf32, #tpu.memory_space<hbm>>) target_semaphore(%arg20 : memref<!tpu.dma_semaphore, #tpu.memory_space<semaphore_mem>>)
    %add3A_1324 = arith.constant 96 : i32
    %add3A_1325 = arith.addi %mul3A_2, %add3A_1324 : i32
    %dma_wait3A_1326 = arith.constant 0 : i32
    %dma_wait3A_1327 = tpu.memref_slice %arg4[%add3A_1325, %dma_wait3A_1326] : memref<4096x8192xf32, #tpu.memory_space<hbm>> -> memref<2x8192xf32, #tpu.memory_space<hbm>>
    %dma_wait3A_1328 = arith.constant 0 : i32
    %dma_wait3A_1329 = tpu.memref_slice %arg4[%add3A_1325, %dma_wait3A_1328] : memref<4096x8192xf32, #tpu.memory_space<hbm>> -> memref<2x8192xf32, #tpu.memory_space<hbm>>
    tpu.wait_dma2 semaphore(%arg26 : memref<!tpu.dma_semaphore, #tpu.memory_space<semaphore_mem>>) src(%arg12 : memref<2x8192xf32, #tpu.memory_space<vmem>>) dst(%dma_wait3A_1329 : memref<2x8192xf32, #tpu.memory_space<hbm>>)
    %dma_start3A_1330 = arith.constant 55 : i32
    %dma_start3A_1331 = arith.constant 0 : i32
    %dma_start3A_1332 = tpu.memref_slice %arg5[%dma_start3A_1330, %dma_start3A_1331] : memref<64x2xi32, #tpu.memory_space<vmem>> -> memref<1x2xi32, #tpu.memory_space<vmem>>
    %dma_start3A_1333 = tpu.memref_squeeze %dma_start3A_1332 : memref<1x2xi32, #tpu.memory_space<vmem>> -> memref<2xi32, #tpu.memory_space<vmem>>
    %dma_start3A_1334 = arith.constant 0 : i32
    %dma_start3A_1335 = arith.constant 0 : i32
    %dma_start3A_1336 = tpu.memref_slice %arg2[%dma_start3A_1334, %dma_start3A_1335] : memref<8192x8192xf32, #tpu.memory_space<hbm>> -> memref<8192x8192xf32, #tpu.memory_space<hbm>>
    tpu.enqueue_indirect_dma source(%dma_start3A_1336 : memref<8192x8192xf32, #tpu.memory_space<hbm>>) target(%arg12 : memref<2x8192xf32, #tpu.memory_space<vmem>>) offsets(%dma_start3A_1333 : memref<2xi32, #tpu.memory_space<vmem>>) semaphore(%arg19 : memref<!tpu.dma_semaphore, #tpu.memory_space<semaphore_mem>>)
    %dma_wait3A_1337 = arith.constant 0 : i32
    %dma_wait3A_1338 = arith.constant 0 : i32
    %dma_wait3A_1339 = tpu.memref_slice %arg5[%dma_wait3A_1337, %dma_wait3A_1338] : memref<64x2xi32, #tpu.memory_space<vmem>> -> memref<1x2xi32, #tpu.memory_space<vmem>>
    %dma_wait3A_1340 = tpu.memref_squeeze %dma_wait3A_1339 : memref<1x2xi32, #tpu.memory_space<vmem>> -> memref<2xi32, #tpu.memory_space<vmem>>
    %dma_wait3A_1341 = arith.constant 0 : i32
    %dma_wait3A_1342 = arith.constant 0 : i32
    %dma_wait3A_1343 = tpu.memref_slice %arg2[%dma_wait3A_1341, %dma_wait3A_1342] : memref<8192x8192xf32, #tpu.memory_space<hbm>> -> memref<8192x8192xf32, #tpu.memory_space<hbm>>
    tpu.wait_indirect_dma semaphore(%arg14 : memref<!tpu.dma_semaphore, #tpu.memory_space<semaphore_mem>>) src(%dma_wait3A_1343 : memref<8192x8192xf32, #tpu.memory_space<hbm>>) dst(%arg7 : memref<2x8192xf32, #tpu.memory_space<vmem>>)
    %add3A_1344 = arith.constant 100 : i32
    %add3A_1345 = arith.addi %mul3A_2, %add3A_1344 : i32
    %dma_start3A_1346 = arith.constant 0 : i32
    %dma_start3A_1347 = tpu.memref_slice %arg4[%add3A_1345, %dma_start3A_1346] : memref<4096x8192xf32, #tpu.memory_space<hbm>> -> memref<2x8192xf32, #tpu.memory_space<hbm>>
    %dma_start3A_1348 = arith.constant 0 : i32
    %dma_start3A_1349 = tpu.memref_slice %arg4[%add3A_1345, %dma_start3A_1348] : memref<4096x8192xf32, #tpu.memory_space<hbm>> -> memref<2x8192xf32, #tpu.memory_space<hbm>>
    tpu.enqueue_dma source(%arg7 : memref<2x8192xf32, #tpu.memory_space<vmem>>) target(%dma_start3A_1349 : memref<2x8192xf32, #tpu.memory_space<hbm>>) target_semaphore(%arg21 : memref<!tpu.dma_semaphore, #tpu.memory_space<semaphore_mem>>)
    %add3A_1350 = arith.constant 98 : i32
    %add3A_1351 = arith.addi %mul3A_2, %add3A_1350 : i32
    %dma_wait3A_1352 = arith.constant 0 : i32
    %dma_wait3A_1353 = tpu.memref_slice %arg4[%add3A_1351, %dma_wait3A_1352] : memref<4096x8192xf32, #tpu.memory_space<hbm>> -> memref<2x8192xf32, #tpu.memory_space<hbm>>
    %dma_wait3A_1354 = arith.constant 0 : i32
    %dma_wait3A_1355 = tpu.memref_slice %arg4[%add3A_1351, %dma_wait3A_1354] : memref<4096x8192xf32, #tpu.memory_space<hbm>> -> memref<2x8192xf32, #tpu.memory_space<hbm>>
    tpu.wait_dma2 semaphore(%arg20 : memref<!tpu.dma_semaphore, #tpu.memory_space<semaphore_mem>>) src(%arg6 : memref<2x8192xf32, #tpu.memory_space<vmem>>) dst(%dma_wait3A_1355 : memref<2x8192xf32, #tpu.memory_space<hbm>>)
    %dma_start3A_1356 = arith.constant 56 : i32
    %dma_start3A_1357 = arith.constant 0 : i32
    %dma_start3A_1358 = tpu.memref_slice %arg5[%dma_start3A_1356, %dma_start3A_1357] : memref<64x2xi32, #tpu.memory_space<vmem>> -> memref<1x2xi32, #tpu.memory_space<vmem>>
    %dma_start3A_1359 = tpu.memref_squeeze %dma_start3A_1358 : memref<1x2xi32, #tpu.memory_space<vmem>> -> memref<2xi32, #tpu.memory_space<vmem>>
    %dma_start3A_1360 = arith.constant 0 : i32
    %dma_start3A_1361 = arith.constant 0 : i32
    %dma_start3A_1362 = tpu.memref_slice %arg2[%dma_start3A_1360, %dma_start3A_1361] : memref<8192x8192xf32, #tpu.memory_space<hbm>> -> memref<8192x8192xf32, #tpu.memory_space<hbm>>
    tpu.enqueue_indirect_dma source(%dma_start3A_1362 : memref<8192x8192xf32, #tpu.memory_space<hbm>>) target(%arg6 : memref<2x8192xf32, #tpu.memory_space<vmem>>) offsets(%dma_start3A_1359 : memref<2xi32, #tpu.memory_space<vmem>>) semaphore(%arg13 : memref<!tpu.dma_semaphore, #tpu.memory_space<semaphore_mem>>)
    %dma_wait3A_1363 = arith.constant 0 : i32
    %dma_wait3A_1364 = arith.constant 0 : i32
    %dma_wait3A_1365 = tpu.memref_slice %arg5[%dma_wait3A_1363, %dma_wait3A_1364] : memref<64x2xi32, #tpu.memory_space<vmem>> -> memref<1x2xi32, #tpu.memory_space<vmem>>
    %dma_wait3A_1366 = tpu.memref_squeeze %dma_wait3A_1365 : memref<1x2xi32, #tpu.memory_space<vmem>> -> memref<2xi32, #tpu.memory_space<vmem>>
    %dma_wait3A_1367 = arith.constant 0 : i32
    %dma_wait3A_1368 = arith.constant 0 : i32
    %dma_wait3A_1369 = tpu.memref_slice %arg2[%dma_wait3A_1367, %dma_wait3A_1368] : memref<8192x8192xf32, #tpu.memory_space<hbm>> -> memref<8192x8192xf32, #tpu.memory_space<hbm>>
    tpu.wait_indirect_dma semaphore(%arg15 : memref<!tpu.dma_semaphore, #tpu.memory_space<semaphore_mem>>) src(%dma_wait3A_1369 : memref<8192x8192xf32, #tpu.memory_space<hbm>>) dst(%arg8 : memref<2x8192xf32, #tpu.memory_space<vmem>>)
    %add3A_1370 = arith.constant 102 : i32
    %add3A_1371 = arith.addi %mul3A_2, %add3A_1370 : i32
    %dma_start3A_1372 = arith.constant 0 : i32
    %dma_start3A_1373 = tpu.memref_slice %arg4[%add3A_1371, %dma_start3A_1372] : memref<4096x8192xf32, #tpu.memory_space<hbm>> -> memref<2x8192xf32, #tpu.memory_space<hbm>>
    %dma_start3A_1374 = arith.constant 0 : i32
    %dma_start3A_1375 = tpu.memref_slice %arg4[%add3A_1371, %dma_start3A_1374] : memref<4096x8192xf32, #tpu.memory_space<hbm>> -> memref<2x8192xf32, #tpu.memory_space<hbm>>
    tpu.enqueue_dma source(%arg8 : memref<2x8192xf32, #tpu.memory_space<vmem>>) target(%dma_start3A_1375 : memref<2x8192xf32, #tpu.memory_space<hbm>>) target_semaphore(%arg22 : memref<!tpu.dma_semaphore, #tpu.memory_space<semaphore_mem>>)
    %add3A_1376 = arith.constant 100 : i32
    %add3A_1377 = arith.addi %mul3A_2, %add3A_1376 : i32
    %dma_wait3A_1378 = arith.constant 0 : i32
    %dma_wait3A_1379 = tpu.memref_slice %arg4[%add3A_1377, %dma_wait3A_1378] : memref<4096x8192xf32, #tpu.memory_space<hbm>> -> memref<2x8192xf32, #tpu.memory_space<hbm>>
    %dma_wait3A_1380 = arith.constant 0 : i32
    %dma_wait3A_1381 = tpu.memref_slice %arg4[%add3A_1377, %dma_wait3A_1380] : memref<4096x8192xf32, #tpu.memory_space<hbm>> -> memref<2x8192xf32, #tpu.memory_space<hbm>>
    tpu.wait_dma2 semaphore(%arg21 : memref<!tpu.dma_semaphore, #tpu.memory_space<semaphore_mem>>) src(%arg7 : memref<2x8192xf32, #tpu.memory_space<vmem>>) dst(%dma_wait3A_1381 : memref<2x8192xf32, #tpu.memory_space<hbm>>)
    %dma_start3A_1382 = arith.constant 57 : i32
    %dma_start3A_1383 = arith.constant 0 : i32
    %dma_start3A_1384 = tpu.memref_slice %arg5[%dma_start3A_1382, %dma_start3A_1383] : memref<64x2xi32, #tpu.memory_space<vmem>> -> memref<1x2xi32, #tpu.memory_space<vmem>>
    %dma_start3A_1385 = tpu.memref_squeeze %dma_start3A_1384 : memref<1x2xi32, #tpu.memory_space<vmem>> -> memref<2xi32, #tpu.memory_space<vmem>>
    %dma_start3A_1386 = arith.constant 0 : i32
    %dma_start3A_1387 = arith.constant 0 : i32
    %dma_start3A_1388 = tpu.memref_slice %arg2[%dma_start3A_1386, %dma_start3A_1387] : memref<8192x8192xf32, #tpu.memory_space<hbm>> -> memref<8192x8192xf32, #tpu.memory_space<hbm>>
    tpu.enqueue_indirect_dma source(%dma_start3A_1388 : memref<8192x8192xf32, #tpu.memory_space<hbm>>) target(%arg7 : memref<2x8192xf32, #tpu.memory_space<vmem>>) offsets(%dma_start3A_1385 : memref<2xi32, #tpu.memory_space<vmem>>) semaphore(%arg14 : memref<!tpu.dma_semaphore, #tpu.memory_space<semaphore_mem>>)
    %dma_wait3A_1389 = arith.constant 0 : i32
    %dma_wait3A_1390 = arith.constant 0 : i32
    %dma_wait3A_1391 = tpu.memref_slice %arg5[%dma_wait3A_1389, %dma_wait3A_1390] : memref<64x2xi32, #tpu.memory_space<vmem>> -> memref<1x2xi32, #tpu.memory_space<vmem>>
    %dma_wait3A_1392 = tpu.memref_squeeze %dma_wait3A_1391 : memref<1x2xi32, #tpu.memory_space<vmem>> -> memref<2xi32, #tpu.memory_space<vmem>>
    %dma_wait3A_1393 = arith.constant 0 : i32
    %dma_wait3A_1394 = arith.constant 0 : i32
    %dma_wait3A_1395 = tpu.memref_slice %arg2[%dma_wait3A_1393, %dma_wait3A_1394] : memref<8192x8192xf32, #tpu.memory_space<hbm>> -> memref<8192x8192xf32, #tpu.memory_space<hbm>>
    tpu.wait_indirect_dma semaphore(%arg16 : memref<!tpu.dma_semaphore, #tpu.memory_space<semaphore_mem>>) src(%dma_wait3A_1395 : memref<8192x8192xf32, #tpu.memory_space<hbm>>) dst(%arg9 : memref<2x8192xf32, #tpu.memory_space<vmem>>)
    %add3A_1396 = arith.constant 104 : i32
    %add3A_1397 = arith.addi %mul3A_2, %add3A_1396 : i32
    %dma_start3A_1398 = arith.constant 0 : i32
    %dma_start3A_1399 = tpu.memref_slice %arg4[%add3A_1397, %dma_start3A_1398] : memref<4096x8192xf32, #tpu.memory_space<hbm>> -> memref<2x8192xf32, #tpu.memory_space<hbm>>
    %dma_start3A_1400 = arith.constant 0 : i32
    %dma_start3A_1401 = tpu.memref_slice %arg4[%add3A_1397, %dma_start3A_1400] : memref<4096x8192xf32, #tpu.memory_space<hbm>> -> memref<2x8192xf32, #tpu.memory_space<hbm>>
    tpu.enqueue_dma source(%arg9 : memref<2x8192xf32, #tpu.memory_space<vmem>>) target(%dma_start3A_1401 : memref<2x8192xf32, #tpu.memory_space<hbm>>) target_semaphore(%arg23 : memref<!tpu.dma_semaphore, #tpu.memory_space<semaphore_mem>>)
    %add3A_1402 = arith.constant 102 : i32
    %add3A_1403 = arith.addi %mul3A_2, %add3A_1402 : i32
    %dma_wait3A_1404 = arith.constant 0 : i32
    %dma_wait3A_1405 = tpu.memref_slice %arg4[%add3A_1403, %dma_wait3A_1404] : memref<4096x8192xf32, #tpu.memory_space<hbm>> -> memref<2x8192xf32, #tpu.memory_space<hbm>>
    %dma_wait3A_1406 = arith.constant 0 : i32
    %dma_wait3A_1407 = tpu.memref_slice %arg4[%add3A_1403, %dma_wait3A_1406] : memref<4096x8192xf32, #tpu.memory_space<hbm>> -> memref<2x8192xf32, #tpu.memory_space<hbm>>
    tpu.wait_dma2 semaphore(%arg22 : memref<!tpu.dma_semaphore, #tpu.memory_space<semaphore_mem>>) src(%arg8 : memref<2x8192xf32, #tpu.memory_space<vmem>>) dst(%dma_wait3A_1407 : memref<2x8192xf32, #tpu.memory_space<hbm>>)
    %dma_start3A_1408 = arith.constant 58 : i32
    %dma_start3A_1409 = arith.constant 0 : i32
    %dma_start3A_1410 = tpu.memref_slice %arg5[%dma_start3A_1408, %dma_start3A_1409] : memref<64x2xi32, #tpu.memory_space<vmem>> -> memref<1x2xi32, #tpu.memory_space<vmem>>
    %dma_start3A_1411 = tpu.memref_squeeze %dma_start3A_1410 : memref<1x2xi32, #tpu.memory_space<vmem>> -> memref<2xi32, #tpu.memory_space<vmem>>
    %dma_start3A_1412 = arith.constant 0 : i32
    %dma_start3A_1413 = arith.constant 0 : i32
    %dma_start3A_1414 = tpu.memref_slice %arg2[%dma_start3A_1412, %dma_start3A_1413] : memref<8192x8192xf32, #tpu.memory_space<hbm>> -> memref<8192x8192xf32, #tpu.memory_space<hbm>>
    tpu.enqueue_indirect_dma source(%dma_start3A_1414 : memref<8192x8192xf32, #tpu.memory_space<hbm>>) target(%arg8 : memref<2x8192xf32, #tpu.memory_space<vmem>>) offsets(%dma_start3A_1411 : memref<2xi32, #tpu.memory_space<vmem>>) semaphore(%arg15 : memref<!tpu.dma_semaphore, #tpu.memory_space<semaphore_mem>>)
    %dma_wait3A_1415 = arith.constant 0 : i32
    %dma_wait3A_1416 = arith.constant 0 : i32
    %dma_wait3A_1417 = tpu.memref_slice %arg5[%dma_wait3A_1415, %dma_wait3A_1416] : memref<64x2xi32, #tpu.memory_space<vmem>> -> memref<1x2xi32, #tpu.memory_space<vmem>>
    %dma_wait3A_1418 = tpu.memref_squeeze %dma_wait3A_1417 : memref<1x2xi32, #tpu.memory_space<vmem>> -> memref<2xi32, #tpu.memory_space<vmem>>
    %dma_wait3A_1419 = arith.constant 0 : i32
    %dma_wait3A_1420 = arith.constant 0 : i32
    %dma_wait3A_1421 = tpu.memref_slice %arg2[%dma_wait3A_1419, %dma_wait3A_1420] : memref<8192x8192xf32, #tpu.memory_space<hbm>> -> memref<8192x8192xf32, #tpu.memory_space<hbm>>
    tpu.wait_indirect_dma semaphore(%arg17 : memref<!tpu.dma_semaphore, #tpu.memory_space<semaphore_mem>>) src(%dma_wait3A_1421 : memref<8192x8192xf32, #tpu.memory_space<hbm>>) dst(%arg10 : memref<2x8192xf32, #tpu.memory_space<vmem>>)
    %add3A_1422 = arith.constant 106 : i32
    %add3A_1423 = arith.addi %mul3A_2, %add3A_1422 : i32
    %dma_start3A_1424 = arith.constant 0 : i32
    %dma_start3A_1425 = tpu.memref_slice %arg4[%add3A_1423, %dma_start3A_1424] : memref<4096x8192xf32, #tpu.memory_space<hbm>> -> memref<2x8192xf32, #tpu.memory_space<hbm>>
    %dma_start3A_1426 = arith.constant 0 : i32
    %dma_start3A_1427 = tpu.memref_slice %arg4[%add3A_1423, %dma_start3A_1426] : memref<4096x8192xf32, #tpu.memory_space<hbm>> -> memref<2x8192xf32, #tpu.memory_space<hbm>>
    tpu.enqueue_dma source(%arg10 : memref<2x8192xf32, #tpu.memory_space<vmem>>) target(%dma_start3A_1427 : memref<2x8192xf32, #tpu.memory_space<hbm>>) target_semaphore(%arg24 : memref<!tpu.dma_semaphore, #tpu.memory_space<semaphore_mem>>)
    %add3A_1428 = arith.constant 104 : i32
    %add3A_1429 = arith.addi %mul3A_2, %add3A_1428 : i32
    %dma_wait3A_1430 = arith.constant 0 : i32
    %dma_wait3A_1431 = tpu.memref_slice %arg4[%add3A_1429, %dma_wait3A_1430] : memref<4096x8192xf32, #tpu.memory_space<hbm>> -> memref<2x8192xf32, #tpu.memory_space<hbm>>
    %dma_wait3A_1432 = arith.constant 0 : i32
    %dma_wait3A_1433 = tpu.memref_slice %arg4[%add3A_1429, %dma_wait3A_1432] : memref<4096x8192xf32, #tpu.memory_space<hbm>> -> memref<2x8192xf32, #tpu.memory_space<hbm>>
    tpu.wait_dma2 semaphore(%arg23 : memref<!tpu.dma_semaphore, #tpu.memory_space<semaphore_mem>>) src(%arg9 : memref<2x8192xf32, #tpu.memory_space<vmem>>) dst(%dma_wait3A_1433 : memref<2x8192xf32, #tpu.memory_space<hbm>>)
    %dma_start3A_1434 = arith.constant 59 : i32
    %dma_start3A_1435 = arith.constant 0 : i32
    %dma_start3A_1436 = tpu.memref_slice %arg5[%dma_start3A_1434, %dma_start3A_1435] : memref<64x2xi32, #tpu.memory_space<vmem>> -> memref<1x2xi32, #tpu.memory_space<vmem>>
    %dma_start3A_1437 = tpu.memref_squeeze %dma_start3A_1436 : memref<1x2xi32, #tpu.memory_space<vmem>> -> memref<2xi32, #tpu.memory_space<vmem>>
    %dma_start3A_1438 = arith.constant 0 : i32
    %dma_start3A_1439 = arith.constant 0 : i32
    %dma_start3A_1440 = tpu.memref_slice %arg2[%dma_start3A_1438, %dma_start3A_1439] : memref<8192x8192xf32, #tpu.memory_space<hbm>> -> memref<8192x8192xf32, #tpu.memory_space<hbm>>
    tpu.enqueue_indirect_dma source(%dma_start3A_1440 : memref<8192x8192xf32, #tpu.memory_space<hbm>>) target(%arg9 : memref<2x8192xf32, #tpu.memory_space<vmem>>) offsets(%dma_start3A_1437 : memref<2xi32, #tpu.memory_space<vmem>>) semaphore(%arg16 : memref<!tpu.dma_semaphore, #tpu.memory_space<semaphore_mem>>)
    %dma_wait3A_1441 = arith.constant 0 : i32
    %dma_wait3A_1442 = arith.constant 0 : i32
    %dma_wait3A_1443 = tpu.memref_slice %arg5[%dma_wait3A_1441, %dma_wait3A_1442] : memref<64x2xi32, #tpu.memory_space<vmem>> -> memref<1x2xi32, #tpu.memory_space<vmem>>
    %dma_wait3A_1444 = tpu.memref_squeeze %dma_wait3A_1443 : memref<1x2xi32, #tpu.memory_space<vmem>> -> memref<2xi32, #tpu.memory_space<vmem>>
    %dma_wait3A_1445 = arith.constant 0 : i32
    %dma_wait3A_1446 = arith.constant 0 : i32
    %dma_wait3A_1447 = tpu.memref_slice %arg2[%dma_wait3A_1445, %dma_wait3A_1446] : memref<8192x8192xf32, #tpu.memory_space<hbm>> -> memref<8192x8192xf32, #tpu.memory_space<hbm>>
    tpu.wait_indirect_dma semaphore(%arg18 : memref<!tpu.dma_semaphore, #tpu.memory_space<semaphore_mem>>) src(%dma_wait3A_1447 : memref<8192x8192xf32, #tpu.memory_space<hbm>>) dst(%arg11 : memref<2x8192xf32, #tpu.memory_space<vmem>>)
    %add3A_1448 = arith.constant 108 : i32
    %add3A_1449 = arith.addi %mul3A_2, %add3A_1448 : i32
    %dma_start3A_1450 = arith.constant 0 : i32
    %dma_start3A_1451 = tpu.memref_slice %arg4[%add3A_1449, %dma_start3A_1450] : memref<4096x8192xf32, #tpu.memory_space<hbm>> -> memref<2x8192xf32, #tpu.memory_space<hbm>>
    %dma_start3A_1452 = arith.constant 0 : i32
    %dma_start3A_1453 = tpu.memref_slice %arg4[%add3A_1449, %dma_start3A_1452] : memref<4096x8192xf32, #tpu.memory_space<hbm>> -> memref<2x8192xf32, #tpu.memory_space<hbm>>
    tpu.enqueue_dma source(%arg11 : memref<2x8192xf32, #tpu.memory_space<vmem>>) target(%dma_start3A_1453 : memref<2x8192xf32, #tpu.memory_space<hbm>>) target_semaphore(%arg25 : memref<!tpu.dma_semaphore, #tpu.memory_space<semaphore_mem>>)
    %add3A_1454 = arith.constant 106 : i32
    %add3A_1455 = arith.addi %mul3A_2, %add3A_1454 : i32
    %dma_wait3A_1456 = arith.constant 0 : i32
    %dma_wait3A_1457 = tpu.memref_slice %arg4[%add3A_1455, %dma_wait3A_1456] : memref<4096x8192xf32, #tpu.memory_space<hbm>> -> memref<2x8192xf32, #tpu.memory_space<hbm>>
    %dma_wait3A_1458 = arith.constant 0 : i32
    %dma_wait3A_1459 = tpu.memref_slice %arg4[%add3A_1455, %dma_wait3A_1458] : memref<4096x8192xf32, #tpu.memory_space<hbm>> -> memref<2x8192xf32, #tpu.memory_space<hbm>>
    tpu.wait_dma2 semaphore(%arg24 : memref<!tpu.dma_semaphore, #tpu.memory_space<semaphore_mem>>) src(%arg10 : memref<2x8192xf32, #tpu.memory_space<vmem>>) dst(%dma_wait3A_1459 : memref<2x8192xf32, #tpu.memory_space<hbm>>)
    %dma_start3A_1460 = arith.constant 60 : i32
    %dma_start3A_1461 = arith.constant 0 : i32
    %dma_start3A_1462 = tpu.memref_slice %arg5[%dma_start3A_1460, %dma_start3A_1461] : memref<64x2xi32, #tpu.memory_space<vmem>> -> memref<1x2xi32, #tpu.memory_space<vmem>>
    %dma_start3A_1463 = tpu.memref_squeeze %dma_start3A_1462 : memref<1x2xi32, #tpu.memory_space<vmem>> -> memref<2xi32, #tpu.memory_space<vmem>>
    %dma_start3A_1464 = arith.constant 0 : i32
    %dma_start3A_1465 = arith.constant 0 : i32
    %dma_start3A_1466 = tpu.memref_slice %arg2[%dma_start3A_1464, %dma_start3A_1465] : memref<8192x8192xf32, #tpu.memory_space<hbm>> -> memref<8192x8192xf32, #tpu.memory_space<hbm>>
    tpu.enqueue_indirect_dma source(%dma_start3A_1466 : memref<8192x8192xf32, #tpu.memory_space<hbm>>) target(%arg10 : memref<2x8192xf32, #tpu.memory_space<vmem>>) offsets(%dma_start3A_1463 : memref<2xi32, #tpu.memory_space<vmem>>) semaphore(%arg17 : memref<!tpu.dma_semaphore, #tpu.memory_space<semaphore_mem>>)
    %dma_wait3A_1467 = arith.constant 0 : i32
    %dma_wait3A_1468 = arith.constant 0 : i32
    %dma_wait3A_1469 = tpu.memref_slice %arg5[%dma_wait3A_1467, %dma_wait3A_1468] : memref<64x2xi32, #tpu.memory_space<vmem>> -> memref<1x2xi32, #tpu.memory_space<vmem>>
    %dma_wait3A_1470 = tpu.memref_squeeze %dma_wait3A_1469 : memref<1x2xi32, #tpu.memory_space<vmem>> -> memref<2xi32, #tpu.memory_space<vmem>>
    %dma_wait3A_1471 = arith.constant 0 : i32
    %dma_wait3A_1472 = arith.constant 0 : i32
    %dma_wait3A_1473 = tpu.memref_slice %arg2[%dma_wait3A_1471, %dma_wait3A_1472] : memref<8192x8192xf32, #tpu.memory_space<hbm>> -> memref<8192x8192xf32, #tpu.memory_space<hbm>>
    tpu.wait_indirect_dma semaphore(%arg19 : memref<!tpu.dma_semaphore, #tpu.memory_space<semaphore_mem>>) src(%dma_wait3A_1473 : memref<8192x8192xf32, #tpu.memory_space<hbm>>) dst(%arg12 : memref<2x8192xf32, #tpu.memory_space<vmem>>)
    %add3A_1474 = arith.constant 110 : i32
    %add3A_1475 = arith.addi %mul3A_2, %add3A_1474 : i32
    %dma_start3A_1476 = arith.constant 0 : i32
    %dma_start3A_1477 = tpu.memref_slice %arg4[%add3A_1475, %dma_start3A_1476] : memref<4096x8192xf32, #tpu.memory_space<hbm>> -> memref<2x8192xf32, #tpu.memory_space<hbm>>
    %dma_start3A_1478 = arith.constant 0 : i32
    %dma_start3A_1479 = tpu.memref_slice %arg4[%add3A_1475, %dma_start3A_1478] : memref<4096x8192xf32, #tpu.memory_space<hbm>> -> memref<2x8192xf32, #tpu.memory_space<hbm>>
    tpu.enqueue_dma source(%arg12 : memref<2x8192xf32, #tpu.memory_space<vmem>>) target(%dma_start3A_1479 : memref<2x8192xf32, #tpu.memory_space<hbm>>) target_semaphore(%arg26 : memref<!tpu.dma_semaphore, #tpu.memory_space<semaphore_mem>>)
    %add3A_1480 = arith.constant 108 : i32
    %add3A_1481 = arith.addi %mul3A_2, %add3A_1480 : i32
    %dma_wait3A_1482 = arith.constant 0 : i32
    %dma_wait3A_1483 = tpu.memref_slice %arg4[%add3A_1481, %dma_wait3A_1482] : memref<4096x8192xf32, #tpu.memory_space<hbm>> -> memref<2x8192xf32, #tpu.memory_space<hbm>>
    %dma_wait3A_1484 = arith.constant 0 : i32
    %dma_wait3A_1485 = tpu.memref_slice %arg4[%add3A_1481, %dma_wait3A_1484] : memref<4096x8192xf32, #tpu.memory_space<hbm>> -> memref<2x8192xf32, #tpu.memory_space<hbm>>
    tpu.wait_dma2 semaphore(%arg25 : memref<!tpu.dma_semaphore, #tpu.memory_space<semaphore_mem>>) src(%arg11 : memref<2x8192xf32, #tpu.memory_space<vmem>>) dst(%dma_wait3A_1485 : memref<2x8192xf32, #tpu.memory_space<hbm>>)
    %dma_start3A_1486 = arith.constant 61 : i32
    %dma_start3A_1487 = arith.constant 0 : i32
    %dma_start3A_1488 = tpu.memref_slice %arg5[%dma_start3A_1486, %dma_start3A_1487] : memref<64x2xi32, #tpu.memory_space<vmem>> -> memref<1x2xi32, #tpu.memory_space<vmem>>
    %dma_start3A_1489 = tpu.memref_squeeze %dma_start3A_1488 : memref<1x2xi32, #tpu.memory_space<vmem>> -> memref<2xi32, #tpu.memory_space<vmem>>
    %dma_start3A_1490 = arith.constant 0 : i32
    %dma_start3A_1491 = arith.constant 0 : i32
    %dma_start3A_1492 = tpu.memref_slice %arg2[%dma_start3A_1490, %dma_start3A_1491] : memref<8192x8192xf32, #tpu.memory_space<hbm>> -> memref<8192x8192xf32, #tpu.memory_space<hbm>>
    tpu.enqueue_indirect_dma source(%dma_start3A_1492 : memref<8192x8192xf32, #tpu.memory_space<hbm>>) target(%arg11 : memref<2x8192xf32, #tpu.memory_space<vmem>>) offsets(%dma_start3A_1489 : memref<2xi32, #tpu.memory_space<vmem>>) semaphore(%arg18 : memref<!tpu.dma_semaphore, #tpu.memory_space<semaphore_mem>>)
    %dma_wait3A_1493 = arith.constant 0 : i32
    %dma_wait3A_1494 = arith.constant 0 : i32
    %dma_wait3A_1495 = tpu.memref_slice %arg5[%dma_wait3A_1493, %dma_wait3A_1494] : memref<64x2xi32, #tpu.memory_space<vmem>> -> memref<1x2xi32, #tpu.memory_space<vmem>>
    %dma_wait3A_1496 = tpu.memref_squeeze %dma_wait3A_1495 : memref<1x2xi32, #tpu.memory_space<vmem>> -> memref<2xi32, #tpu.memory_space<vmem>>
    %dma_wait3A_1497 = arith.constant 0 : i32
    %dma_wait3A_1498 = arith.constant 0 : i32
    %dma_wait3A_1499 = tpu.memref_slice %arg2[%dma_wait3A_1497, %dma_wait3A_1498] : memref<8192x8192xf32, #tpu.memory_space<hbm>> -> memref<8192x8192xf32, #tpu.memory_space<hbm>>
    tpu.wait_indirect_dma semaphore(%arg13 : memref<!tpu.dma_semaphore, #tpu.memory_space<semaphore_mem>>) src(%dma_wait3A_1499 : memref<8192x8192xf32, #tpu.memory_space<hbm>>) dst(%arg6 : memref<2x8192xf32, #tpu.memory_space<vmem>>)
    %add3A_1500 = arith.constant 112 : i32
    %add3A_1501 = arith.addi %mul3A_2, %add3A_1500 : i32
    %dma_start3A_1502 = arith.constant 0 : i32
    %dma_start3A_1503 = tpu.memref_slice %arg4[%add3A_1501, %dma_start3A_1502] : memref<4096x8192xf32, #tpu.memory_space<hbm>> -> memref<2x8192xf32, #tpu.memory_space<hbm>>
    %dma_start3A_1504 = arith.constant 0 : i32
    %dma_start3A_1505 = tpu.memref_slice %arg4[%add3A_1501, %dma_start3A_1504] : memref<4096x8192xf32, #tpu.memory_space<hbm>> -> memref<2x8192xf32, #tpu.memory_space<hbm>>
    tpu.enqueue_dma source(%arg6 : memref<2x8192xf32, #tpu.memory_space<vmem>>) target(%dma_start3A_1505 : memref<2x8192xf32, #tpu.memory_space<hbm>>) target_semaphore(%arg20 : memref<!tpu.dma_semaphore, #tpu.memory_space<semaphore_mem>>)
    %add3A_1506 = arith.constant 110 : i32
    %add3A_1507 = arith.addi %mul3A_2, %add3A_1506 : i32
    %dma_wait3A_1508 = arith.constant 0 : i32
    %dma_wait3A_1509 = tpu.memref_slice %arg4[%add3A_1507, %dma_wait3A_1508] : memref<4096x8192xf32, #tpu.memory_space<hbm>> -> memref<2x8192xf32, #tpu.memory_space<hbm>>
    %dma_wait3A_1510 = arith.constant 0 : i32
    %dma_wait3A_1511 = tpu.memref_slice %arg4[%add3A_1507, %dma_wait3A_1510] : memref<4096x8192xf32, #tpu.memory_space<hbm>> -> memref<2x8192xf32, #tpu.memory_space<hbm>>
    tpu.wait_dma2 semaphore(%arg26 : memref<!tpu.dma_semaphore, #tpu.memory_space<semaphore_mem>>) src(%arg12 : memref<2x8192xf32, #tpu.memory_space<vmem>>) dst(%dma_wait3A_1511 : memref<2x8192xf32, #tpu.memory_space<hbm>>)
    %dma_start3A_1512 = arith.constant 62 : i32
    %dma_start3A_1513 = arith.constant 0 : i32
    %dma_start3A_1514 = tpu.memref_slice %arg5[%dma_start3A_1512, %dma_start3A_1513] : memref<64x2xi32, #tpu.memory_space<vmem>> -> memref<1x2xi32, #tpu.memory_space<vmem>>
    %dma_start3A_1515 = tpu.memref_squeeze %dma_start3A_1514 : memref<1x2xi32, #tpu.memory_space<vmem>> -> memref<2xi32, #tpu.memory_space<vmem>>
    %dma_start3A_1516 = arith.constant 0 : i32
    %dma_start3A_1517 = arith.constant 0 : i32
    %dma_start3A_1518 = tpu.memref_slice %arg2[%dma_start3A_1516, %dma_start3A_1517] : memref<8192x8192xf32, #tpu.memory_space<hbm>> -> memref<8192x8192xf32, #tpu.memory_space<hbm>>
    tpu.enqueue_indirect_dma source(%dma_start3A_1518 : memref<8192x8192xf32, #tpu.memory_space<hbm>>) target(%arg12 : memref<2x8192xf32, #tpu.memory_space<vmem>>) offsets(%dma_start3A_1515 : memref<2xi32, #tpu.memory_space<vmem>>) semaphore(%arg19 : memref<!tpu.dma_semaphore, #tpu.memory_space<semaphore_mem>>)
    %dma_wait3A_1519 = arith.constant 0 : i32
    %dma_wait3A_1520 = arith.constant 0 : i32
    %dma_wait3A_1521 = tpu.memref_slice %arg5[%dma_wait3A_1519, %dma_wait3A_1520] : memref<64x2xi32, #tpu.memory_space<vmem>> -> memref<1x2xi32, #tpu.memory_space<vmem>>
    %dma_wait3A_1522 = tpu.memref_squeeze %dma_wait3A_1521 : memref<1x2xi32, #tpu.memory_space<vmem>> -> memref<2xi32, #tpu.memory_space<vmem>>
    %dma_wait3A_1523 = arith.constant 0 : i32
    %dma_wait3A_1524 = arith.constant 0 : i32
    %dma_wait3A_1525 = tpu.memref_slice %arg2[%dma_wait3A_1523, %dma_wait3A_1524] : memref<8192x8192xf32, #tpu.memory_space<hbm>> -> memref<8192x8192xf32, #tpu.memory_space<hbm>>
    tpu.wait_indirect_dma semaphore(%arg14 : memref<!tpu.dma_semaphore, #tpu.memory_space<semaphore_mem>>) src(%dma_wait3A_1525 : memref<8192x8192xf32, #tpu.memory_space<hbm>>) dst(%arg7 : memref<2x8192xf32, #tpu.memory_space<vmem>>)
    %add3A_1526 = arith.constant 114 : i32
    %add3A_1527 = arith.addi %mul3A_2, %add3A_1526 : i32
    %dma_start3A_1528 = arith.constant 0 : i32
    %dma_start3A_1529 = tpu.memref_slice %arg4[%add3A_1527, %dma_start3A_1528] : memref<4096x8192xf32, #tpu.memory_space<hbm>> -> memref<2x8192xf32, #tpu.memory_space<hbm>>
    %dma_start3A_1530 = arith.constant 0 : i32
    %dma_start3A_1531 = tpu.memref_slice %arg4[%add3A_1527, %dma_start3A_1530] : memref<4096x8192xf32, #tpu.memory_space<hbm>> -> memref<2x8192xf32, #tpu.memory_space<hbm>>
    tpu.enqueue_dma source(%arg7 : memref<2x8192xf32, #tpu.memory_space<vmem>>) target(%dma_start3A_1531 : memref<2x8192xf32, #tpu.memory_space<hbm>>) target_semaphore(%arg21 : memref<!tpu.dma_semaphore, #tpu.memory_space<semaphore_mem>>)
    %add3A_1532 = arith.constant 112 : i32
    %add3A_1533 = arith.addi %mul3A_2, %add3A_1532 : i32
    %dma_wait3A_1534 = arith.constant 0 : i32
    %dma_wait3A_1535 = tpu.memref_slice %arg4[%add3A_1533, %dma_wait3A_1534] : memref<4096x8192xf32, #tpu.memory_space<hbm>> -> memref<2x8192xf32, #tpu.memory_space<hbm>>
    %dma_wait3A_1536 = arith.constant 0 : i32
    %dma_wait3A_1537 = tpu.memref_slice %arg4[%add3A_1533, %dma_wait3A_1536] : memref<4096x8192xf32, #tpu.memory_space<hbm>> -> memref<2x8192xf32, #tpu.memory_space<hbm>>
    tpu.wait_dma2 semaphore(%arg20 : memref<!tpu.dma_semaphore, #tpu.memory_space<semaphore_mem>>) src(%arg6 : memref<2x8192xf32, #tpu.memory_space<vmem>>) dst(%dma_wait3A_1537 : memref<2x8192xf32, #tpu.memory_space<hbm>>)
    %dma_start3A_1538 = arith.constant 63 : i32
    %dma_start3A_1539 = arith.constant 0 : i32
    %dma_start3A_1540 = tpu.memref_slice %arg5[%dma_start3A_1538, %dma_start3A_1539] : memref<64x2xi32, #tpu.memory_space<vmem>> -> memref<1x2xi32, #tpu.memory_space<vmem>>
    %dma_start3A_1541 = tpu.memref_squeeze %dma_start3A_1540 : memref<1x2xi32, #tpu.memory_space<vmem>> -> memref<2xi32, #tpu.memory_space<vmem>>
    %dma_start3A_1542 = arith.constant 0 : i32
    %dma_start3A_1543 = arith.constant 0 : i32
    %dma_start3A_1544 = tpu.memref_slice %arg2[%dma_start3A_1542, %dma_start3A_1543] : memref<8192x8192xf32, #tpu.memory_space<hbm>> -> memref<8192x8192xf32, #tpu.memory_space<hbm>>
    tpu.enqueue_indirect_dma source(%dma_start3A_1544 : memref<8192x8192xf32, #tpu.memory_space<hbm>>) target(%arg6 : memref<2x8192xf32, #tpu.memory_space<vmem>>) offsets(%dma_start3A_1541 : memref<2xi32, #tpu.memory_space<vmem>>) semaphore(%arg13 : memref<!tpu.dma_semaphore, #tpu.memory_space<semaphore_mem>>)
    %dma_wait3A_1545 = arith.constant 0 : i32
    %dma_wait3A_1546 = arith.constant 0 : i32
    %dma_wait3A_1547 = tpu.memref_slice %arg5[%dma_wait3A_1545, %dma_wait3A_1546] : memref<64x2xi32, #tpu.memory_space<vmem>> -> memref<1x2xi32, #tpu.memory_space<vmem>>
    %dma_wait3A_1548 = tpu.memref_squeeze %dma_wait3A_1547 : memref<1x2xi32, #tpu.memory_space<vmem>> -> memref<2xi32, #tpu.memory_space<vmem>>
    %dma_wait3A_1549 = arith.constant 0 : i32
    %dma_wait3A_1550 = arith.constant 0 : i32
    %dma_wait3A_1551 = tpu.memref_slice %arg2[%dma_wait3A_1549, %dma_wait3A_1550] : memref<8192x8192xf32, #tpu.memory_space<hbm>> -> memref<8192x8192xf32, #tpu.memory_space<hbm>>
    tpu.wait_indirect_dma semaphore(%arg15 : memref<!tpu.dma_semaphore, #tpu.memory_space<semaphore_mem>>) src(%dma_wait3A_1551 : memref<8192x8192xf32, #tpu.memory_space<hbm>>) dst(%arg8 : memref<2x8192xf32, #tpu.memory_space<vmem>>)
    %add3A_1552 = arith.constant 116 : i32
    %add3A_1553 = arith.addi %mul3A_2, %add3A_1552 : i32
    %dma_start3A_1554 = arith.constant 0 : i32
    %dma_start3A_1555 = tpu.memref_slice %arg4[%add3A_1553, %dma_start3A_1554] : memref<4096x8192xf32, #tpu.memory_space<hbm>> -> memref<2x8192xf32, #tpu.memory_space<hbm>>
    %dma_start3A_1556 = arith.constant 0 : i32
    %dma_start3A_1557 = tpu.memref_slice %arg4[%add3A_1553, %dma_start3A_1556] : memref<4096x8192xf32, #tpu.memory_space<hbm>> -> memref<2x8192xf32, #tpu.memory_space<hbm>>
    tpu.enqueue_dma source(%arg8 : memref<2x8192xf32, #tpu.memory_space<vmem>>) target(%dma_start3A_1557 : memref<2x8192xf32, #tpu.memory_space<hbm>>) target_semaphore(%arg22 : memref<!tpu.dma_semaphore, #tpu.memory_space<semaphore_mem>>)
    %dma_wait3A_1558 = arith.constant 0 : i32
    %dma_wait3A_1559 = arith.constant 0 : i32
    %dma_wait3A_1560 = tpu.memref_slice %arg5[%dma_wait3A_1558, %dma_wait3A_1559] : memref<64x2xi32, #tpu.memory_space<vmem>> -> memref<1x2xi32, #tpu.memory_space<vmem>>
    %dma_wait3A_1561 = tpu.memref_squeeze %dma_wait3A_1560 : memref<1x2xi32, #tpu.memory_space<vmem>> -> memref<2xi32, #tpu.memory_space<vmem>>
    %dma_wait3A_1562 = arith.constant 0 : i32
    %dma_wait3A_1563 = arith.constant 0 : i32
    %dma_wait3A_1564 = tpu.memref_slice %arg2[%dma_wait3A_1562, %dma_wait3A_1563] : memref<8192x8192xf32, #tpu.memory_space<hbm>> -> memref<8192x8192xf32, #tpu.memory_space<hbm>>
    tpu.wait_indirect_dma semaphore(%arg16 : memref<!tpu.dma_semaphore, #tpu.memory_space<semaphore_mem>>) src(%dma_wait3A_1564 : memref<8192x8192xf32, #tpu.memory_space<hbm>>) dst(%arg9 : memref<2x8192xf32, #tpu.memory_space<vmem>>)
    %add3A_1565 = arith.constant 118 : i32
    %add3A_1566 = arith.addi %mul3A_2, %add3A_1565 : i32
    %dma_start3A_1567 = arith.constant 0 : i32
    %dma_start3A_1568 = tpu.memref_slice %arg4[%add3A_1566, %dma_start3A_1567] : memref<4096x8192xf32, #tpu.memory_space<hbm>> -> memref<2x8192xf32, #tpu.memory_space<hbm>>
    %dma_start3A_1569 = arith.constant 0 : i32
    %dma_start3A_1570 = tpu.memref_slice %arg4[%add3A_1566, %dma_start3A_1569] : memref<4096x8192xf32, #tpu.memory_space<hbm>> -> memref<2x8192xf32, #tpu.memory_space<hbm>>
    tpu.enqueue_dma source(%arg9 : memref<2x8192xf32, #tpu.memory_space<vmem>>) target(%dma_start3A_1570 : memref<2x8192xf32, #tpu.memory_space<hbm>>) target_semaphore(%arg23 : memref<!tpu.dma_semaphore, #tpu.memory_space<semaphore_mem>>)
    %dma_wait3A_1571 = arith.constant 0 : i32
    %dma_wait3A_1572 = arith.constant 0 : i32
    %dma_wait3A_1573 = tpu.memref_slice %arg5[%dma_wait3A_1571, %dma_wait3A_1572] : memref<64x2xi32, #tpu.memory_space<vmem>> -> memref<1x2xi32, #tpu.memory_space<vmem>>
    %dma_wait3A_1574 = tpu.memref_squeeze %dma_wait3A_1573 : memref<1x2xi32, #tpu.memory_space<vmem>> -> memref<2xi32, #tpu.memory_space<vmem>>
    %dma_wait3A_1575 = arith.constant 0 : i32
    %dma_wait3A_1576 = arith.constant 0 : i32
    %dma_wait3A_1577 = tpu.memref_slice %arg2[%dma_wait3A_1575, %dma_wait3A_1576] : memref<8192x8192xf32, #tpu.memory_space<hbm>> -> memref<8192x8192xf32, #tpu.memory_space<hbm>>
    tpu.wait_indirect_dma semaphore(%arg17 : memref<!tpu.dma_semaphore, #tpu.memory_space<semaphore_mem>>) src(%dma_wait3A_1577 : memref<8192x8192xf32, #tpu.memory_space<hbm>>) dst(%arg10 : memref<2x8192xf32, #tpu.memory_space<vmem>>)
    %add3A_1578 = arith.constant 120 : i32
    %add3A_1579 = arith.addi %mul3A_2, %add3A_1578 : i32
    %dma_start3A_1580 = arith.constant 0 : i32
    %dma_start3A_1581 = tpu.memref_slice %arg4[%add3A_1579, %dma_start3A_1580] : memref<4096x8192xf32, #tpu.memory_space<hbm>> -> memref<2x8192xf32, #tpu.memory_space<hbm>>
    %dma_start3A_1582 = arith.constant 0 : i32
    %dma_start3A_1583 = tpu.memref_slice %arg4[%add3A_1579, %dma_start3A_1582] : memref<4096x8192xf32, #tpu.memory_space<hbm>> -> memref<2x8192xf32, #tpu.memory_space<hbm>>
    tpu.enqueue_dma source(%arg10 : memref<2x8192xf32, #tpu.memory_space<vmem>>) target(%dma_start3A_1583 : memref<2x8192xf32, #tpu.memory_space<hbm>>) target_semaphore(%arg24 : memref<!tpu.dma_semaphore, #tpu.memory_space<semaphore_mem>>)
    %dma_wait3A_1584 = arith.constant 0 : i32
    %dma_wait3A_1585 = arith.constant 0 : i32
    %dma_wait3A_1586 = tpu.memref_slice %arg5[%dma_wait3A_1584, %dma_wait3A_1585] : memref<64x2xi32, #tpu.memory_space<vmem>> -> memref<1x2xi32, #tpu.memory_space<vmem>>
    %dma_wait3A_1587 = tpu.memref_squeeze %dma_wait3A_1586 : memref<1x2xi32, #tpu.memory_space<vmem>> -> memref<2xi32, #tpu.memory_space<vmem>>
    %dma_wait3A_1588 = arith.constant 0 : i32
    %dma_wait3A_1589 = arith.constant 0 : i32
    %dma_wait3A_1590 = tpu.memref_slice %arg2[%dma_wait3A_1588, %dma_wait3A_1589] : memref<8192x8192xf32, #tpu.memory_space<hbm>> -> memref<8192x8192xf32, #tpu.memory_space<hbm>>
    tpu.wait_indirect_dma semaphore(%arg18 : memref<!tpu.dma_semaphore, #tpu.memory_space<semaphore_mem>>) src(%dma_wait3A_1590 : memref<8192x8192xf32, #tpu.memory_space<hbm>>) dst(%arg11 : memref<2x8192xf32, #tpu.memory_space<vmem>>)
    %add3A_1591 = arith.constant 122 : i32
    %add3A_1592 = arith.addi %mul3A_2, %add3A_1591 : i32
    %dma_start3A_1593 = arith.constant 0 : i32
    %dma_start3A_1594 = tpu.memref_slice %arg4[%add3A_1592, %dma_start3A_1593] : memref<4096x8192xf32, #tpu.memory_space<hbm>> -> memref<2x8192xf32, #tpu.memory_space<hbm>>
    %dma_start3A_1595 = arith.constant 0 : i32
    %dma_start3A_1596 = tpu.memref_slice %arg4[%add3A_1592, %dma_start3A_1595] : memref<4096x8192xf32, #tpu.memory_space<hbm>> -> memref<2x8192xf32, #tpu.memory_space<hbm>>
    tpu.enqueue_dma source(%arg11 : memref<2x8192xf32, #tpu.memory_space<vmem>>) target(%dma_start3A_1596 : memref<2x8192xf32, #tpu.memory_space<hbm>>) target_semaphore(%arg25 : memref<!tpu.dma_semaphore, #tpu.memory_space<semaphore_mem>>)
    %dma_wait3A_1597 = arith.constant 0 : i32
    %dma_wait3A_1598 = arith.constant 0 : i32
    %dma_wait3A_1599 = tpu.memref_slice %arg5[%dma_wait3A_1597, %dma_wait3A_1598] : memref<64x2xi32, #tpu.memory_space<vmem>> -> memref<1x2xi32, #tpu.memory_space<vmem>>
    %dma_wait3A_1600 = tpu.memref_squeeze %dma_wait3A_1599 : memref<1x2xi32, #tpu.memory_space<vmem>> -> memref<2xi32, #tpu.memory_space<vmem>>
    %dma_wait3A_1601 = arith.constant 0 : i32
    %dma_wait3A_1602 = arith.constant 0 : i32
    %dma_wait3A_1603 = tpu.memref_slice %arg2[%dma_wait3A_1601, %dma_wait3A_1602] : memref<8192x8192xf32, #tpu.memory_space<hbm>> -> memref<8192x8192xf32, #tpu.memory_space<hbm>>
    tpu.wait_indirect_dma semaphore(%arg19 : memref<!tpu.dma_semaphore, #tpu.memory_space<semaphore_mem>>) src(%dma_wait3A_1603 : memref<8192x8192xf32, #tpu.memory_space<hbm>>) dst(%arg12 : memref<2x8192xf32, #tpu.memory_space<vmem>>)
    %add3A_1604 = arith.constant 124 : i32
    %add3A_1605 = arith.addi %mul3A_2, %add3A_1604 : i32
    %dma_start3A_1606 = arith.constant 0 : i32
    %dma_start3A_1607 = tpu.memref_slice %arg4[%add3A_1605, %dma_start3A_1606] : memref<4096x8192xf32, #tpu.memory_space<hbm>> -> memref<2x8192xf32, #tpu.memory_space<hbm>>
    %dma_start3A_1608 = arith.constant 0 : i32
    %dma_start3A_1609 = tpu.memref_slice %arg4[%add3A_1605, %dma_start3A_1608] : memref<4096x8192xf32, #tpu.memory_space<hbm>> -> memref<2x8192xf32, #tpu.memory_space<hbm>>
    tpu.enqueue_dma source(%arg12 : memref<2x8192xf32, #tpu.memory_space<vmem>>) target(%dma_start3A_1609 : memref<2x8192xf32, #tpu.memory_space<hbm>>) target_semaphore(%arg26 : memref<!tpu.dma_semaphore, #tpu.memory_space<semaphore_mem>>)
    %dma_wait3A_1610 = arith.constant 0 : i32
    %dma_wait3A_1611 = arith.constant 0 : i32
    %dma_wait3A_1612 = tpu.memref_slice %arg5[%dma_wait3A_1610, %dma_wait3A_1611] : memref<64x2xi32, #tpu.memory_space<vmem>> -> memref<1x2xi32, #tpu.memory_space<vmem>>
    %dma_wait3A_1613 = tpu.memref_squeeze %dma_wait3A_1612 : memref<1x2xi32, #tpu.memory_space<vmem>> -> memref<2xi32, #tpu.memory_space<vmem>>
    %dma_wait3A_1614 = arith.constant 0 : i32
    %dma_wait3A_1615 = arith.constant 0 : i32
    %dma_wait3A_1616 = tpu.memref_slice %arg2[%dma_wait3A_1614, %dma_wait3A_1615] : memref<8192x8192xf32, #tpu.memory_space<hbm>> -> memref<8192x8192xf32, #tpu.memory_space<hbm>>
    tpu.wait_indirect_dma semaphore(%arg13 : memref<!tpu.dma_semaphore, #tpu.memory_space<semaphore_mem>>) src(%dma_wait3A_1616 : memref<8192x8192xf32, #tpu.memory_space<hbm>>) dst(%arg6 : memref<2x8192xf32, #tpu.memory_space<vmem>>)
    %add3A_1617 = arith.constant 126 : i32
    %add3A_1618 = arith.addi %mul3A_2, %add3A_1617 : i32
    %dma_start3A_1619 = arith.constant 0 : i32
    %dma_start3A_1620 = tpu.memref_slice %arg4[%add3A_1618, %dma_start3A_1619] : memref<4096x8192xf32, #tpu.memory_space<hbm>> -> memref<2x8192xf32, #tpu.memory_space<hbm>>
    %dma_start3A_1621 = arith.constant 0 : i32
    %dma_start3A_1622 = tpu.memref_slice %arg4[%add3A_1618, %dma_start3A_1621] : memref<4096x8192xf32, #tpu.memory_space<hbm>> -> memref<2x8192xf32, #tpu.memory_space<hbm>>
    tpu.enqueue_dma source(%arg6 : memref<2x8192xf32, #tpu.memory_space<vmem>>) target(%dma_start3A_1622 : memref<2x8192xf32, #tpu.memory_space<hbm>>) target_semaphore(%arg20 : memref<!tpu.dma_semaphore, #tpu.memory_space<semaphore_mem>>)
    %add3A_1623 = arith.constant 114 : i32
    %add3A_1624 = arith.addi %mul3A_2, %add3A_1623 : i32
    %dma_wait3A_1625 = arith.constant 0 : i32
    %dma_wait3A_1626 = tpu.memref_slice %arg4[%add3A_1624, %dma_wait3A_1625] : memref<4096x8192xf32, #tpu.memory_space<hbm>> -> memref<2x8192xf32, #tpu.memory_space<hbm>>
    %dma_wait3A_1627 = arith.constant 0 : i32
    %dma_wait3A_1628 = tpu.memref_slice %arg4[%add3A_1624, %dma_wait3A_1627] : memref<4096x8192xf32, #tpu.memory_space<hbm>> -> memref<2x8192xf32, #tpu.memory_space<hbm>>
    tpu.wait_dma2 semaphore(%arg21 : memref<!tpu.dma_semaphore, #tpu.memory_space<semaphore_mem>>) src(%arg7 : memref<2x8192xf32, #tpu.memory_space<vmem>>) dst(%dma_wait3A_1628 : memref<2x8192xf32, #tpu.memory_space<hbm>>)
    %add3A_1629 = arith.constant 116 : i32
    %add3A_1630 = arith.addi %mul3A_2, %add3A_1629 : i32
    %dma_wait3A_1631 = arith.constant 0 : i32
    %dma_wait3A_1632 = tpu.memref_slice %arg4[%add3A_1630, %dma_wait3A_1631] : memref<4096x8192xf32, #tpu.memory_space<hbm>> -> memref<2x8192xf32, #tpu.memory_space<hbm>>
    %dma_wait3A_1633 = arith.constant 0 : i32
    %dma_wait3A_1634 = tpu.memref_slice %arg4[%add3A_1630, %dma_wait3A_1633] : memref<4096x8192xf32, #tpu.memory_space<hbm>> -> memref<2x8192xf32, #tpu.memory_space<hbm>>
    tpu.wait_dma2 semaphore(%arg22 : memref<!tpu.dma_semaphore, #tpu.memory_space<semaphore_mem>>) src(%arg8 : memref<2x8192xf32, #tpu.memory_space<vmem>>) dst(%dma_wait3A_1634 : memref<2x8192xf32, #tpu.memory_space<hbm>>)
    %add3A_1635 = arith.constant 118 : i32
    %add3A_1636 = arith.addi %mul3A_2, %add3A_1635 : i32
    %dma_wait3A_1637 = arith.constant 0 : i32
    %dma_wait3A_1638 = tpu.memref_slice %arg4[%add3A_1636, %dma_wait3A_1637] : memref<4096x8192xf32, #tpu.memory_space<hbm>> -> memref<2x8192xf32, #tpu.memory_space<hbm>>
    %dma_wait3A_1639 = arith.constant 0 : i32
    %dma_wait3A_1640 = tpu.memref_slice %arg4[%add3A_1636, %dma_wait3A_1639] : memref<4096x8192xf32, #tpu.memory_space<hbm>> -> memref<2x8192xf32, #tpu.memory_space<hbm>>
    tpu.wait_dma2 semaphore(%arg23 : memref<!tpu.dma_semaphore, #tpu.memory_space<semaphore_mem>>) src(%arg9 : memref<2x8192xf32, #tpu.memory_space<vmem>>) dst(%dma_wait3A_1640 : memref<2x8192xf32, #tpu.memory_space<hbm>>)
    %add3A_1641 = arith.constant 120 : i32
    %add3A_1642 = arith.addi %mul3A_2, %add3A_1641 : i32
    %dma_wait3A_1643 = arith.constant 0 : i32
    %dma_wait3A_1644 = tpu.memref_slice %arg4[%add3A_1642, %dma_wait3A_1643] : memref<4096x8192xf32, #tpu.memory_space<hbm>> -> memref<2x8192xf32, #tpu.memory_space<hbm>>
    %dma_wait3A_1645 = arith.constant 0 : i32
    %dma_wait3A_1646 = tpu.memref_slice %arg4[%add3A_1642, %dma_wait3A_1645] : memref<4096x8192xf32, #tpu.memory_space<hbm>> -> memref<2x8192xf32, #tpu.memory_space<hbm>>
    tpu.wait_dma2 semaphore(%arg24 : memref<!tpu.dma_semaphore, #tpu.memory_space<semaphore_mem>>) src(%arg10 : memref<2x8192xf32, #tpu.memory_space<vmem>>) dst(%dma_wait3A_1646 : memref<2x8192xf32, #tpu.memory_space<hbm>>)
    %add3A_1647 = arith.constant 122 : i32
    %add3A_1648 = arith.addi %mul3A_2, %add3A_1647 : i32
    %dma_wait3A_1649 = arith.constant 0 : i32
    %dma_wait3A_1650 = tpu.memref_slice %arg4[%add3A_1648, %dma_wait3A_1649] : memref<4096x8192xf32, #tpu.memory_space<hbm>> -> memref<2x8192xf32, #tpu.memory_space<hbm>>
    %dma_wait3A_1651 = arith.constant 0 : i32
    %dma_wait3A_1652 = tpu.memref_slice %arg4[%add3A_1648, %dma_wait3A_1651] : memref<4096x8192xf32, #tpu.memory_space<hbm>> -> memref<2x8192xf32, #tpu.memory_space<hbm>>
    tpu.wait_dma2 semaphore(%arg25 : memref<!tpu.dma_semaphore, #tpu.memory_space<semaphore_mem>>) src(%arg11 : memref<2x8192xf32, #tpu.memory_space<vmem>>) dst(%dma_wait3A_1652 : memref<2x8192xf32, #tpu.memory_space<hbm>>)
    %add3A_1653 = arith.constant 124 : i32
    %add3A_1654 = arith.addi %mul3A_2, %add3A_1653 : i32
    %dma_wait3A_1655 = arith.constant 0 : i32
    %dma_wait3A_1656 = tpu.memref_slice %arg4[%add3A_1654, %dma_wait3A_1655] : memref<4096x8192xf32, #tpu.memory_space<hbm>> -> memref<2x8192xf32, #tpu.memory_space<hbm>>
    %dma_wait3A_1657 = arith.constant 0 : i32
    %dma_wait3A_1658 = tpu.memref_slice %arg4[%add3A_1654, %dma_wait3A_1657] : memref<4096x8192xf32, #tpu.memory_space<hbm>> -> memref<2x8192xf32, #tpu.memory_space<hbm>>
    tpu.wait_dma2 semaphore(%arg26 : memref<!tpu.dma_semaphore, #tpu.memory_space<semaphore_mem>>) src(%arg12 : memref<2x8192xf32, #tpu.memory_space<vmem>>) dst(%dma_wait3A_1658 : memref<2x8192xf32, #tpu.memory_space<hbm>>)
    %add3A_1659 = arith.constant 126 : i32
    %add3A_1660 = arith.addi %mul3A_2, %add3A_1659 : i32
    %dma_wait3A_1661 = arith.constant 0 : i32
    %dma_wait3A_1662 = tpu.memref_slice %arg4[%add3A_1660, %dma_wait3A_1661] : memref<4096x8192xf32, #tpu.memory_space<hbm>> -> memref<2x8192xf32, #tpu.memory_space<hbm>>
    %dma_wait3A_1663 = arith.constant 0 : i32
    %dma_wait3A_1664 = tpu.memref_slice %arg4[%add3A_1660, %dma_wait3A_1663] : memref<4096x8192xf32, #tpu.memory_space<hbm>> -> memref<2x8192xf32, #tpu.memory_space<hbm>>
    tpu.wait_dma2 semaphore(%arg20 : memref<!tpu.dma_semaphore, #tpu.memory_space<semaphore_mem>>) src(%arg6 : memref<2x8192xf32, #tpu.memory_space<vmem>>) dst(%dma_wait3A_1664 : memref<2x8192xf32, #tpu.memory_space<hbm>>)
    return
  }
}

</mosaic_0001>

<sc_bundles>
// kernel: kernel.3.cloned.1.call-start
scs
__scs_entry_jumppad:
0x0: {  	(pc) =	sbr.rel $0x88, $3  }
0x1: {  	(tag) =	ssettag $0x0;
	lr =	simm.s32 $0x1  }
0x2: {  	[smem:$0x3F9F] =	sst lr;
	_ =	strace $0xD0000000  }
0x3: {  	_ = 	snop  }
0x4: {  	_ = 	snop  }
0x5: {  	_ = 	snop  }
0x6: {  	_ = 	snop  }
0x7: {  	_ = 	snop  }
__scs_overlays_trampoline_lowered:
0x8: {  	[smem:$0x3FAE] =	sst s0  }
0x9: {  	[smem:$0x3FAF] =	sst s1  }
0xa: {  	[smem:$0x3FB0] =	sst s2  }
0xb: {  	[smem:$0x3FB1] =	sst s3  }
0xc: {  	[smem:$0x3FB2] =	sst s4  }
0xd: {  	[smem:$0x3FB3] =	sst s5  }
0xe: {  	[smem:$0x3FB4] =	sst s6  }
0xf: {  	[smem:$0x3FB5] =	sst s7  }
0x10: {  	[smem:$0x3FB6] =	sst s8  }
0x11: {  	[smem:$0x3FB7] =	sst s9;
	s0 =	simm.s32 @!p0 $0x0  }
0x12: {  	s1 =	sld [smem:$0x3F9D];
	s0 =	simm.s32 @p0 $0x1  }
0x13: {  	[smem:$0x3FB8] =	sst s0;
	s0 =	simm.s32 @!p1 $0x0  }
0x14: {  	s2 =	sld [smem:$0x3F9C];
	s0 =	simm.s32 @p1 $0x1  }
0x15: {  	[smem:$0x3FB9] =	sst s0;
	s0 =	simm.s32 @!p2 $0x0  }
0x16: {  	s3 =	sld [smem:$0x3FDB];
	s0 =	simm.s32 @p2 $0x1  }
0x17: {  	s4 =	simm.s32 $0x1BF5;
	[smem:$0x3FBB] =	sst s0  }
0x18: {  	s0 =	sld [smem:$0x3F9E];
	_ =	swait.ge [sflag:s4], $0x0  }
0x19: {  	s7 =	sld [smem:$0x3F9F]  }
0x1a: {  	s8 =	sadd.s32 $0xFFFFE003, lr  }
0x1b: {  	s9 =	sadd.s32 $0xFFFFFEF7, lr;
	s5 =	simm.s32 $0xFFFFFFFF;
	p2 =	slt.u32 s8, $0xFFFFF086  }
0x1c: {  	p1 =	slt.u32 s9, $0xF7A;
	s5 =	simm.s32 @!p2 $0x0  }
0x1d: {  	s5 =	simm.s32 @p1 $0x1;
	p0 =	seq.s32 s7, s2  }
0x1e: {  	s7 =	smul.u32 @!p0 $0xF7A, s2;
	p2 =	seq.s32 @!p0 s5, $0x0  }
0x1f: {  	s9 =	smul.u32 $0xF7A, s1;
	s8 =	simm.s32 @!p0 $0x1BF5;
	p2 =	por !p2, p0  }
0x20: {  	[sflag:s8] =	ssyncset.s32 @!p0 $0xFFFFF086;
	s6 =	sadd.s32 @!p0 s3, s7;
	s7 =	simm.s32 @!p0 $0x108  }
0x21: {  	s3 =	sadd.s32 s3, s9;
	s6 =	sadd.s32 @!p0 $0x88, s6;
	s7 =	simm.s32 @p2 $0x1082  }
0x22: {  	[simem:s7], [sflag:s8] =	dma.local @!p0 [hbm:s6], $0xF7A  }
0x23: {  	s9 =	sor.u32 $0xD0000000, s2;
	s6 =	simm.s32 $0x108;
	_ =	swait.ge @!p0 [sflag:s8], $0x0  }
0x24: {  	s3 =	sadd.s32 $0x88, s3;
	s6 =	simm.s32 @!p1 $0x1082;
	[sflag:s4] =	ssyncset.s32 $0xFFFFF086  }
0x25: {  	[simem:s6], [sflag:s4] =	dma.local [hbm:s3], $0xF7A  }
0x26: {  	[smem:$0x3F9F] =	sst s1;
	(tag) =	ssettag s2;
	_ =	strace s9  }
0x27: {  	s1 =	sld [smem:$0x3FAF]  }
0x28: {  	s2 =	sld [smem:$0x3FB0]  }
0x29: {  	s4 =	sld [smem:$0x3FB2]  }
0x2a: {  	p0 =	seq.s32 s5, $0x0;
	s5 =	sld [smem:$0x3FB3]  }
0x2b: {  	s6 =	sld [smem:$0x3FB4]  }
0x2c: {  	s7 =	sld [smem:$0x3FB5]  }
0x2d: {  	s3 =	simm.s32 $0x108;
	s8 =	sld [smem:$0x3FB6]  }
0x2e: {  	s3 =	simm.s32 @!p0 $0x1082;
	s9 =	sld [smem:$0x3FB7]  }
0x2f: {  	lr =	sadd.s32 s0, s3;
	s0 =	sld [smem:$0x3FAE]  }
0x30: {  	s3 =	sld [smem:$0x3FB1]  }
0x31: {  	[smem:$0x3FBA] =	sst s10  }
0x32: {  	s10 =	sld [smem:$0x3FB8];
	_ =	sdelay $0x3  }
0x33: {  	p0 =	seq.s32 s10, $0x1;
	s10 =	sld [smem:$0x3FBA];
	_ =	sdelay $0x3  }
0x34: {  	[smem:$0x3FBA] =	sst s10  }
0x35: {  	s10 =	sld [smem:$0x3FB9];
	_ =	sdelay $0x3  }
0x36: {  	p1 =	seq.s32 s10, $0x1;
	s10 =	sld [smem:$0x3FBA];
	_ =	sdelay $0x3  }
0x37: {  	[smem:$0x3FBA] =	sst s10  }
0x38: {  	s10 =	sld [smem:$0x3FBB]  }
0x39: {  	_ = 	snop;
	(pc) =	sbr.ind lr, $3  }
0x3a: {  	_ = 	snop  }
0x3b: {  	_ = 	snop  }
0x3c: {  	p2 =	seq.s32 s10, $0x1;
	s10 =	sld [smem:$0x3FBA]  }
0x3d: {  	_ =	shalt  }
0x3e: {  	_ =	shalt  }
0x3f: {  	_ =	shalt  }
0x40: {  	_ =	shalt  }
0x41: {  	_ =	shalt  }
0x42: {  	_ =	shalt  }
0x43: {  	_ =	shalt  }
0x44: {  	_ =	shalt  }
0x45: {  	_ =	shalt  }
0x46: {  	_ =	shalt  }
0x47: {  	_ =	shalt  }
0x48: {  	_ =	shalt  }
0x49: {  	_ =	shalt  }
0x4a: {  	_ =	shalt  }
0x4b: {  	_ =	shalt  }
0x4c: {  	_ =	shalt  }
0x4d: {  	_ =	shalt  }
0x4e: {  	_ =	shalt  }
0x4f: {  	_ =	shalt  }
0x50: {  	_ =	shalt  }
0x51: {  	_ =	shalt  }
0x52: {  	_ =	shalt  }
0x53: {  	_ =	shalt  }
0x54: {  	_ =	shalt  }
0x55: {  	_ =	shalt  }
0x56: {  	_ =	shalt  }
0x57: {  	_ =	shalt  }
0x58: {  	_ =	shalt  }
0x59: {  	_ =	shalt  }
0x5a: {  	_ =	shalt  }
0x5b: {  	_ =	shalt  }
0x5c: {  	_ =	shalt  }
0x5d: {  	_ =	shalt  }
0x5e: {  	_ =	shalt  }
0x5f: {  	_ =	shalt  }
0x60: {  	_ =	shalt  }
0x61: {  	_ =	shalt  }
0x62: {  	_ =	shalt  }
0x63: {  	_ =	shalt  }
0x64: {  	_ =	shalt  }
0x65: {  	_ =	shalt  }
0x66: {  	_ =	shalt  }
0x67: {  	_ =	shalt  }
0x68: {  	_ =	shalt  }
0x69: {  	_ =	shalt  }
0x6a: {  	_ =	shalt  }
0x6b: {  	_ =	shalt  }
0x6c: {  	_ =	shalt  }
0x6d: {  	_ =	shalt  }
0x6e: {  	_ =	shalt  }
0x6f: {  	_ =	shalt  }
0x70: {  	_ =	shalt  }
0x71: {  	_ =	shalt  }
0x72: {  	_ =	shalt  }
0x73: {  	_ =	shalt  }
0x74: {  	_ =	shalt  }
0x75: {  	_ =	shalt  }
0x76: {  	_ =	shalt  }
0x77: {  	_ =	shalt  }
0x78: {  	_ =	shalt  }
0x79: {  	_ =	shalt  }
0x7a: {  	_ =	shalt  }
0x7b: {  	_ =	shalt  }
0x7c: {  	_ =	shalt  }
0x7d: {  	_ =	shalt  }
0x7e: {  	_ =	shalt  }
0x7f: {  	_ =	shalt  }
0x80: {  	_ =	shalt  }
0x81: {  	_ =	shalt  }
0x82: {  	_ =	shalt  }
0x83: {  	_ =	shalt  }
0x84: {  	_ =	shalt  }
0x85: {  	_ =	shalt  }
0x86: {  	_ =	shalt  }
0x87: {  	_ =	shalt  }
.Lfunc_end0:
.L_simem_size_0:
called_computation_lowered:
.L_overlay_start_0:
0x88: {  	s2 =	sld [smem:$0x3FD9]  }
0x89: {  	s3 =	sld [smem:$0x3FFE];
	_ =	sdelay $0x1  }
0x8a: {  	s1 =	srdreg.scid  }
0x8b: {  	s0 =	sand.u32 $0x1, s1  }
0x8c: {  	s17 =	sshll.u32 s0, $0xA;
	s2 =	sadd.s32 s3, s2  }
0x8d: {  	s2 =	sadd.s32 s2, s17  }
0x8e: {  	[smem:$0x3FC6] =	sst s2  }
0x8f: {  	_ = 	snop  }
0x90: {  	s2 =	sld [smem:$0x3FC8]  }
0x91: {  	s18 =	sld [smem:$0x3FD0];
	(tm) =	ssettm $0x1  }
0x92: {  	s4 =	sld [smem:$0x3FFB];
	_ =	sdelay $0x3  }
0x93: {  	_ =	strace s4  }
0x94: {  	s4 =	sld [smem:$0x3FFC];
	_ =	sdelay $0x3  }
0x95: {  	_ =	strace s4  }
0x96: {  	s4 =	sld [smem:$0x3FFD];
	_ =	sdelay $0x3  }
0x97: {  	_ =	strace s4  }
0x98: {  	_ =	strace $0x8FFFFFFF  }
0x99: {  	s19 =	sld [smem:$0x3FDB];
	_ =	sdelay $0x1  }
0x9a: {  	s5 =	simm.s32 $_scs_section_size  }
0x9b: {  	s6 =	simm.s32 $_size__tile_overlayer_lowered;
	s7 =	simm.s32 $_tile_overlayer_lowered  }
0x9c: {  	s22 =	simm.s32 $0x1BFF;
	s21 =	sshll.u32 s7, $0x1;
	s4 =	sadd.s32 s5, s19  }
0x9d: {  	s8 =	simm.s32 $0x0;
	s20 =	sshll.u32 s6, $0x1;
	s6 =	sadd.s32 s21, s4  }
0x9e: {  	[timem:s8], [sflag:s22] =	dma.local [hbm:s6], s20  }
0x9f: {  	_ =	swait.ge [sflag:s22], s20  }
0xa0: {  	s5 =	ssub.s32 $0x0, s20;
	[sflag:s22] =	ssyncset.done $0x0  }
0xa1: {  	[sflag:s22] =	ssyncadd.s32 s5;
	_ =	sdelay $0x1  }
0xa2: {  	s23 =	simm.s32 $0x1B8B  }
0xa3: {  	_ =	swait.ge [sflag:s23], $0x1  }
0xa4: {  	[sflag:s23] =	ssyncset.done $0x0  }
0xa5: {  	s25 =	simm.s32 $0x1B8E;
	s24 =	sld [smem:$0x3FFE];
	[sflag:s23] =	ssyncadd.s32 $0xFFFFFFFF  }
0xa6: {  	s26 =	simm.s32 $execute0_lowered;
	[smem:$0x3FD2] =	sst s25  }
0xa7: {  	s6 =	sshll.u32 s26, $0x1;
	_ =	strace $0x80000046;
	[dreg:$0x1] =	wrdreg $0xFFFFFFFF  }
0xa8: {  	s28 =	simm.s32 $_size_execute0_lowered;
	s4 =	sadd.s32 s4, s6;
	[dreg:$0x0] =	wrdreg $0x0  }
0xa9: {  	s6 =	sshll.u32 s28, $0x1;
	[dreg:$0x2] =	wrdreg s4  }
0xaa: {  	[dreg:$0x3] =	wrdreg s6  }
0xab: {  	[dreg:$0x4] =	wrdreg $0xC0  }
0xac: {  	_ =	task [dreg:s8], $0x5FFFF  }
0xad: {  	[dreg:$0x1] =	wrdreg $0xFFFFFFFF  }
0xae: {  	[dreg:$0x0] =	wrdreg $0x60  }
0xaf: {  	[dreg:$0x2] =	wrdreg s2  }
0xb0: {  	[dreg:$0x3] =	wrdreg s24  }
0xb1: {  	[dreg:$0x4] =	wrdreg s18  }
0xb2: {  	[dreg:$0x5] =	wrdreg $0x9  }
0xb3: {  	_ =	task.clear_ibuf [dreg:s8], $0x6FFFF;
	_ =	strace $0x90000046  }
0xb4: {  	s29 =	simm.s32 $0x9;
	_ =	strace $0x80000048  }
0xb5: {  	_ =	swait.ge [sflag:s29], $0x1  }
0xb6: {  	[sflag:s29] =	ssyncadd.s32 $0xFFFFFFFF  }
0xb7: {  	_ =	strace $0x90000048  }
0xb8: {  	_ =	sfence  }
0xb9: {  	s30 =	sld [smem:$0x0];
	_ =	sdelay $0x2  }
0xba: {  	s31 =	sshll.u32 s1, $0xD;
	s1 =	sshrl.u32 s1, $0x2  }
0xbb: {  	s3 =	sand.u32 $0x4000, s31;
	s1 =	sadd.s32 s1, s30  }
0xbc: {  	s0 =	sor.u32 s3, s0;
	s1 =	sshll.u32 s1, $0x11  }
0xbd: {  	s0 =	sor.u32 s1, s0  }
0xbe: {  	s0 =	sadd.s32 $0x8F2B, s0  }
0xbf: {  	[sflag:s0] =	ssyncadd.remote.s32 $0x1  }
0xc0: {  	_ =	sfence.sel $0xFFFF  }
0xc1: {  	[dreg:$0x0] =	wrdreg $0xFFFFFFFF;
	(pc) =	sbr.abs _section_cstart, $3  }
0xc2: {  	[dreg:$0x1] =	wrdreg $0xFFFFFFFF  }
0xc3: {  	_ =	task.clear_ibuf [dreg:s8], $0x2FFFF;
	_ =	strace $0x9FFFFFFF  }
0xc4: {  	(tm) =	ssettm $0x7FFFFFFF  }
0xc5: {  	_ =	shalt  }
tec
execute0_lowered:
.L_overlay_start_1:
0x0: {  	(tag) =	ssettag $0x1  }
0x1: {  	s30 =	rddreg [dreg:$0x0]  }
0x2: {  	s0 =	srdreg.scid;
	s3 =	stileid.u32  }
0x3: {  	s2 =	rddreg [dreg:$0x1];
	s0 =	sand.u32 $0x1, s0;
	s3 =	sshll.u32 s3, $0x1  }
0x4: {  	s4 =	rddreg [dreg:$0x2];
	s5 =	sor.u32 s0, s3  }
0x5: {  	s3 =	simm.s32 $0x0;
	s6 =	sshll.u32 s5, $0xA;
	s5 =	sshll.u32 s5, $0x11  }
0x6: {  	[smem:$0x7FF] =	sst s3;
	s2 =	sadd.s32 s6, s2;
	s12 =	sadd.s32 s4, s5  }
0x7: {  	_ =	strace $0x80000047;
	s2 =	sadd.s32 $0x400, s2;
	[smem:$0x7FC] =	sst s12  }
0x8: {  	s11 =	sadd.s32 $0x20, s12;
	[dreg:$0x4] =	wrdreg s2  }
0x9: {  	s13 =	sadd.s32 $0x40, s12;
	[dreg:$0x5] =	wrdreg s11  }
0xa: {  	s14 =	sadd.s32 $0x60, s12;
	[dreg:$0x6] =	wrdreg s13  }
0xb: {  	s15 =	sadd.s32 $0x2000, s12;
	[dreg:$0x7] =	wrdreg s14  }
0xc: {  	s16 =	sadd.s32 $0x2020, s12;
	[dreg:$0x8] =	wrdreg s15  }
0xd: {  	s17 =	sadd.s32 $0x2040, s12;
	[dreg:$0x9] =	wrdreg s16  }
0xe: {  	s18 =	sadd.s32 $0x2060, s12;
	[dreg:$0xa] =	wrdreg s17  }
0xf: {  	s19 =	sadd.s32 $0x4000, s12;
	[dreg:$0xb] =	wrdreg s18  }
0x10: {  	s20 =	sadd.s32 $0x4020, s12;
	[dreg:$0xc] =	wrdreg s19  }
0x11: {  	s21 =	sadd.s32 $0x4040, s12;
	[dreg:$0xd] =	wrdreg s20  }
0x12: {  	s22 =	sadd.s32 $0x4060, s12;
	[dreg:$0xe] =	wrdreg s21  }
0x13: {  	s23 =	sadd.s32 $0x6000, s12;
	[dreg:$0xf] =	wrdreg s22  }
0x14: {  	s24 =	sadd.s32 $0x6020, s12;
	[dreg:$0x10] =	wrdreg s23  }
0x15: {  	s25 =	sadd.s32 $0x6040, s12;
	[dreg:$0x11] =	wrdreg s24  }
0x16: {  	s26 =	sadd.s32 $0x6060, s12;
	[dreg:$0x12] =	wrdreg s25  }
0x17: {  	s29 =	sadd.s32 $0x8000, s12;
	[dreg:$0x13] =	wrdreg s26  }
0x18: {  	s1 =	sadd.s32 $0x8020, s12;
	[dreg:$0x14] =	wrdreg s29  }
0x19: {  	s4 =	sadd.s32 $0x8040, s12;
	[dreg:$0x15] =	wrdreg s1  }
0x1a: {  	s5 =	sadd.s32 $0x8060, s12;
	[dreg:$0x16] =	wrdreg s4  }
0x1b: {  	s6 =	sadd.s32 $0xA000, s12;
	[dreg:$0x17] =	wrdreg s5  }
0x1c: {  	s7 =	sadd.s32 $0xA020, s12;
	[dreg:$0x18] =	wrdreg s6  }
0x1d: {  	s8 =	sadd.s32 $0xA040, s12;
	[dreg:$0x19] =	wrdreg s7  }
0x1e: {  	s9 =	sadd.s32 $0xA060, s12;
	[dreg:$0x1a] =	wrdreg s8  }
0x1f: {  	s10 =	sadd.s32 $0xC000, s12;
	[dreg:$0x1b] =	wrdreg s9  }
0x20: {  	[dreg:$0x1c] =	wrdreg s10;
	s11 =	sadd.s32 $0xC020, s12  }
0x21: {  	s13 =	sadd.s32 $0xC040, s12;
	[dreg:$0x1d] =	wrdreg s11  }
0x22: {  	s14 =	sadd.s32 $0xC060, s12;
	[dreg:$0x1e] =	wrdreg s13  }
0x23: {  	s15 =	sadd.s32 $0xE000, s12;
	[dreg:$0x1f] =	wrdreg s14  }
0x24: {  	s16 =	sadd.s32 $0xE020, s12;
	[smem:$0x7D9] =	sst s15  }
0x25: {  	s17 =	sadd.s32 $0xE040, s12;
	[smem:$0x7DA] =	sst s16  }
0x26: {  	s18 =	sadd.s32 $0xE060, s12;
	[smem:$0x7DB] =	sst s17  }
0x27: {  	s19 =	sadd.s32 $0x10000, s12;
	[smem:$0x7DC] =	sst s18  }
0x28: {  	s20 =	sadd.s32 $0x10020, s12;
	[smem:$0x7DD] =	sst s19  }
0x29: {  	s21 =	sadd.s32 $0x10040, s12;
	[smem:$0x7DE] =	sst s20  }
0x2a: {  	s22 =	sadd.s32 $0x10060, s12;
	[smem:$0x7DF] =	sst s21  }
0x2b: {  	s23 =	sadd.s32 $0x12000, s12;
	[smem:$0x7E0] =	sst s22  }
0x2c: {  	s24 =	sadd.s32 $0x12020, s12;
	[smem:$0x7E1] =	sst s23  }
0x2d: {  	s25 =	sadd.s32 $0x12040, s12;
	[smem:$0x7E2] =	sst s24  }
0x2e: {  	s26 =	sadd.s32 $0x12060, s12;
	[smem:$0x7E3] =	sst s25  }
0x2f: {  	s29 =	sadd.s32 $0x14000, s12;
	[smem:$0x7E4] =	sst s26  }
0x30: {  	s1 =	sadd.s32 $0x14020, s12;
	[smem:$0x7E5] =	sst s29  }
0x31: {  	s4 =	sadd.s32 $0x14040, s12;
	[smem:$0x7E6] =	sst s1  }
0x32: {  	s5 =	sadd.s32 $0x14060, s12;
	[smem:$0x7E7] =	sst s4  }
0x33: {  	s6 =	sadd.s32 $0x16000, s12;
	[smem:$0x7E8] =	sst s5  }
0x34: {  	s7 =	sadd.s32 $0x16020, s12;
	[smem:$0x7E9] =	sst s6  }
0x35: {  	s8 =	sadd.s32 $0x16040, s12;
	[smem:$0x7EA] =	sst s7  }
0x36: {  	s9 =	sadd.s32 $0x16060, s12;
	[smem:$0x7EB] =	sst s8  }
0x37: {  	s10 =	sadd.s32 $0x18000, s12;
	[smem:$0x7EC] =	sst s9  }
0x38: {  	[smem:$0x7ED] =	sst s10;
	s11 =	sadd.s32 $0x18020, s12  }
0x39: {  	s13 =	sadd.s32 $0x18040, s12;
	[smem:$0x7EE] =	sst s11  }
0x3a: {  	s14 =	sadd.s32 $0x18060, s12;
	[smem:$0x7EF] =	sst s13  }
0x3b: {  	s15 =	sadd.s32 $0x1A000, s12;
	[smem:$0x7F0] =	sst s14  }
0x3c: {  	s16 =	sadd.s32 $0x1A020, s12;
	[smem:$0x7F1] =	sst s15  }
0x3d: {  	s28 =	simm.s32 $0x1;
	s17 =	sadd.s32 $0x1A040, s12;
	[smem:$0x7F2] =	sst s16  }
0x3e: {  	s0 =	ssub.s32 $0x2, s0;
	s19 =	sadd.s32 $0x1A060, s12;
	[smem:$0x7F3] =	sst s17  }
0x3f: {  	s18 =	sshrl.u32 s0, $0x1;
	s20 =	sadd.s32 $0x1C000, s12;
	[smem:$0x7F4] =	sst s19  }
0x40: {  	s5 =	sadd.s32 $0x400, s30;
	s21 =	sadd.s32 $0x1C020, s12;
	[smem:$0x7F5] =	sst s20  }
0x41: {  	s6 =	sadd.s32 $0x800, s30;
	s22 =	sadd.s32 $0x1C040, s12;
	[smem:$0x7F6] =	sst s21  }
0x42: {  	s7 =	sadd.s32 $0xC00, s30;
	s23 =	sadd.s32 $0x1C060, s12;
	[smem:$0x7F7] =	sst s22  }
0x43: {  	s8 =	sadd.s32 $0x1000, s30;
	s24 =	sadd.s32 $0x1E000, s12;
	[smem:$0x7F8] =	sst s23  }
0x44: {  	s9 =	sadd.s32 $0x1400, s30;
	s25 =	sadd.s32 $0x1E020, s12;
	[smem:$0x7F9] =	sst s24  }
0x45: {  	s10 =	sadd.s32 $0x1800, s30;
	s26 =	sadd.s32 $0x1E040, s12;
	[smem:$0x7FA] =	sst s25  }
0x46: {  	v0 =	vlaneseq.u32;
	s29 =	sadd.s32 $0x1E060, s12;
	s4 =	simm.s32 $0x100;
	[smem:$0x7FB] =	sst s26  }
0x47: {  	v1 =	vshrl.u32 v0, $0x1;
	s0 =	ssub.s32 s0, s18;
	s11 =	sadd.s32 $0x1C00, s30;
	[smem:$0x7FD] =	sst s29  }
0x48: {  	vm0 =	vmmov $0xffff;
	v0 =	vand.u32 $0x1, v0;
	v1 =	vmul.u32 $0x8, v1;
	s24 =	simm.s32 $0x400;
	s18 =	simm.s32 $0x8;
	s31 =	smax.u32 s0, $0x1  }
.LBB2_1:
0x49: {  	[smem:$0x7D8] =	sst s31  }
0x4a: {  	s31 =	rddreg [dreg:$0x4]  }
0x4b: {  	[tilespmem:s3], [sflag:$0xF] =	stream.linear.gather [hbm4b:s31+s3], $0x2000, $0x38;
	[tilespmem:$0x1E000] =	vst v63  }
0x4c: {  	s31 =	simm.s32 $0xF  }
0x4d: {  	_ =	swait.ge [sflag:s31], $0x2000  }
0x4e: {  	[sflag:s31] =	ssyncset.done $0x0  }
0x4f: {  	[sflag:s31] =	ssyncadd.s32 $0xFFFFE000  }
0x50: {  	v2 =	vld.msk [tilespmem:$0x0], $0x3;
	_ =	sdelay $0x4  }
0x51: {  	v3 =	vshll.u32 v2, $0x6  }
0x52: {  	v2 =	vand.u32 $0x7, v2;
	v3 =	vand.u32 $0xFFFFFE00, v3  }
0x53: {  	v2 =	vor.u32 v2, v3  }
0x54: {  	v2 =	vperm.xlane v2, v0;
	_ =	sdelay $0x1  }
0x55: {  	v2 =	vadd.s32 v1, v2;
	_ =	sdelay $0x3  }
0x56: {  	s13 =	simm.s32 $0x2000  }
0x57: {  	[tilespmem:s13], [sflag:$0x1] =	stream.indirect_vreg.gather [hbm4b:s30+s3], $0x80, v2, vm0, $0xb8;
	[tilespmem:$0x1E000] =	vst v63  }
0x58: {  	s14 =	simm.s32 $0x2800  }
0x59: {  	[tilespmem:s14], [sflag:$0x1] =	stream.indirect_vreg.gather [hbm4b:s5+s3], $0x80, v2, vm0, $0xb8;
	[tilespmem:$0x1E000] =	vst v63  }
0x5a: {  	s13 =	simm.s32 $0x3000  }
0x5b: {  	[tilespmem:s13], [sflag:$0x1] =	stream.indirect_vreg.gather [hbm4b:s6+s3], $0x80, v2, vm0, $0xb8;
	[tilespmem:$0x1E000] =	vst v63  }
0x5c: {  	s15 =	simm.s32 $0x3800  }
0x5d: {  	[tilespmem:s15], [sflag:$0x1] =	stream.indirect_vreg.gather [hbm4b:s7+s3], $0x80, v2, vm0, $0xb8;
	[tilespmem:$0x1E000] =	vst v63  }
0x5e: {  	s16 =	simm.s32 $0x4000  }
0x5f: {  	[tilespmem:s16], [sflag:$0x1] =	stream.indirect_vreg.gather [hbm4b:s8+s3], $0x80, v2, vm0, $0xb8;
	[tilespmem:$0x1E000] =	vst v63  }
0x60: {  	s17 =	simm.s32 $0x4800  }
0x61: {  	[tilespmem:s17], [sflag:$0x1] =	stream.indirect_vreg.gather [hbm4b:s9+s3], $0x80, v2, vm0, $0xb8;
	[tilespmem:$0x1E000] =	vst v63  }
0x62: {  	s19 =	simm.s32 $0x5000  }
0x63: {  	[tilespmem:s19], [sflag:$0x1] =	stream.indirect_vreg.gather [hbm4b:s10+s3], $0x80, v2, vm0, $0xb8;
	[tilespmem:$0x1E000] =	vst v63  }
0x64: {  	s20 =	simm.s32 $0x5800  }
0x65: {  	[tilespmem:s20], [sflag:$0x1] =	stream.indirect_vreg.gather [hbm4b:s11+s3], $0x80, v2, vm0, $0xb8;
	[tilespmem:$0x1E000] =	vst v63  }
0x66: {  	v2 =	vld.msk [tilespmem:$0x80], $0x3;
	_ =	sdelay $0x4  }
0x67: {  	v3 =	vshll.u32 v2, $0x6  }
0x68: {  	v2 =	vand.u32 $0x7, v2;
	v3 =	vand.u32 $0xFFFFFE00, v3  }
0x69: {  	v2 =	vor.u32 v2, v3  }
0x6a: {  	v2 =	vperm.xlane v2, v0;
	_ =	sdelay $0x1  }
0x6b: {  	v2 =	vadd.s32 v1, v2;
	_ =	sdelay $0x3  }
0x6c: {  	s31 =	simm.s32 $0x6000  }
0x6d: {  	[tilespmem:s31], [sflag:$0x2] =	stream.indirect_vreg.gather [hbm4b:s30+s3], $0x80, v2, vm0, $0xb8;
	[tilespmem:$0x1E000] =	vst v63  }
0x6e: {  	s21 =	simm.s32 $0x6800  }
0x6f: {  	[tilespmem:s21], [sflag:$0x2] =	stream.indirect_vreg.gather [hbm4b:s5+s3], $0x80, v2, vm0, $0xb8;
	[tilespmem:$0x1E000] =	vst v63  }
0x70: {  	s22 =	simm.s32 $0x7000  }
0x71: {  	[tilespmem:s22], [sflag:$0x2] =	stream.indirect_vreg.gather [hbm4b:s6+s3], $0x80, v2, vm0, $0xb8;
	[tilespmem:$0x1E000] =	vst v63  }
0x72: {  	s26 =	simm.s32 $0x7800  }
0x73: {  	[tilespmem:s26], [sflag:$0x2] =	stream.indirect_vreg.gather [hbm4b:s7+s3], $0x80, v2, vm0, $0xb8;
	[tilespmem:$0x1E000] =	vst v63  }
0x74: {  	s29 =	simm.s32 $0x8000  }
0x75: {  	[tilespmem:s29], [sflag:$0x2] =	stream.indirect_vreg.gather [hbm4b:s8+s3], $0x80, v2, vm0, $0xb8;
	[tilespmem:$0x1E000] =	vst v63  }
0x76: {  	s0 =	simm.s32 $0x8800  }
0x77: {  	[tilespmem:s0], [sflag:$0x2] =	stream.indirect_vreg.gather [hbm4b:s9+s3], $0x80, v2, vm0, $0xb8;
	[tilespmem:$0x1E000] =	vst v63  }
0x78: {  	s12 =	simm.s32 $0x9000  }
0x79: {  	[tilespmem:s12], [sflag:$0x2] =	stream.indirect_vreg.gather [hbm4b:s10+s3], $0x80, v2, vm0, $0xb8;
	[tilespmem:$0x1E000] =	vst v63  }
0x7a: {  	s15 =	simm.s32 $0x9800  }
0x7b: {  	[tilespmem:s15], [sflag:$0x2] =	stream.indirect_vreg.gather [hbm4b:s11+s3], $0x80, v2, vm0, $0xb8;
	[tilespmem:$0x1E000] =	vst v63  }
0x7c: {  	v2 =	vld.msk [tilespmem:$0x100], $0x3;
	_ =	sdelay $0x4  }
0x7d: {  	v3 =	vshll.u32 v2, $0x6  }
0x7e: {  	v2 =	vand.u32 $0x7, v2;
	v3 =	vand.u32 $0xFFFFFE00, v3  }
0x7f: {  	v2 =	vor.u32 v2, v3  }
0x80: {  	v2 =	vperm.xlane v2, v0;
	_ =	sdelay $0x1  }
0x81: {  	v2 =	vadd.s32 v1, v2;
	_ =	sdelay $0x3  }
0x82: {  	s31 =	simm.s32 $0xA000  }
0x83: {  	[tilespmem:s31], [sflag:$0x3] =	stream.indirect_vreg.gather [hbm4b:s30+s3], $0x80, v2, vm0, $0xb8;
	[tilespmem:$0x1E000] =	vst v63  }
0x84: {  	s16 =	simm.s32 $0xA800  }
0x85: {  	[tilespmem:s16], [sflag:$0x3] =	stream.indirect_vreg.gather [hbm4b:s5+s3], $0x80, v2, vm0, $0xb8;
	[tilespmem:$0x1E000] =	vst v63  }
0x86: {  	s17 =	simm.s32 $0xB000  }
0x87: {  	[tilespmem:s17], [sflag:$0x3] =	stream.indirect_vreg.gather [hbm4b:s6+s3], $0x80, v2, vm0, $0xb8;
	[tilespmem:$0x1E000] =	vst v63  }
0x88: {  	s20 =	simm.s32 $0xB800  }
0x89: {  	[tilespmem:s20], [sflag:$0x3] =	stream.indirect_vreg.gather [hbm4b:s7+s3], $0x80, v2, vm0, $0xb8;
	[tilespmem:$0x1E000] =	vst v63  }
0x8a: {  	s22 =	simm.s32 $0xC000  }
0x8b: {  	[tilespmem:s22], [sflag:$0x3] =	stream.indirect_vreg.gather [hbm4b:s8+s3], $0x80, v2, vm0, $0xb8;
	[tilespmem:$0x1E000] =	vst v63  }
0x8c: {  	s26 =	simm.s32 $0xC800  }
0x8d: {  	[tilespmem:s26], [sflag:$0x3] =	stream.indirect_vreg.gather [hbm4b:s9+s3], $0x80, v2, vm0, $0xb8;
	[tilespmem:$0x1E000] =	vst v63  }
0x8e: {  	s29 =	simm.s32 $0xD000  }
0x8f: {  	[tilespmem:s29], [sflag:$0x3] =	stream.indirect_vreg.gather [hbm4b:s10+s3], $0x80, v2, vm0, $0xb8;
	[tilespmem:$0x1E000] =	vst v63  }
0x90: {  	s0 =	simm.s32 $0xD800  }
0x91: {  	[tilespmem:s0], [sflag:$0x3] =	stream.indirect_vreg.gather [hbm4b:s11+s3], $0x80, v2, vm0, $0xb8;
	[tilespmem:$0x1E000] =	vst v63  }
0x92: {  	v2 =	vld.msk [tilespmem:$0x180], $0x3;
	_ =	sdelay $0x4  }
0x93: {  	v3 =	vshll.u32 v2, $0x6  }
0x94: {  	v2 =	vand.u32 $0x7, v2;
	v3 =	vand.u32 $0xFFFFFE00, v3  }
0x95: {  	v2 =	vor.u32 v2, v3  }
0x96: {  	v2 =	vperm.xlane v2, v0;
	_ =	sdelay $0x1  }
0x97: {  	v2 =	vadd.s32 v1, v2;
	_ =	sdelay $0x3  }
0x98: {  	s31 =	simm.s32 $0xE000  }
0x99: {  	[tilespmem:s31], [sflag:$0x4] =	stream.indirect_vreg.gather [hbm4b:s30+s3], $0x80, v2, vm0, $0xb8;
	[tilespmem:$0x1E000] =	vst v63  }
0x9a: {  	s12 =	simm.s32 $0xE800  }
0x9b: {  	[tilespmem:s12], [sflag:$0x4] =	stream.indirect_vreg.gather [hbm4b:s5+s3], $0x80, v2, vm0, $0xb8;
	[tilespmem:$0x1E000] =	vst v63  }
0x9c: {  	s15 =	simm.s32 $0xF000  }
0x9d: {  	[tilespmem:s15], [sflag:$0x4] =	stream.indirect_vreg.gather [hbm4b:s6+s3], $0x80, v2, vm0, $0xb8;
	[tilespmem:$0x1E000] =	vst v63  }
0x9e: {  	s17 =	simm.s32 $0xF800  }
0x9f: {  	[tilespmem:s17], [sflag:$0x4] =	stream.indirect_vreg.gather [hbm4b:s7+s3], $0x80, v2, vm0, $0xb8;
	[tilespmem:$0x1E000] =	vst v63  }
0xa0: {  	s22 =	simm.s32 $0x10000  }
0xa1: {  	[tilespmem:s22], [sflag:$0x4] =	stream.indirect_vreg.gather [hbm4b:s8+s3], $0x80, v2, vm0, $0xb8;
	[tilespmem:$0x1E000] =	vst v63  }
0xa2: {  	s26 =	simm.s32 $0x10800  }
0xa3: {  	[tilespmem:s26], [sflag:$0x4] =	stream.indirect_vreg.gather [hbm4b:s9+s3], $0x80, v2, vm0, $0xb8;
	[tilespmem:$0x1E000] =	vst v63  }
0xa4: {  	s0 =	simm.s32 $0x11000  }
0xa5: {  	[tilespmem:s0], [sflag:$0x4] =	stream.indirect_vreg.gather [hbm4b:s10+s3], $0x80, v2, vm0, $0xb8;
	[tilespmem:$0x1E000] =	vst v63  }
0xa6: {  	s12 =	simm.s32 $0x11800  }
0xa7: {  	[tilespmem:s12], [sflag:$0x4] =	stream.indirect_vreg.gather [hbm4b:s11+s3], $0x80, v2, vm0, $0xb8;
	[tilespmem:$0x1E000] =	vst v63  }
0xa8: {  	v2 =	vld.msk [tilespmem:$0x200], $0x3;
	_ =	sdelay $0x4  }
0xa9: {  	v3 =	vshll.u32 v2, $0x6  }
0xaa: {  	v2 =	vand.u32 $0x7, v2;
	v3 =	vand.u32 $0xFFFFFE00, v3  }
0xab: {  	v2 =	vor.u32 v2, v3  }
0xac: {  	v2 =	vperm.xlane v2, v0;
	_ =	sdelay $0x1  }
0xad: {  	v2 =	vadd.s32 v1, v2;
	_ =	sdelay $0x3  }
0xae: {  	s15 =	simm.s32 $0x12000  }
0xaf: {  	[tilespmem:s15], [sflag:$0x5] =	stream.indirect_vreg.gather [hbm4b:s30+s3], $0x80, v2, vm0, $0xb8;
	[tilespmem:$0x1E000] =	vst v63  }
0xb0: {  	s17 =	simm.s32 $0x12800  }
0xb1: {  	[tilespmem:s17], [sflag:$0x5] =	stream.indirect_vreg.gather [hbm4b:s5+s3], $0x80, v2, vm0, $0xb8;
	[tilespmem:$0x1E000] =	vst v63  }
0xb2: {  	s22 =	simm.s32 $0x13000  }
0xb3: {  	[tilespmem:s22], [sflag:$0x5] =	stream.indirect_vreg.gather [hbm4b:s6+s3], $0x80, v2, vm0, $0xb8;
	[tilespmem:$0x1E000] =	vst v63  }
0xb4: {  	s26 =	simm.s32 $0x13800  }
0xb5: {  	[tilespmem:s26], [sflag:$0x5] =	stream.indirect_vreg.gather [hbm4b:s7+s3], $0x80, v2, vm0, $0xb8;
	[tilespmem:$0x1E000] =	vst v63  }
0xb6: {  	s0 =	simm.s32 $0x14000  }
0xb7: {  	[tilespmem:s0], [sflag:$0x5] =	stream.indirect_vreg.gather [hbm4b:s8+s3], $0x80, v2, vm0, $0xb8;
	[tilespmem:$0x1E000] =	vst v63  }
0xb8: {  	s12 =	simm.s32 $0x14800  }
0xb9: {  	[tilespmem:s12], [sflag:$0x5] =	stream.indirect_vreg.gather [hbm4b:s9+s3], $0x80, v2, vm0, $0xb8;
	[tilespmem:$0x1E000] =	vst v63  }
0xba: {  	s17 =	simm.s32 $0x15000  }
0xbb: {  	[tilespmem:s17], [sflag:$0x5] =	stream.indirect_vreg.gather [hbm4b:s10+s3], $0x80, v2, vm0, $0xb8;
	[tilespmem:$0x1E000] =	vst v63  }
0xbc: {  	s26 =	simm.s32 $0x15800  }
0xbd: {  	[tilespmem:s26], [sflag:$0x5] =	stream.indirect_vreg.gather [hbm4b:s11+s3], $0x80, v2, vm0, $0xb8;
	[tilespmem:$0x1E000] =	vst v63  }
0xbe: {  	v2 =	vld.msk [tilespmem:$0x280], $0x3;
	_ =	sdelay $0x4  }
0xbf: {  	v3 =	vshll.u32 v2, $0x6  }
0xc0: {  	v2 =	vand.u32 $0x7, v2;
	v3 =	vand.u32 $0xFFFFFE00, v3  }
0xc1: {  	v2 =	vor.u32 v2, v3  }
0xc2: {  	v2 =	vperm.xlane v2, v0;
	_ =	sdelay $0x1  }
0xc3: {  	v2 =	vadd.s32 v1, v2;
	_ =	sdelay $0x3  }
0xc4: {  	s0 =	simm.s32 $0x16000  }
0xc5: {  	[tilespmem:s0], [sflag:$0x6] =	stream.indirect_vreg.gather [hbm4b:s30+s3], $0x80, v2, vm0, $0xb8;
	[tilespmem:$0x1E000] =	vst v63  }
0xc6: {  	s12 =	simm.s32 $0x16800  }
0xc7: {  	[tilespmem:s12], [sflag:$0x6] =	stream.indirect_vreg.gather [hbm4b:s5+s3], $0x80, v2, vm0, $0xb8;
	[tilespmem:$0x1E000] =	vst v63  }
0xc8: {  	s17 =	simm.s32 $0x17000  }
0xc9: {  	[tilespmem:s17], [sflag:$0x6] =	stream.indirect_vreg.gather [hbm4b:s6+s3], $0x80, v2, vm0, $0xb8;
	[tilespmem:$0x1E000] =	vst v63  }
0xca: {  	s26 =	simm.s32 $0x17800  }
0xcb: {  	[tilespmem:s26], [sflag:$0x6] =	stream.indirect_vreg.gather [hbm4b:s7+s3], $0x80, v2, vm0, $0xb8;
	[tilespmem:$0x1E000] =	vst v63  }
0xcc: {  	s0 =	simm.s32 $0x18000  }
0xcd: {  	[tilespmem:s0], [sflag:$0x6] =	stream.indirect_vreg.gather [hbm4b:s8+s3], $0x80, v2, vm0, $0xb8;
	[tilespmem:$0x1E000] =	vst v63  }
0xce: {  	s17 =	simm.s32 $0x18800  }
0xcf: {  	[tilespmem:s17], [sflag:$0x6] =	stream.indirect_vreg.gather [hbm4b:s9+s3], $0x80, v2, vm0, $0xb8;
	[tilespmem:$0x1E000] =	vst v63  }
0xd0: {  	s26 =	simm.s32 $0x19000  }
0xd1: {  	[tilespmem:s26], [sflag:$0x6] =	stream.indirect_vreg.gather [hbm4b:s10+s3], $0x80, v2, vm0, $0xb8;
	[tilespmem:$0x1E000] =	vst v63  }
0xd2: {  	s0 =	simm.s32 $0x19800  }
0xd3: {  	[tilespmem:s0], [sflag:$0x6] =	stream.indirect_vreg.gather [hbm4b:s11+s3], $0x80, v2, vm0, $0xb8;
	[tilespmem:$0x1E000] =	vst v63  }
0xd4: {  	_ =	swait.ge [sflag:s28], $0x4000  }
0xd5: {  	s31 =	sld [smem:$0x7FC]  }
0xd6: {  	[sflag:s28] =	ssyncset.done $0x0  }
0xd7: {  	s17 =	simm.s32 $0x2000;
	[sflag:s28] =	ssyncadd.s32 $0xFFFFC000  }
0xd8: {  	[hbm4b:s31+s4] =	stream.strided.scatter [tilespmem:s17], [sflag:$0x8], $0x4000, s24, s4, $0x38;
	[tilespmem:$0x1E000] =	vst v63  }
0xd9: {  	v2 =	vld.msk [tilespmem:$0x300], $0x3;
	_ =	sdelay $0x4  }
0xda: {  	v3 =	vshll.u32 v2, $0x6  }
0xdb: {  	v2 =	vand.u32 $0x7, v2;
	v3 =	vand.u32 $0xFFFFFE00, v3  }
0xdc: {  	v2 =	vor.u32 v2, v3  }
0xdd: {  	v2 =	vperm.xlane v2, v0;
	_ =	sdelay $0x1  }
0xde: {  	v2 =	vadd.s32 v1, v2;
	_ =	sdelay $0x3  }
0xdf: {  	s31 =	simm.s32 $0x1A000  }
0xe0: {  	[tilespmem:s31], [sflag:$0x7] =	stream.indirect_vreg.gather [hbm4b:s30+s3], $0x80, v2, vm0, $0xb8;
	[tilespmem:$0x1E000] =	vst v63  }
0xe1: {  	s31 =	simm.s32 $0x1A800  }
0xe2: {  	[tilespmem:s31], [sflag:$0x7] =	stream.indirect_vreg.gather [hbm4b:s5+s3], $0x80, v2, vm0, $0xb8;
	[tilespmem:$0x1E000] =	vst v63  }
0xe3: {  	s31 =	simm.s32 $0x1B000  }
0xe4: {  	[tilespmem:s31], [sflag:$0x7] =	stream.indirect_vreg.gather [hbm4b:s6+s3], $0x80, v2, vm0, $0xb8;
	[tilespmem:$0x1E000] =	vst v63  }
0xe5: {  	s31 =	simm.s32 $0x1B800  }
0xe6: {  	[tilespmem:s31], [sflag:$0x7] =	stream.indirect_vreg.gather [hbm4b:s7+s3], $0x80, v2, vm0, $0xb8;
	[tilespmem:$0x1E000] =	vst v63  }
0xe7: {  	s31 =	simm.s32 $0x1C000  }
0xe8: {  	[tilespmem:s31], [sflag:$0x7] =	stream.indirect_vreg.gather [hbm4b:s8+s3], $0x80, v2, vm0, $0xb8;
	[tilespmem:$0x1E000] =	vst v63  }
0xe9: {  	s31 =	simm.s32 $0x1C800  }
0xea: {  	[tilespmem:s31], [sflag:$0x7] =	stream.indirect_vreg.gather [hbm4b:s9+s3], $0x80, v2, vm0, $0xb8;
	[tilespmem:$0x1E000] =	vst v63  }
0xeb: {  	s31 =	simm.s32 $0x1D000  }
0xec: {  	[tilespmem:s31], [sflag:$0x7] =	stream.indirect_vreg.gather [hbm4b:s10+s3], $0x80, v2, vm0, $0xb8;
	[tilespmem:$0x1E000] =	vst v63  }
0xed: {  	s0 =	simm.s32 $0x2;
	s31 =	simm.s32 $0x1D800  }
0xee: {  	[tilespmem:s31], [sflag:$0x7] =	stream.indirect_vreg.gather [hbm4b:s11+s3], $0x80, v2, vm0, $0xb8;
	[tilespmem:$0x1E000] =	vst v63  }
0xef: {  	_ =	swait.ge [sflag:s0], $0x4000  }
0xf0: {  	[sflag:s0] =	ssyncset.done $0x0  }
0xf1: {  	s26 =	simm.s32 $0x6000;
	s31 =	rddreg [dreg:$0x5];
	[sflag:s0] =	ssyncadd.s32 $0xFFFFC000  }
0xf2: {  	[hbm4b:s31+s4] =	stream.strided.scatter [tilespmem:s26], [sflag:$0x9], $0x4000, s24, s4, $0x38;
	[tilespmem:$0x1E000] =	vst v63  }
0xf3: {  	_ =	swait.ge [sflag:s18], $0x4000  }
0xf4: {  	[sflag:s18] =	ssyncset.done $0x0  }
0xf5: {  	[sflag:s18] =	ssyncadd.s32 $0xFFFFC000  }
0xf6: {  	v2 =	vld.msk [tilespmem:$0x380], $0x3;
	_ =	sdelay $0x4  }
0xf7: {  	v3 =	vshll.u32 v2, $0x6  }
0xf8: {  	v2 =	vand.u32 $0x7, v2;
	v3 =	vand.u32 $0xFFFFFE00, v3  }
0xf9: {  	v2 =	vor.u32 v2, v3  }
0xfa: {  	v2 =	vperm.xlane v2, v0;
	_ =	sdelay $0x1  }
0xfb: {  	v2 =	vadd.s32 v1, v2;
	_ =	sdelay $0x4  }
0xfc: {  	[tilespmem:s17], [sflag:$0x1] =	stream.indirect_vreg.gather [hbm4b:s30+s3], $0x80, v2, vm0, $0xb8;
	[tilespmem:$0x1E000] =	vst v63  }
0xfd: {  	s23 =	simm.s32 $0x2800  }
0xfe: {  	[tilespmem:s23], [sflag:$0x1] =	stream.indirect_vreg.gather [hbm4b:s5+s3], $0x80, v2, vm0, $0xb8;
	[tilespmem:$0x1E000] =	vst v63  }
0xff: {  	s25 =	simm.s32 $0x3000  }
0x100: {  	[tilespmem:s25], [sflag:$0x1] =	stream.indirect_vreg.gather [hbm4b:s6+s3], $0x80, v2, vm0, $0xb8;
	[tilespmem:$0x1E000] =	vst v63  }
0x101: {  	s2 =	simm.s32 $0x3800  }
0x102: {  	[tilespmem:s2], [sflag:$0x1] =	stream.indirect_vreg.gather [hbm4b:s7+s3], $0x80, v2, vm0, $0xb8;
	[tilespmem:$0x1E000] =	vst v63  }
0x103: {  	s2 =	simm.s32 $0x4000  }
0x104: {  	[tilespmem:s2], [sflag:$0x1] =	stream.indirect_vreg.gather [hbm4b:s8+s3], $0x80, v2, vm0, $0xb8;
	[tilespmem:$0x1E000] =	vst v63  }
0x105: {  	s17 =	simm.s32 $0x4800  }
0x106: {  	[tilespmem:s17], [sflag:$0x1] =	stream.indirect_vreg.gather [hbm4b:s9+s3], $0x80, v2, vm0, $0xb8;
	[tilespmem:$0x1E000] =	vst v63  }
0x107: {  	s25 =	simm.s32 $0x5000  }
0x108: {  	[tilespmem:s25], [sflag:$0x1] =	stream.indirect_vreg.gather [hbm4b:s10+s3], $0x80, v2, vm0, $0xb8;
	[tilespmem:$0x1E000] =	vst v63  }
0x109: {  	s14 =	simm.s32 $0x5800;
	s23 =	simm.s32 $0x3  }
0x10a: {  	[tilespmem:s14], [sflag:$0x1] =	stream.indirect_vreg.gather [hbm4b:s11+s3], $0x80, v2, vm0, $0xb8;
	[tilespmem:$0x1E000] =	vst v63  }
0x10b: {  	_ =	swait.ge [sflag:s23], $0x4000  }
0x10c: {  	s13 =	simm.s32 $0xA000;
	[sflag:s23] =	ssyncset.done $0x0  }
0x10d: {  	s17 =	simm.s32 $0x9;
	s31 =	rddreg [dreg:$0x6];
	[sflag:s23] =	ssyncadd.s32 $0xFFFFC000  }
0x10e: {  	[hbm4b:s31+s4] =	stream.strided.scatter [tilespmem:s13], [sflag:$0xA], $0x4000, s24, s4, $0x38;
	[tilespmem:$0x1E000] =	vst v63  }
0x10f: {  	_ =	swait.ge [sflag:s17], $0x4000  }
0x110: {  	[sflag:s17] =	ssyncset.done $0x0  }
0x111: {  	[sflag:s17] =	ssyncadd.s32 $0xFFFFC000  }
0x112: {  	v2 =	vld.msk [tilespmem:$0x400], $0x3;
	_ =	sdelay $0x4  }
0x113: {  	v3 =	vshll.u32 v2, $0x6  }
0x114: {  	v2 =	vand.u32 $0x7, v2;
	v3 =	vand.u32 $0xFFFFFE00, v3  }
0x115: {  	v2 =	vor.u32 v2, v3  }
0x116: {  	v2 =	vperm.xlane v2, v0;
	_ =	sdelay $0x1  }
0x117: {  	v2 =	vadd.s32 v1, v2;
	_ =	sdelay $0x4  }
0x118: {  	[tilespmem:s26], [sflag:$0x2] =	stream.indirect_vreg.gather [hbm4b:s30+s3], $0x80, v2, vm0, $0xb8;
	[tilespmem:$0x1E000] =	vst v63  }
0x119: {  	s1 =	simm.s32 $0x6800  }
0x11a: {  	[tilespmem:s1], [sflag:$0x2] =	stream.indirect_vreg.gather [hbm4b:s5+s3], $0x80, v2, vm0, $0xb8;
	[tilespmem:$0x1E000] =	vst v63  }
0x11b: {  	s19 =	simm.s32 $0x7000  }
0x11c: {  	[tilespmem:s19], [sflag:$0x2] =	stream.indirect_vreg.gather [hbm4b:s6+s3], $0x80, v2, vm0, $0xb8;
	[tilespmem:$0x1E000] =	vst v63  }
0x11d: {  	s26 =	simm.s32 $0x7800  }
0x11e: {  	[tilespmem:s26], [sflag:$0x2] =	stream.indirect_vreg.gather [hbm4b:s7+s3], $0x80, v2, vm0, $0xb8;
	[tilespmem:$0x1E000] =	vst v63  }
0x11f: {  	s1 =	simm.s32 $0x8000  }
0x120: {  	[tilespmem:s1], [sflag:$0x2] =	stream.indirect_vreg.gather [hbm4b:s8+s3], $0x80, v2, vm0, $0xb8;
	[tilespmem:$0x1E000] =	vst v63  }
0x121: {  	s14 =	simm.s32 $0x8800  }
0x122: {  	[tilespmem:s14], [sflag:$0x2] =	stream.indirect_vreg.gather [hbm4b:s9+s3], $0x80, v2, vm0, $0xb8;
	[tilespmem:$0x1E000] =	vst v63  }
0x123: {  	s19 =	simm.s32 $0x9000  }
0x124: {  	[tilespmem:s19], [sflag:$0x2] =	stream.indirect_vreg.gather [hbm4b:s10+s3], $0x80, v2, vm0, $0xb8;
	[tilespmem:$0x1E000] =	vst v63  }
0x125: {  	s26 =	simm.s32 $0x9800;
	s1 =	simm.s32 $0x4  }
0x126: {  	[tilespmem:s26], [sflag:$0x2] =	stream.indirect_vreg.gather [hbm4b:s11+s3], $0x80, v2, vm0, $0xb8;
	[tilespmem:$0x1E000] =	vst v63  }
0x127: {  	_ =	swait.ge [sflag:s1], $0x4000  }
0x128: {  	s14 =	simm.s32 $0xE000;
	[sflag:s1] =	ssyncset.done $0x0  }
0x129: {  	s19 =	simm.s32 $0xA;
	s31 =	rddreg [dreg:$0x7];
	[sflag:s1] =	ssyncadd.s32 $0xFFFFC000  }
0x12a: {  	[hbm4b:s31+s4] =	stream.strided.scatter [tilespmem:s14], [sflag:$0xB], $0x4000, s24, s4, $0x38;
	[tilespmem:$0x1E000] =	vst v63  }
0x12b: {  	_ =	swait.ge [sflag:s19], $0x4000  }
0x12c: {  	[sflag:s19] =	ssyncset.done $0x0  }
0x12d: {  	[sflag:s19] =	ssyncadd.s32 $0xFFFFC000  }
0x12e: {  	v2 =	vld.msk [tilespmem:$0x480], $0x3;
	_ =	sdelay $0x4  }
0x12f: {  	v3 =	vshll.u32 v2, $0x6  }
0x130: {  	v2 =	vand.u32 $0x7, v2;
	v3 =	vand.u32 $0xFFFFFE00, v3  }
0x131: {  	v2 =	vor.u32 v2, v3  }
0x132: {  	v2 =	vperm.xlane v2, v0;
	_ =	sdelay $0x1  }
0x133: {  	v2 =	vadd.s32 v1, v2;
	_ =	sdelay $0x4  }
0x134: {  	[tilespmem:s13], [sflag:$0x3] =	stream.indirect_vreg.gather [hbm4b:s30+s3], $0x80, v2, vm0, $0xb8;
	[tilespmem:$0x1E000] =	vst v63  }
0x135: {  	s16 =	simm.s32 $0xA800  }
0x136: {  	[tilespmem:s16], [sflag:$0x3] =	stream.indirect_vreg.gather [hbm4b:s5+s3], $0x80, v2, vm0, $0xb8;
	[tilespmem:$0x1E000] =	vst v63  }
0x137: {  	s21 =	simm.s32 $0xB000  }
0x138: {  	[tilespmem:s21], [sflag:$0x3] =	stream.indirect_vreg.gather [hbm4b:s6+s3], $0x80, v2, vm0, $0xb8;
	[tilespmem:$0x1E000] =	vst v63  }
0x139: {  	s13 =	simm.s32 $0xB800  }
0x13a: {  	[tilespmem:s13], [sflag:$0x3] =	stream.indirect_vreg.gather [hbm4b:s7+s3], $0x80, v2, vm0, $0xb8;
	[tilespmem:$0x1E000] =	vst v63  }
0x13b: {  	s16 =	simm.s32 $0xC000  }
0x13c: {  	[tilespmem:s16], [sflag:$0x3] =	stream.indirect_vreg.gather [hbm4b:s8+s3], $0x80, v2, vm0, $0xb8;
	[tilespmem:$0x1E000] =	vst v63  }
0x13d: {  	s21 =	simm.s32 $0xC800  }
0x13e: {  	[tilespmem:s21], [sflag:$0x3] =	stream.indirect_vreg.gather [hbm4b:s9+s3], $0x80, v2, vm0, $0xb8;
	[tilespmem:$0x1E000] =	vst v63  }
0x13f: {  	s26 =	simm.s32 $0xD000  }
0x140: {  	[tilespmem:s26], [sflag:$0x3] =	stream.indirect_vreg.gather [hbm4b:s10+s3], $0x80, v2, vm0, $0xb8;
	[tilespmem:$0x1E000] =	vst v63  }
0x141: {  	s13 =	simm.s32 $0xD800;
	s26 =	simm.s32 $0x5  }
0x142: {  	[tilespmem:s13], [sflag:$0x3] =	stream.indirect_vreg.gather [hbm4b:s11+s3], $0x80, v2, vm0, $0xb8;
	[tilespmem:$0x1E000] =	vst v63  }
0x143: {  	_ =	swait.ge [sflag:s26], $0x4000  }
0x144: {  	s21 =	simm.s32 $0xB;
	[sflag:s26] =	ssyncset.done $0x0  }
0x145: {  	s13 =	simm.s32 $0x12000;
	s31 =	rddreg [dreg:$0x8];
	[sflag:s26] =	ssyncadd.s32 $0xFFFFC000  }
0x146: {  	[hbm4b:s31+s4] =	stream.strided.scatter [tilespmem:s13], [sflag:$0xC], $0x4000, s24, s4, $0x38;
	[tilespmem:$0x1E000] =	vst v63  }
0x147: {  	_ =	swait.ge [sflag:s21], $0x4000  }
0x148: {  	[sflag:s21] =	ssyncset.done $0x0  }
0x149: {  	[sflag:s21] =	ssyncadd.s32 $0xFFFFC000  }
0x14a: {  	v2 =	vld.msk [tilespmem:$0x500], $0x3;
	_ =	sdelay $0x4  }
0x14b: {  	v3 =	vshll.u32 v2, $0x6  }
0x14c: {  	v2 =	vand.u32 $0x7, v2;
	v3 =	vand.u32 $0xFFFFFE00, v3  }
0x14d: {  	v2 =	vor.u32 v2, v3  }
0x14e: {  	v2 =	vperm.xlane v2, v0;
	_ =	sdelay $0x1  }
0x14f: {  	v2 =	vadd.s32 v1, v2;
	_ =	sdelay $0x4  }
0x150: {  	[tilespmem:s14], [sflag:$0x4] =	stream.indirect_vreg.gather [hbm4b:s30+s3], $0x80, v2, vm0, $0xb8;
	[tilespmem:$0x1E000] =	vst v63  }
0x151: {  	s20 =	simm.s32 $0xE800  }
0x152: {  	[tilespmem:s20], [sflag:$0x4] =	stream.indirect_vreg.gather [hbm4b:s5+s3], $0x80, v2, vm0, $0xb8;
	[tilespmem:$0x1E000] =	vst v63  }
0x153: {  	s29 =	simm.s32 $0xF000  }
0x154: {  	[tilespmem:s29], [sflag:$0x4] =	stream.indirect_vreg.gather [hbm4b:s6+s3], $0x80, v2, vm0, $0xb8;
	[tilespmem:$0x1E000] =	vst v63  }
0x155: {  	s14 =	simm.s32 $0xF800  }
0x156: {  	[tilespmem:s14], [sflag:$0x4] =	stream.indirect_vreg.gather [hbm4b:s7+s3], $0x80, v2, vm0, $0xb8;
	[tilespmem:$0x1E000] =	vst v63  }
0x157: {  	s20 =	simm.s32 $0x10000  }
0x158: {  	[tilespmem:s20], [sflag:$0x4] =	stream.indirect_vreg.gather [hbm4b:s8+s3], $0x80, v2, vm0, $0xb8;
	[tilespmem:$0x1E000] =	vst v63  }
0x159: {  	s29 =	simm.s32 $0x10800  }
0x15a: {  	[tilespmem:s29], [sflag:$0x4] =	stream.indirect_vreg.gather [hbm4b:s9+s3], $0x80, v2, vm0, $0xb8;
	[tilespmem:$0x1E000] =	vst v63  }
0x15b: {  	s14 =	simm.s32 $0x11000  }
0x15c: {  	[tilespmem:s14], [sflag:$0x4] =	stream.indirect_vreg.gather [hbm4b:s10+s3], $0x80, v2, vm0, $0xb8;
	[tilespmem:$0x1E000] =	vst v63  }
0x15d: {  	s20 =	simm.s32 $0x11800  }
0x15e: {  	[tilespmem:s20], [sflag:$0x4] =	stream.indirect_vreg.gather [hbm4b:s11+s3], $0x80, v2, vm0, $0xb8;
	[tilespmem:$0x1E000] =	vst v63  }
0x15f: {  	s20 =	simm.s32 $0x6  }
0x160: {  	_ =	swait.ge [sflag:s20], $0x4000  }
0x161: {  	s29 =	simm.s32 $0xC;
	[sflag:s20] =	ssyncset.done $0x0  }
0x162: {  	s14 =	simm.s32 $0x16000;
	s31 =	rddreg [dreg:$0x9];
	[sflag:s20] =	ssyncadd.s32 $0xFFFFC000  }
0x163: {  	[hbm4b:s31+s4] =	stream.strided.scatter [tilespmem:s14], [sflag:$0xD], $0x4000, s24, s4, $0x38;
	[tilespmem:$0x1E000] =	vst v63  }
0x164: {  	_ =	swait.ge [sflag:s29], $0x4000  }
0x165: {  	[sflag:s29] =	ssyncset.done $0x0  }
0x166: {  	[sflag:s29] =	ssyncadd.s32 $0xFFFFC000  }
0x167: {  	v2 =	vld.msk [tilespmem:$0x580], $0x3;
	_ =	sdelay $0x4  }
0x168: {  	v3 =	vshll.u32 v2, $0x6  }
0x169: {  	v2 =	vand.u32 $0x7, v2;
	v3 =	vand.u32 $0xFFFFFE00, v3  }
0x16a: {  	v2 =	vor.u32 v2, v3  }
0x16b: {  	v2 =	vperm.xlane v2, v0;
	_ =	sdelay $0x1  }
0x16c: {  	v2 =	vadd.s32 v1, v2;
	_ =	sdelay $0x4  }
0x16d: {  	[tilespmem:s13], [sflag:$0x5] =	stream.indirect_vreg.gather [hbm4b:s30+s3], $0x80, v2, vm0, $0xb8;
	[tilespmem:$0x1E000] =	vst v63  }
0x16e: {  	s15 =	simm.s32 $0x12800  }
0x16f: {  	[tilespmem:s15], [sflag:$0x5] =	stream.indirect_vreg.gather [hbm4b:s5+s3], $0x80, v2, vm0, $0xb8;
	[tilespmem:$0x1E000] =	vst v63  }
0x170: {  	s22 =	simm.s32 $0x13000  }
0x171: {  	[tilespmem:s22], [sflag:$0x5] =	stream.indirect_vreg.gather [hbm4b:s6+s3], $0x80, v2, vm0, $0xb8;
	[tilespmem:$0x1E000] =	vst v63  }
0x172: {  	s22 =	simm.s32 $0x13800  }
0x173: {  	[tilespmem:s22], [sflag:$0x5] =	stream.indirect_vreg.gather [hbm4b:s7+s3], $0x80, v2, vm0, $0xb8;
	[tilespmem:$0x1E000] =	vst v63  }
0x174: {  	s13 =	simm.s32 $0x14000  }
0x175: {  	[tilespmem:s13], [sflag:$0x5] =	stream.indirect_vreg.gather [hbm4b:s8+s3], $0x80, v2, vm0, $0xb8;
	[tilespmem:$0x1E000] =	vst v63  }
0x176: {  	s15 =	simm.s32 $0x14800  }
0x177: {  	[tilespmem:s15], [sflag:$0x5] =	stream.indirect_vreg.gather [hbm4b:s9+s3], $0x80, v2, vm0, $0xb8;
	[tilespmem:$0x1E000] =	vst v63  }
0x178: {  	s22 =	simm.s32 $0x15000  }
0x179: {  	[tilespmem:s22], [sflag:$0x5] =	stream.indirect_vreg.gather [hbm4b:s10+s3], $0x80, v2, vm0, $0xb8;
	[tilespmem:$0x1E000] =	vst v63  }
0x17a: {  	s13 =	simm.s32 $0x15800;
	s15 =	simm.s32 $0x7  }
0x17b: {  	[tilespmem:s13], [sflag:$0x5] =	stream.indirect_vreg.gather [hbm4b:s11+s3], $0x80, v2, vm0, $0xb8;
	[tilespmem:$0x1E000] =	vst v63  }
0x17c: {  	_ =	swait.ge [sflag:s15], $0x4000  }
0x17d: {  	s22 =	simm.s32 $0xD;
	[sflag:s15] =	ssyncset.done $0x0  }
0x17e: {  	s13 =	simm.s32 $0x1A000;
	s31 =	rddreg [dreg:$0xa];
	[sflag:s15] =	ssyncadd.s32 $0xFFFFC000  }
0x17f: {  	[hbm4b:s31+s4] =	stream.strided.scatter [tilespmem:s13], [sflag:$0xE], $0x4000, s24, s4, $0x38;
	[tilespmem:$0x1E000] =	vst v63  }
0x180: {  	_ =	swait.ge [sflag:s22], $0x4000  }
0x181: {  	[sflag:s22] =	ssyncset.done $0x0  }
0x182: {  	[sflag:s22] =	ssyncadd.s32 $0xFFFFC000  }
0x183: {  	v2 =	vld.msk [tilespmem:$0x600], $0x3;
	_ =	sdelay $0x4  }
0x184: {  	v3 =	vshll.u32 v2, $0x6  }
0x185: {  	v2 =	vand.u32 $0x7, v2;
	v3 =	vand.u32 $0xFFFFFE00, v3  }
0x186: {  	v2 =	vor.u32 v2, v3  }
0x187: {  	v2 =	vperm.xlane v2, v0;
	_ =	sdelay $0x1  }
0x188: {  	v2 =	vadd.s32 v1, v2;
	_ =	sdelay $0x4  }
0x189: {  	[tilespmem:s14], [sflag:$0x6] =	stream.indirect_vreg.gather [hbm4b:s30+s3], $0x80, v2, vm0, $0xb8;
	[tilespmem:$0x1E000] =	vst v63  }
0x18a: {  	s12 =	simm.s32 $0x16800  }
0x18b: {  	[tilespmem:s12], [sflag:$0x6] =	stream.indirect_vreg.gather [hbm4b:s5+s3], $0x80, v2, vm0, $0xb8;
	[tilespmem:$0x1E000] =	vst v63  }
0x18c: {  	s14 =	simm.s32 $0x17000  }
0x18d: {  	[tilespmem:s14], [sflag:$0x6] =	stream.indirect_vreg.gather [hbm4b:s6+s3], $0x80, v2, vm0, $0xb8;
	[tilespmem:$0x1E000] =	vst v63  }
0x18e: {  	s12 =	simm.s32 $0x17800  }
0x18f: {  	[tilespmem:s12], [sflag:$0x6] =	stream.indirect_vreg.gather [hbm4b:s7+s3], $0x80, v2, vm0, $0xb8;
	[tilespmem:$0x1E000] =	vst v63  }
0x190: {  	s14 =	simm.s32 $0x18000  }
0x191: {  	[tilespmem:s14], [sflag:$0x6] =	stream.indirect_vreg.gather [hbm4b:s8+s3], $0x80, v2, vm0, $0xb8;
	[tilespmem:$0x1E000] =	vst v63  }
0x192: {  	s12 =	simm.s32 $0x18800  }
0x193: {  	[tilespmem:s12], [sflag:$0x6] =	stream.indirect_vreg.gather [hbm4b:s9+s3], $0x80, v2, vm0, $0xb8;
	[tilespmem:$0x1E000] =	vst v63  }
0x194: {  	s14 =	simm.s32 $0x19000  }
0x195: {  	[tilespmem:s14], [sflag:$0x6] =	stream.indirect_vreg.gather [hbm4b:s10+s3], $0x80, v2, vm0, $0xb8;
	[tilespmem:$0x1E000] =	vst v63  }
0x196: {  	s12 =	simm.s32 $0x19800  }
0x197: {  	[tilespmem:s12], [sflag:$0x6] =	stream.indirect_vreg.gather [hbm4b:s11+s3], $0x80, v2, vm0, $0xb8;
	[tilespmem:$0x1E000] =	vst v63  }
0x198: {  	_ =	swait.ge [sflag:s28], $0x4000  }
0x199: {  	s14 =	simm.s32 $0x2000;
	[sflag:s28] =	ssyncset.done $0x0  }
0x19a: {  	s12 =	simm.s32 $0xE;
	s31 =	rddreg [dreg:$0xb];
	[sflag:s28] =	ssyncadd.s32 $0xFFFFC000  }
0x19b: {  	[hbm4b:s31+s4] =	stream.strided.scatter [tilespmem:s14], [sflag:$0x8], $0x4000, s24, s4, $0x38;
	[tilespmem:$0x1E000] =	vst v63  }
0x19c: {  	_ =	swait.ge [sflag:s12], $0x4000  }
0x19d: {  	[sflag:s12] =	ssyncset.done $0x0  }
0x19e: {  	[sflag:s12] =	ssyncadd.s32 $0xFFFFC000  }
0x19f: {  	v2 =	vld.msk [tilespmem:$0x680], $0x3;
	_ =	sdelay $0x4  }
0x1a0: {  	v3 =	vshll.u32 v2, $0x6  }
0x1a1: {  	v2 =	vand.u32 $0x7, v2;
	v3 =	vand.u32 $0xFFFFFE00, v3  }
0x1a2: {  	v2 =	vor.u32 v2, v3  }
0x1a3: {  	v2 =	vperm.xlane v2, v0;
	_ =	sdelay $0x1  }
0x1a4: {  	v2 =	vadd.s32 v1, v2;
	_ =	sdelay $0x4  }
0x1a5: {  	[tilespmem:s13], [sflag:$0x7] =	stream.indirect_vreg.gather [hbm4b:s30+s3], $0x80, v2, vm0, $0xb8;
	[tilespmem:$0x1E000] =	vst v63  }
0x1a6: {  	s13 =	simm.s32 $0x1A800  }
0x1a7: {  	[tilespmem:s13], [sflag:$0x7] =	stream.indirect_vreg.gather [hbm4b:s5+s3], $0x80, v2, vm0, $0xb8;
	[tilespmem:$0x1E000] =	vst v63  }
0x1a8: {  	s13 =	simm.s32 $0x1B000  }
0x1a9: {  	[tilespmem:s13], [sflag:$0x7] =	stream.indirect_vreg.gather [hbm4b:s6+s3], $0x80, v2, vm0, $0xb8;
	[tilespmem:$0x1E000] =	vst v63  }
0x1aa: {  	s13 =	simm.s32 $0x1B800  }
0x1ab: {  	[tilespmem:s13], [sflag:$0x7] =	stream.indirect_vreg.gather [hbm4b:s7+s3], $0x80, v2, vm0, $0xb8;
	[tilespmem:$0x1E000] =	vst v63  }
0x1ac: {  	s13 =	simm.s32 $0x1C000  }
0x1ad: {  	[tilespmem:s13], [sflag:$0x7] =	stream.indirect_vreg.gather [hbm4b:s8+s3], $0x80, v2, vm0, $0xb8;
	[tilespmem:$0x1E000] =	vst v63  }
0x1ae: {  	s13 =	simm.s32 $0x1C800  }
0x1af: {  	[tilespmem:s13], [sflag:$0x7] =	stream.indirect_vreg.gather [hbm4b:s9+s3], $0x80, v2, vm0, $0xb8;
	[tilespmem:$0x1E000] =	vst v63  }
0x1b0: {  	s13 =	simm.s32 $0x1D000  }
0x1b1: {  	[tilespmem:s13], [sflag:$0x7] =	stream.indirect_vreg.gather [hbm4b:s10+s3], $0x80, v2, vm0, $0xb8;
	[tilespmem:$0x1E000] =	vst v63  }
0x1b2: {  	s0 =	simm.s32 $0x2;
	s13 =	simm.s32 $0x1D800  }
0x1b3: {  	[tilespmem:s13], [sflag:$0x7] =	stream.indirect_vreg.gather [hbm4b:s11+s3], $0x80, v2, vm0, $0xb8;
	[tilespmem:$0x1E000] =	vst v63  }
0x1b4: {  	_ =	swait.ge [sflag:s0], $0x4000  }
0x1b5: {  	[sflag:s0] =	ssyncset.done $0x0  }
0x1b6: {  	s23 =	simm.s32 $0x6000;
	s31 =	rddreg [dreg:$0xc];
	[sflag:s0] =	ssyncadd.s32 $0xFFFFC000  }
0x1b7: {  	[hbm4b:s31+s4] =	stream.strided.scatter [tilespmem:s23], [sflag:$0x9], $0x4000, s24, s4, $0x38;
	[tilespmem:$0x1E000] =	vst v63  }
0x1b8: {  	_ =	swait.ge [sflag:s18], $0x4000  }
0x1b9: {  	[sflag:s18] =	ssyncset.done $0x0  }
0x1ba: {  	[sflag:s18] =	ssyncadd.s32 $0xFFFFC000  }
0x1bb: {  	v2 =	vld.msk [tilespmem:$0x700], $0x3;
	_ =	sdelay $0x4  }
0x1bc: {  	v3 =	vshll.u32 v2, $0x6  }
0x1bd: {  	v2 =	vand.u32 $0x7, v2;
	v3 =	vand.u32 $0xFFFFFE00, v3  }
0x1be: {  	v2 =	vor.u32 v2, v3  }
0x1bf: {  	v2 =	vperm.xlane v2, v0;
	_ =	sdelay $0x1  }
0x1c0: {  	v2 =	vadd.s32 v1, v2;
	_ =	sdelay $0x4  }
0x1c1: {  	[tilespmem:s14], [sflag:$0x1] =	stream.indirect_vreg.gather [hbm4b:s30+s3], $0x80, v2, vm0, $0xb8;
	[tilespmem:$0x1E000] =	vst v63  }
0x1c2: {  	s14 =	simm.s32 $0x2800  }
0x1c3: {  	[tilespmem:s14], [sflag:$0x1] =	stream.indirect_vreg.gather [hbm4b:s5+s3], $0x80, v2, vm0, $0xb8;
	[tilespmem:$0x1E000] =	vst v63  }
0x1c4: {  	s13 =	simm.s32 $0x3000  }
0x1c5: {  	[tilespmem:s13], [sflag:$0x1] =	stream.indirect_vreg.gather [hbm4b:s6+s3], $0x80, v2, vm0, $0xb8;
	[tilespmem:$0x1E000] =	vst v63  }
0x1c6: {  	s14 =	simm.s32 $0x3800  }
0x1c7: {  	[tilespmem:s14], [sflag:$0x1] =	stream.indirect_vreg.gather [hbm4b:s7+s3], $0x80, v2, vm0, $0xb8;
	[tilespmem:$0x1E000] =	vst v63  }
0x1c8: {  	_ = 	snop  }
0x1c9: {  	[tilespmem:s2], [sflag:$0x1] =	stream.indirect_vreg.gather [hbm4b:s8+s3], $0x80, v2, vm0, $0xb8;
	[tilespmem:$0x1E000] =	vst v63  }
0x1ca: {  	s2 =	simm.s32 $0x4800  }
0x1cb: {  	[tilespmem:s2], [sflag:$0x1] =	stream.indirect_vreg.gather [hbm4b:s9+s3], $0x80, v2, vm0, $0xb8;
	[tilespmem:$0x1E000] =	vst v63  }
0x1cc: {  	_ = 	snop  }
0x1cd: {  	[tilespmem:s25], [sflag:$0x1] =	stream.indirect_vreg.gather [hbm4b:s10+s3], $0x80, v2, vm0, $0xb8;
	[tilespmem:$0x1E000] =	vst v63  }
0x1ce: {  	s13 =	simm.s32 $0x3;
	s14 =	simm.s32 $0x5800  }
0x1cf: {  	[tilespmem:s14], [sflag:$0x1] =	stream.indirect_vreg.gather [hbm4b:s11+s3], $0x80, v2, vm0, $0xb8;
	[tilespmem:$0x1E000] =	vst v63  }
0x1d0: {  	_ =	swait.ge [sflag:s13], $0x4000  }
0x1d1: {  	[sflag:s13] =	ssyncset.done $0x0  }
0x1d2: {  	s2 =	simm.s32 $0xA000;
	s31 =	rddreg [dreg:$0xd];
	[sflag:s13] =	ssyncadd.s32 $0xFFFFC000  }
0x1d3: {  	[hbm4b:s31+s4] =	stream.strided.scatter [tilespmem:s2], [sflag:$0xA], $0x4000, s24, s4, $0x38;
	[tilespmem:$0x1E000] =	vst v63  }
0x1d4: {  	_ =	swait.ge [sflag:s17], $0x4000  }
0x1d5: {  	[sflag:s17] =	ssyncset.done $0x0  }
0x1d6: {  	[sflag:s17] =	ssyncadd.s32 $0xFFFFC000  }
0x1d7: {  	v2 =	vld.msk [tilespmem:$0x780], $0x3;
	_ =	sdelay $0x4  }
0x1d8: {  	v3 =	vshll.u32 v2, $0x6  }
0x1d9: {  	v2 =	vand.u32 $0x7, v2;
	v3 =	vand.u32 $0xFFFFFE00, v3  }
0x1da: {  	v2 =	vor.u32 v2, v3  }
0x1db: {  	v2 =	vperm.xlane v2, v0;
	_ =	sdelay $0x1  }
0x1dc: {  	v2 =	vadd.s32 v1, v2;
	_ =	sdelay $0x4  }
0x1dd: {  	[tilespmem:s23], [sflag:$0x2] =	stream.indirect_vreg.gather [hbm4b:s30+s3], $0x80, v2, vm0, $0xb8;
	[tilespmem:$0x1E000] =	vst v63  }
0x1de: {  	s23 =	simm.s32 $0x6800  }
0x1df: {  	[tilespmem:s23], [sflag:$0x2] =	stream.indirect_vreg.gather [hbm4b:s5+s3], $0x80, v2, vm0, $0xb8;
	[tilespmem:$0x1E000] =	vst v63  }
0x1e0: {  	s25 =	simm.s32 $0x7000  }
0x1e1: {  	[tilespmem:s25], [sflag:$0x2] =	stream.indirect_vreg.gather [hbm4b:s6+s3], $0x80, v2, vm0, $0xb8;
	[tilespmem:$0x1E000] =	vst v63  }
0x1e2: {  	s13 =	simm.s32 $0x7800  }
0x1e3: {  	[tilespmem:s13], [sflag:$0x2] =	stream.indirect_vreg.gather [hbm4b:s7+s3], $0x80, v2, vm0, $0xb8;
	[tilespmem:$0x1E000] =	vst v63  }
0x1e4: {  	s23 =	simm.s32 $0x8000  }
0x1e5: {  	[tilespmem:s23], [sflag:$0x2] =	stream.indirect_vreg.gather [hbm4b:s8+s3], $0x80, v2, vm0, $0xb8;
	[tilespmem:$0x1E000] =	vst v63  }
0x1e6: {  	s25 =	simm.s32 $0x8800  }
0x1e7: {  	[tilespmem:s25], [sflag:$0x2] =	stream.indirect_vreg.gather [hbm4b:s9+s3], $0x80, v2, vm0, $0xb8;
	[tilespmem:$0x1E000] =	vst v63  }
0x1e8: {  	s13 =	simm.s32 $0x9000  }
0x1e9: {  	[tilespmem:s13], [sflag:$0x2] =	stream.indirect_vreg.gather [hbm4b:s10+s3], $0x80, v2, vm0, $0xb8;
	[tilespmem:$0x1E000] =	vst v63  }
0x1ea: {  	s1 =	simm.s32 $0x4;
	s23 =	simm.s32 $0x9800  }
0x1eb: {  	[tilespmem:s23], [sflag:$0x2] =	stream.indirect_vreg.gather [hbm4b:s11+s3], $0x80, v2, vm0, $0xb8;
	[tilespmem:$0x1E000] =	vst v63  }
0x1ec: {  	_ =	swait.ge [sflag:s1], $0x4000  }
0x1ed: {  	[sflag:s1] =	ssyncset.done $0x0  }
0x1ee: {  	s16 =	simm.s32 $0xE000;
	s31 =	rddreg [dreg:$0xe];
	[sflag:s1] =	ssyncadd.s32 $0xFFFFC000  }
0x1ef: {  	[hbm4b:s31+s4] =	stream.strided.scatter [tilespmem:s16], [sflag:$0xB], $0x4000, s24, s4, $0x38;
	[tilespmem:$0x1E000] =	vst v63  }
0x1f0: {  	_ =	swait.ge [sflag:s19], $0x4000  }
0x1f1: {  	[sflag:s19] =	ssyncset.done $0x0  }
0x1f2: {  	[sflag:s19] =	ssyncadd.s32 $0xFFFFC000  }
0x1f3: {  	v2 =	vld.msk [tilespmem:$0x800], $0x3;
	_ =	sdelay $0x4  }
0x1f4: {  	v3 =	vshll.u32 v2, $0x6  }
0x1f5: {  	v2 =	vand.u32 $0x7, v2;
	v3 =	vand.u32 $0xFFFFFE00, v3  }
0x1f6: {  	v2 =	vor.u32 v2, v3  }
0x1f7: {  	v2 =	vperm.xlane v2, v0;
	_ =	sdelay $0x1  }
0x1f8: {  	v2 =	vadd.s32 v1, v2;
	_ =	sdelay $0x4  }
0x1f9: {  	[tilespmem:s2], [sflag:$0x3] =	stream.indirect_vreg.gather [hbm4b:s30+s3], $0x80, v2, vm0, $0xb8;
	[tilespmem:$0x1E000] =	vst v63  }
0x1fa: {  	s25 =	simm.s32 $0xA800  }
0x1fb: {  	[tilespmem:s25], [sflag:$0x3] =	stream.indirect_vreg.gather [hbm4b:s5+s3], $0x80, v2, vm0, $0xb8;
	[tilespmem:$0x1E000] =	vst v63  }
0x1fc: {  	s1 =	simm.s32 $0xB000  }
0x1fd: {  	[tilespmem:s1], [sflag:$0x3] =	stream.indirect_vreg.gather [hbm4b:s6+s3], $0x80, v2, vm0, $0xb8;
	[tilespmem:$0x1E000] =	vst v63  }
0x1fe: {  	s2 =	simm.s32 $0xB800  }
0x1ff: {  	[tilespmem:s2], [sflag:$0x3] =	stream.indirect_vreg.gather [hbm4b:s7+s3], $0x80, v2, vm0, $0xb8;
	[tilespmem:$0x1E000] =	vst v63  }
0x200: {  	s23 =	simm.s32 $0xC000  }
0x201: {  	[tilespmem:s23], [sflag:$0x3] =	stream.indirect_vreg.gather [hbm4b:s8+s3], $0x80, v2, vm0, $0xb8;
	[tilespmem:$0x1E000] =	vst v63  }
0x202: {  	s25 =	simm.s32 $0xC800  }
0x203: {  	[tilespmem:s25], [sflag:$0x3] =	stream.indirect_vreg.gather [hbm4b:s9+s3], $0x80, v2, vm0, $0xb8;
	[tilespmem:$0x1E000] =	vst v63  }
0x204: {  	s1 =	simm.s32 $0xD000  }
0x205: {  	[tilespmem:s1], [sflag:$0x3] =	stream.indirect_vreg.gather [hbm4b:s10+s3], $0x80, v2, vm0, $0xb8;
	[tilespmem:$0x1E000] =	vst v63  }
0x206: {  	s2 =	simm.s32 $0xD800  }
0x207: {  	[tilespmem:s2], [sflag:$0x3] =	stream.indirect_vreg.gather [hbm4b:s11+s3], $0x80, v2, vm0, $0xb8;
	[tilespmem:$0x1E000] =	vst v63  }
0x208: {  	_ =	swait.ge [sflag:s26], $0x4000  }
0x209: {  	[sflag:s26] =	ssyncset.done $0x0  }
0x20a: {  	s23 =	simm.s32 $0x12000;
	s31 =	rddreg [dreg:$0xf];
	[sflag:s26] =	ssyncadd.s32 $0xFFFFC000  }
0x20b: {  	[hbm4b:s31+s4] =	stream.strided.scatter [tilespmem:s23], [sflag:$0xC], $0x4000, s24, s4, $0x38;
	[tilespmem:$0x1E000] =	vst v63  }
0x20c: {  	_ =	swait.ge [sflag:s21], $0x4000  }
0x20d: {  	[sflag:s21] =	ssyncset.done $0x0  }
0x20e: {  	[sflag:s21] =	ssyncadd.s32 $0xFFFFC000  }
0x20f: {  	v2 =	vld.msk [tilespmem:$0x880], $0x3;
	_ =	sdelay $0x4  }
0x210: {  	v3 =	vshll.u32 v2, $0x6  }
0x211: {  	v2 =	vand.u32 $0x7, v2;
	v3 =	vand.u32 $0xFFFFFE00, v3  }
0x212: {  	v2 =	vor.u32 v2, v3  }
0x213: {  	v2 =	vperm.xlane v2, v0;
	_ =	sdelay $0x1  }
0x214: {  	v2 =	vadd.s32 v1, v2;
	_ =	sdelay $0x4  }
0x215: {  	[tilespmem:s16], [sflag:$0x4] =	stream.indirect_vreg.gather [hbm4b:s30+s3], $0x80, v2, vm0, $0xb8;
	[tilespmem:$0x1E000] =	vst v63  }
0x216: {  	s16 =	simm.s32 $0xE800  }
0x217: {  	[tilespmem:s16], [sflag:$0x4] =	stream.indirect_vreg.gather [hbm4b:s5+s3], $0x80, v2, vm0, $0xb8;
	[tilespmem:$0x1E000] =	vst v63  }
0x218: {  	s25 =	simm.s32 $0xF000  }
0x219: {  	[tilespmem:s25], [sflag:$0x4] =	stream.indirect_vreg.gather [hbm4b:s6+s3], $0x80, v2, vm0, $0xb8;
	[tilespmem:$0x1E000] =	vst v63  }
0x21a: {  	s1 =	simm.s32 $0xF800  }
0x21b: {  	[tilespmem:s1], [sflag:$0x4] =	stream.indirect_vreg.gather [hbm4b:s7+s3], $0x80, v2, vm0, $0xb8;
	[tilespmem:$0x1E000] =	vst v63  }
0x21c: {  	s2 =	simm.s32 $0x10000  }
0x21d: {  	[tilespmem:s2], [sflag:$0x4] =	stream.indirect_vreg.gather [hbm4b:s8+s3], $0x80, v2, vm0, $0xb8;
	[tilespmem:$0x1E000] =	vst v63  }
0x21e: {  	s16 =	simm.s32 $0x10800  }
0x21f: {  	[tilespmem:s16], [sflag:$0x4] =	stream.indirect_vreg.gather [hbm4b:s9+s3], $0x80, v2, vm0, $0xb8;
	[tilespmem:$0x1E000] =	vst v63  }
0x220: {  	s25 =	simm.s32 $0x11000  }
0x221: {  	[tilespmem:s25], [sflag:$0x4] =	stream.indirect_vreg.gather [hbm4b:s10+s3], $0x80, v2, vm0, $0xb8;
	[tilespmem:$0x1E000] =	vst v63  }
0x222: {  	s1 =	simm.s32 $0x11800  }
0x223: {  	[tilespmem:s1], [sflag:$0x4] =	stream.indirect_vreg.gather [hbm4b:s11+s3], $0x80, v2, vm0, $0xb8;
	[tilespmem:$0x1E000] =	vst v63  }
0x224: {  	_ =	swait.ge [sflag:s20], $0x4000  }
0x225: {  	[sflag:s20] =	ssyncset.done $0x0  }
0x226: {  	s25 =	simm.s32 $0x16000;
	s31 =	rddreg [dreg:$0x10];
	[sflag:s20] =	ssyncadd.s32 $0xFFFFC000  }
0x227: {  	[hbm4b:s31+s4] =	stream.strided.scatter [tilespmem:s25], [sflag:$0xD], $0x4000, s24, s4, $0x38;
	[tilespmem:$0x1E000] =	vst v63  }
0x228: {  	_ =	swait.ge [sflag:s29], $0x4000  }
0x229: {  	[sflag:s29] =	ssyncset.done $0x0  }
0x22a: {  	[sflag:s29] =	ssyncadd.s32 $0xFFFFC000  }
0x22b: {  	v2 =	vld.msk [tilespmem:$0x900], $0x3;
	_ =	sdelay $0x4  }
0x22c: {  	v3 =	vshll.u32 v2, $0x6  }
0x22d: {  	v2 =	vand.u32 $0x7, v2;
	v3 =	vand.u32 $0xFFFFFE00, v3  }
0x22e: {  	v2 =	vor.u32 v2, v3  }
0x22f: {  	v2 =	vperm.xlane v2, v0;
	_ =	sdelay $0x1  }
0x230: {  	v2 =	vadd.s32 v1, v2;
	_ =	sdelay $0x4  }
0x231: {  	[tilespmem:s23], [sflag:$0x5] =	stream.indirect_vreg.gather [hbm4b:s30+s3], $0x80, v2, vm0, $0xb8;
	[tilespmem:$0x1E000] =	vst v63  }
0x232: {  	s2 =	simm.s32 $0x12800  }
0x233: {  	[tilespmem:s2], [sflag:$0x5] =	stream.indirect_vreg.gather [hbm4b:s5+s3], $0x80, v2, vm0, $0xb8;
	[tilespmem:$0x1E000] =	vst v63  }
0x234: {  	s16 =	simm.s32 $0x13000  }
0x235: {  	[tilespmem:s16], [sflag:$0x5] =	stream.indirect_vreg.gather [hbm4b:s6+s3], $0x80, v2, vm0, $0xb8;
	[tilespmem:$0x1E000] =	vst v63  }
0x236: {  	s23 =	simm.s32 $0x13800  }
0x237: {  	[tilespmem:s23], [sflag:$0x5] =	stream.indirect_vreg.gather [hbm4b:s7+s3], $0x80, v2, vm0, $0xb8;
	[tilespmem:$0x1E000] =	vst v63  }
0x238: {  	s1 =	simm.s32 $0x14000  }
0x239: {  	[tilespmem:s1], [sflag:$0x5] =	stream.indirect_vreg.gather [hbm4b:s8+s3], $0x80, v2, vm0, $0xb8;
	[tilespmem:$0x1E000] =	vst v63  }
0x23a: {  	s2 =	simm.s32 $0x14800  }
0x23b: {  	[tilespmem:s2], [sflag:$0x5] =	stream.indirect_vreg.gather [hbm4b:s9+s3], $0x80, v2, vm0, $0xb8;
	[tilespmem:$0x1E000] =	vst v63  }
0x23c: {  	s16 =	simm.s32 $0x15000  }
0x23d: {  	[tilespmem:s16], [sflag:$0x5] =	stream.indirect_vreg.gather [hbm4b:s10+s3], $0x80, v2, vm0, $0xb8;
	[tilespmem:$0x1E000] =	vst v63  }
0x23e: {  	s23 =	simm.s32 $0x15800  }
0x23f: {  	[tilespmem:s23], [sflag:$0x5] =	stream.indirect_vreg.gather [hbm4b:s11+s3], $0x80, v2, vm0, $0xb8;
	[tilespmem:$0x1E000] =	vst v63  }
0x240: {  	_ =	swait.ge [sflag:s15], $0x4000  }
0x241: {  	[sflag:s15] =	ssyncset.done $0x0  }
0x242: {  	s23 =	simm.s32 $0x1A000;
	s31 =	rddreg [dreg:$0x11];
	[sflag:s15] =	ssyncadd.s32 $0xFFFFC000  }
0x243: {  	[hbm4b:s31+s4] =	stream.strided.scatter [tilespmem:s23], [sflag:$0xE], $0x4000, s24, s4, $0x38;
	[tilespmem:$0x1E000] =	vst v63  }
0x244: {  	_ =	swait.ge [sflag:s22], $0x4000  }
0x245: {  	[sflag:s22] =	ssyncset.done $0x0  }
0x246: {  	[sflag:s22] =	ssyncadd.s32 $0xFFFFC000  }
0x247: {  	v2 =	vld.msk [tilespmem:$0x980], $0x3;
	_ =	sdelay $0x4  }
0x248: {  	v3 =	vshll.u32 v2, $0x6  }
0x249: {  	v2 =	vand.u32 $0x7, v2;
	v3 =	vand.u32 $0xFFFFFE00, v3  }
0x24a: {  	v2 =	vor.u32 v2, v3  }
0x24b: {  	v2 =	vperm.xlane v2, v0;
	_ =	sdelay $0x1  }
0x24c: {  	v2 =	vadd.s32 v1, v2;
	_ =	sdelay $0x4  }
0x24d: {  	[tilespmem:s25], [sflag:$0x6] =	stream.indirect_vreg.gather [hbm4b:s30+s3], $0x80, v2, vm0, $0xb8;
	[tilespmem:$0x1E000] =	vst v63  }
0x24e: {  	s25 =	simm.s32 $0x16800  }
0x24f: {  	[tilespmem:s25], [sflag:$0x6] =	stream.indirect_vreg.gather [hbm4b:s5+s3], $0x80, v2, vm0, $0xb8;
	[tilespmem:$0x1E000] =	vst v63  }
0x250: {  	s1 =	simm.s32 $0x17000  }
0x251: {  	[tilespmem:s1], [sflag:$0x6] =	stream.indirect_vreg.gather [hbm4b:s6+s3], $0x80, v2, vm0, $0xb8;
	[tilespmem:$0x1E000] =	vst v63  }
0x252: {  	s2 =	simm.s32 $0x17800  }
0x253: {  	[tilespmem:s2], [sflag:$0x6] =	stream.indirect_vreg.gather [hbm4b:s7+s3], $0x80, v2, vm0, $0xb8;
	[tilespmem:$0x1E000] =	vst v63  }
0x254: {  	s16 =	simm.s32 $0x18000  }
0x255: {  	[tilespmem:s16], [sflag:$0x6] =	stream.indirect_vreg.gather [hbm4b:s8+s3], $0x80, v2, vm0, $0xb8;
	[tilespmem:$0x1E000] =	vst v63  }
0x256: {  	s25 =	simm.s32 $0x18800  }
0x257: {  	[tilespmem:s25], [sflag:$0x6] =	stream.indirect_vreg.gather [hbm4b:s9+s3], $0x80, v2, vm0, $0xb8;
	[tilespmem:$0x1E000] =	vst v63  }
0x258: {  	s1 =	simm.s32 $0x19000  }
0x259: {  	[tilespmem:s1], [sflag:$0x6] =	stream.indirect_vreg.gather [hbm4b:s10+s3], $0x80, v2, vm0, $0xb8;
	[tilespmem:$0x1E000] =	vst v63  }
0x25a: {  	s2 =	simm.s32 $0x19800  }
0x25b: {  	[tilespmem:s2], [sflag:$0x6] =	stream.indirect_vreg.gather [hbm4b:s11+s3], $0x80, v2, vm0, $0xb8;
	[tilespmem:$0x1E000] =	vst v63  }
0x25c: {  	_ =	swait.ge [sflag:s28], $0x4000  }
0x25d: {  	[sflag:s28] =	ssyncset.done $0x0  }
0x25e: {  	s2 =	simm.s32 $0x2000;
	s31 =	rddreg [dreg:$0x12];
	[sflag:s28] =	ssyncadd.s32 $0xFFFFC000  }
0x25f: {  	[hbm4b:s31+s4] =	stream.strided.scatter [tilespmem:s2], [sflag:$0x8], $0x4000, s24, s4, $0x38;
	[tilespmem:$0x1E000] =	vst v63  }
0x260: {  	_ =	swait.ge [sflag:s12], $0x4000  }
0x261: {  	[sflag:s12] =	ssyncset.done $0x0  }
0x262: {  	[sflag:s12] =	ssyncadd.s32 $0xFFFFC000  }
0x263: {  	v2 =	vld.msk [tilespmem:$0xA00], $0x3;
	_ =	sdelay $0x4  }
0x264: {  	v3 =	vshll.u32 v2, $0x6  }
0x265: {  	v2 =	vand.u32 $0x7, v2;
	v3 =	vand.u32 $0xFFFFFE00, v3  }
0x266: {  	v2 =	vor.u32 v2, v3  }
0x267: {  	v2 =	vperm.xlane v2, v0;
	_ =	sdelay $0x1  }
0x268: {  	v2 =	vadd.s32 v1, v2;
	_ =	sdelay $0x4  }
0x269: {  	[tilespmem:s23], [sflag:$0x7] =	stream.indirect_vreg.gather [hbm4b:s30+s3], $0x80, v2, vm0, $0xb8;
	[tilespmem:$0x1E000] =	vst v63  }
0x26a: {  	s1 =	simm.s32 $0x1A800  }
0x26b: {  	[tilespmem:s1], [sflag:$0x7] =	stream.indirect_vreg.gather [hbm4b:s5+s3], $0x80, v2, vm0, $0xb8;
	[tilespmem:$0x1E000] =	vst v63  }
0x26c: {  	s25 =	simm.s32 $0x1B000  }
0x26d: {  	[tilespmem:s25], [sflag:$0x7] =	stream.indirect_vreg.gather [hbm4b:s6+s3], $0x80, v2, vm0, $0xb8;
	[tilespmem:$0x1E000] =	vst v63  }
0x26e: {  	s23 =	simm.s32 $0x1B800  }
0x26f: {  	[tilespmem:s23], [sflag:$0x7] =	stream.indirect_vreg.gather [hbm4b:s7+s3], $0x80, v2, vm0, $0xb8;
	[tilespmem:$0x1E000] =	vst v63  }
0x270: {  	s16 =	simm.s32 $0x1C000  }
0x271: {  	[tilespmem:s16], [sflag:$0x7] =	stream.indirect_vreg.gather [hbm4b:s8+s3], $0x80, v2, vm0, $0xb8;
	[tilespmem:$0x1E000] =	vst v63  }
0x272: {  	s16 =	simm.s32 $0x1C800  }
0x273: {  	[tilespmem:s16], [sflag:$0x7] =	stream.indirect_vreg.gather [hbm4b:s9+s3], $0x80, v2, vm0, $0xb8;
	[tilespmem:$0x1E000] =	vst v63  }
0x274: {  	s16 =	simm.s32 $0x1D000  }
0x275: {  	[tilespmem:s16], [sflag:$0x7] =	stream.indirect_vreg.gather [hbm4b:s10+s3], $0x80, v2, vm0, $0xb8;
	[tilespmem:$0x1E000] =	vst v63  }
0x276: {  	s0 =	simm.s32 $0x2;
	s16 =	simm.s32 $0x1D800  }
0x277: {  	[tilespmem:s16], [sflag:$0x7] =	stream.indirect_vreg.gather [hbm4b:s11+s3], $0x80, v2, vm0, $0xb8;
	[tilespmem:$0x1E000] =	vst v63  }
0x278: {  	_ =	swait.ge [sflag:s0], $0x4000  }
0x279: {  	[sflag:s0] =	ssyncset.done $0x0  }
0x27a: {  	s16 =	simm.s32 $0x6000;
	s31 =	rddreg [dreg:$0x13];
	[sflag:s0] =	ssyncadd.s32 $0xFFFFC000  }
0x27b: {  	[hbm4b:s31+s4] =	stream.strided.scatter [tilespmem:s16], [sflag:$0x9], $0x4000, s24, s4, $0x38;
	[tilespmem:$0x1E000] =	vst v63  }
0x27c: {  	_ =	swait.ge [sflag:s18], $0x4000  }
0x27d: {  	[sflag:s18] =	ssyncset.done $0x0  }
0x27e: {  	[sflag:s18] =	ssyncadd.s32 $0xFFFFC000  }
0x27f: {  	v2 =	vld.msk [tilespmem:$0xA80], $0x3;
	_ =	sdelay $0x4  }
0x280: {  	v3 =	vshll.u32 v2, $0x6  }
0x281: {  	v2 =	vand.u32 $0x7, v2;
	v3 =	vand.u32 $0xFFFFFE00, v3  }
0x282: {  	v2 =	vor.u32 v2, v3  }
0x283: {  	v2 =	vperm.xlane v2, v0;
	_ =	sdelay $0x1  }
0x284: {  	v2 =	vadd.s32 v1, v2;
	_ =	sdelay $0x4  }
0x285: {  	[tilespmem:s2], [sflag:$0x1] =	stream.indirect_vreg.gather [hbm4b:s30+s3], $0x80, v2, vm0, $0xb8;
	[tilespmem:$0x1E000] =	vst v63  }
0x286: {  	s2 =	simm.s32 $0x2800  }
0x287: {  	[tilespmem:s2], [sflag:$0x1] =	stream.indirect_vreg.gather [hbm4b:s5+s3], $0x80, v2, vm0, $0xb8;
	[tilespmem:$0x1E000] =	vst v63  }
0x288: {  	s2 =	simm.s32 $0x3000  }
0x289: {  	[tilespmem:s2], [sflag:$0x1] =	stream.indirect_vreg.gather [hbm4b:s6+s3], $0x80, v2, vm0, $0xb8;
	[tilespmem:$0x1E000] =	vst v63  }
0x28a: {  	s2 =	simm.s32 $0x3800  }
0x28b: {  	[tilespmem:s2], [sflag:$0x1] =	stream.indirect_vreg.gather [hbm4b:s7+s3], $0x80, v2, vm0, $0xb8;
	[tilespmem:$0x1E000] =	vst v63  }
0x28c: {  	s2 =	simm.s32 $0x4000  }
0x28d: {  	[tilespmem:s2], [sflag:$0x1] =	stream.indirect_vreg.gather [hbm4b:s8+s3], $0x80, v2, vm0, $0xb8;
	[tilespmem:$0x1E000] =	vst v63  }
0x28e: {  	s0 =	simm.s32 $0x4800  }
0x28f: {  	[tilespmem:s0], [sflag:$0x1] =	stream.indirect_vreg.gather [hbm4b:s9+s3], $0x80, v2, vm0, $0xb8;
	[tilespmem:$0x1E000] =	vst v63  }
0x290: {  	s0 =	simm.s32 $0x5000  }
0x291: {  	[tilespmem:s0], [sflag:$0x1] =	stream.indirect_vreg.gather [hbm4b:s10+s3], $0x80, v2, vm0, $0xb8;
	[tilespmem:$0x1E000] =	vst v63  }
0x292: {  	_ = 	snop  }
0x293: {  	[tilespmem:s14], [sflag:$0x1] =	stream.indirect_vreg.gather [hbm4b:s11+s3], $0x80, v2, vm0, $0xb8;
	[tilespmem:$0x1E000] =	vst v63  }
0x294: {  	s14 =	simm.s32 $0x3  }
0x295: {  	_ =	swait.ge [sflag:s14], $0x4000  }
0x296: {  	[sflag:s14] =	ssyncset.done $0x0  }
0x297: {  	s13 =	simm.s32 $0xA000;
	s31 =	rddreg [dreg:$0x14];
	[sflag:s14] =	ssyncadd.s32 $0xFFFFC000  }
0x298: {  	[hbm4b:s31+s4] =	stream.strided.scatter [tilespmem:s13], [sflag:$0xA], $0x4000, s24, s4, $0x38;
	[tilespmem:$0x1E000] =	vst v63  }
0x299: {  	_ =	swait.ge [sflag:s17], $0x4000  }
0x29a: {  	[sflag:s17] =	ssyncset.done $0x0  }
0x29b: {  	[sflag:s17] =	ssyncadd.s32 $0xFFFFC000  }
0x29c: {  	v2 =	vld.msk [tilespmem:$0xB00], $0x3;
	_ =	sdelay $0x4  }
0x29d: {  	v3 =	vshll.u32 v2, $0x6  }
0x29e: {  	v2 =	vand.u32 $0x7, v2;
	v3 =	vand.u32 $0xFFFFFE00, v3  }
0x29f: {  	v2 =	vor.u32 v2, v3  }
0x2a0: {  	v2 =	vperm.xlane v2, v0;
	_ =	sdelay $0x1  }
0x2a1: {  	v2 =	vadd.s32 v1, v2;
	_ =	sdelay $0x4  }
0x2a2: {  	[tilespmem:s16], [sflag:$0x2] =	stream.indirect_vreg.gather [hbm4b:s30+s3], $0x80, v2, vm0, $0xb8;
	[tilespmem:$0x1E000] =	vst v63  }
0x2a3: {  	s14 =	simm.s32 $0x6800  }
0x2a4: {  	[tilespmem:s14], [sflag:$0x2] =	stream.indirect_vreg.gather [hbm4b:s5+s3], $0x80, v2, vm0, $0xb8;
	[tilespmem:$0x1E000] =	vst v63  }
0x2a5: {  	s16 =	simm.s32 $0x7000  }
0x2a6: {  	[tilespmem:s16], [sflag:$0x2] =	stream.indirect_vreg.gather [hbm4b:s6+s3], $0x80, v2, vm0, $0xb8;
	[tilespmem:$0x1E000] =	vst v63  }
0x2a7: {  	s14 =	simm.s32 $0x7800  }
0x2a8: {  	[tilespmem:s14], [sflag:$0x2] =	stream.indirect_vreg.gather [hbm4b:s7+s3], $0x80, v2, vm0, $0xb8;
	[tilespmem:$0x1E000] =	vst v63  }
0x2a9: {  	s16 =	simm.s32 $0x8000  }
0x2aa: {  	[tilespmem:s16], [sflag:$0x2] =	stream.indirect_vreg.gather [hbm4b:s8+s3], $0x80, v2, vm0, $0xb8;
	[tilespmem:$0x1E000] =	vst v63  }
0x2ab: {  	s14 =	simm.s32 $0x8800  }
0x2ac: {  	[tilespmem:s14], [sflag:$0x2] =	stream.indirect_vreg.gather [hbm4b:s9+s3], $0x80, v2, vm0, $0xb8;
	[tilespmem:$0x1E000] =	vst v63  }
0x2ad: {  	s16 =	simm.s32 $0x9000  }
0x2ae: {  	[tilespmem:s16], [sflag:$0x2] =	stream.indirect_vreg.gather [hbm4b:s10+s3], $0x80, v2, vm0, $0xb8;
	[tilespmem:$0x1E000] =	vst v63  }
0x2af: {  	s14 =	simm.s32 $0x9800;
	s16 =	simm.s32 $0x4  }
0x2b0: {  	[tilespmem:s14], [sflag:$0x2] =	stream.indirect_vreg.gather [hbm4b:s11+s3], $0x80, v2, vm0, $0xb8;
	[tilespmem:$0x1E000] =	vst v63  }
0x2b1: {  	_ =	swait.ge [sflag:s16], $0x4000  }
0x2b2: {  	[sflag:s16] =	ssyncset.done $0x0  }
0x2b3: {  	s31 =	rddreg [dreg:$0x15];
	[sflag:s16] =	ssyncadd.s32 $0xFFFFC000;
	s16 =	simm.s32 $0xE000  }
0x2b4: {  	[hbm4b:s31+s4] =	stream.strided.scatter [tilespmem:s16], [sflag:$0xB], $0x4000, s24, s4, $0x38;
	[tilespmem:$0x1E000] =	vst v63  }
0x2b5: {  	_ =	swait.ge [sflag:s19], $0x4000  }
0x2b6: {  	[sflag:s19] =	ssyncset.done $0x0  }
0x2b7: {  	[sflag:s19] =	ssyncadd.s32 $0xFFFFC000  }
0x2b8: {  	v2 =	vld.msk [tilespmem:$0xB80], $0x3;
	_ =	sdelay $0x4  }
0x2b9: {  	v3 =	vshll.u32 v2, $0x6  }
0x2ba: {  	v2 =	vand.u32 $0x7, v2;
	v3 =	vand.u32 $0xFFFFFE00, v3  }
0x2bb: {  	v2 =	vor.u32 v2, v3  }
0x2bc: {  	v2 =	vperm.xlane v2, v0;
	_ =	sdelay $0x1  }
0x2bd: {  	v2 =	vadd.s32 v1, v2;
	_ =	sdelay $0x4  }
0x2be: {  	[tilespmem:s13], [sflag:$0x3] =	stream.indirect_vreg.gather [hbm4b:s30+s3], $0x80, v2, vm0, $0xb8;
	[tilespmem:$0x1E000] =	vst v63  }
0x2bf: {  	s14 =	simm.s32 $0xA800  }
0x2c0: {  	[tilespmem:s14], [sflag:$0x3] =	stream.indirect_vreg.gather [hbm4b:s5+s3], $0x80, v2, vm0, $0xb8;
	[tilespmem:$0x1E000] =	vst v63  }
0x2c1: {  	s13 =	simm.s32 $0xB000  }
0x2c2: {  	[tilespmem:s13], [sflag:$0x3] =	stream.indirect_vreg.gather [hbm4b:s6+s3], $0x80, v2, vm0, $0xb8;
	[tilespmem:$0x1E000] =	vst v63  }
0x2c3: {  	s14 =	simm.s32 $0xB800  }
0x2c4: {  	[tilespmem:s14], [sflag:$0x3] =	stream.indirect_vreg.gather [hbm4b:s7+s3], $0x80, v2, vm0, $0xb8;
	[tilespmem:$0x1E000] =	vst v63  }
0x2c5: {  	s13 =	simm.s32 $0xC000  }
0x2c6: {  	[tilespmem:s13], [sflag:$0x3] =	stream.indirect_vreg.gather [hbm4b:s8+s3], $0x80, v2, vm0, $0xb8;
	[tilespmem:$0x1E000] =	vst v63  }
0x2c7: {  	s14 =	simm.s32 $0xC800  }
0x2c8: {  	[tilespmem:s14], [sflag:$0x3] =	stream.indirect_vreg.gather [hbm4b:s9+s3], $0x80, v2, vm0, $0xb8;
	[tilespmem:$0x1E000] =	vst v63  }
0x2c9: {  	s13 =	simm.s32 $0xD000  }
0x2ca: {  	[tilespmem:s13], [sflag:$0x3] =	stream.indirect_vreg.gather [hbm4b:s10+s3], $0x80, v2, vm0, $0xb8;
	[tilespmem:$0x1E000] =	vst v63  }
0x2cb: {  	s14 =	simm.s32 $0xD800  }
0x2cc: {  	[tilespmem:s14], [sflag:$0x3] =	stream.indirect_vreg.gather [hbm4b:s11+s3], $0x80, v2, vm0, $0xb8;
	[tilespmem:$0x1E000] =	vst v63  }
0x2cd: {  	_ =	swait.ge [sflag:s26], $0x4000  }
0x2ce: {  	[sflag:s26] =	ssyncset.done $0x0  }
0x2cf: {  	s14 =	simm.s32 $0x12000;
	s31 =	rddreg [dreg:$0x16];
	[sflag:s26] =	ssyncadd.s32 $0xFFFFC000  }
0x2d0: {  	[hbm4b:s31+s4] =	stream.strided.scatter [tilespmem:s14], [sflag:$0xC], $0x4000, s24, s4, $0x38;
	[tilespmem:$0x1E000] =	vst v63  }
0x2d1: {  	_ =	swait.ge [sflag:s21], $0x4000  }
0x2d2: {  	[sflag:s21] =	ssyncset.done $0x0  }
0x2d3: {  	[sflag:s21] =	ssyncadd.s32 $0xFFFFC000  }
0x2d4: {  	v2 =	vld.msk [tilespmem:$0xC00], $0x3;
	_ =	sdelay $0x4  }
0x2d5: {  	v3 =	vshll.u32 v2, $0x6  }
0x2d6: {  	v2 =	vand.u32 $0x7, v2;
	v3 =	vand.u32 $0xFFFFFE00, v3  }
0x2d7: {  	v2 =	vor.u32 v2, v3  }
0x2d8: {  	v2 =	vperm.xlane v2, v0;
	_ =	sdelay $0x1  }
0x2d9: {  	v2 =	vadd.s32 v1, v2;
	_ =	sdelay $0x4  }
0x2da: {  	[tilespmem:s16], [sflag:$0x4] =	stream.indirect_vreg.gather [hbm4b:s30+s3], $0x80, v2, vm0, $0xb8;
	[tilespmem:$0x1E000] =	vst v63  }
0x2db: {  	s13 =	simm.s32 $0xE800  }
0x2dc: {  	[tilespmem:s13], [sflag:$0x4] =	stream.indirect_vreg.gather [hbm4b:s5+s3], $0x80, v2, vm0, $0xb8;
	[tilespmem:$0x1E000] =	vst v63  }
0x2dd: {  	s16 =	simm.s32 $0xF000  }
0x2de: {  	[tilespmem:s16], [sflag:$0x4] =	stream.indirect_vreg.gather [hbm4b:s6+s3], $0x80, v2, vm0, $0xb8;
	[tilespmem:$0x1E000] =	vst v63  }
0x2df: {  	s13 =	simm.s32 $0xF800  }
0x2e0: {  	[tilespmem:s13], [sflag:$0x4] =	stream.indirect_vreg.gather [hbm4b:s7+s3], $0x80, v2, vm0, $0xb8;
	[tilespmem:$0x1E000] =	vst v63  }
0x2e1: {  	s16 =	simm.s32 $0x10000  }
0x2e2: {  	[tilespmem:s16], [sflag:$0x4] =	stream.indirect_vreg.gather [hbm4b:s8+s3], $0x80, v2, vm0, $0xb8;
	[tilespmem:$0x1E000] =	vst v63  }
0x2e3: {  	s13 =	simm.s32 $0x10800  }
0x2e4: {  	[tilespmem:s13], [sflag:$0x4] =	stream.indirect_vreg.gather [hbm4b:s9+s3], $0x80, v2, vm0, $0xb8;
	[tilespmem:$0x1E000] =	vst v63  }
0x2e5: {  	s16 =	simm.s32 $0x11000  }
0x2e6: {  	[tilespmem:s16], [sflag:$0x4] =	stream.indirect_vreg.gather [hbm4b:s10+s3], $0x80, v2, vm0, $0xb8;
	[tilespmem:$0x1E000] =	vst v63  }
0x2e7: {  	s13 =	simm.s32 $0x11800  }
0x2e8: {  	[tilespmem:s13], [sflag:$0x4] =	stream.indirect_vreg.gather [hbm4b:s11+s3], $0x80, v2, vm0, $0xb8;
	[tilespmem:$0x1E000] =	vst v63  }
0x2e9: {  	_ =	swait.ge [sflag:s20], $0x4000  }
0x2ea: {  	[sflag:s20] =	ssyncset.done $0x0  }
0x2eb: {  	s16 =	simm.s32 $0x16000;
	s31 =	rddreg [dreg:$0x17];
	[sflag:s20] =	ssyncadd.s32 $0xFFFFC000  }
0x2ec: {  	[hbm4b:s31+s4] =	stream.strided.scatter [tilespmem:s16], [sflag:$0xD], $0x4000, s24, s4, $0x38;
	[tilespmem:$0x1E000] =	vst v63  }
0x2ed: {  	_ =	swait.ge [sflag:s29], $0x4000  }
0x2ee: {  	[sflag:s29] =	ssyncset.done $0x0  }
0x2ef: {  	[sflag:s29] =	ssyncadd.s32 $0xFFFFC000  }
0x2f0: {  	v2 =	vld.msk [tilespmem:$0xC80], $0x3;
	_ =	sdelay $0x4  }
0x2f1: {  	v3 =	vshll.u32 v2, $0x6  }
0x2f2: {  	v2 =	vand.u32 $0x7, v2;
	v3 =	vand.u32 $0xFFFFFE00, v3  }
0x2f3: {  	v2 =	vor.u32 v2, v3  }
0x2f4: {  	v2 =	vperm.xlane v2, v0;
	_ =	sdelay $0x1  }
0x2f5: {  	v2 =	vadd.s32 v1, v2;
	_ =	sdelay $0x4  }
0x2f6: {  	[tilespmem:s14], [sflag:$0x5] =	stream.indirect_vreg.gather [hbm4b:s30+s3], $0x80, v2, vm0, $0xb8;
	[tilespmem:$0x1E000] =	vst v63  }
0x2f7: {  	s14 =	simm.s32 $0x12800  }
0x2f8: {  	[tilespmem:s14], [sflag:$0x5] =	stream.indirect_vreg.gather [hbm4b:s5+s3], $0x80, v2, vm0, $0xb8;
	[tilespmem:$0x1E000] =	vst v63  }
0x2f9: {  	s13 =	simm.s32 $0x13000  }
0x2fa: {  	[tilespmem:s13], [sflag:$0x5] =	stream.indirect_vreg.gather [hbm4b:s6+s3], $0x80, v2, vm0, $0xb8;
	[tilespmem:$0x1E000] =	vst v63  }
0x2fb: {  	s14 =	simm.s32 $0x13800  }
0x2fc: {  	[tilespmem:s14], [sflag:$0x5] =	stream.indirect_vreg.gather [hbm4b:s7+s3], $0x80, v2, vm0, $0xb8;
	[tilespmem:$0x1E000] =	vst v63  }
0x2fd: {  	s13 =	simm.s32 $0x14000  }
0x2fe: {  	[tilespmem:s13], [sflag:$0x5] =	stream.indirect_vreg.gather [hbm4b:s8+s3], $0x80, v2, vm0, $0xb8;
	[tilespmem:$0x1E000] =	vst v63  }
0x2ff: {  	s14 =	simm.s32 $0x14800  }
0x300: {  	[tilespmem:s14], [sflag:$0x5] =	stream.indirect_vreg.gather [hbm4b:s9+s3], $0x80, v2, vm0, $0xb8;
	[tilespmem:$0x1E000] =	vst v63  }
0x301: {  	s13 =	simm.s32 $0x15000  }
0x302: {  	[tilespmem:s13], [sflag:$0x5] =	stream.indirect_vreg.gather [hbm4b:s10+s3], $0x80, v2, vm0, $0xb8;
	[tilespmem:$0x1E000] =	vst v63  }
0x303: {  	s14 =	simm.s32 $0x15800  }
0x304: {  	[tilespmem:s14], [sflag:$0x5] =	stream.indirect_vreg.gather [hbm4b:s11+s3], $0x80, v2, vm0, $0xb8;
	[tilespmem:$0x1E000] =	vst v63  }
0x305: {  	_ =	swait.ge [sflag:s15], $0x4000  }
0x306: {  	[sflag:s15] =	ssyncset.done $0x0  }
0x307: {  	s14 =	simm.s32 $0x1A000;
	s31 =	rddreg [dreg:$0x18];
	[sflag:s15] =	ssyncadd.s32 $0xFFFFC000  }
0x308: {  	[hbm4b:s31+s4] =	stream.strided.scatter [tilespmem:s14], [sflag:$0xE], $0x4000, s24, s4, $0x38;
	[tilespmem:$0x1E000] =	vst v63  }
0x309: {  	_ =	swait.ge [sflag:s22], $0x4000  }
0x30a: {  	[sflag:s22] =	ssyncset.done $0x0  }
0x30b: {  	[sflag:s22] =	ssyncadd.s32 $0xFFFFC000  }
0x30c: {  	v2 =	vld.msk [tilespmem:$0xD00], $0x3;
	_ =	sdelay $0x4  }
0x30d: {  	v3 =	vshll.u32 v2, $0x6  }
0x30e: {  	v2 =	vand.u32 $0x7, v2;
	v3 =	vand.u32 $0xFFFFFE00, v3  }
0x30f: {  	v2 =	vor.u32 v2, v3  }
0x310: {  	v2 =	vperm.xlane v2, v0;
	_ =	sdelay $0x1  }
0x311: {  	v2 =	vadd.s32 v1, v2;
	_ =	sdelay $0x4  }
0x312: {  	[tilespmem:s16], [sflag:$0x6] =	stream.indirect_vreg.gather [hbm4b:s30+s3], $0x80, v2, vm0, $0xb8;
	[tilespmem:$0x1E000] =	vst v63  }
0x313: {  	s16 =	simm.s32 $0x16800  }
0x314: {  	[tilespmem:s16], [sflag:$0x6] =	stream.indirect_vreg.gather [hbm4b:s5+s3], $0x80, v2, vm0, $0xb8;
	[tilespmem:$0x1E000] =	vst v63  }
0x315: {  	s13 =	simm.s32 $0x17000  }
0x316: {  	[tilespmem:s13], [sflag:$0x6] =	stream.indirect_vreg.gather [hbm4b:s6+s3], $0x80, v2, vm0, $0xb8;
	[tilespmem:$0x1E000] =	vst v63  }
0x317: {  	s16 =	simm.s32 $0x17800  }
0x318: {  	[tilespmem:s16], [sflag:$0x6] =	stream.indirect_vreg.gather [hbm4b:s7+s3], $0x80, v2, vm0, $0xb8;
	[tilespmem:$0x1E000] =	vst v63  }
0x319: {  	s13 =	simm.s32 $0x18000  }
0x31a: {  	[tilespmem:s13], [sflag:$0x6] =	stream.indirect_vreg.gather [hbm4b:s8+s3], $0x80, v2, vm0, $0xb8;
	[tilespmem:$0x1E000] =	vst v63  }
0x31b: {  	s16 =	simm.s32 $0x18800  }
0x31c: {  	[tilespmem:s16], [sflag:$0x6] =	stream.indirect_vreg.gather [hbm4b:s9+s3], $0x80, v2, vm0, $0xb8;
	[tilespmem:$0x1E000] =	vst v63  }
0x31d: {  	s13 =	simm.s32 $0x19000  }
0x31e: {  	[tilespmem:s13], [sflag:$0x6] =	stream.indirect_vreg.gather [hbm4b:s10+s3], $0x80, v2, vm0, $0xb8;
	[tilespmem:$0x1E000] =	vst v63  }
0x31f: {  	s16 =	simm.s32 $0x19800  }
0x320: {  	[tilespmem:s16], [sflag:$0x6] =	stream.indirect_vreg.gather [hbm4b:s11+s3], $0x80, v2, vm0, $0xb8;
	[tilespmem:$0x1E000] =	vst v63  }
0x321: {  	_ =	swait.ge [sflag:s28], $0x4000  }
0x322: {  	[sflag:s28] =	ssyncset.done $0x0  }
0x323: {  	s16 =	simm.s32 $0x2000;
	s31 =	rddreg [dreg:$0x19];
	[sflag:s28] =	ssyncadd.s32 $0xFFFFC000  }
0x324: {  	[hbm4b:s31+s4] =	stream.strided.scatter [tilespmem:s16], [sflag:$0x8], $0x4000, s24, s4, $0x38;
	[tilespmem:$0x1E000] =	vst v63  }
0x325: {  	_ =	swait.ge [sflag:s12], $0x4000  }
0x326: {  	[sflag:s12] =	ssyncset.done $0x0  }
0x327: {  	[sflag:s12] =	ssyncadd.s32 $0xFFFFC000  }
0x328: {  	v2 =	vld.msk [tilespmem:$0xD80], $0x3;
	_ =	sdelay $0x4  }
0x329: {  	v3 =	vshll.u32 v2, $0x6  }
0x32a: {  	v2 =	vand.u32 $0x7, v2;
	v3 =	vand.u32 $0xFFFFFE00, v3  }
0x32b: {  	v2 =	vor.u32 v2, v3  }
0x32c: {  	v2 =	vperm.xlane v2, v0;
	_ =	sdelay $0x1  }
0x32d: {  	v2 =	vadd.s32 v1, v2;
	_ =	sdelay $0x4  }
0x32e: {  	[tilespmem:s14], [sflag:$0x7] =	stream.indirect_vreg.gather [hbm4b:s30+s3], $0x80, v2, vm0, $0xb8;
	[tilespmem:$0x1E000] =	vst v63  }
0x32f: {  	_ = 	snop  }
0x330: {  	[tilespmem:s1], [sflag:$0x7] =	stream.indirect_vreg.gather [hbm4b:s5+s3], $0x80, v2, vm0, $0xb8;
	[tilespmem:$0x1E000] =	vst v63  }
0x331: {  	_ = 	snop  }
0x332: {  	[tilespmem:s25], [sflag:$0x7] =	stream.indirect_vreg.gather [hbm4b:s6+s3], $0x80, v2, vm0, $0xb8;
	[tilespmem:$0x1E000] =	vst v63  }
0x333: {  	_ = 	snop  }
0x334: {  	[tilespmem:s23], [sflag:$0x7] =	stream.indirect_vreg.gather [hbm4b:s7+s3], $0x80, v2, vm0, $0xb8;
	[tilespmem:$0x1E000] =	vst v63  }
0x335: {  	s23 =	simm.s32 $0x1C000  }
0x336: {  	[tilespmem:s23], [sflag:$0x7] =	stream.indirect_vreg.gather [hbm4b:s8+s3], $0x80, v2, vm0, $0xb8;
	[tilespmem:$0x1E000] =	vst v63  }
0x337: {  	s25 =	simm.s32 $0x1C800  }
0x338: {  	[tilespmem:s25], [sflag:$0x7] =	stream.indirect_vreg.gather [hbm4b:s9+s3], $0x80, v2, vm0, $0xb8;
	[tilespmem:$0x1E000] =	vst v63  }
0x339: {  	s1 =	simm.s32 $0x1D000  }
0x33a: {  	[tilespmem:s1], [sflag:$0x7] =	stream.indirect_vreg.gather [hbm4b:s10+s3], $0x80, v2, vm0, $0xb8;
	[tilespmem:$0x1E000] =	vst v63  }
0x33b: {  	s13 =	simm.s32 $0x1D800;
	s14 =	simm.s32 $0x2  }
0x33c: {  	[tilespmem:s13], [sflag:$0x7] =	stream.indirect_vreg.gather [hbm4b:s11+s3], $0x80, v2, vm0, $0xb8;
	[tilespmem:$0x1E000] =	vst v63  }
0x33d: {  	_ =	swait.ge [sflag:s14], $0x4000  }
0x33e: {  	[sflag:s14] =	ssyncset.done $0x0  }
0x33f: {  	s23 =	simm.s32 $0x6000;
	s31 =	rddreg [dreg:$0x1a];
	[sflag:s14] =	ssyncadd.s32 $0xFFFFC000  }
0x340: {  	[hbm4b:s31+s4] =	stream.strided.scatter [tilespmem:s23], [sflag:$0x9], $0x4000, s24, s4, $0x38;
	[tilespmem:$0x1E000] =	vst v63  }
0x341: {  	_ =	swait.ge [sflag:s18], $0x4000  }
0x342: {  	[sflag:s18] =	ssyncset.done $0x0  }
0x343: {  	[sflag:s18] =	ssyncadd.s32 $0xFFFFC000  }
0x344: {  	v2 =	vld.msk [tilespmem:$0xE00], $0x3;
	_ =	sdelay $0x4  }
0x345: {  	v3 =	vshll.u32 v2, $0x6  }
0x346: {  	v2 =	vand.u32 $0x7, v2;
	v3 =	vand.u32 $0xFFFFFE00, v3  }
0x347: {  	v2 =	vor.u32 v2, v3  }
0x348: {  	v2 =	vperm.xlane v2, v0;
	_ =	sdelay $0x1  }
0x349: {  	v2 =	vadd.s32 v1, v2;
	_ =	sdelay $0x4  }
0x34a: {  	[tilespmem:s16], [sflag:$0x1] =	stream.indirect_vreg.gather [hbm4b:s30+s3], $0x80, v2, vm0, $0xb8;
	[tilespmem:$0x1E000] =	vst v63  }
0x34b: {  	s16 =	simm.s32 $0x2800  }
0x34c: {  	[tilespmem:s16], [sflag:$0x1] =	stream.indirect_vreg.gather [hbm4b:s5+s3], $0x80, v2, vm0, $0xb8;
	[tilespmem:$0x1E000] =	vst v63  }
0x34d: {  	s25 =	simm.s32 $0x3000  }
0x34e: {  	[tilespmem:s25], [sflag:$0x1] =	stream.indirect_vreg.gather [hbm4b:s6+s3], $0x80, v2, vm0, $0xb8;
	[tilespmem:$0x1E000] =	vst v63  }
0x34f: {  	s1 =	simm.s32 $0x3800  }
0x350: {  	[tilespmem:s1], [sflag:$0x1] =	stream.indirect_vreg.gather [hbm4b:s7+s3], $0x80, v2, vm0, $0xb8;
	[tilespmem:$0x1E000] =	vst v63  }
0x351: {  	_ = 	snop  }
0x352: {  	[tilespmem:s2], [sflag:$0x1] =	stream.indirect_vreg.gather [hbm4b:s8+s3], $0x80, v2, vm0, $0xb8;
	[tilespmem:$0x1E000] =	vst v63  }
0x353: {  	s13 =	simm.s32 $0x4800  }
0x354: {  	[tilespmem:s13], [sflag:$0x1] =	stream.indirect_vreg.gather [hbm4b:s9+s3], $0x80, v2, vm0, $0xb8;
	[tilespmem:$0x1E000] =	vst v63  }
0x355: {  	s14 =	simm.s32 $0x5000  }
0x356: {  	[tilespmem:s14], [sflag:$0x1] =	stream.indirect_vreg.gather [hbm4b:s10+s3], $0x80, v2, vm0, $0xb8;
	[tilespmem:$0x1E000] =	vst v63  }
0x357: {  	s16 =	simm.s32 $0x3;
	s13 =	simm.s32 $0x5800  }
0x358: {  	[tilespmem:s13], [sflag:$0x1] =	stream.indirect_vreg.gather [hbm4b:s11+s3], $0x80, v2, vm0, $0xb8;
	[tilespmem:$0x1E000] =	vst v63  }
0x359: {  	_ =	swait.ge [sflag:s16], $0x4000  }
0x35a: {  	[sflag:s16] =	ssyncset.done $0x0  }
0x35b: {  	s0 =	simm.s32 $0xA000;
	s31 =	rddreg [dreg:$0x1b];
	[sflag:s16] =	ssyncadd.s32 $0xFFFFC000  }
0x35c: {  	[hbm4b:s31+s4] =	stream.strided.scatter [tilespmem:s0], [sflag:$0xA], $0x4000, s24, s4, $0x38;
	[tilespmem:$0x1E000] =	vst v63  }
0x35d: {  	_ =	swait.ge [sflag:s17], $0x4000  }
0x35e: {  	[sflag:s17] =	ssyncset.done $0x0  }
0x35f: {  	[sflag:s17] =	ssyncadd.s32 $0xFFFFC000  }
0x360: {  	v2 =	vld.msk [tilespmem:$0xE80], $0x3;
	_ =	sdelay $0x4  }
0x361: {  	v3 =	vshll.u32 v2, $0x6  }
0x362: {  	v2 =	vand.u32 $0x7, v2;
	v3 =	vand.u32 $0xFFFFFE00, v3  }
0x363: {  	v2 =	vor.u32 v2, v3  }
0x364: {  	v2 =	vperm.xlane v2, v0;
	_ =	sdelay $0x1  }
0x365: {  	v2 =	vadd.s32 v1, v2;
	_ =	sdelay $0x4  }
0x366: {  	[tilespmem:s23], [sflag:$0x2] =	stream.indirect_vreg.gather [hbm4b:s30+s3], $0x80, v2, vm0, $0xb8;
	[tilespmem:$0x1E000] =	vst v63  }
0x367: {  	s25 =	simm.s32 $0x6800  }
0x368: {  	[tilespmem:s25], [sflag:$0x2] =	stream.indirect_vreg.gather [hbm4b:s5+s3], $0x80, v2, vm0, $0xb8;
	[tilespmem:$0x1E000] =	vst v63  }
0x369: {  	s2 =	simm.s32 $0x7000  }
0x36a: {  	[tilespmem:s2], [sflag:$0x2] =	stream.indirect_vreg.gather [hbm4b:s6+s3], $0x80, v2, vm0, $0xb8;
	[tilespmem:$0x1E000] =	vst v63  }
0x36b: {  	s14 =	simm.s32 $0x7800  }
0x36c: {  	[tilespmem:s14], [sflag:$0x2] =	stream.indirect_vreg.gather [hbm4b:s7+s3], $0x80, v2, vm0, $0xb8;
	[tilespmem:$0x1E000] =	vst v63  }
0x36d: {  	s16 =	simm.s32 $0x8000  }
0x36e: {  	[tilespmem:s16], [sflag:$0x2] =	stream.indirect_vreg.gather [hbm4b:s8+s3], $0x80, v2, vm0, $0xb8;
	[tilespmem:$0x1E000] =	vst v63  }
0x36f: {  	s23 =	simm.s32 $0x8800  }
0x370: {  	[tilespmem:s23], [sflag:$0x2] =	stream.indirect_vreg.gather [hbm4b:s9+s3], $0x80, v2, vm0, $0xb8;
	[tilespmem:$0x1E000] =	vst v63  }
0x371: {  	s25 =	simm.s32 $0x9000  }
0x372: {  	[tilespmem:s25], [sflag:$0x2] =	stream.indirect_vreg.gather [hbm4b:s10+s3], $0x80, v2, vm0, $0xb8;
	[tilespmem:$0x1E000] =	vst v63  }
0x373: {  	s2 =	simm.s32 $0x9800;
	s14 =	simm.s32 $0x4  }
0x374: {  	[tilespmem:s2], [sflag:$0x2] =	stream.indirect_vreg.gather [hbm4b:s11+s3], $0x80, v2, vm0, $0xb8;
	[tilespmem:$0x1E000] =	vst v63  }
0x375: {  	_ =	swait.ge [sflag:s14], $0x4000  }
0x376: {  	[sflag:s14] =	ssyncset.done $0x0  }
0x377: {  	s23 =	simm.s32 $0xE000;
	s31 =	rddreg [dreg:$0x1c];
	[sflag:s14] =	ssyncadd.s32 $0xFFFFC000  }
0x378: {  	[hbm4b:s31+s4] =	stream.strided.scatter [tilespmem:s23], [sflag:$0xB], $0x4000, s24, s4, $0x38;
	[tilespmem:$0x1E000] =	vst v63  }
0x379: {  	_ =	swait.ge [sflag:s19], $0x4000  }
0x37a: {  	[sflag:s19] =	ssyncset.done $0x0  }
0x37b: {  	[sflag:s19] =	ssyncadd.s32 $0xFFFFC000  }
0x37c: {  	v2 =	vld.msk [tilespmem:$0xF00], $0x3;
	_ =	sdelay $0x4  }
0x37d: {  	v3 =	vshll.u32 v2, $0x6  }
0x37e: {  	v2 =	vand.u32 $0x7, v2;
	v3 =	vand.u32 $0xFFFFFE00, v3  }
0x37f: {  	v2 =	vor.u32 v2, v3  }
0x380: {  	v2 =	vperm.xlane v2, v0;
	_ =	sdelay $0x1  }
0x381: {  	v2 =	vadd.s32 v1, v2;
	_ =	sdelay $0x4  }
0x382: {  	[tilespmem:s0], [sflag:$0x3] =	stream.indirect_vreg.gather [hbm4b:s30+s3], $0x80, v2, vm0, $0xb8;
	[tilespmem:$0x1E000] =	vst v63  }
0x383: {  	s16 =	simm.s32 $0xA800  }
0x384: {  	[tilespmem:s16], [sflag:$0x3] =	stream.indirect_vreg.gather [hbm4b:s5+s3], $0x80, v2, vm0, $0xb8;
	[tilespmem:$0x1E000] =	vst v63  }
0x385: {  	s1 =	simm.s32 $0xB000  }
0x386: {  	[tilespmem:s1], [sflag:$0x3] =	stream.indirect_vreg.gather [hbm4b:s6+s3], $0x80, v2, vm0, $0xb8;
	[tilespmem:$0x1E000] =	vst v63  }
0x387: {  	s2 =	simm.s32 $0xB800  }
0x388: {  	[tilespmem:s2], [sflag:$0x3] =	stream.indirect_vreg.gather [hbm4b:s7+s3], $0x80, v2, vm0, $0xb8;
	[tilespmem:$0x1E000] =	vst v63  }
0x389: {  	s16 =	simm.s32 $0xC000  }
0x38a: {  	[tilespmem:s16], [sflag:$0x3] =	stream.indirect_vreg.gather [hbm4b:s8+s3], $0x80, v2, vm0, $0xb8;
	[tilespmem:$0x1E000] =	vst v63  }
0x38b: {  	s1 =	simm.s32 $0xC800  }
0x38c: {  	[tilespmem:s1], [sflag:$0x3] =	stream.indirect_vreg.gather [hbm4b:s9+s3], $0x80, v2, vm0, $0xb8;
	[tilespmem:$0x1E000] =	vst v63  }
0x38d: {  	s2 =	simm.s32 $0xD000  }
0x38e: {  	[tilespmem:s2], [sflag:$0x3] =	stream.indirect_vreg.gather [hbm4b:s10+s3], $0x80, v2, vm0, $0xb8;
	[tilespmem:$0x1E000] =	vst v63  }
0x38f: {  	s16 =	simm.s32 $0xD800  }
0x390: {  	[tilespmem:s16], [sflag:$0x3] =	stream.indirect_vreg.gather [hbm4b:s11+s3], $0x80, v2, vm0, $0xb8;
	[tilespmem:$0x1E000] =	vst v63  }
0x391: {  	_ =	swait.ge [sflag:s26], $0x4000  }
0x392: {  	[sflag:s26] =	ssyncset.done $0x0  }
0x393: {  	s2 =	simm.s32 $0x12000;
	s31 =	rddreg [dreg:$0x1d];
	[sflag:s26] =	ssyncadd.s32 $0xFFFFC000  }
0x394: {  	[hbm4b:s31+s4] =	stream.strided.scatter [tilespmem:s2], [sflag:$0xC], $0x4000, s24, s4, $0x38;
	[tilespmem:$0x1E000] =	vst v63  }
0x395: {  	_ =	swait.ge [sflag:s21], $0x4000  }
0x396: {  	[sflag:s21] =	ssyncset.done $0x0  }
0x397: {  	[sflag:s21] =	ssyncadd.s32 $0xFFFFC000  }
0x398: {  	v2 =	vld.msk [tilespmem:$0xF80], $0x3;
	_ =	sdelay $0x4  }
0x399: {  	v3 =	vshll.u32 v2, $0x6  }
0x39a: {  	v2 =	vand.u32 $0x7, v2;
	v3 =	vand.u32 $0xFFFFFE00, v3  }
0x39b: {  	v2 =	vor.u32 v2, v3  }
0x39c: {  	v2 =	vperm.xlane v2, v0;
	_ =	sdelay $0x1  }
0x39d: {  	v2 =	vadd.s32 v1, v2;
	_ =	sdelay $0x4  }
0x39e: {  	[tilespmem:s23], [sflag:$0x4] =	stream.indirect_vreg.gather [hbm4b:s30+s3], $0x80, v2, vm0, $0xb8;
	[tilespmem:$0x1E000] =	vst v63  }
0x39f: {  	s1 =	simm.s32 $0xE800  }
0x3a0: {  	[tilespmem:s1], [sflag:$0x4] =	stream.indirect_vreg.gather [hbm4b:s5+s3], $0x80, v2, vm0, $0xb8;
	[tilespmem:$0x1E000] =	vst v63  }
0x3a1: {  	s16 =	simm.s32 $0xF000  }
0x3a2: {  	[tilespmem:s16], [sflag:$0x4] =	stream.indirect_vreg.gather [hbm4b:s6+s3], $0x80, v2, vm0, $0xb8;
	[tilespmem:$0x1E000] =	vst v63  }
0x3a3: {  	s23 =	simm.s32 $0xF800  }
0x3a4: {  	[tilespmem:s23], [sflag:$0x4] =	stream.indirect_vreg.gather [hbm4b:s7+s3], $0x80, v2, vm0, $0xb8;
	[tilespmem:$0x1E000] =	vst v63  }
0x3a5: {  	s1 =	simm.s32 $0x10000  }
0x3a6: {  	[tilespmem:s1], [sflag:$0x4] =	stream.indirect_vreg.gather [hbm4b:s8+s3], $0x80, v2, vm0, $0xb8;
	[tilespmem:$0x1E000] =	vst v63  }
0x3a7: {  	s16 =	simm.s32 $0x10800  }
0x3a8: {  	[tilespmem:s16], [sflag:$0x4] =	stream.indirect_vreg.gather [hbm4b:s9+s3], $0x80, v2, vm0, $0xb8;
	[tilespmem:$0x1E000] =	vst v63  }
0x3a9: {  	s23 =	simm.s32 $0x11000  }
0x3aa: {  	[tilespmem:s23], [sflag:$0x4] =	stream.indirect_vreg.gather [hbm4b:s10+s3], $0x80, v2, vm0, $0xb8;
	[tilespmem:$0x1E000] =	vst v63  }
0x3ab: {  	s1 =	simm.s32 $0x11800  }
0x3ac: {  	[tilespmem:s1], [sflag:$0x4] =	stream.indirect_vreg.gather [hbm4b:s11+s3], $0x80, v2, vm0, $0xb8;
	[tilespmem:$0x1E000] =	vst v63  }
0x3ad: {  	_ =	swait.ge [sflag:s20], $0x4000  }
0x3ae: {  	[sflag:s20] =	ssyncset.done $0x0  }
0x3af: {  	s0 =	simm.s32 $0x16000;
	s31 =	rddreg [dreg:$0x1e];
	[sflag:s20] =	ssyncadd.s32 $0xFFFFC000  }
0x3b0: {  	[hbm4b:s31+s4] =	stream.strided.scatter [tilespmem:s0], [sflag:$0xD], $0x4000, s24, s4, $0x38;
	[tilespmem:$0x1E000] =	vst v63  }
0x3b1: {  	_ =	swait.ge [sflag:s29], $0x4000  }
0x3b2: {  	[sflag:s29] =	ssyncset.done $0x0  }
0x3b3: {  	[sflag:s29] =	ssyncadd.s32 $0xFFFFC000  }
0x3b4: {  	v2 =	vld.msk [tilespmem:$0x1000], $0x3;
	_ =	sdelay $0x4  }
0x3b5: {  	v3 =	vshll.u32 v2, $0x6  }
0x3b6: {  	v2 =	vand.u32 $0x7, v2;
	v3 =	vand.u32 $0xFFFFFE00, v3  }
0x3b7: {  	v2 =	vor.u32 v2, v3  }
0x3b8: {  	v2 =	vperm.xlane v2, v0;
	_ =	sdelay $0x1  }
0x3b9: {  	v2 =	vadd.s32 v1, v2;
	_ =	sdelay $0x4  }
0x3ba: {  	[tilespmem:s2], [sflag:$0x5] =	stream.indirect_vreg.gather [hbm4b:s30+s3], $0x80, v2, vm0, $0xb8;
	[tilespmem:$0x1E000] =	vst v63  }
0x3bb: {  	s23 =	simm.s32 $0x12800  }
0x3bc: {  	[tilespmem:s23], [sflag:$0x5] =	stream.indirect_vreg.gather [hbm4b:s5+s3], $0x80, v2, vm0, $0xb8;
	[tilespmem:$0x1E000] =	vst v63  }
0x3bd: {  	s16 =	simm.s32 $0x13000  }
0x3be: {  	[tilespmem:s16], [sflag:$0x5] =	stream.indirect_vreg.gather [hbm4b:s6+s3], $0x80, v2, vm0, $0xb8;
	[tilespmem:$0x1E000] =	vst v63  }
0x3bf: {  	s2 =	simm.s32 $0x13800  }
0x3c0: {  	[tilespmem:s2], [sflag:$0x5] =	stream.indirect_vreg.gather [hbm4b:s7+s3], $0x80, v2, vm0, $0xb8;
	[tilespmem:$0x1E000] =	vst v63  }
0x3c1: {  	s16 =	simm.s32 $0x14000  }
0x3c2: {  	[tilespmem:s16], [sflag:$0x5] =	stream.indirect_vreg.gather [hbm4b:s8+s3], $0x80, v2, vm0, $0xb8;
	[tilespmem:$0x1E000] =	vst v63  }
0x3c3: {  	s2 =	simm.s32 $0x14800  }
0x3c4: {  	[tilespmem:s2], [sflag:$0x5] =	stream.indirect_vreg.gather [hbm4b:s9+s3], $0x80, v2, vm0, $0xb8;
	[tilespmem:$0x1E000] =	vst v63  }
0x3c5: {  	s16 =	simm.s32 $0x15000  }
0x3c6: {  	[tilespmem:s16], [sflag:$0x5] =	stream.indirect_vreg.gather [hbm4b:s10+s3], $0x80, v2, vm0, $0xb8;
	[tilespmem:$0x1E000] =	vst v63  }
0x3c7: {  	s2 =	simm.s32 $0x15800  }
0x3c8: {  	[tilespmem:s2], [sflag:$0x5] =	stream.indirect_vreg.gather [hbm4b:s11+s3], $0x80, v2, vm0, $0xb8;
	[tilespmem:$0x1E000] =	vst v63  }
0x3c9: {  	_ =	swait.ge [sflag:s15], $0x4000  }
0x3ca: {  	[sflag:s15] =	ssyncset.done $0x0  }
0x3cb: {  	s1 =	simm.s32 $0x1A000;
	s31 =	rddreg [dreg:$0x1f];
	[sflag:s15] =	ssyncadd.s32 $0xFFFFC000  }
0x3cc: {  	[hbm4b:s31+s4] =	stream.strided.scatter [tilespmem:s1], [sflag:$0xE], $0x4000, s24, s4, $0x38;
	[tilespmem:$0x1E000] =	vst v63  }
0x3cd: {  	_ =	swait.ge [sflag:s22], $0x4000  }
0x3ce: {  	[sflag:s22] =	ssyncset.done $0x0  }
0x3cf: {  	[sflag:s22] =	ssyncadd.s32 $0xFFFFC000  }
0x3d0: {  	v2 =	vld.msk [tilespmem:$0x1080], $0x3;
	_ =	sdelay $0x4  }
0x3d1: {  	v3 =	vshll.u32 v2, $0x6  }
0x3d2: {  	v2 =	vand.u32 $0x7, v2;
	v3 =	vand.u32 $0xFFFFFE00, v3  }
0x3d3: {  	v2 =	vor.u32 v2, v3  }
0x3d4: {  	v2 =	vperm.xlane v2, v0;
	_ =	sdelay $0x1  }
0x3d5: {  	v2 =	vadd.s32 v1, v2;
	_ =	sdelay $0x4  }
0x3d6: {  	[tilespmem:s0], [sflag:$0x6] =	stream.indirect_vreg.gather [hbm4b:s30+s3], $0x80, v2, vm0, $0xb8;
	[tilespmem:$0x1E000] =	vst v63  }
0x3d7: {  	s2 =	simm.s32 $0x16800  }
0x3d8: {  	[tilespmem:s2], [sflag:$0x6] =	stream.indirect_vreg.gather [hbm4b:s5+s3], $0x80, v2, vm0, $0xb8;
	[tilespmem:$0x1E000] =	vst v63  }
0x3d9: {  	s16 =	simm.s32 $0x17000  }
0x3da: {  	[tilespmem:s16], [sflag:$0x6] =	stream.indirect_vreg.gather [hbm4b:s6+s3], $0x80, v2, vm0, $0xb8;
	[tilespmem:$0x1E000] =	vst v63  }
0x3db: {  	s16 =	simm.s32 $0x17800  }
0x3dc: {  	[tilespmem:s16], [sflag:$0x6] =	stream.indirect_vreg.gather [hbm4b:s7+s3], $0x80, v2, vm0, $0xb8;
	[tilespmem:$0x1E000] =	vst v63  }
0x3dd: {  	s16 =	simm.s32 $0x18000  }
0x3de: {  	[tilespmem:s16], [sflag:$0x6] =	stream.indirect_vreg.gather [hbm4b:s8+s3], $0x80, v2, vm0, $0xb8;
	[tilespmem:$0x1E000] =	vst v63  }
0x3df: {  	s16 =	simm.s32 $0x18800  }
0x3e0: {  	[tilespmem:s16], [sflag:$0x6] =	stream.indirect_vreg.gather [hbm4b:s9+s3], $0x80, v2, vm0, $0xb8;
	[tilespmem:$0x1E000] =	vst v63  }
0x3e1: {  	s16 =	simm.s32 $0x19000  }
0x3e2: {  	[tilespmem:s16], [sflag:$0x6] =	stream.indirect_vreg.gather [hbm4b:s10+s3], $0x80, v2, vm0, $0xb8;
	[tilespmem:$0x1E000] =	vst v63  }
0x3e3: {  	s16 =	simm.s32 $0x19800  }
0x3e4: {  	[tilespmem:s16], [sflag:$0x6] =	stream.indirect_vreg.gather [hbm4b:s11+s3], $0x80, v2, vm0, $0xb8;
	[tilespmem:$0x1E000] =	vst v63  }
0x3e5: {  	_ =	swait.ge [sflag:s28], $0x4000  }
0x3e6: {  	s31 =	sld [smem:$0x7D9]  }
0x3e7: {  	[sflag:s28] =	ssyncset.done $0x0  }
0x3e8: {  	s0 =	simm.s32 $0x2000;
	[sflag:s28] =	ssyncadd.s32 $0xFFFFC000  }
0x3e9: {  	[hbm4b:s31+s4] =	stream.strided.scatter [tilespmem:s0], [sflag:$0x8], $0x4000, s24, s4, $0x38;
	[tilespmem:$0x1E000] =	vst v63  }
0x3ea: {  	_ =	swait.ge [sflag:s12], $0x4000  }
0x3eb: {  	[sflag:s12] =	ssyncset.done $0x0  }
0x3ec: {  	[sflag:s12] =	ssyncadd.s32 $0xFFFFC000  }
0x3ed: {  	v2 =	vld.msk [tilespmem:$0x1100], $0x3;
	_ =	sdelay $0x4  }
0x3ee: {  	v3 =	vshll.u32 v2, $0x6  }
0x3ef: {  	v2 =	vand.u32 $0x7, v2;
	v3 =	vand.u32 $0xFFFFFE00, v3  }
0x3f0: {  	v2 =	vor.u32 v2, v3  }
0x3f1: {  	v2 =	vperm.xlane v2, v0;
	_ =	sdelay $0x1  }
0x3f2: {  	v2 =	vadd.s32 v1, v2;
	_ =	sdelay $0x4  }
0x3f3: {  	[tilespmem:s1], [sflag:$0x7] =	stream.indirect_vreg.gather [hbm4b:s30+s3], $0x80, v2, vm0, $0xb8;
	[tilespmem:$0x1E000] =	vst v63  }
0x3f4: {  	s16 =	simm.s32 $0x1A800  }
0x3f5: {  	[tilespmem:s16], [sflag:$0x7] =	stream.indirect_vreg.gather [hbm4b:s5+s3], $0x80, v2, vm0, $0xb8;
	[tilespmem:$0x1E000] =	vst v63  }
0x3f6: {  	s16 =	simm.s32 $0x1B000  }
0x3f7: {  	[tilespmem:s16], [sflag:$0x7] =	stream.indirect_vreg.gather [hbm4b:s6+s3], $0x80, v2, vm0, $0xb8;
	[tilespmem:$0x1E000] =	vst v63  }
0x3f8: {  	s16 =	simm.s32 $0x1B800  }
0x3f9: {  	[tilespmem:s16], [sflag:$0x7] =	stream.indirect_vreg.gather [hbm4b:s7+s3], $0x80, v2, vm0, $0xb8;
	[tilespmem:$0x1E000] =	vst v63  }
0x3fa: {  	s16 =	simm.s32 $0x1C000  }
0x3fb: {  	[tilespmem:s16], [sflag:$0x7] =	stream.indirect_vreg.gather [hbm4b:s8+s3], $0x80, v2, vm0, $0xb8;
	[tilespmem:$0x1E000] =	vst v63  }
0x3fc: {  	s16 =	simm.s32 $0x1C800  }
0x3fd: {  	[tilespmem:s16], [sflag:$0x7] =	stream.indirect_vreg.gather [hbm4b:s9+s3], $0x80, v2, vm0, $0xb8;
	[tilespmem:$0x1E000] =	vst v63  }
0x3fe: {  	s16 =	simm.s32 $0x1D000  }
0x3ff: {  	[tilespmem:s16], [sflag:$0x7] =	stream.indirect_vreg.gather [hbm4b:s10+s3], $0x80, v2, vm0, $0xb8;
	[tilespmem:$0x1E000] =	vst v63  }
0x400: {  	s16 =	simm.s32 $0x1D800  }
0x401: {  	[tilespmem:s16], [sflag:$0x7] =	stream.indirect_vreg.gather [hbm4b:s11+s3], $0x80, v2, vm0, $0xb8;
	[tilespmem:$0x1E000] =	vst v63  }
0x402: {  	s16 =	simm.s32 $0x2  }
0x403: {  	_ =	swait.ge [sflag:s16], $0x4000  }
0x404: {  	s31 =	sld [smem:$0x7DA]  }
0x405: {  	[sflag:s16] =	ssyncset.done $0x0  }
0x406: {  	[sflag:s16] =	ssyncadd.s32 $0xFFFFC000;
	s16 =	simm.s32 $0x6000  }
0x407: {  	[hbm4b:s31+s4] =	stream.strided.scatter [tilespmem:s16], [sflag:$0x9], $0x4000, s24, s4, $0x38;
	[tilespmem:$0x1E000] =	vst v63  }
0x408: {  	_ =	swait.ge [sflag:s18], $0x4000  }
0x409: {  	[sflag:s18] =	ssyncset.done $0x0  }
0x40a: {  	[sflag:s18] =	ssyncadd.s32 $0xFFFFC000  }
0x40b: {  	v2 =	vld.msk [tilespmem:$0x1180], $0x3;
	_ =	sdelay $0x4  }
0x40c: {  	v3 =	vshll.u32 v2, $0x6  }
0x40d: {  	v2 =	vand.u32 $0x7, v2;
	v3 =	vand.u32 $0xFFFFFE00, v3  }
0x40e: {  	v2 =	vor.u32 v2, v3  }
0x40f: {  	v2 =	vperm.xlane v2, v0;
	_ =	sdelay $0x1  }
0x410: {  	v2 =	vadd.s32 v1, v2;
	_ =	sdelay $0x4  }
0x411: {  	[tilespmem:s0], [sflag:$0x1] =	stream.indirect_vreg.gather [hbm4b:s30+s3], $0x80, v2, vm0, $0xb8;
	[tilespmem:$0x1E000] =	vst v63  }
0x412: {  	s0 =	simm.s32 $0x2800  }
0x413: {  	[tilespmem:s0], [sflag:$0x1] =	stream.indirect_vreg.gather [hbm4b:s5+s3], $0x80, v2, vm0, $0xb8;
	[tilespmem:$0x1E000] =	vst v63  }
0x414: {  	s0 =	simm.s32 $0x3000  }
0x415: {  	[tilespmem:s0], [sflag:$0x1] =	stream.indirect_vreg.gather [hbm4b:s6+s3], $0x80, v2, vm0, $0xb8;
	[tilespmem:$0x1E000] =	vst v63  }
0x416: {  	s0 =	simm.s32 $0x3800  }
0x417: {  	[tilespmem:s0], [sflag:$0x1] =	stream.indirect_vreg.gather [hbm4b:s7+s3], $0x80, v2, vm0, $0xb8;
	[tilespmem:$0x1E000] =	vst v63  }
0x418: {  	s0 =	simm.s32 $0x4000  }
0x419: {  	[tilespmem:s0], [sflag:$0x1] =	stream.indirect_vreg.gather [hbm4b:s8+s3], $0x80, v2, vm0, $0xb8;
	[tilespmem:$0x1E000] =	vst v63  }
0x41a: {  	s0 =	simm.s32 $0x4800  }
0x41b: {  	[tilespmem:s0], [sflag:$0x1] =	stream.indirect_vreg.gather [hbm4b:s9+s3], $0x80, v2, vm0, $0xb8;
	[tilespmem:$0x1E000] =	vst v63  }
0x41c: {  	s0 =	simm.s32 $0x5000  }
0x41d: {  	[tilespmem:s0], [sflag:$0x1] =	stream.indirect_vreg.gather [hbm4b:s10+s3], $0x80, v2, vm0, $0xb8;
	[tilespmem:$0x1E000] =	vst v63  }
0x41e: {  	_ = 	snop  }
0x41f: {  	[tilespmem:s13], [sflag:$0x1] =	stream.indirect_vreg.gather [hbm4b:s11+s3], $0x80, v2, vm0, $0xb8;
	[tilespmem:$0x1E000] =	vst v63  }
0x420: {  	s13 =	simm.s32 $0x3  }
0x421: {  	_ =	swait.ge [sflag:s13], $0x4000  }
0x422: {  	s31 =	sld [smem:$0x7DB]  }
0x423: {  	[sflag:s13] =	ssyncset.done $0x0  }
0x424: {  	s14 =	simm.s32 $0xA000;
	[sflag:s13] =	ssyncadd.s32 $0xFFFFC000  }
0x425: {  	[hbm4b:s31+s4] =	stream.strided.scatter [tilespmem:s14], [sflag:$0xA], $0x4000, s24, s4, $0x38;
	[tilespmem:$0x1E000] =	vst v63  }
0x426: {  	_ =	swait.ge [sflag:s17], $0x4000  }
0x427: {  	[sflag:s17] =	ssyncset.done $0x0  }
0x428: {  	[sflag:s17] =	ssyncadd.s32 $0xFFFFC000  }
0x429: {  	v2 =	vld.msk [tilespmem:$0x1200], $0x3;
	_ =	sdelay $0x4  }
0x42a: {  	v3 =	vshll.u32 v2, $0x6  }
0x42b: {  	v2 =	vand.u32 $0x7, v2;
	v3 =	vand.u32 $0xFFFFFE00, v3  }
0x42c: {  	v2 =	vor.u32 v2, v3  }
0x42d: {  	v2 =	vperm.xlane v2, v0;
	_ =	sdelay $0x1  }
0x42e: {  	v2 =	vadd.s32 v1, v2;
	_ =	sdelay $0x4  }
0x42f: {  	[tilespmem:s16], [sflag:$0x2] =	stream.indirect_vreg.gather [hbm4b:s30+s3], $0x80, v2, vm0, $0xb8;
	[tilespmem:$0x1E000] =	vst v63  }
0x430: {  	s13 =	simm.s32 $0x6800  }
0x431: {  	[tilespmem:s13], [sflag:$0x2] =	stream.indirect_vreg.gather [hbm4b:s5+s3], $0x80, v2, vm0, $0xb8;
	[tilespmem:$0x1E000] =	vst v63  }
0x432: {  	s16 =	simm.s32 $0x7000  }
0x433: {  	[tilespmem:s16], [sflag:$0x2] =	stream.indirect_vreg.gather [hbm4b:s6+s3], $0x80, v2, vm0, $0xb8;
	[tilespmem:$0x1E000] =	vst v63  }
0x434: {  	s13 =	simm.s32 $0x7800  }
0x435: {  	[tilespmem:s13], [sflag:$0x2] =	stream.indirect_vreg.gather [hbm4b:s7+s3], $0x80, v2, vm0, $0xb8;
	[tilespmem:$0x1E000] =	vst v63  }
0x436: {  	s16 =	simm.s32 $0x8000  }
0x437: {  	[tilespmem:s16], [sflag:$0x2] =	stream.indirect_vreg.gather [hbm4b:s8+s3], $0x80, v2, vm0, $0xb8;
	[tilespmem:$0x1E000] =	vst v63  }
0x438: {  	s13 =	simm.s32 $0x8800  }
0x439: {  	[tilespmem:s13], [sflag:$0x2] =	stream.indirect_vreg.gather [hbm4b:s9+s3], $0x80, v2, vm0, $0xb8;
	[tilespmem:$0x1E000] =	vst v63  }
0x43a: {  	s16 =	simm.s32 $0x9000  }
0x43b: {  	[tilespmem:s16], [sflag:$0x2] =	stream.indirect_vreg.gather [hbm4b:s10+s3], $0x80, v2, vm0, $0xb8;
	[tilespmem:$0x1E000] =	vst v63  }
0x43c: {  	s25 =	simm.s32 $0x4;
	s13 =	simm.s32 $0x9800  }
0x43d: {  	[tilespmem:s13], [sflag:$0x2] =	stream.indirect_vreg.gather [hbm4b:s11+s3], $0x80, v2, vm0, $0xb8;
	[tilespmem:$0x1E000] =	vst v63  }
0x43e: {  	_ =	swait.ge [sflag:s25], $0x4000  }
0x43f: {  	s31 =	sld [smem:$0x7DC]  }
0x440: {  	[sflag:s25] =	ssyncset.done $0x0  }
0x441: {  	s13 =	simm.s32 $0xE000;
	[sflag:s25] =	ssyncadd.s32 $0xFFFFC000  }
0x442: {  	[hbm4b:s31+s4] =	stream.strided.scatter [tilespmem:s13], [sflag:$0xB], $0x4000, s24, s4, $0x38;
	[tilespmem:$0x1E000] =	vst v63  }
0x443: {  	_ =	swait.ge [sflag:s19], $0x4000  }
0x444: {  	[sflag:s19] =	ssyncset.done $0x0  }
0x445: {  	[sflag:s19] =	ssyncadd.s32 $0xFFFFC000  }
0x446: {  	v2 =	vld.msk [tilespmem:$0x1280], $0x3;
	_ =	sdelay $0x4  }
0x447: {  	v3 =	vshll.u32 v2, $0x6  }
0x448: {  	v2 =	vand.u32 $0x7, v2;
	v3 =	vand.u32 $0xFFFFFE00, v3  }
0x449: {  	v2 =	vor.u32 v2, v3  }
0x44a: {  	v2 =	vperm.xlane v2, v0;
	_ =	sdelay $0x1  }
0x44b: {  	v2 =	vadd.s32 v1, v2;
	_ =	sdelay $0x4  }
0x44c: {  	[tilespmem:s14], [sflag:$0x3] =	stream.indirect_vreg.gather [hbm4b:s30+s3], $0x80, v2, vm0, $0xb8;
	[tilespmem:$0x1E000] =	vst v63  }
0x44d: {  	s14 =	simm.s32 $0xA800  }
0x44e: {  	[tilespmem:s14], [sflag:$0x3] =	stream.indirect_vreg.gather [hbm4b:s5+s3], $0x80, v2, vm0, $0xb8;
	[tilespmem:$0x1E000] =	vst v63  }
0x44f: {  	s16 =	simm.s32 $0xB000  }
0x450: {  	[tilespmem:s16], [sflag:$0x3] =	stream.indirect_vreg.gather [hbm4b:s6+s3], $0x80, v2, vm0, $0xb8;
	[tilespmem:$0x1E000] =	vst v63  }
0x451: {  	s14 =	simm.s32 $0xB800  }
0x452: {  	[tilespmem:s14], [sflag:$0x3] =	stream.indirect_vreg.gather [hbm4b:s7+s3], $0x80, v2, vm0, $0xb8;
	[tilespmem:$0x1E000] =	vst v63  }
0x453: {  	s16 =	simm.s32 $0xC000  }
0x454: {  	[tilespmem:s16], [sflag:$0x3] =	stream.indirect_vreg.gather [hbm4b:s8+s3], $0x80, v2, vm0, $0xb8;
	[tilespmem:$0x1E000] =	vst v63  }
0x455: {  	s14 =	simm.s32 $0xC800  }
0x456: {  	[tilespmem:s14], [sflag:$0x3] =	stream.indirect_vreg.gather [hbm4b:s9+s3], $0x80, v2, vm0, $0xb8;
	[tilespmem:$0x1E000] =	vst v63  }
0x457: {  	s16 =	simm.s32 $0xD000  }
0x458: {  	[tilespmem:s16], [sflag:$0x3] =	stream.indirect_vreg.gather [hbm4b:s10+s3], $0x80, v2, vm0, $0xb8;
	[tilespmem:$0x1E000] =	vst v63  }
0x459: {  	s14 =	simm.s32 $0xD800  }
0x45a: {  	[tilespmem:s14], [sflag:$0x3] =	stream.indirect_vreg.gather [hbm4b:s11+s3], $0x80, v2, vm0, $0xb8;
	[tilespmem:$0x1E000] =	vst v63  }
0x45b: {  	_ =	swait.ge [sflag:s26], $0x4000  }
0x45c: {  	s31 =	sld [smem:$0x7DD]  }
0x45d: {  	[sflag:s26] =	ssyncset.done $0x0  }
0x45e: {  	s0 =	simm.s32 $0x12000;
	[sflag:s26] =	ssyncadd.s32 $0xFFFFC000  }
0x45f: {  	[hbm4b:s31+s4] =	stream.strided.scatter [tilespmem:s0], [sflag:$0xC], $0x4000, s24, s4, $0x38;
	[tilespmem:$0x1E000] =	vst v63  }
0x460: {  	_ =	swait.ge [sflag:s21], $0x4000  }
0x461: {  	[sflag:s21] =	ssyncset.done $0x0  }
0x462: {  	[sflag:s21] =	ssyncadd.s32 $0xFFFFC000  }
0x463: {  	v2 =	vld.msk [tilespmem:$0x1300], $0x3;
	_ =	sdelay $0x4  }
0x464: {  	v3 =	vshll.u32 v2, $0x6  }
0x465: {  	v2 =	vand.u32 $0x7, v2;
	v3 =	vand.u32 $0xFFFFFE00, v3  }
0x466: {  	v2 =	vor.u32 v2, v3  }
0x467: {  	v2 =	vperm.xlane v2, v0;
	_ =	sdelay $0x1  }
0x468: {  	v2 =	vadd.s32 v1, v2;
	_ =	sdelay $0x4  }
0x469: {  	[tilespmem:s13], [sflag:$0x4] =	stream.indirect_vreg.gather [hbm4b:s30+s3], $0x80, v2, vm0, $0xb8;
	[tilespmem:$0x1E000] =	vst v63  }
0x46a: {  	s16 =	simm.s32 $0xE800  }
0x46b: {  	[tilespmem:s16], [sflag:$0x4] =	stream.indirect_vreg.gather [hbm4b:s5+s3], $0x80, v2, vm0, $0xb8;
	[tilespmem:$0x1E000] =	vst v63  }
0x46c: {  	s14 =	simm.s32 $0xF000  }
0x46d: {  	[tilespmem:s14], [sflag:$0x4] =	stream.indirect_vreg.gather [hbm4b:s6+s3], $0x80, v2, vm0, $0xb8;
	[tilespmem:$0x1E000] =	vst v63  }
0x46e: {  	s16 =	simm.s32 $0xF800  }
0x46f: {  	[tilespmem:s16], [sflag:$0x4] =	stream.indirect_vreg.gather [hbm4b:s7+s3], $0x80, v2, vm0, $0xb8;
	[tilespmem:$0x1E000] =	vst v63  }
0x470: {  	s14 =	simm.s32 $0x10000  }
0x471: {  	[tilespmem:s14], [sflag:$0x4] =	stream.indirect_vreg.gather [hbm4b:s8+s3], $0x80, v2, vm0, $0xb8;
	[tilespmem:$0x1E000] =	vst v63  }
0x472: {  	s16 =	simm.s32 $0x10800  }
0x473: {  	[tilespmem:s16], [sflag:$0x4] =	stream.indirect_vreg.gather [hbm4b:s9+s3], $0x80, v2, vm0, $0xb8;
	[tilespmem:$0x1E000] =	vst v63  }
0x474: {  	s14 =	simm.s32 $0x11000  }
0x475: {  	[tilespmem:s14], [sflag:$0x4] =	stream.indirect_vreg.gather [hbm4b:s10+s3], $0x80, v2, vm0, $0xb8;
	[tilespmem:$0x1E000] =	vst v63  }
0x476: {  	s16 =	simm.s32 $0x11800  }
0x477: {  	[tilespmem:s16], [sflag:$0x4] =	stream.indirect_vreg.gather [hbm4b:s11+s3], $0x80, v2, vm0, $0xb8;
	[tilespmem:$0x1E000] =	vst v63  }
0x478: {  	_ =	swait.ge [sflag:s20], $0x4000  }
0x479: {  	s31 =	sld [smem:$0x7DE]  }
0x47a: {  	[sflag:s20] =	ssyncset.done $0x0  }
0x47b: {  	s13 =	simm.s32 $0x16000;
	[sflag:s20] =	ssyncadd.s32 $0xFFFFC000  }
0x47c: {  	[hbm4b:s31+s4] =	stream.strided.scatter [tilespmem:s13], [sflag:$0xD], $0x4000, s24, s4, $0x38;
	[tilespmem:$0x1E000] =	vst v63  }
0x47d: {  	_ =	swait.ge [sflag:s29], $0x4000  }
0x47e: {  	[sflag:s29] =	ssyncset.done $0x0  }
0x47f: {  	[sflag:s29] =	ssyncadd.s32 $0xFFFFC000  }
0x480: {  	v2 =	vld.msk [tilespmem:$0x1380], $0x3;
	_ =	sdelay $0x4  }
0x481: {  	v3 =	vshll.u32 v2, $0x6  }
0x482: {  	v2 =	vand.u32 $0x7, v2;
	v3 =	vand.u32 $0xFFFFFE00, v3  }
0x483: {  	v2 =	vor.u32 v2, v3  }
0x484: {  	v2 =	vperm.xlane v2, v0;
	_ =	sdelay $0x1  }
0x485: {  	v2 =	vadd.s32 v1, v2;
	_ =	sdelay $0x4  }
0x486: {  	[tilespmem:s0], [sflag:$0x5] =	stream.indirect_vreg.gather [hbm4b:s30+s3], $0x80, v2, vm0, $0xb8;
	[tilespmem:$0x1E000] =	vst v63  }
0x487: {  	_ = 	snop  }
0x488: {  	[tilespmem:s23], [sflag:$0x5] =	stream.indirect_vreg.gather [hbm4b:s5+s3], $0x80, v2, vm0, $0xb8;
	[tilespmem:$0x1E000] =	vst v63  }
0x489: {  	s14 =	simm.s32 $0x13000  }
0x48a: {  	[tilespmem:s14], [sflag:$0x5] =	stream.indirect_vreg.gather [hbm4b:s6+s3], $0x80, v2, vm0, $0xb8;
	[tilespmem:$0x1E000] =	vst v63  }
0x48b: {  	s16 =	simm.s32 $0x13800  }
0x48c: {  	[tilespmem:s16], [sflag:$0x5] =	stream.indirect_vreg.gather [hbm4b:s7+s3], $0x80, v2, vm0, $0xb8;
	[tilespmem:$0x1E000] =	vst v63  }
0x48d: {  	s23 =	simm.s32 $0x14000  }
0x48e: {  	[tilespmem:s23], [sflag:$0x5] =	stream.indirect_vreg.gather [hbm4b:s8+s3], $0x80, v2, vm0, $0xb8;
	[tilespmem:$0x1E000] =	vst v63  }
0x48f: {  	s14 =	simm.s32 $0x14800  }
0x490: {  	[tilespmem:s14], [sflag:$0x5] =	stream.indirect_vreg.gather [hbm4b:s9+s3], $0x80, v2, vm0, $0xb8;
	[tilespmem:$0x1E000] =	vst v63  }
0x491: {  	s16 =	simm.s32 $0x15000  }
0x492: {  	[tilespmem:s16], [sflag:$0x5] =	stream.indirect_vreg.gather [hbm4b:s10+s3], $0x80, v2, vm0, $0xb8;
	[tilespmem:$0x1E000] =	vst v63  }
0x493: {  	s23 =	simm.s32 $0x15800  }
0x494: {  	[tilespmem:s23], [sflag:$0x5] =	stream.indirect_vreg.gather [hbm4b:s11+s3], $0x80, v2, vm0, $0xb8;
	[tilespmem:$0x1E000] =	vst v63  }
0x495: {  	_ =	swait.ge [sflag:s15], $0x4000  }
0x496: {  	s31 =	sld [smem:$0x7DF]  }
0x497: {  	[sflag:s15] =	ssyncset.done $0x0  }
0x498: {  	s0 =	simm.s32 $0x1A000;
	[sflag:s15] =	ssyncadd.s32 $0xFFFFC000  }
0x499: {  	[hbm4b:s31+s4] =	stream.strided.scatter [tilespmem:s0], [sflag:$0xE], $0x4000, s24, s4, $0x38;
	[tilespmem:$0x1E000] =	vst v63  }
0x49a: {  	_ =	swait.ge [sflag:s22], $0x4000  }
0x49b: {  	[sflag:s22] =	ssyncset.done $0x0  }
0x49c: {  	[sflag:s22] =	ssyncadd.s32 $0xFFFFC000  }
0x49d: {  	v2 =	vld.msk [tilespmem:$0x1400], $0x3;
	_ =	sdelay $0x4  }
0x49e: {  	v3 =	vshll.u32 v2, $0x6  }
0x49f: {  	v2 =	vand.u32 $0x7, v2;
	v3 =	vand.u32 $0xFFFFFE00, v3  }
0x4a0: {  	v2 =	vor.u32 v2, v3  }
0x4a1: {  	v2 =	vperm.xlane v2, v0;
	_ =	sdelay $0x1  }
0x4a2: {  	v2 =	vadd.s32 v1, v2;
	_ =	sdelay $0x4  }
0x4a3: {  	[tilespmem:s13], [sflag:$0x6] =	stream.indirect_vreg.gather [hbm4b:s30+s3], $0x80, v2, vm0, $0xb8;
	[tilespmem:$0x1E000] =	vst v63  }
0x4a4: {  	_ = 	snop  }
0x4a5: {  	[tilespmem:s2], [sflag:$0x6] =	stream.indirect_vreg.gather [hbm4b:s5+s3], $0x80, v2, vm0, $0xb8;
	[tilespmem:$0x1E000] =	vst v63  }
0x4a6: {  	s14 =	simm.s32 $0x17000  }
0x4a7: {  	[tilespmem:s14], [sflag:$0x6] =	stream.indirect_vreg.gather [hbm4b:s6+s3], $0x80, v2, vm0, $0xb8;
	[tilespmem:$0x1E000] =	vst v63  }
0x4a8: {  	s16 =	simm.s32 $0x17800  }
0x4a9: {  	[tilespmem:s16], [sflag:$0x6] =	stream.indirect_vreg.gather [hbm4b:s7+s3], $0x80, v2, vm0, $0xb8;
	[tilespmem:$0x1E000] =	vst v63  }
0x4aa: {  	s23 =	simm.s32 $0x18000  }
0x4ab: {  	[tilespmem:s23], [sflag:$0x6] =	stream.indirect_vreg.gather [hbm4b:s8+s3], $0x80, v2, vm0, $0xb8;
	[tilespmem:$0x1E000] =	vst v63  }
0x4ac: {  	s13 =	simm.s32 $0x18800  }
0x4ad: {  	[tilespmem:s13], [sflag:$0x6] =	stream.indirect_vreg.gather [hbm4b:s9+s3], $0x80, v2, vm0, $0xb8;
	[tilespmem:$0x1E000] =	vst v63  }
0x4ae: {  	s14 =	simm.s32 $0x19000  }
0x4af: {  	[tilespmem:s14], [sflag:$0x6] =	stream.indirect_vreg.gather [hbm4b:s10+s3], $0x80, v2, vm0, $0xb8;
	[tilespmem:$0x1E000] =	vst v63  }
0x4b0: {  	s16 =	simm.s32 $0x19800  }
0x4b1: {  	[tilespmem:s16], [sflag:$0x6] =	stream.indirect_vreg.gather [hbm4b:s11+s3], $0x80, v2, vm0, $0xb8;
	[tilespmem:$0x1E000] =	vst v63  }
0x4b2: {  	_ =	swait.ge [sflag:s28], $0x4000  }
0x4b3: {  	s31 =	sld [smem:$0x7E0]  }
0x4b4: {  	[sflag:s28] =	ssyncset.done $0x0  }
0x4b5: {  	s2 =	simm.s32 $0x2000;
	[sflag:s28] =	ssyncadd.s32 $0xFFFFC000  }
0x4b6: {  	[hbm4b:s31+s4] =	stream.strided.scatter [tilespmem:s2], [sflag:$0x8], $0x4000, s24, s4, $0x38;
	[tilespmem:$0x1E000] =	vst v63  }
0x4b7: {  	_ =	swait.ge [sflag:s12], $0x4000  }
0x4b8: {  	[sflag:s12] =	ssyncset.done $0x0  }
0x4b9: {  	[sflag:s12] =	ssyncadd.s32 $0xFFFFC000  }
0x4ba: {  	v2 =	vld.msk [tilespmem:$0x1480], $0x3;
	_ =	sdelay $0x4  }
0x4bb: {  	v3 =	vshll.u32 v2, $0x6  }
0x4bc: {  	v2 =	vand.u32 $0x7, v2;
	v3 =	vand.u32 $0xFFFFFE00, v3  }
0x4bd: {  	v2 =	vor.u32 v2, v3  }
0x4be: {  	v2 =	vperm.xlane v2, v0;
	_ =	sdelay $0x1  }
0x4bf: {  	v2 =	vadd.s32 v1, v2;
	_ =	sdelay $0x4  }
0x4c0: {  	[tilespmem:s0], [sflag:$0x7] =	stream.indirect_vreg.gather [hbm4b:s30+s3], $0x80, v2, vm0, $0xb8;
	[tilespmem:$0x1E000] =	vst v63  }
0x4c1: {  	s16 =	simm.s32 $0x1A800  }
0x4c2: {  	[tilespmem:s16], [sflag:$0x7] =	stream.indirect_vreg.gather [hbm4b:s5+s3], $0x80, v2, vm0, $0xb8;
	[tilespmem:$0x1E000] =	vst v63  }
0x4c3: {  	s23 =	simm.s32 $0x1B000  }
0x4c4: {  	[tilespmem:s23], [sflag:$0x7] =	stream.indirect_vreg.gather [hbm4b:s6+s3], $0x80, v2, vm0, $0xb8;
	[tilespmem:$0x1E000] =	vst v63  }
0x4c5: {  	s13 =	simm.s32 $0x1B800  }
0x4c6: {  	[tilespmem:s13], [sflag:$0x7] =	stream.indirect_vreg.gather [hbm4b:s7+s3], $0x80, v2, vm0, $0xb8;
	[tilespmem:$0x1E000] =	vst v63  }
0x4c7: {  	s14 =	simm.s32 $0x1C000  }
0x4c8: {  	[tilespmem:s14], [sflag:$0x7] =	stream.indirect_vreg.gather [hbm4b:s8+s3], $0x80, v2, vm0, $0xb8;
	[tilespmem:$0x1E000] =	vst v63  }
0x4c9: {  	s23 =	simm.s32 $0x1C800  }
0x4ca: {  	[tilespmem:s23], [sflag:$0x7] =	stream.indirect_vreg.gather [hbm4b:s9+s3], $0x80, v2, vm0, $0xb8;
	[tilespmem:$0x1E000] =	vst v63  }
0x4cb: {  	s13 =	simm.s32 $0x1D000  }
0x4cc: {  	[tilespmem:s13], [sflag:$0x7] =	stream.indirect_vreg.gather [hbm4b:s10+s3], $0x80, v2, vm0, $0xb8;
	[tilespmem:$0x1E000] =	vst v63  }
0x4cd: {  	s1 =	simm.s32 $0x2;
	s14 =	simm.s32 $0x1D800  }
0x4ce: {  	[tilespmem:s14], [sflag:$0x7] =	stream.indirect_vreg.gather [hbm4b:s11+s3], $0x80, v2, vm0, $0xb8;
	[tilespmem:$0x1E000] =	vst v63  }
0x4cf: {  	_ =	swait.ge [sflag:s1], $0x4000  }
0x4d0: {  	s31 =	sld [smem:$0x7E1]  }
0x4d1: {  	[sflag:s1] =	ssyncset.done $0x0  }
0x4d2: {  	s14 =	simm.s32 $0x6000;
	[sflag:s1] =	ssyncadd.s32 $0xFFFFC000  }
0x4d3: {  	[hbm4b:s31+s4] =	stream.strided.scatter [tilespmem:s14], [sflag:$0x9], $0x4000, s24, s4, $0x38;
	[tilespmem:$0x1E000] =	vst v63  }
0x4d4: {  	_ =	swait.ge [sflag:s18], $0x4000  }
0x4d5: {  	[sflag:s18] =	ssyncset.done $0x0  }
0x4d6: {  	[sflag:s18] =	ssyncadd.s32 $0xFFFFC000  }
0x4d7: {  	v2 =	vld.msk [tilespmem:$0x1500], $0x3;
	_ =	sdelay $0x4  }
0x4d8: {  	v3 =	vshll.u32 v2, $0x6  }
0x4d9: {  	v2 =	vand.u32 $0x7, v2;
	v3 =	vand.u32 $0xFFFFFE00, v3  }
0x4da: {  	v2 =	vor.u32 v2, v3  }
0x4db: {  	v2 =	vperm.xlane v2, v0;
	_ =	sdelay $0x1  }
0x4dc: {  	v2 =	vadd.s32 v1, v2;
	_ =	sdelay $0x4  }
0x4dd: {  	[tilespmem:s2], [sflag:$0x1] =	stream.indirect_vreg.gather [hbm4b:s30+s3], $0x80, v2, vm0, $0xb8;
	[tilespmem:$0x1E000] =	vst v63  }
0x4de: {  	s23 =	simm.s32 $0x2800  }
0x4df: {  	[tilespmem:s23], [sflag:$0x1] =	stream.indirect_vreg.gather [hbm4b:s5+s3], $0x80, v2, vm0, $0xb8;
	[tilespmem:$0x1E000] =	vst v63  }
0x4e0: {  	s1 =	simm.s32 $0x3000  }
0x4e1: {  	[tilespmem:s1], [sflag:$0x1] =	stream.indirect_vreg.gather [hbm4b:s6+s3], $0x80, v2, vm0, $0xb8;
	[tilespmem:$0x1E000] =	vst v63  }
0x4e2: {  	s2 =	simm.s32 $0x3800  }
0x4e3: {  	[tilespmem:s2], [sflag:$0x1] =	stream.indirect_vreg.gather [hbm4b:s7+s3], $0x80, v2, vm0, $0xb8;
	[tilespmem:$0x1E000] =	vst v63  }
0x4e4: {  	s13 =	simm.s32 $0x4000  }
0x4e5: {  	[tilespmem:s13], [sflag:$0x1] =	stream.indirect_vreg.gather [hbm4b:s8+s3], $0x80, v2, vm0, $0xb8;
	[tilespmem:$0x1E000] =	vst v63  }
0x4e6: {  	s23 =	simm.s32 $0x4800  }
0x4e7: {  	[tilespmem:s23], [sflag:$0x1] =	stream.indirect_vreg.gather [hbm4b:s9+s3], $0x80, v2, vm0, $0xb8;
	[tilespmem:$0x1E000] =	vst v63  }
0x4e8: {  	s1 =	simm.s32 $0x5000  }
0x4e9: {  	[tilespmem:s1], [sflag:$0x1] =	stream.indirect_vreg.gather [hbm4b:s10+s3], $0x80, v2, vm0, $0xb8;
	[tilespmem:$0x1E000] =	vst v63  }
0x4ea: {  	s2 =	simm.s32 $0x5800;
	s13 =	simm.s32 $0x3  }
0x4eb: {  	[tilespmem:s2], [sflag:$0x1] =	stream.indirect_vreg.gather [hbm4b:s11+s3], $0x80, v2, vm0, $0xb8;
	[tilespmem:$0x1E000] =	vst v63  }
0x4ec: {  	_ =	swait.ge [sflag:s13], $0x4000  }
0x4ed: {  	s31 =	sld [smem:$0x7E2]  }
0x4ee: {  	[sflag:s13] =	ssyncset.done $0x0  }
0x4ef: {  	s1 =	simm.s32 $0xA000;
	[sflag:s13] =	ssyncadd.s32 $0xFFFFC000  }
0x4f0: {  	[hbm4b:s31+s4] =	stream.strided.scatter [tilespmem:s1], [sflag:$0xA], $0x4000, s24, s4, $0x38;
	[tilespmem:$0x1E000] =	vst v63  }
0x4f1: {  	_ =	swait.ge [sflag:s17], $0x4000  }
0x4f2: {  	[sflag:s17] =	ssyncset.done $0x0  }
0x4f3: {  	[sflag:s17] =	ssyncadd.s32 $0xFFFFC000  }
0x4f4: {  	v2 =	vld.msk [tilespmem:$0x1580], $0x3;
	_ =	sdelay $0x4  }
0x4f5: {  	v3 =	vshll.u32 v2, $0x6  }
0x4f6: {  	v2 =	vand.u32 $0x7, v2;
	v3 =	vand.u32 $0xFFFFFE00, v3  }
0x4f7: {  	v2 =	vor.u32 v2, v3  }
0x4f8: {  	v2 =	vperm.xlane v2, v0;
	_ =	sdelay $0x1  }
0x4f9: {  	v2 =	vadd.s32 v1, v2;
	_ =	sdelay $0x4  }
0x4fa: {  	[tilespmem:s14], [sflag:$0x2] =	stream.indirect_vreg.gather [hbm4b:s30+s3], $0x80, v2, vm0, $0xb8;
	[tilespmem:$0x1E000] =	vst v63  }
0x4fb: {  	s23 =	simm.s32 $0x6800  }
0x4fc: {  	[tilespmem:s23], [sflag:$0x2] =	stream.indirect_vreg.gather [hbm4b:s5+s3], $0x80, v2, vm0, $0xb8;
	[tilespmem:$0x1E000] =	vst v63  }
0x4fd: {  	s0 =	simm.s32 $0x7000  }
0x4fe: {  	[tilespmem:s0], [sflag:$0x2] =	stream.indirect_vreg.gather [hbm4b:s6+s3], $0x80, v2, vm0, $0xb8;
	[tilespmem:$0x1E000] =	vst v63  }
0x4ff: {  	s14 =	simm.s32 $0x7800  }
0x500: {  	[tilespmem:s14], [sflag:$0x2] =	stream.indirect_vreg.gather [hbm4b:s7+s3], $0x80, v2, vm0, $0xb8;
	[tilespmem:$0x1E000] =	vst v63  }
0x501: {  	s23 =	simm.s32 $0x8000  }
0x502: {  	[tilespmem:s23], [sflag:$0x2] =	stream.indirect_vreg.gather [hbm4b:s8+s3], $0x80, v2, vm0, $0xb8;
	[tilespmem:$0x1E000] =	vst v63  }
0x503: {  	s0 =	simm.s32 $0x8800  }
0x504: {  	[tilespmem:s0], [sflag:$0x2] =	stream.indirect_vreg.gather [hbm4b:s9+s3], $0x80, v2, vm0, $0xb8;
	[tilespmem:$0x1E000] =	vst v63  }
0x505: {  	s14 =	simm.s32 $0x9000  }
0x506: {  	[tilespmem:s14], [sflag:$0x2] =	stream.indirect_vreg.gather [hbm4b:s10+s3], $0x80, v2, vm0, $0xb8;
	[tilespmem:$0x1E000] =	vst v63  }
0x507: {  	s23 =	simm.s32 $0x9800  }
0x508: {  	[tilespmem:s23], [sflag:$0x2] =	stream.indirect_vreg.gather [hbm4b:s11+s3], $0x80, v2, vm0, $0xb8;
	[tilespmem:$0x1E000] =	vst v63  }
0x509: {  	_ =	swait.ge [sflag:s25], $0x4000  }
0x50a: {  	s31 =	sld [smem:$0x7E3]  }
0x50b: {  	[sflag:s25] =	ssyncset.done $0x0  }
0x50c: {  	s14 =	simm.s32 $0xE000;
	[sflag:s25] =	ssyncadd.s32 $0xFFFFC000  }
0x50d: {  	[hbm4b:s31+s4] =	stream.strided.scatter [tilespmem:s14], [sflag:$0xB], $0x4000, s24, s4, $0x38;
	[tilespmem:$0x1E000] =	vst v63  }
0x50e: {  	_ =	swait.ge [sflag:s19], $0x4000  }
0x50f: {  	[sflag:s19] =	ssyncset.done $0x0  }
0x510: {  	[sflag:s19] =	ssyncadd.s32 $0xFFFFC000  }
0x511: {  	v2 =	vld.msk [tilespmem:$0x1600], $0x3;
	_ =	sdelay $0x4  }
0x512: {  	v3 =	vshll.u32 v2, $0x6  }
0x513: {  	v2 =	vand.u32 $0x7, v2;
	v3 =	vand.u32 $0xFFFFFE00, v3  }
0x514: {  	v2 =	vor.u32 v2, v3  }
0x515: {  	v2 =	vperm.xlane v2, v0;
	_ =	sdelay $0x1  }
0x516: {  	v2 =	vadd.s32 v1, v2;
	_ =	sdelay $0x4  }
0x517: {  	[tilespmem:s1], [sflag:$0x3] =	stream.indirect_vreg.gather [hbm4b:s30+s3], $0x80, v2, vm0, $0xb8;
	[tilespmem:$0x1E000] =	vst v63  }
0x518: {  	s0 =	simm.s32 $0xA800  }
0x519: {  	[tilespmem:s0], [sflag:$0x3] =	stream.indirect_vreg.gather [hbm4b:s5+s3], $0x80, v2, vm0, $0xb8;
	[tilespmem:$0x1E000] =	vst v63  }
0x51a: {  	s2 =	simm.s32 $0xB000  }
0x51b: {  	[tilespmem:s2], [sflag:$0x3] =	stream.indirect_vreg.gather [hbm4b:s6+s3], $0x80, v2, vm0, $0xb8;
	[tilespmem:$0x1E000] =	vst v63  }
0x51c: {  	s23 =	simm.s32 $0xB800  }
0x51d: {  	[tilespmem:s23], [sflag:$0x3] =	stream.indirect_vreg.gather [hbm4b:s7+s3], $0x80, v2, vm0, $0xb8;
	[tilespmem:$0x1E000] =	vst v63  }
0x51e: {  	s0 =	simm.s32 $0xC000  }
0x51f: {  	[tilespmem:s0], [sflag:$0x3] =	stream.indirect_vreg.gather [hbm4b:s8+s3], $0x80, v2, vm0, $0xb8;
	[tilespmem:$0x1E000] =	vst v63  }
0x520: {  	s2 =	simm.s32 $0xC800  }
0x521: {  	[tilespmem:s2], [sflag:$0x3] =	stream.indirect_vreg.gather [hbm4b:s9+s3], $0x80, v2, vm0, $0xb8;
	[tilespmem:$0x1E000] =	vst v63  }
0x522: {  	s23 =	simm.s32 $0xD000  }
0x523: {  	[tilespmem:s23], [sflag:$0x3] =	stream.indirect_vreg.gather [hbm4b:s10+s3], $0x80, v2, vm0, $0xb8;
	[tilespmem:$0x1E000] =	vst v63  }
0x524: {  	s0 =	simm.s32 $0xD800  }
0x525: {  	[tilespmem:s0], [sflag:$0x3] =	stream.indirect_vreg.gather [hbm4b:s11+s3], $0x80, v2, vm0, $0xb8;
	[tilespmem:$0x1E000] =	vst v63  }
0x526: {  	_ =	swait.ge [sflag:s26], $0x4000  }
0x527: {  	s31 =	sld [smem:$0x7E4]  }
0x528: {  	[sflag:s26] =	ssyncset.done $0x0  }
0x529: {  	s1 =	simm.s32 $0x12000;
	[sflag:s26] =	ssyncadd.s32 $0xFFFFC000  }
0x52a: {  	[hbm4b:s31+s4] =	stream.strided.scatter [tilespmem:s1], [sflag:$0xC], $0x4000, s24, s4, $0x38;
	[tilespmem:$0x1E000] =	vst v63  }
0x52b: {  	_ =	swait.ge [sflag:s21], $0x4000  }
0x52c: {  	[sflag:s21] =	ssyncset.done $0x0  }
0x52d: {  	[sflag:s21] =	ssyncadd.s32 $0xFFFFC000  }
0x52e: {  	v2 =	vld.msk [tilespmem:$0x1680], $0x3;
	_ =	sdelay $0x4  }
0x52f: {  	v3 =	vshll.u32 v2, $0x6  }
0x530: {  	v2 =	vand.u32 $0x7, v2;
	v3 =	vand.u32 $0xFFFFFE00, v3  }
0x531: {  	v2 =	vor.u32 v2, v3  }
0x532: {  	v2 =	vperm.xlane v2, v0;
	_ =	sdelay $0x1  }
0x533: {  	v2 =	vadd.s32 v1, v2;
	_ =	sdelay $0x4  }
0x534: {  	[tilespmem:s14], [sflag:$0x4] =	stream.indirect_vreg.gather [hbm4b:s30+s3], $0x80, v2, vm0, $0xb8;
	[tilespmem:$0x1E000] =	vst v63  }
0x535: {  	s2 =	simm.s32 $0xE800  }
0x536: {  	[tilespmem:s2], [sflag:$0x4] =	stream.indirect_vreg.gather [hbm4b:s5+s3], $0x80, v2, vm0, $0xb8;
	[tilespmem:$0x1E000] =	vst v63  }
0x537: {  	s14 =	simm.s32 $0xF000  }
0x538: {  	[tilespmem:s14], [sflag:$0x4] =	stream.indirect_vreg.gather [hbm4b:s6+s3], $0x80, v2, vm0, $0xb8;
	[tilespmem:$0x1E000] =	vst v63  }
0x539: {  	s2 =	simm.s32 $0xF800  }
0x53a: {  	[tilespmem:s2], [sflag:$0x4] =	stream.indirect_vreg.gather [hbm4b:s7+s3], $0x80, v2, vm0, $0xb8;
	[tilespmem:$0x1E000] =	vst v63  }
0x53b: {  	s14 =	simm.s32 $0x10000  }
0x53c: {  	[tilespmem:s14], [sflag:$0x4] =	stream.indirect_vreg.gather [hbm4b:s8+s3], $0x80, v2, vm0, $0xb8;
	[tilespmem:$0x1E000] =	vst v63  }
0x53d: {  	s2 =	simm.s32 $0x10800  }
0x53e: {  	[tilespmem:s2], [sflag:$0x4] =	stream.indirect_vreg.gather [hbm4b:s9+s3], $0x80, v2, vm0, $0xb8;
	[tilespmem:$0x1E000] =	vst v63  }
0x53f: {  	s14 =	simm.s32 $0x11000  }
0x540: {  	[tilespmem:s14], [sflag:$0x4] =	stream.indirect_vreg.gather [hbm4b:s10+s3], $0x80, v2, vm0, $0xb8;
	[tilespmem:$0x1E000] =	vst v63  }
0x541: {  	s2 =	simm.s32 $0x11800  }
0x542: {  	[tilespmem:s2], [sflag:$0x4] =	stream.indirect_vreg.gather [hbm4b:s11+s3], $0x80, v2, vm0, $0xb8;
	[tilespmem:$0x1E000] =	vst v63  }
0x543: {  	_ =	swait.ge [sflag:s20], $0x4000  }
0x544: {  	s31 =	sld [smem:$0x7E5]  }
0x545: {  	[sflag:s20] =	ssyncset.done $0x0  }
0x546: {  	s0 =	simm.s32 $0x16000;
	[sflag:s20] =	ssyncadd.s32 $0xFFFFC000  }
0x547: {  	[hbm4b:s31+s4] =	stream.strided.scatter [tilespmem:s0], [sflag:$0xD], $0x4000, s24, s4, $0x38;
	[tilespmem:$0x1E000] =	vst v63  }
0x548: {  	_ =	swait.ge [sflag:s29], $0x4000  }
0x549: {  	[sflag:s29] =	ssyncset.done $0x0  }
0x54a: {  	[sflag:s29] =	ssyncadd.s32 $0xFFFFC000  }
0x54b: {  	v2 =	vld.msk [tilespmem:$0x1700], $0x3;
	_ =	sdelay $0x4  }
0x54c: {  	v3 =	vshll.u32 v2, $0x6  }
0x54d: {  	v2 =	vand.u32 $0x7, v2;
	v3 =	vand.u32 $0xFFFFFE00, v3  }
0x54e: {  	v2 =	vor.u32 v2, v3  }
0x54f: {  	v2 =	vperm.xlane v2, v0;
	_ =	sdelay $0x1  }
0x550: {  	v2 =	vadd.s32 v1, v2;
	_ =	sdelay $0x4  }
0x551: {  	[tilespmem:s1], [sflag:$0x5] =	stream.indirect_vreg.gather [hbm4b:s30+s3], $0x80, v2, vm0, $0xb8;
	[tilespmem:$0x1E000] =	vst v63  }
0x552: {  	s14 =	simm.s32 $0x12800  }
0x553: {  	[tilespmem:s14], [sflag:$0x5] =	stream.indirect_vreg.gather [hbm4b:s5+s3], $0x80, v2, vm0, $0xb8;
	[tilespmem:$0x1E000] =	vst v63  }
0x554: {  	s2 =	simm.s32 $0x13000  }
0x555: {  	[tilespmem:s2], [sflag:$0x5] =	stream.indirect_vreg.gather [hbm4b:s6+s3], $0x80, v2, vm0, $0xb8;
	[tilespmem:$0x1E000] =	vst v63  }
0x556: {  	s14 =	simm.s32 $0x13800  }
0x557: {  	[tilespmem:s14], [sflag:$0x5] =	stream.indirect_vreg.gather [hbm4b:s7+s3], $0x80, v2, vm0, $0xb8;
	[tilespmem:$0x1E000] =	vst v63  }
0x558: {  	s2 =	simm.s32 $0x14000  }
0x559: {  	[tilespmem:s2], [sflag:$0x5] =	stream.indirect_vreg.gather [hbm4b:s8+s3], $0x80, v2, vm0, $0xb8;
	[tilespmem:$0x1E000] =	vst v63  }
0x55a: {  	s14 =	simm.s32 $0x14800  }
0x55b: {  	[tilespmem:s14], [sflag:$0x5] =	stream.indirect_vreg.gather [hbm4b:s9+s3], $0x80, v2, vm0, $0xb8;
	[tilespmem:$0x1E000] =	vst v63  }
0x55c: {  	s2 =	simm.s32 $0x15000  }
0x55d: {  	[tilespmem:s2], [sflag:$0x5] =	stream.indirect_vreg.gather [hbm4b:s10+s3], $0x80, v2, vm0, $0xb8;
	[tilespmem:$0x1E000] =	vst v63  }
0x55e: {  	s14 =	simm.s32 $0x15800  }
0x55f: {  	[tilespmem:s14], [sflag:$0x5] =	stream.indirect_vreg.gather [hbm4b:s11+s3], $0x80, v2, vm0, $0xb8;
	[tilespmem:$0x1E000] =	vst v63  }
0x560: {  	_ =	swait.ge [sflag:s15], $0x4000  }
0x561: {  	s31 =	sld [smem:$0x7E6]  }
0x562: {  	[sflag:s15] =	ssyncset.done $0x0  }
0x563: {  	s14 =	simm.s32 $0x1A000;
	[sflag:s15] =	ssyncadd.s32 $0xFFFFC000  }
0x564: {  	[hbm4b:s31+s4] =	stream.strided.scatter [tilespmem:s14], [sflag:$0xE], $0x4000, s24, s4, $0x38;
	[tilespmem:$0x1E000] =	vst v63  }
0x565: {  	_ =	swait.ge [sflag:s22], $0x4000  }
0x566: {  	[sflag:s22] =	ssyncset.done $0x0  }
0x567: {  	[sflag:s22] =	ssyncadd.s32 $0xFFFFC000  }
0x568: {  	v2 =	vld.msk [tilespmem:$0x1780], $0x3;
	_ =	sdelay $0x4  }
0x569: {  	v3 =	vshll.u32 v2, $0x6  }
0x56a: {  	v2 =	vand.u32 $0x7, v2;
	v3 =	vand.u32 $0xFFFFFE00, v3  }
0x56b: {  	v2 =	vor.u32 v2, v3  }
0x56c: {  	v2 =	vperm.xlane v2, v0;
	_ =	sdelay $0x1  }
0x56d: {  	v2 =	vadd.s32 v1, v2;
	_ =	sdelay $0x4  }
0x56e: {  	[tilespmem:s0], [sflag:$0x6] =	stream.indirect_vreg.gather [hbm4b:s30+s3], $0x80, v2, vm0, $0xb8;
	[tilespmem:$0x1E000] =	vst v63  }
0x56f: {  	s2 =	simm.s32 $0x16800  }
0x570: {  	[tilespmem:s2], [sflag:$0x6] =	stream.indirect_vreg.gather [hbm4b:s5+s3], $0x80, v2, vm0, $0xb8;
	[tilespmem:$0x1E000] =	vst v63  }
0x571: {  	s0 =	simm.s32 $0x17000  }
0x572: {  	[tilespmem:s0], [sflag:$0x6] =	stream.indirect_vreg.gather [hbm4b:s6+s3], $0x80, v2, vm0, $0xb8;
	[tilespmem:$0x1E000] =	vst v63  }
0x573: {  	s2 =	simm.s32 $0x17800  }
0x574: {  	[tilespmem:s2], [sflag:$0x6] =	stream.indirect_vreg.gather [hbm4b:s7+s3], $0x80, v2, vm0, $0xb8;
	[tilespmem:$0x1E000] =	vst v63  }
0x575: {  	s0 =	simm.s32 $0x18000  }
0x576: {  	[tilespmem:s0], [sflag:$0x6] =	stream.indirect_vreg.gather [hbm4b:s8+s3], $0x80, v2, vm0, $0xb8;
	[tilespmem:$0x1E000] =	vst v63  }
0x577: {  	s2 =	simm.s32 $0x18800  }
0x578: {  	[tilespmem:s2], [sflag:$0x6] =	stream.indirect_vreg.gather [hbm4b:s9+s3], $0x80, v2, vm0, $0xb8;
	[tilespmem:$0x1E000] =	vst v63  }
0x579: {  	s0 =	simm.s32 $0x19000  }
0x57a: {  	[tilespmem:s0], [sflag:$0x6] =	stream.indirect_vreg.gather [hbm4b:s10+s3], $0x80, v2, vm0, $0xb8;
	[tilespmem:$0x1E000] =	vst v63  }
0x57b: {  	s2 =	simm.s32 $0x19800  }
0x57c: {  	[tilespmem:s2], [sflag:$0x6] =	stream.indirect_vreg.gather [hbm4b:s11+s3], $0x80, v2, vm0, $0xb8;
	[tilespmem:$0x1E000] =	vst v63  }
0x57d: {  	_ =	swait.ge [sflag:s28], $0x4000  }
0x57e: {  	s31 =	sld [smem:$0x7E7]  }
0x57f: {  	[sflag:s28] =	ssyncset.done $0x0  }
0x580: {  	s1 =	simm.s32 $0x2000;
	[sflag:s28] =	ssyncadd.s32 $0xFFFFC000  }
0x581: {  	[hbm4b:s31+s4] =	stream.strided.scatter [tilespmem:s1], [sflag:$0x8], $0x4000, s24, s4, $0x38;
	[tilespmem:$0x1E000] =	vst v63  }
0x582: {  	_ =	swait.ge [sflag:s12], $0x4000  }
0x583: {  	[sflag:s12] =	ssyncset.done $0x0  }
0x584: {  	[sflag:s12] =	ssyncadd.s32 $0xFFFFC000  }
0x585: {  	v2 =	vld.msk [tilespmem:$0x1800], $0x3;
	_ =	sdelay $0x4  }
0x586: {  	v3 =	vshll.u32 v2, $0x6  }
0x587: {  	v2 =	vand.u32 $0x7, v2;
	v3 =	vand.u32 $0xFFFFFE00, v3  }
0x588: {  	v2 =	vor.u32 v2, v3  }
0x589: {  	v2 =	vperm.xlane v2, v0;
	_ =	sdelay $0x1  }
0x58a: {  	v2 =	vadd.s32 v1, v2;
	_ =	sdelay $0x4  }
0x58b: {  	[tilespmem:s14], [sflag:$0x7] =	stream.indirect_vreg.gather [hbm4b:s30+s3], $0x80, v2, vm0, $0xb8;
	[tilespmem:$0x1E000] =	vst v63  }
0x58c: {  	_ = 	snop  }
0x58d: {  	[tilespmem:s16], [sflag:$0x7] =	stream.indirect_vreg.gather [hbm4b:s5+s3], $0x80, v2, vm0, $0xb8;
	[tilespmem:$0x1E000] =	vst v63  }
0x58e: {  	s16 =	simm.s32 $0x1B000  }
0x58f: {  	[tilespmem:s16], [sflag:$0x7] =	stream.indirect_vreg.gather [hbm4b:s6+s3], $0x80, v2, vm0, $0xb8;
	[tilespmem:$0x1E000] =	vst v63  }
0x590: {  	s2 =	simm.s32 $0x1B800  }
0x591: {  	[tilespmem:s2], [sflag:$0x7] =	stream.indirect_vreg.gather [hbm4b:s7+s3], $0x80, v2, vm0, $0xb8;
	[tilespmem:$0x1E000] =	vst v63  }
0x592: {  	s16 =	simm.s32 $0x1C000  }
0x593: {  	[tilespmem:s16], [sflag:$0x7] =	stream.indirect_vreg.gather [hbm4b:s8+s3], $0x80, v2, vm0, $0xb8;
	[tilespmem:$0x1E000] =	vst v63  }
0x594: {  	s2 =	simm.s32 $0x1C800  }
0x595: {  	[tilespmem:s2], [sflag:$0x7] =	stream.indirect_vreg.gather [hbm4b:s9+s3], $0x80, v2, vm0, $0xb8;
	[tilespmem:$0x1E000] =	vst v63  }
0x596: {  	s16 =	simm.s32 $0x1D000  }
0x597: {  	[tilespmem:s16], [sflag:$0x7] =	stream.indirect_vreg.gather [hbm4b:s10+s3], $0x80, v2, vm0, $0xb8;
	[tilespmem:$0x1E000] =	vst v63  }
0x598: {  	s2 =	simm.s32 $0x1D800;
	s16 =	simm.s32 $0x2  }
0x599: {  	[tilespmem:s2], [sflag:$0x7] =	stream.indirect_vreg.gather [hbm4b:s11+s3], $0x80, v2, vm0, $0xb8;
	[tilespmem:$0x1E000] =	vst v63  }
0x59a: {  	_ =	swait.ge [sflag:s16], $0x4000  }
0x59b: {  	s31 =	sld [smem:$0x7E8]  }
0x59c: {  	[sflag:s16] =	ssyncset.done $0x0  }
0x59d: {  	s2 =	simm.s32 $0x6000;
	[sflag:s16] =	ssyncadd.s32 $0xFFFFC000  }
0x59e: {  	[hbm4b:s31+s4] =	stream.strided.scatter [tilespmem:s2], [sflag:$0x9], $0x4000, s24, s4, $0x38;
	[tilespmem:$0x1E000] =	vst v63  }
0x59f: {  	_ =	swait.ge [sflag:s18], $0x4000  }
0x5a0: {  	[sflag:s18] =	ssyncset.done $0x0  }
0x5a1: {  	[sflag:s18] =	ssyncadd.s32 $0xFFFFC000  }
0x5a2: {  	v2 =	vld.msk [tilespmem:$0x1880], $0x3;
	_ =	sdelay $0x4  }
0x5a3: {  	v3 =	vshll.u32 v2, $0x6  }
0x5a4: {  	v2 =	vand.u32 $0x7, v2;
	v3 =	vand.u32 $0xFFFFFE00, v3  }
0x5a5: {  	v2 =	vor.u32 v2, v3  }
0x5a6: {  	v2 =	vperm.xlane v2, v0;
	_ =	sdelay $0x1  }
0x5a7: {  	v2 =	vadd.s32 v1, v2;
	_ =	sdelay $0x4  }
0x5a8: {  	[tilespmem:s1], [sflag:$0x1] =	stream.indirect_vreg.gather [hbm4b:s30+s3], $0x80, v2, vm0, $0xb8;
	[tilespmem:$0x1E000] =	vst v63  }
0x5a9: {  	s0 =	simm.s32 $0x2800  }
0x5aa: {  	[tilespmem:s0], [sflag:$0x1] =	stream.indirect_vreg.gather [hbm4b:s5+s3], $0x80, v2, vm0, $0xb8;
	[tilespmem:$0x1E000] =	vst v63  }
0x5ab: {  	s0 =	simm.s32 $0x3000  }
0x5ac: {  	[tilespmem:s0], [sflag:$0x1] =	stream.indirect_vreg.gather [hbm4b:s6+s3], $0x80, v2, vm0, $0xb8;
	[tilespmem:$0x1E000] =	vst v63  }
0x5ad: {  	s0 =	simm.s32 $0x3800  }
0x5ae: {  	[tilespmem:s0], [sflag:$0x1] =	stream.indirect_vreg.gather [hbm4b:s7+s3], $0x80, v2, vm0, $0xb8;
	[tilespmem:$0x1E000] =	vst v63  }
0x5af: {  	s0 =	simm.s32 $0x4000  }
0x5b0: {  	[tilespmem:s0], [sflag:$0x1] =	stream.indirect_vreg.gather [hbm4b:s8+s3], $0x80, v2, vm0, $0xb8;
	[tilespmem:$0x1E000] =	vst v63  }
0x5b1: {  	s0 =	simm.s32 $0x4800  }
0x5b2: {  	[tilespmem:s0], [sflag:$0x1] =	stream.indirect_vreg.gather [hbm4b:s9+s3], $0x80, v2, vm0, $0xb8;
	[tilespmem:$0x1E000] =	vst v63  }
0x5b3: {  	s0 =	simm.s32 $0x5000  }
0x5b4: {  	[tilespmem:s0], [sflag:$0x1] =	stream.indirect_vreg.gather [hbm4b:s10+s3], $0x80, v2, vm0, $0xb8;
	[tilespmem:$0x1E000] =	vst v63  }
0x5b5: {  	s13 =	simm.s32 $0x3;
	s0 =	simm.s32 $0x5800  }
0x5b6: {  	[tilespmem:s0], [sflag:$0x1] =	stream.indirect_vreg.gather [hbm4b:s11+s3], $0x80, v2, vm0, $0xb8;
	[tilespmem:$0x1E000] =	vst v63  }
0x5b7: {  	_ =	swait.ge [sflag:s13], $0x4000  }
0x5b8: {  	s31 =	sld [smem:$0x7E9]  }
0x5b9: {  	[sflag:s13] =	ssyncset.done $0x0  }
0x5ba: {  	[sflag:s13] =	ssyncadd.s32 $0xFFFFC000;
	s13 =	simm.s32 $0xA000  }
0x5bb: {  	[hbm4b:s31+s4] =	stream.strided.scatter [tilespmem:s13], [sflag:$0xA], $0x4000, s24, s4, $0x38;
	[tilespmem:$0x1E000] =	vst v63  }
0x5bc: {  	_ =	swait.ge [sflag:s17], $0x4000  }
0x5bd: {  	[sflag:s17] =	ssyncset.done $0x0  }
0x5be: {  	[sflag:s17] =	ssyncadd.s32 $0xFFFFC000  }
0x5bf: {  	v2 =	vld.msk [tilespmem:$0x1900], $0x3;
	_ =	sdelay $0x4  }
0x5c0: {  	v3 =	vshll.u32 v2, $0x6  }
0x5c1: {  	v2 =	vand.u32 $0x7, v2;
	v3 =	vand.u32 $0xFFFFFE00, v3  }
0x5c2: {  	v2 =	vor.u32 v2, v3  }
0x5c3: {  	v2 =	vperm.xlane v2, v0;
	_ =	sdelay $0x1  }
0x5c4: {  	v2 =	vadd.s32 v1, v2;
	_ =	sdelay $0x4  }
0x5c5: {  	[tilespmem:s2], [sflag:$0x2] =	stream.indirect_vreg.gather [hbm4b:s30+s3], $0x80, v2, vm0, $0xb8;
	[tilespmem:$0x1E000] =	vst v63  }
0x5c6: {  	s17 =	simm.s32 $0x6800  }
0x5c7: {  	[tilespmem:s17], [sflag:$0x2] =	stream.indirect_vreg.gather [hbm4b:s5+s3], $0x80, v2, vm0, $0xb8;
	[tilespmem:$0x1E000] =	vst v63  }
0x5c8: {  	s2 =	simm.s32 $0x7000  }
0x5c9: {  	[tilespmem:s2], [sflag:$0x2] =	stream.indirect_vreg.gather [hbm4b:s6+s3], $0x80, v2, vm0, $0xb8;
	[tilespmem:$0x1E000] =	vst v63  }
0x5ca: {  	s2 =	simm.s32 $0x7800  }
0x5cb: {  	[tilespmem:s2], [sflag:$0x2] =	stream.indirect_vreg.gather [hbm4b:s7+s3], $0x80, v2, vm0, $0xb8;
	[tilespmem:$0x1E000] =	vst v63  }
0x5cc: {  	s2 =	simm.s32 $0x8000  }
0x5cd: {  	[tilespmem:s2], [sflag:$0x2] =	stream.indirect_vreg.gather [hbm4b:s8+s3], $0x80, v2, vm0, $0xb8;
	[tilespmem:$0x1E000] =	vst v63  }
0x5ce: {  	s2 =	simm.s32 $0x8800  }
0x5cf: {  	[tilespmem:s2], [sflag:$0x2] =	stream.indirect_vreg.gather [hbm4b:s9+s3], $0x80, v2, vm0, $0xb8;
	[tilespmem:$0x1E000] =	vst v63  }
0x5d0: {  	s2 =	simm.s32 $0x9000  }
0x5d1: {  	[tilespmem:s2], [sflag:$0x2] =	stream.indirect_vreg.gather [hbm4b:s10+s3], $0x80, v2, vm0, $0xb8;
	[tilespmem:$0x1E000] =	vst v63  }
0x5d2: {  	s2 =	simm.s32 $0x9800  }
0x5d3: {  	[tilespmem:s2], [sflag:$0x2] =	stream.indirect_vreg.gather [hbm4b:s11+s3], $0x80, v2, vm0, $0xb8;
	[tilespmem:$0x1E000] =	vst v63  }
0x5d4: {  	_ =	swait.ge [sflag:s25], $0x4000  }
0x5d5: {  	s31 =	sld [smem:$0x7EA]  }
0x5d6: {  	[sflag:s25] =	ssyncset.done $0x0  }
0x5d7: {  	s23 =	simm.s32 $0xE000;
	[sflag:s25] =	ssyncadd.s32 $0xFFFFC000  }
0x5d8: {  	[hbm4b:s31+s4] =	stream.strided.scatter [tilespmem:s23], [sflag:$0xB], $0x4000, s24, s4, $0x38;
	[tilespmem:$0x1E000] =	vst v63  }
0x5d9: {  	_ =	swait.ge [sflag:s19], $0x4000  }
0x5da: {  	[sflag:s19] =	ssyncset.done $0x0  }
0x5db: {  	[sflag:s19] =	ssyncadd.s32 $0xFFFFC000  }
0x5dc: {  	v2 =	vld.msk [tilespmem:$0x1980], $0x3;
	_ =	sdelay $0x4  }
0x5dd: {  	v3 =	vshll.u32 v2, $0x6  }
0x5de: {  	v2 =	vand.u32 $0x7, v2;
	v3 =	vand.u32 $0xFFFFFE00, v3  }
0x5df: {  	v2 =	vor.u32 v2, v3  }
0x5e0: {  	v2 =	vperm.xlane v2, v0;
	_ =	sdelay $0x1  }
0x5e1: {  	v2 =	vadd.s32 v1, v2;
	_ =	sdelay $0x4  }
0x5e2: {  	[tilespmem:s13], [sflag:$0x3] =	stream.indirect_vreg.gather [hbm4b:s30+s3], $0x80, v2, vm0, $0xb8;
	[tilespmem:$0x1E000] =	vst v63  }
0x5e3: {  	s19 =	simm.s32 $0xA800  }
0x5e4: {  	[tilespmem:s19], [sflag:$0x3] =	stream.indirect_vreg.gather [hbm4b:s5+s3], $0x80, v2, vm0, $0xb8;
	[tilespmem:$0x1E000] =	vst v63  }
0x5e5: {  	s2 =	simm.s32 $0xB000  }
0x5e6: {  	[tilespmem:s2], [sflag:$0x3] =	stream.indirect_vreg.gather [hbm4b:s6+s3], $0x80, v2, vm0, $0xb8;
	[tilespmem:$0x1E000] =	vst v63  }
0x5e7: {  	s13 =	simm.s32 $0xB800  }
0x5e8: {  	[tilespmem:s13], [sflag:$0x3] =	stream.indirect_vreg.gather [hbm4b:s7+s3], $0x80, v2, vm0, $0xb8;
	[tilespmem:$0x1E000] =	vst v63  }
0x5e9: {  	s2 =	simm.s32 $0xC000  }
0x5ea: {  	[tilespmem:s2], [sflag:$0x3] =	stream.indirect_vreg.gather [hbm4b:s8+s3], $0x80, v2, vm0, $0xb8;
	[tilespmem:$0x1E000] =	vst v63  }
0x5eb: {  	s13 =	simm.s32 $0xC800  }
0x5ec: {  	[tilespmem:s13], [sflag:$0x3] =	stream.indirect_vreg.gather [hbm4b:s9+s3], $0x80, v2, vm0, $0xb8;
	[tilespmem:$0x1E000] =	vst v63  }
0x5ed: {  	s2 =	simm.s32 $0xD000  }
0x5ee: {  	[tilespmem:s2], [sflag:$0x3] =	stream.indirect_vreg.gather [hbm4b:s10+s3], $0x80, v2, vm0, $0xb8;
	[tilespmem:$0x1E000] =	vst v63  }
0x5ef: {  	s13 =	simm.s32 $0xD800  }
0x5f0: {  	[tilespmem:s13], [sflag:$0x3] =	stream.indirect_vreg.gather [hbm4b:s11+s3], $0x80, v2, vm0, $0xb8;
	[tilespmem:$0x1E000] =	vst v63  }
0x5f1: {  	_ =	swait.ge [sflag:s26], $0x4000  }
0x5f2: {  	s31 =	sld [smem:$0x7EB]  }
0x5f3: {  	[sflag:s26] =	ssyncset.done $0x0  }
0x5f4: {  	s0 =	simm.s32 $0x12000;
	[sflag:s26] =	ssyncadd.s32 $0xFFFFC000  }
0x5f5: {  	[hbm4b:s31+s4] =	stream.strided.scatter [tilespmem:s0], [sflag:$0xC], $0x4000, s24, s4, $0x38;
	[tilespmem:$0x1E000] =	vst v63  }
0x5f6: {  	_ =	swait.ge [sflag:s21], $0x4000  }
0x5f7: {  	[sflag:s21] =	ssyncset.done $0x0  }
0x5f8: {  	[sflag:s21] =	ssyncadd.s32 $0xFFFFC000  }
0x5f9: {  	v2 =	vld.msk [tilespmem:$0x1A00], $0x3;
	_ =	sdelay $0x4  }
0x5fa: {  	v3 =	vshll.u32 v2, $0x6  }
0x5fb: {  	v2 =	vand.u32 $0x7, v2;
	v3 =	vand.u32 $0xFFFFFE00, v3  }
0x5fc: {  	v2 =	vor.u32 v2, v3  }
0x5fd: {  	v2 =	vperm.xlane v2, v0;
	_ =	sdelay $0x1  }
0x5fe: {  	v2 =	vadd.s32 v1, v2;
	_ =	sdelay $0x4  }
0x5ff: {  	[tilespmem:s23], [sflag:$0x4] =	stream.indirect_vreg.gather [hbm4b:s30+s3], $0x80, v2, vm0, $0xb8;
	[tilespmem:$0x1E000] =	vst v63  }
0x600: {  	s21 =	simm.s32 $0xE800  }
0x601: {  	[tilespmem:s21], [sflag:$0x4] =	stream.indirect_vreg.gather [hbm4b:s5+s3], $0x80, v2, vm0, $0xb8;
	[tilespmem:$0x1E000] =	vst v63  }
0x602: {  	s23 =	simm.s32 $0xF000  }
0x603: {  	[tilespmem:s23], [sflag:$0x4] =	stream.indirect_vreg.gather [hbm4b:s6+s3], $0x80, v2, vm0, $0xb8;
	[tilespmem:$0x1E000] =	vst v63  }
0x604: {  	s13 =	simm.s32 $0xF800  }
0x605: {  	[tilespmem:s13], [sflag:$0x4] =	stream.indirect_vreg.gather [hbm4b:s7+s3], $0x80, v2, vm0, $0xb8;
	[tilespmem:$0x1E000] =	vst v63  }
0x606: {  	s21 =	simm.s32 $0x10000  }
0x607: {  	[tilespmem:s21], [sflag:$0x4] =	stream.indirect_vreg.gather [hbm4b:s8+s3], $0x80, v2, vm0, $0xb8;
	[tilespmem:$0x1E000] =	vst v63  }
0x608: {  	s23 =	simm.s32 $0x10800  }
0x609: {  	[tilespmem:s23], [sflag:$0x4] =	stream.indirect_vreg.gather [hbm4b:s9+s3], $0x80, v2, vm0, $0xb8;
	[tilespmem:$0x1E000] =	vst v63  }
0x60a: {  	s13 =	simm.s32 $0x11000  }
0x60b: {  	[tilespmem:s13], [sflag:$0x4] =	stream.indirect_vreg.gather [hbm4b:s10+s3], $0x80, v2, vm0, $0xb8;
	[tilespmem:$0x1E000] =	vst v63  }
0x60c: {  	s21 =	simm.s32 $0x11800  }
0x60d: {  	[tilespmem:s21], [sflag:$0x4] =	stream.indirect_vreg.gather [hbm4b:s11+s3], $0x80, v2, vm0, $0xb8;
	[tilespmem:$0x1E000] =	vst v63  }
0x60e: {  	_ =	swait.ge [sflag:s20], $0x4000  }
0x60f: {  	s31 =	sld [smem:$0x7EC]  }
0x610: {  	[sflag:s20] =	ssyncset.done $0x0  }
0x611: {  	s2 =	simm.s32 $0x16000;
	[sflag:s20] =	ssyncadd.s32 $0xFFFFC000  }
0x612: {  	[hbm4b:s31+s4] =	stream.strided.scatter [tilespmem:s2], [sflag:$0xD], $0x4000, s24, s4, $0x38;
	[tilespmem:$0x1E000] =	vst v63  }
0x613: {  	_ =	swait.ge [sflag:s29], $0x4000  }
0x614: {  	[sflag:s29] =	ssyncset.done $0x0  }
0x615: {  	[sflag:s29] =	ssyncadd.s32 $0xFFFFC000  }
0x616: {  	v2 =	vld.msk [tilespmem:$0x1A80], $0x3;
	_ =	sdelay $0x4  }
0x617: {  	v3 =	vshll.u32 v2, $0x6  }
0x618: {  	v2 =	vand.u32 $0x7, v2;
	v3 =	vand.u32 $0xFFFFFE00, v3  }
0x619: {  	v2 =	vor.u32 v2, v3  }
0x61a: {  	v2 =	vperm.xlane v2, v0;
	_ =	sdelay $0x1  }
0x61b: {  	v2 =	vadd.s32 v1, v2;
	_ =	sdelay $0x4  }
0x61c: {  	[tilespmem:s0], [sflag:$0x5] =	stream.indirect_vreg.gather [hbm4b:s30+s3], $0x80, v2, vm0, $0xb8;
	[tilespmem:$0x1E000] =	vst v63  }
0x61d: {  	s23 =	simm.s32 $0x12800  }
0x61e: {  	[tilespmem:s23], [sflag:$0x5] =	stream.indirect_vreg.gather [hbm4b:s5+s3], $0x80, v2, vm0, $0xb8;
	[tilespmem:$0x1E000] =	vst v63  }
0x61f: {  	s13 =	simm.s32 $0x13000  }
0x620: {  	[tilespmem:s13], [sflag:$0x5] =	stream.indirect_vreg.gather [hbm4b:s6+s3], $0x80, v2, vm0, $0xb8;
	[tilespmem:$0x1E000] =	vst v63  }
0x621: {  	s23 =	simm.s32 $0x13800  }
0x622: {  	[tilespmem:s23], [sflag:$0x5] =	stream.indirect_vreg.gather [hbm4b:s7+s3], $0x80, v2, vm0, $0xb8;
	[tilespmem:$0x1E000] =	vst v63  }
0x623: {  	s13 =	simm.s32 $0x14000  }
0x624: {  	[tilespmem:s13], [sflag:$0x5] =	stream.indirect_vreg.gather [hbm4b:s8+s3], $0x80, v2, vm0, $0xb8;
	[tilespmem:$0x1E000] =	vst v63  }
0x625: {  	s23 =	simm.s32 $0x14800  }
0x626: {  	[tilespmem:s23], [sflag:$0x5] =	stream.indirect_vreg.gather [hbm4b:s9+s3], $0x80, v2, vm0, $0xb8;
	[tilespmem:$0x1E000] =	vst v63  }
0x627: {  	s13 =	simm.s32 $0x15000  }
0x628: {  	[tilespmem:s13], [sflag:$0x5] =	stream.indirect_vreg.gather [hbm4b:s10+s3], $0x80, v2, vm0, $0xb8;
	[tilespmem:$0x1E000] =	vst v63  }
0x629: {  	s23 =	simm.s32 $0x15800  }
0x62a: {  	[tilespmem:s23], [sflag:$0x5] =	stream.indirect_vreg.gather [hbm4b:s11+s3], $0x80, v2, vm0, $0xb8;
	[tilespmem:$0x1E000] =	vst v63  }
0x62b: {  	_ =	swait.ge [sflag:s15], $0x4000  }
0x62c: {  	s31 =	sld [smem:$0x7ED]  }
0x62d: {  	[sflag:s15] =	ssyncset.done $0x0  }
0x62e: {  	s14 =	simm.s32 $0x1A000;
	[sflag:s15] =	ssyncadd.s32 $0xFFFFC000  }
0x62f: {  	[hbm4b:s31+s4] =	stream.strided.scatter [tilespmem:s14], [sflag:$0xE], $0x4000, s24, s4, $0x38;
	[tilespmem:$0x1E000] =	vst v63  }
0x630: {  	_ =	swait.ge [sflag:s22], $0x4000  }
0x631: {  	[sflag:s22] =	ssyncset.done $0x0  }
0x632: {  	[sflag:s22] =	ssyncadd.s32 $0xFFFFC000  }
0x633: {  	v2 =	vld.msk [tilespmem:$0x1B00], $0x3;
	_ =	sdelay $0x4  }
0x634: {  	v3 =	vshll.u32 v2, $0x6  }
0x635: {  	v2 =	vand.u32 $0x7, v2;
	v3 =	vand.u32 $0xFFFFFE00, v3  }
0x636: {  	v2 =	vor.u32 v2, v3  }
0x637: {  	v2 =	vperm.xlane v2, v0;
	_ =	sdelay $0x1  }
0x638: {  	v2 =	vadd.s32 v1, v2;
	_ =	sdelay $0x4  }
0x639: {  	[tilespmem:s2], [sflag:$0x6] =	stream.indirect_vreg.gather [hbm4b:s30+s3], $0x80, v2, vm0, $0xb8;
	[tilespmem:$0x1E000] =	vst v63  }
0x63a: {  	s2 =	simm.s32 $0x16800  }
0x63b: {  	[tilespmem:s2], [sflag:$0x6] =	stream.indirect_vreg.gather [hbm4b:s5+s3], $0x80, v2, vm0, $0xb8;
	[tilespmem:$0x1E000] =	vst v63  }
0x63c: {  	s13 =	simm.s32 $0x17000  }
0x63d: {  	[tilespmem:s13], [sflag:$0x6] =	stream.indirect_vreg.gather [hbm4b:s6+s3], $0x80, v2, vm0, $0xb8;
	[tilespmem:$0x1E000] =	vst v63  }
0x63e: {  	s23 =	simm.s32 $0x17800  }
0x63f: {  	[tilespmem:s23], [sflag:$0x6] =	stream.indirect_vreg.gather [hbm4b:s7+s3], $0x80, v2, vm0, $0xb8;
	[tilespmem:$0x1E000] =	vst v63  }
0x640: {  	s2 =	simm.s32 $0x18000  }
0x641: {  	[tilespmem:s2], [sflag:$0x6] =	stream.indirect_vreg.gather [hbm4b:s8+s3], $0x80, v2, vm0, $0xb8;
	[tilespmem:$0x1E000] =	vst v63  }
0x642: {  	s13 =	simm.s32 $0x18800  }
0x643: {  	[tilespmem:s13], [sflag:$0x6] =	stream.indirect_vreg.gather [hbm4b:s9+s3], $0x80, v2, vm0, $0xb8;
	[tilespmem:$0x1E000] =	vst v63  }
0x644: {  	s23 =	simm.s32 $0x19000  }
0x645: {  	[tilespmem:s23], [sflag:$0x6] =	stream.indirect_vreg.gather [hbm4b:s10+s3], $0x80, v2, vm0, $0xb8;
	[tilespmem:$0x1E000] =	vst v63  }
0x646: {  	s2 =	simm.s32 $0x19800  }
0x647: {  	[tilespmem:s2], [sflag:$0x6] =	stream.indirect_vreg.gather [hbm4b:s11+s3], $0x80, v2, vm0, $0xb8;
	[tilespmem:$0x1E000] =	vst v63  }
0x648: {  	_ =	swait.ge [sflag:s28], $0x4000  }
0x649: {  	s31 =	sld [smem:$0x7EE]  }
0x64a: {  	[sflag:s28] =	ssyncset.done $0x0  }
0x64b: {  	s1 =	simm.s32 $0x2000;
	[sflag:s28] =	ssyncadd.s32 $0xFFFFC000  }
0x64c: {  	[hbm4b:s31+s4] =	stream.strided.scatter [tilespmem:s1], [sflag:$0x8], $0x4000, s24, s4, $0x38;
	[tilespmem:$0x1E000] =	vst v63  }
0x64d: {  	_ =	swait.ge [sflag:s12], $0x4000  }
0x64e: {  	[sflag:s12] =	ssyncset.done $0x0  }
0x64f: {  	[sflag:s12] =	ssyncadd.s32 $0xFFFFC000  }
0x650: {  	v2 =	vld.msk [tilespmem:$0x1B80], $0x3;
	_ =	sdelay $0x4  }
0x651: {  	v3 =	vshll.u32 v2, $0x6  }
0x652: {  	v2 =	vand.u32 $0x7, v2;
	v3 =	vand.u32 $0xFFFFFE00, v3  }
0x653: {  	v2 =	vor.u32 v2, v3  }
0x654: {  	v2 =	vperm.xlane v2, v0;
	_ =	sdelay $0x1  }
0x655: {  	v2 =	vadd.s32 v1, v2;
	_ =	sdelay $0x4  }
0x656: {  	[tilespmem:s14], [sflag:$0x7] =	stream.indirect_vreg.gather [hbm4b:s30+s3], $0x80, v2, vm0, $0xb8;
	[tilespmem:$0x1E000] =	vst v63  }
0x657: {  	s13 =	simm.s32 $0x1A800  }
0x658: {  	[tilespmem:s13], [sflag:$0x7] =	stream.indirect_vreg.gather [hbm4b:s5+s3], $0x80, v2, vm0, $0xb8;
	[tilespmem:$0x1E000] =	vst v63  }
0x659: {  	s14 =	simm.s32 $0x1B000  }
0x65a: {  	[tilespmem:s14], [sflag:$0x7] =	stream.indirect_vreg.gather [hbm4b:s6+s3], $0x80, v2, vm0, $0xb8;
	[tilespmem:$0x1E000] =	vst v63  }
0x65b: {  	s23 =	simm.s32 $0x1B800  }
0x65c: {  	[tilespmem:s23], [sflag:$0x7] =	stream.indirect_vreg.gather [hbm4b:s7+s3], $0x80, v2, vm0, $0xb8;
	[tilespmem:$0x1E000] =	vst v63  }
0x65d: {  	s2 =	simm.s32 $0x1C000  }
0x65e: {  	[tilespmem:s2], [sflag:$0x7] =	stream.indirect_vreg.gather [hbm4b:s8+s3], $0x80, v2, vm0, $0xb8;
	[tilespmem:$0x1E000] =	vst v63  }
0x65f: {  	s13 =	simm.s32 $0x1C800  }
0x660: {  	[tilespmem:s13], [sflag:$0x7] =	stream.indirect_vreg.gather [hbm4b:s9+s3], $0x80, v2, vm0, $0xb8;
	[tilespmem:$0x1E000] =	vst v63  }
0x661: {  	s14 =	simm.s32 $0x1D000  }
0x662: {  	[tilespmem:s14], [sflag:$0x7] =	stream.indirect_vreg.gather [hbm4b:s10+s3], $0x80, v2, vm0, $0xb8;
	[tilespmem:$0x1E000] =	vst v63  }
0x663: {  	s16 =	simm.s32 $0x2;
	s23 =	simm.s32 $0x1D800  }
0x664: {  	[tilespmem:s23], [sflag:$0x7] =	stream.indirect_vreg.gather [hbm4b:s11+s3], $0x80, v2, vm0, $0xb8;
	[tilespmem:$0x1E000] =	vst v63  }
0x665: {  	_ =	swait.ge [sflag:s16], $0x4000  }
0x666: {  	s31 =	sld [smem:$0x7EF]  }
0x667: {  	[sflag:s16] =	ssyncset.done $0x0  }
0x668: {  	s23 =	simm.s32 $0x6000;
	[sflag:s16] =	ssyncadd.s32 $0xFFFFC000  }
0x669: {  	[hbm4b:s31+s4] =	stream.strided.scatter [tilespmem:s23], [sflag:$0x9], $0x4000, s24, s4, $0x38;
	[tilespmem:$0x1E000] =	vst v63  }
0x66a: {  	_ =	swait.ge [sflag:s18], $0x4000  }
0x66b: {  	[sflag:s18] =	ssyncset.done $0x0  }
0x66c: {  	[sflag:s18] =	ssyncadd.s32 $0xFFFFC000  }
0x66d: {  	v2 =	vld.msk [tilespmem:$0x1C00], $0x3;
	_ =	sdelay $0x4  }
0x66e: {  	v3 =	vshll.u32 v2, $0x6  }
0x66f: {  	v2 =	vand.u32 $0x7, v2;
	v3 =	vand.u32 $0xFFFFFE00, v3  }
0x670: {  	v2 =	vor.u32 v2, v3  }
0x671: {  	v2 =	vperm.xlane v2, v0;
	_ =	sdelay $0x1  }
0x672: {  	v2 =	vadd.s32 v1, v2;
	_ =	sdelay $0x4  }
0x673: {  	[tilespmem:s1], [sflag:$0x1] =	stream.indirect_vreg.gather [hbm4b:s30+s3], $0x80, v2, vm0, $0xb8;
	[tilespmem:$0x1E000] =	vst v63  }
0x674: {  	s1 =	simm.s32 $0x2800  }
0x675: {  	[tilespmem:s1], [sflag:$0x1] =	stream.indirect_vreg.gather [hbm4b:s5+s3], $0x80, v2, vm0, $0xb8;
	[tilespmem:$0x1E000] =	vst v63  }
0x676: {  	s2 =	simm.s32 $0x3000  }
0x677: {  	[tilespmem:s2], [sflag:$0x1] =	stream.indirect_vreg.gather [hbm4b:s6+s3], $0x80, v2, vm0, $0xb8;
	[tilespmem:$0x1E000] =	vst v63  }
0x678: {  	s13 =	simm.s32 $0x3800  }
0x679: {  	[tilespmem:s13], [sflag:$0x1] =	stream.indirect_vreg.gather [hbm4b:s7+s3], $0x80, v2, vm0, $0xb8;
	[tilespmem:$0x1E000] =	vst v63  }
0x67a: {  	s14 =	simm.s32 $0x4000  }
0x67b: {  	[tilespmem:s14], [sflag:$0x1] =	stream.indirect_vreg.gather [hbm4b:s8+s3], $0x80, v2, vm0, $0xb8;
	[tilespmem:$0x1E000] =	vst v63  }
0x67c: {  	s1 =	simm.s32 $0x4800  }
0x67d: {  	[tilespmem:s1], [sflag:$0x1] =	stream.indirect_vreg.gather [hbm4b:s9+s3], $0x80, v2, vm0, $0xb8;
	[tilespmem:$0x1E000] =	vst v63  }
0x67e: {  	s2 =	simm.s32 $0x5000  }
0x67f: {  	[tilespmem:s2], [sflag:$0x1] =	stream.indirect_vreg.gather [hbm4b:s10+s3], $0x80, v2, vm0, $0xb8;
	[tilespmem:$0x1E000] =	vst v63  }
0x680: {  	s13 =	simm.s32 $0x5800;
	s14 =	simm.s32 $0x3  }
0x681: {  	[tilespmem:s13], [sflag:$0x1] =	stream.indirect_vreg.gather [hbm4b:s11+s3], $0x80, v2, vm0, $0xb8;
	[tilespmem:$0x1E000] =	vst v63  }
0x682: {  	_ =	swait.ge [sflag:s14], $0x4000  }
0x683: {  	s31 =	sld [smem:$0x7F0]  }
0x684: {  	[sflag:s14] =	ssyncset.done $0x0  }
0x685: {  	s0 =	simm.s32 $0x9;
	[sflag:s14] =	ssyncadd.s32 $0xFFFFC000;
	s14 =	simm.s32 $0xA000  }
0x686: {  	[hbm4b:s31+s4] =	stream.strided.scatter [tilespmem:s14], [sflag:$0xA], $0x4000, s24, s4, $0x38;
	[tilespmem:$0x1E000] =	vst v63  }
0x687: {  	_ =	swait.ge [sflag:s0], $0x4000  }
0x688: {  	[sflag:s0] =	ssyncset.done $0x0  }
0x689: {  	[sflag:s0] =	ssyncadd.s32 $0xFFFFC000  }
0x68a: {  	v2 =	vld.msk [tilespmem:$0x1C80], $0x3;
	_ =	sdelay $0x4  }
0x68b: {  	v3 =	vshll.u32 v2, $0x6  }
0x68c: {  	v2 =	vand.u32 $0x7, v2;
	v3 =	vand.u32 $0xFFFFFE00, v3  }
0x68d: {  	v2 =	vor.u32 v2, v3  }
0x68e: {  	v2 =	vperm.xlane v2, v0;
	_ =	sdelay $0x1  }
0x68f: {  	v2 =	vadd.s32 v1, v2;
	_ =	sdelay $0x4  }
0x690: {  	[tilespmem:s23], [sflag:$0x2] =	stream.indirect_vreg.gather [hbm4b:s30+s3], $0x80, v2, vm0, $0xb8;
	[tilespmem:$0x1E000] =	vst v63  }
0x691: {  	s17 =	simm.s32 $0x6800  }
0x692: {  	[tilespmem:s17], [sflag:$0x2] =	stream.indirect_vreg.gather [hbm4b:s5+s3], $0x80, v2, vm0, $0xb8;
	[tilespmem:$0x1E000] =	vst v63  }
0x693: {  	s1 =	simm.s32 $0x7000  }
0x694: {  	[tilespmem:s1], [sflag:$0x2] =	stream.indirect_vreg.gather [hbm4b:s6+s3], $0x80, v2, vm0, $0xb8;
	[tilespmem:$0x1E000] =	vst v63  }
0x695: {  	s13 =	simm.s32 $0x7800  }
0x696: {  	[tilespmem:s13], [sflag:$0x2] =	stream.indirect_vreg.gather [hbm4b:s7+s3], $0x80, v2, vm0, $0xb8;
	[tilespmem:$0x1E000] =	vst v63  }
0x697: {  	s17 =	simm.s32 $0x8000  }
0x698: {  	[tilespmem:s17], [sflag:$0x2] =	stream.indirect_vreg.gather [hbm4b:s8+s3], $0x80, v2, vm0, $0xb8;
	[tilespmem:$0x1E000] =	vst v63  }
0x699: {  	s1 =	simm.s32 $0x8800  }
0x69a: {  	[tilespmem:s1], [sflag:$0x2] =	stream.indirect_vreg.gather [hbm4b:s9+s3], $0x80, v2, vm0, $0xb8;
	[tilespmem:$0x1E000] =	vst v63  }
0x69b: {  	s13 =	simm.s32 $0x9000  }
0x69c: {  	[tilespmem:s13], [sflag:$0x2] =	stream.indirect_vreg.gather [hbm4b:s10+s3], $0x80, v2, vm0, $0xb8;
	[tilespmem:$0x1E000] =	vst v63  }
0x69d: {  	s17 =	simm.s32 $0x9800  }
0x69e: {  	[tilespmem:s17], [sflag:$0x2] =	stream.indirect_vreg.gather [hbm4b:s11+s3], $0x80, v2, vm0, $0xb8;
	[tilespmem:$0x1E000] =	vst v63  }
0x69f: {  	_ =	swait.ge [sflag:s25], $0x4000  }
0x6a0: {  	s31 =	sld [smem:$0x7F1]  }
0x6a1: {  	[sflag:s25] =	ssyncset.done $0x0  }
0x6a2: {  	s0 =	simm.s32 $0xA;
	s13 =	simm.s32 $0xE000;
	[sflag:s25] =	ssyncadd.s32 $0xFFFFC000  }
0x6a3: {  	[hbm4b:s31+s4] =	stream.strided.scatter [tilespmem:s13], [sflag:$0xB], $0x4000, s24, s4, $0x38;
	[tilespmem:$0x1E000] =	vst v63  }
0x6a4: {  	_ =	swait.ge [sflag:s0], $0x4000  }
0x6a5: {  	[sflag:s0] =	ssyncset.done $0x0  }
0x6a6: {  	[sflag:s0] =	ssyncadd.s32 $0xFFFFC000  }
0x6a7: {  	v2 =	vld.msk [tilespmem:$0x1D00], $0x3;
	_ =	sdelay $0x4  }
0x6a8: {  	v3 =	vshll.u32 v2, $0x6  }
0x6a9: {  	v2 =	vand.u32 $0x7, v2;
	v3 =	vand.u32 $0xFFFFFE00, v3  }
0x6aa: {  	v2 =	vor.u32 v2, v3  }
0x6ab: {  	v2 =	vperm.xlane v2, v0;
	_ =	sdelay $0x1  }
0x6ac: {  	v2 =	vadd.s32 v1, v2;
	_ =	sdelay $0x4  }
0x6ad: {  	[tilespmem:s14], [sflag:$0x3] =	stream.indirect_vreg.gather [hbm4b:s30+s3], $0x80, v2, vm0, $0xb8;
	[tilespmem:$0x1E000] =	vst v63  }
0x6ae: {  	s1 =	simm.s32 $0xA800  }
0x6af: {  	[tilespmem:s1], [sflag:$0x3] =	stream.indirect_vreg.gather [hbm4b:s5+s3], $0x80, v2, vm0, $0xb8;
	[tilespmem:$0x1E000] =	vst v63  }
0x6b0: {  	s19 =	simm.s32 $0xB000  }
0x6b1: {  	[tilespmem:s19], [sflag:$0x3] =	stream.indirect_vreg.gather [hbm4b:s6+s3], $0x80, v2, vm0, $0xb8;
	[tilespmem:$0x1E000] =	vst v63  }
0x6b2: {  	s14 =	simm.s32 $0xB800  }
0x6b3: {  	[tilespmem:s14], [sflag:$0x3] =	stream.indirect_vreg.gather [hbm4b:s7+s3], $0x80, v2, vm0, $0xb8;
	[tilespmem:$0x1E000] =	vst v63  }
0x6b4: {  	s19 =	simm.s32 $0xC000  }
0x6b5: {  	[tilespmem:s19], [sflag:$0x3] =	stream.indirect_vreg.gather [hbm4b:s8+s3], $0x80, v2, vm0, $0xb8;
	[tilespmem:$0x1E000] =	vst v63  }
0x6b6: {  	s1 =	simm.s32 $0xC800  }
0x6b7: {  	[tilespmem:s1], [sflag:$0x3] =	stream.indirect_vreg.gather [hbm4b:s9+s3], $0x80, v2, vm0, $0xb8;
	[tilespmem:$0x1E000] =	vst v63  }
0x6b8: {  	s14 =	simm.s32 $0xD000  }
0x6b9: {  	[tilespmem:s14], [sflag:$0x3] =	stream.indirect_vreg.gather [hbm4b:s10+s3], $0x80, v2, vm0, $0xb8;
	[tilespmem:$0x1E000] =	vst v63  }
0x6ba: {  	s19 =	simm.s32 $0xD800  }
0x6bb: {  	[tilespmem:s19], [sflag:$0x3] =	stream.indirect_vreg.gather [hbm4b:s11+s3], $0x80, v2, vm0, $0xb8;
	[tilespmem:$0x1E000] =	vst v63  }
0x6bc: {  	_ =	swait.ge [sflag:s26], $0x4000  }
0x6bd: {  	s31 =	sld [smem:$0x7F2]  }
0x6be: {  	[sflag:s26] =	ssyncset.done $0x0  }
0x6bf: {  	s21 =	simm.s32 $0x12000;
	s1 =	simm.s32 $0xB;
	[sflag:s26] =	ssyncadd.s32 $0xFFFFC000  }
0x6c0: {  	[hbm4b:s31+s4] =	stream.strided.scatter [tilespmem:s21], [sflag:$0xC], $0x4000, s24, s4, $0x38;
	[tilespmem:$0x1E000] =	vst v63  }
0x6c1: {  	_ =	swait.ge [sflag:s1], $0x4000  }
0x6c2: {  	[sflag:s1] =	ssyncset.done $0x0  }
0x6c3: {  	[sflag:s1] =	ssyncadd.s32 $0xFFFFC000  }
0x6c4: {  	v2 =	vld.msk [tilespmem:$0x1D80], $0x3;
	_ =	sdelay $0x4  }
0x6c5: {  	v3 =	vshll.u32 v2, $0x6  }
0x6c6: {  	v2 =	vand.u32 $0x7, v2;
	v3 =	vand.u32 $0xFFFFFE00, v3  }
0x6c7: {  	v2 =	vor.u32 v2, v3  }
0x6c8: {  	v2 =	vperm.xlane v2, v0;
	_ =	sdelay $0x1  }
0x6c9: {  	v2 =	vadd.s32 v1, v2;
	_ =	sdelay $0x4  }
0x6ca: {  	[tilespmem:s13], [sflag:$0x4] =	stream.indirect_vreg.gather [hbm4b:s30+s3], $0x80, v2, vm0, $0xb8;
	[tilespmem:$0x1E000] =	vst v63  }
0x6cb: {  	s13 =	simm.s32 $0xE800  }
0x6cc: {  	[tilespmem:s13], [sflag:$0x4] =	stream.indirect_vreg.gather [hbm4b:s5+s3], $0x80, v2, vm0, $0xb8;
	[tilespmem:$0x1E000] =	vst v63  }
0x6cd: {  	s19 =	simm.s32 $0xF000  }
0x6ce: {  	[tilespmem:s19], [sflag:$0x4] =	stream.indirect_vreg.gather [hbm4b:s6+s3], $0x80, v2, vm0, $0xb8;
	[tilespmem:$0x1E000] =	vst v63  }
0x6cf: {  	s13 =	simm.s32 $0xF800  }
0x6d0: {  	[tilespmem:s13], [sflag:$0x4] =	stream.indirect_vreg.gather [hbm4b:s7+s3], $0x80, v2, vm0, $0xb8;
	[tilespmem:$0x1E000] =	vst v63  }
0x6d1: {  	s19 =	simm.s32 $0x10000  }
0x6d2: {  	[tilespmem:s19], [sflag:$0x4] =	stream.indirect_vreg.gather [hbm4b:s8+s3], $0x80, v2, vm0, $0xb8;
	[tilespmem:$0x1E000] =	vst v63  }
0x6d3: {  	s13 =	simm.s32 $0x10800  }
0x6d4: {  	[tilespmem:s13], [sflag:$0x4] =	stream.indirect_vreg.gather [hbm4b:s9+s3], $0x80, v2, vm0, $0xb8;
	[tilespmem:$0x1E000] =	vst v63  }
0x6d5: {  	s19 =	simm.s32 $0x11000  }
0x6d6: {  	[tilespmem:s19], [sflag:$0x4] =	stream.indirect_vreg.gather [hbm4b:s10+s3], $0x80, v2, vm0, $0xb8;
	[tilespmem:$0x1E000] =	vst v63  }
0x6d7: {  	s13 =	simm.s32 $0x11800  }
0x6d8: {  	[tilespmem:s13], [sflag:$0x4] =	stream.indirect_vreg.gather [hbm4b:s11+s3], $0x80, v2, vm0, $0xb8;
	[tilespmem:$0x1E000] =	vst v63  }
0x6d9: {  	_ =	swait.ge [sflag:s20], $0x4000  }
0x6da: {  	s31 =	sld [smem:$0x7F3]  }
0x6db: {  	[sflag:s20] =	ssyncset.done $0x0  }
0x6dc: {  	s0 =	simm.s32 $0x16000;
	[sflag:s20] =	ssyncadd.s32 $0xFFFFC000  }
0x6dd: {  	[hbm4b:s31+s4] =	stream.strided.scatter [tilespmem:s0], [sflag:$0xD], $0x4000, s24, s4, $0x38;
	[tilespmem:$0x1E000] =	vst v63  }
0x6de: {  	_ =	swait.ge [sflag:s29], $0x4000  }
0x6df: {  	[sflag:s29] =	ssyncset.done $0x0  }
0x6e0: {  	[sflag:s29] =	ssyncadd.s32 $0xFFFFC000  }
0x6e1: {  	v2 =	vld.msk [tilespmem:$0x1E00], $0x3;
	_ =	sdelay $0x4  }
0x6e2: {  	v3 =	vshll.u32 v2, $0x6  }
0x6e3: {  	v2 =	vand.u32 $0x7, v2;
	v3 =	vand.u32 $0xFFFFFE00, v3  }
0x6e4: {  	v2 =	vor.u32 v2, v3  }
0x6e5: {  	v2 =	vperm.xlane v2, v0;
	_ =	sdelay $0x1  }
0x6e6: {  	v2 =	vadd.s32 v1, v2;
	_ =	sdelay $0x4  }
0x6e7: {  	[tilespmem:s21], [sflag:$0x5] =	stream.indirect_vreg.gather [hbm4b:s30+s3], $0x80, v2, vm0, $0xb8;
	[tilespmem:$0x1E000] =	vst v63  }
0x6e8: {  	s19 =	simm.s32 $0x12800  }
0x6e9: {  	[tilespmem:s19], [sflag:$0x5] =	stream.indirect_vreg.gather [hbm4b:s5+s3], $0x80, v2, vm0, $0xb8;
	[tilespmem:$0x1E000] =	vst v63  }
0x6ea: {  	s19 =	simm.s32 $0x13000  }
0x6eb: {  	[tilespmem:s19], [sflag:$0x5] =	stream.indirect_vreg.gather [hbm4b:s6+s3], $0x80, v2, vm0, $0xb8;
	[tilespmem:$0x1E000] =	vst v63  }
0x6ec: {  	s19 =	simm.s32 $0x13800  }
0x6ed: {  	[tilespmem:s19], [sflag:$0x5] =	stream.indirect_vreg.gather [hbm4b:s7+s3], $0x80, v2, vm0, $0xb8;
	[tilespmem:$0x1E000] =	vst v63  }
0x6ee: {  	s19 =	simm.s32 $0x14000  }
0x6ef: {  	[tilespmem:s19], [sflag:$0x5] =	stream.indirect_vreg.gather [hbm4b:s8+s3], $0x80, v2, vm0, $0xb8;
	[tilespmem:$0x1E000] =	vst v63  }
0x6f0: {  	s19 =	simm.s32 $0x14800  }
0x6f1: {  	[tilespmem:s19], [sflag:$0x5] =	stream.indirect_vreg.gather [hbm4b:s9+s3], $0x80, v2, vm0, $0xb8;
	[tilespmem:$0x1E000] =	vst v63  }
0x6f2: {  	s19 =	simm.s32 $0x15000  }
0x6f3: {  	[tilespmem:s19], [sflag:$0x5] =	stream.indirect_vreg.gather [hbm4b:s10+s3], $0x80, v2, vm0, $0xb8;
	[tilespmem:$0x1E000] =	vst v63  }
0x6f4: {  	s19 =	simm.s32 $0x15800  }
0x6f5: {  	[tilespmem:s19], [sflag:$0x5] =	stream.indirect_vreg.gather [hbm4b:s11+s3], $0x80, v2, vm0, $0xb8;
	[tilespmem:$0x1E000] =	vst v63  }
0x6f6: {  	_ =	swait.ge [sflag:s15], $0x4000  }
0x6f7: {  	s31 =	sld [smem:$0x7F4]  }
0x6f8: {  	[sflag:s15] =	ssyncset.done $0x0  }
0x6f9: {  	s19 =	simm.s32 $0x1A000;
	[sflag:s15] =	ssyncadd.s32 $0xFFFFC000  }
0x6fa: {  	[hbm4b:s31+s4] =	stream.strided.scatter [tilespmem:s19], [sflag:$0xE], $0x4000, s24, s4, $0x38;
	[tilespmem:$0x1E000] =	vst v63  }
0x6fb: {  	_ =	swait.ge [sflag:s22], $0x4000  }
0x6fc: {  	[sflag:s22] =	ssyncset.done $0x0  }
0x6fd: {  	[sflag:s22] =	ssyncadd.s32 $0xFFFFC000  }
0x6fe: {  	v2 =	vld.msk [tilespmem:$0x1E80], $0x3;
	_ =	sdelay $0x4  }
0x6ff: {  	v3 =	vshll.u32 v2, $0x6  }
0x700: {  	v2 =	vand.u32 $0x7, v2;
	v3 =	vand.u32 $0xFFFFFE00, v3  }
0x701: {  	v2 =	vor.u32 v2, v3  }
0x702: {  	v2 =	vperm.xlane v2, v0;
	_ =	sdelay $0x1  }
0x703: {  	v2 =	vadd.s32 v1, v2;
	_ =	sdelay $0x4  }
0x704: {  	[tilespmem:s0], [sflag:$0x6] =	stream.indirect_vreg.gather [hbm4b:s30+s3], $0x80, v2, vm0, $0xb8;
	[tilespmem:$0x1E000] =	vst v63  }
0x705: {  	s0 =	simm.s32 $0x16800  }
0x706: {  	[tilespmem:s0], [sflag:$0x6] =	stream.indirect_vreg.gather [hbm4b:s5+s3], $0x80, v2, vm0, $0xb8;
	[tilespmem:$0x1E000] =	vst v63  }
0x707: {  	s0 =	simm.s32 $0x17000  }
0x708: {  	[tilespmem:s0], [sflag:$0x6] =	stream.indirect_vreg.gather [hbm4b:s6+s3], $0x80, v2, vm0, $0xb8;
	[tilespmem:$0x1E000] =	vst v63  }
0x709: {  	s0 =	simm.s32 $0x17800  }
0x70a: {  	[tilespmem:s0], [sflag:$0x6] =	stream.indirect_vreg.gather [hbm4b:s7+s3], $0x80, v2, vm0, $0xb8;
	[tilespmem:$0x1E000] =	vst v63  }
0x70b: {  	s0 =	simm.s32 $0x18000  }
0x70c: {  	[tilespmem:s0], [sflag:$0x6] =	stream.indirect_vreg.gather [hbm4b:s8+s3], $0x80, v2, vm0, $0xb8;
	[tilespmem:$0x1E000] =	vst v63  }
0x70d: {  	s0 =	simm.s32 $0x18800  }
0x70e: {  	[tilespmem:s0], [sflag:$0x6] =	stream.indirect_vreg.gather [hbm4b:s9+s3], $0x80, v2, vm0, $0xb8;
	[tilespmem:$0x1E000] =	vst v63  }
0x70f: {  	s0 =	simm.s32 $0x19000  }
0x710: {  	[tilespmem:s0], [sflag:$0x6] =	stream.indirect_vreg.gather [hbm4b:s10+s3], $0x80, v2, vm0, $0xb8;
	[tilespmem:$0x1E000] =	vst v63  }
0x711: {  	s0 =	simm.s32 $0x19800  }
0x712: {  	[tilespmem:s0], [sflag:$0x6] =	stream.indirect_vreg.gather [hbm4b:s11+s3], $0x80, v2, vm0, $0xb8;
	[tilespmem:$0x1E000] =	vst v63  }
0x713: {  	_ =	swait.ge [sflag:s28], $0x4000  }
0x714: {  	s31 =	sld [smem:$0x7F5]  }
0x715: {  	[sflag:s28] =	ssyncset.done $0x0  }
0x716: {  	s0 =	simm.s32 $0x2000;
	[sflag:s28] =	ssyncadd.s32 $0xFFFFC000  }
0x717: {  	[hbm4b:s31+s4] =	stream.strided.scatter [tilespmem:s0], [sflag:$0x8], $0x4000, s24, s4, $0x38;
	[tilespmem:$0x1E000] =	vst v63  }
0x718: {  	_ =	swait.ge [sflag:s12], $0x4000  }
0x719: {  	[sflag:s12] =	ssyncset.done $0x0  }
0x71a: {  	[sflag:s12] =	ssyncadd.s32 $0xFFFFC000  }
0x71b: {  	v2 =	vld.msk [tilespmem:$0x1F00], $0x3;
	_ =	sdelay $0x4  }
0x71c: {  	v3 =	vshll.u32 v2, $0x6  }
0x71d: {  	v2 =	vand.u32 $0x7, v2;
	v3 =	vand.u32 $0xFFFFFE00, v3  }
0x71e: {  	v2 =	vor.u32 v2, v3  }
0x71f: {  	v2 =	vperm.xlane v2, v0;
	_ =	sdelay $0x1  }
0x720: {  	v2 =	vadd.s32 v1, v2;
	_ =	sdelay $0x4  }
0x721: {  	[tilespmem:s19], [sflag:$0x7] =	stream.indirect_vreg.gather [hbm4b:s30+s3], $0x80, v2, vm0, $0xb8;
	[tilespmem:$0x1E000] =	vst v63  }
0x722: {  	s31 =	simm.s32 $0x1A800  }
0x723: {  	[tilespmem:s31], [sflag:$0x7] =	stream.indirect_vreg.gather [hbm4b:s5+s3], $0x80, v2, vm0, $0xb8;
	[tilespmem:$0x1E000] =	vst v63  }
0x724: {  	s31 =	simm.s32 $0x1B000  }
0x725: {  	[tilespmem:s31], [sflag:$0x7] =	stream.indirect_vreg.gather [hbm4b:s6+s3], $0x80, v2, vm0, $0xb8;
	[tilespmem:$0x1E000] =	vst v63  }
0x726: {  	s31 =	simm.s32 $0x1B800  }
0x727: {  	[tilespmem:s31], [sflag:$0x7] =	stream.indirect_vreg.gather [hbm4b:s7+s3], $0x80, v2, vm0, $0xb8;
	[tilespmem:$0x1E000] =	vst v63  }
0x728: {  	s31 =	simm.s32 $0x1C000  }
0x729: {  	[tilespmem:s31], [sflag:$0x7] =	stream.indirect_vreg.gather [hbm4b:s8+s3], $0x80, v2, vm0, $0xb8;
	[tilespmem:$0x1E000] =	vst v63  }
0x72a: {  	s31 =	simm.s32 $0x1C800  }
0x72b: {  	[tilespmem:s31], [sflag:$0x7] =	stream.indirect_vreg.gather [hbm4b:s9+s3], $0x80, v2, vm0, $0xb8;
	[tilespmem:$0x1E000] =	vst v63  }
0x72c: {  	s31 =	simm.s32 $0x1D000  }
0x72d: {  	[tilespmem:s31], [sflag:$0x7] =	stream.indirect_vreg.gather [hbm4b:s10+s3], $0x80, v2, vm0, $0xb8;
	[tilespmem:$0x1E000] =	vst v63  }
0x72e: {  	s31 =	simm.s32 $0x1D800  }
0x72f: {  	[tilespmem:s31], [sflag:$0x7] =	stream.indirect_vreg.gather [hbm4b:s11+s3], $0x80, v2, vm0, $0xb8;
	[tilespmem:$0x1E000] =	vst v63  }
0x730: {  	_ =	swait.ge [sflag:s16], $0x4000  }
0x731: {  	s31 =	sld [smem:$0x7F6]  }
0x732: {  	[sflag:s16] =	ssyncset.done $0x0  }
0x733: {  	s23 =	simm.s32 $0x6000;
	[sflag:s16] =	ssyncadd.s32 $0xFFFFC000  }
0x734: {  	[hbm4b:s31+s4] =	stream.strided.scatter [tilespmem:s23], [sflag:$0x9], $0x4000, s24, s4, $0x38;
	[tilespmem:$0x1E000] =	vst v63  }
0x735: {  	_ =	swait.ge [sflag:s18], $0x4000  }
0x736: {  	[sflag:s18] =	ssyncset.done $0x0  }
0x737: {  	[sflag:s18] =	ssyncadd.s32 $0xFFFFC000  }
0x738: {  	v2 =	vld.msk [tilespmem:$0x1F80], $0x3;
	_ =	sdelay $0x4  }
0x739: {  	v3 =	vshll.u32 v2, $0x6  }
0x73a: {  	v2 =	vand.u32 $0x7, v2;
	v3 =	vand.u32 $0xFFFFFE00, v3  }
0x73b: {  	v2 =	vor.u32 v2, v3  }
0x73c: {  	v2 =	vperm.xlane v2, v0;
	_ =	sdelay $0x1  }
0x73d: {  	v2 =	vadd.s32 v1, v2;
	_ =	sdelay $0x4  }
0x73e: {  	[tilespmem:s0], [sflag:$0x1] =	stream.indirect_vreg.gather [hbm4b:s30+s3], $0x80, v2, vm0, $0xb8;
	[tilespmem:$0x1E000] =	vst v63  }
0x73f: {  	s23 =	simm.s32 $0x2800  }
0x740: {  	[tilespmem:s23], [sflag:$0x1] =	stream.indirect_vreg.gather [hbm4b:s5+s3], $0x80, v2, vm0, $0xb8;
	[tilespmem:$0x1E000] =	vst v63  }
0x741: {  	s23 =	simm.s32 $0x3000  }
0x742: {  	[tilespmem:s23], [sflag:$0x1] =	stream.indirect_vreg.gather [hbm4b:s6+s3], $0x80, v2, vm0, $0xb8;
	[tilespmem:$0x1E000] =	vst v63  }
0x743: {  	s23 =	simm.s32 $0x3800  }
0x744: {  	[tilespmem:s23], [sflag:$0x1] =	stream.indirect_vreg.gather [hbm4b:s7+s3], $0x80, v2, vm0, $0xb8;
	[tilespmem:$0x1E000] =	vst v63  }
0x745: {  	s23 =	simm.s32 $0x4000  }
0x746: {  	[tilespmem:s23], [sflag:$0x1] =	stream.indirect_vreg.gather [hbm4b:s8+s3], $0x80, v2, vm0, $0xb8;
	[tilespmem:$0x1E000] =	vst v63  }
0x747: {  	s23 =	simm.s32 $0x4800  }
0x748: {  	[tilespmem:s23], [sflag:$0x1] =	stream.indirect_vreg.gather [hbm4b:s9+s3], $0x80, v2, vm0, $0xb8;
	[tilespmem:$0x1E000] =	vst v63  }
0x749: {  	s23 =	simm.s32 $0x5000  }
0x74a: {  	[tilespmem:s23], [sflag:$0x1] =	stream.indirect_vreg.gather [hbm4b:s10+s3], $0x80, v2, vm0, $0xb8;
	[tilespmem:$0x1E000] =	vst v63  }
0x74b: {  	s2 =	simm.s32 $0x3;
	s23 =	simm.s32 $0x5800  }
0x74c: {  	[tilespmem:s23], [sflag:$0x1] =	stream.indirect_vreg.gather [hbm4b:s11+s3], $0x80, v2, vm0, $0xb8;
	[tilespmem:$0x1E000] =	vst v63  }
0x74d: {  	_ =	swait.ge [sflag:s2], $0x4000  }
0x74e: {  	s31 =	sld [smem:$0x7F7]  }
0x74f: {  	[sflag:s2] =	ssyncset.done $0x0  }
0x750: {  	s23 =	simm.s32 $0xA000;
	[sflag:s2] =	ssyncadd.s32 $0xFFFFC000  }
0x751: {  	[hbm4b:s31+s4] =	stream.strided.scatter [tilespmem:s23], [sflag:$0xA], $0x4000, s24, s4, $0x38;
	[tilespmem:$0x1E000] =	vst v63  }
0x752: {  	_ =	swait.ge [sflag:s25], $0x4000  }
0x753: {  	s31 =	sld [smem:$0x7F8]  }
0x754: {  	[sflag:s25] =	ssyncset.done $0x0  }
0x755: {  	s14 =	simm.s32 $0xE000;
	[sflag:s25] =	ssyncadd.s32 $0xFFFFC000  }
0x756: {  	[hbm4b:s31+s4] =	stream.strided.scatter [tilespmem:s14], [sflag:$0xB], $0x4000, s24, s4, $0x38;
	[tilespmem:$0x1E000] =	vst v63  }
0x757: {  	_ =	swait.ge [sflag:s26], $0x4000  }
0x758: {  	s31 =	sld [smem:$0x7F9]  }
0x759: {  	[sflag:s26] =	ssyncset.done $0x0  }
0x75a: {  	[sflag:s26] =	ssyncadd.s32 $0xFFFFC000  }
0x75b: {  	[hbm4b:s31+s4] =	stream.strided.scatter [tilespmem:s21], [sflag:$0xC], $0x4000, s24, s4, $0x38;
	[tilespmem:$0x1E000] =	vst v63  }
0x75c: {  	_ =	swait.ge [sflag:s20], $0x4000  }
0x75d: {  	s31 =	sld [smem:$0x7FA]  }
0x75e: {  	[sflag:s20] =	ssyncset.done $0x0  }
0x75f: {  	s13 =	simm.s32 $0x16000;
	[sflag:s20] =	ssyncadd.s32 $0xFFFFC000  }
0x760: {  	[hbm4b:s31+s4] =	stream.strided.scatter [tilespmem:s13], [sflag:$0xD], $0x4000, s24, s4, $0x38;
	[tilespmem:$0x1E000] =	vst v63  }
0x761: {  	_ =	swait.ge [sflag:s15], $0x4000  }
0x762: {  	s31 =	sld [smem:$0x7FB]  }
0x763: {  	[sflag:s15] =	ssyncset.done $0x0  }
0x764: {  	s19 =	simm.s32 $0x1A000;
	[sflag:s15] =	ssyncadd.s32 $0xFFFFC000  }
0x765: {  	[hbm4b:s31+s4] =	stream.strided.scatter [tilespmem:s19], [sflag:$0xE], $0x4000, s24, s4, $0x38;
	[tilespmem:$0x1E000] =	vst v63  }
0x766: {  	_ =	swait.ge [sflag:s28], $0x4000  }
0x767: {  	s31 =	sld [smem:$0x7FD]  }
0x768: {  	[sflag:s28] =	ssyncset.done $0x0  }
0x769: {  	s0 =	simm.s32 $0x2000;
	s26 =	simm.s32 $0x9;
	[sflag:s28] =	ssyncadd.s32 $0xFFFFC000  }
0x76a: {  	[hbm4b:s31+s4] =	stream.strided.scatter [tilespmem:s0], [sflag:$0x8], $0x4000, s24, s4, $0x38;
	[tilespmem:$0x1E000] =	vst v63  }
0x76b: {  	s31 =	sld [smem:$0x7D8];
	_ =	swait.ge [sflag:s26], $0x4000  }
0x76c: {  	[sflag:s26] =	ssyncset.done $0x0  }
0x76d: {  	s17 =	simm.s32 $0xA;
	[sflag:s26] =	ssyncadd.s32 $0xFFFFC000  }
0x76e: {  	_ =	swait.ge [sflag:s17], $0x4000  }
0x76f: {  	[sflag:s17] =	ssyncset.done $0x0  }
0x770: {  	s1 =	simm.s32 $0xB;
	[sflag:s17] =	ssyncadd.s32 $0xFFFFC000  }
0x771: {  	_ =	swait.ge [sflag:s1], $0x4000  }
0x772: {  	[sflag:s1] =	ssyncset.done $0x0  }
0x773: {  	[sflag:s1] =	ssyncadd.s32 $0xFFFFC000  }
0x774: {  	_ =	swait.ge [sflag:s29], $0x4000  }
0x775: {  	[sflag:s29] =	ssyncset.done $0x0  }
0x776: {  	[sflag:s29] =	ssyncadd.s32 $0xFFFFC000  }
0x777: {  	_ =	swait.ge [sflag:s22], $0x4000  }
0x778: {  	[sflag:s22] =	ssyncset.done $0x0  }
0x779: {  	[sflag:s22] =	ssyncadd.s32 $0xFFFFC000  }
0x77a: {  	p0 =	sne.s32 s31, $0x1;
	_ =	swait.ge [sflag:s12], $0x4000  }
.Ltmp0:
0x77b: {  	[sflag:s12] =	ssyncset.done $0x0;
	(pc) =	sbr.rel @p0 .LBB2_1-.Ltmp0, $4  }
0x77c: {  	[sflag:s12] =	ssyncadd.s32 $0xFFFFC000  }
0x77d: {  	_ =	swait.ge [sflag:s18], $0x4000  }
0x77e: {  	[sflag:s18] =	ssyncset.done $0x0  }
0x77f: {  	s31 =	sadd.s32 $0xFFFFFFFF, s31;
	[sflag:s18] =	ssyncadd.s32 $0xFFFFC000  }
0x780: {  	_ =	sfence.sel $0x180000  }
0x781: {  	[bflag:$0x0] =	sbarrier.arrive $0xFFFF  }
0x782: {  	_ =	strace $0x90000047  }
0x783: {  	s0 =	stileid.u32;
	[bflag:$0x2] =	sbarrier.arrive $0xFFFF  }
0x784: {  	p0 =	sne.s32 s0, $0x0;
	s0 =	rddreg [dreg:$0x3]  }
0x785: {  	s0 =	sadd.s32 @!p0 $0x100000, s0  }
0x786: {  	[sflag:s0] =	ssyncadd.tile.s32 @!p0 $0x1;
	_ =	shalt  }
.Lfunc_end2:
_tile_overlayer_lowered:
.L_overlay_start_2:
0x787: {  	(tag) =	ssettag $0x2  }
0x788: {  	s0 =	rddreg [dreg:$0x0];
	s2 =	stileid.u32  }
0x789: {  	s1 =	rddreg [dreg:$0x1];
	p0 =	sne.s32 s2, $0x0  }
0x78a: {  	s3 =	rddreg [dreg:$0x2];
	[bflag:$0x3] =	sbarrier.arrive $0xFFFF;
	s2 =	simm.s32 @!p0 $0x1C0F  }
0x78b: {  	[timem:s3], [sflag:s2] =	dma.local @!p0 [hbm:s0], s1  }
0x78c: {  	s0 =	simm.s32 @!p0 $0xF  }
0x78d: {  	_ =	swait.ge @!p0 [sflag:s0], s1  }
0x78e: {  	s1 =	ssub.s32 @!p0 $0x0, s1;
	[sflag:s0] =	ssyncset.done @!p0 $0x0  }
0x78f: {  	[sflag:s0] =	ssyncadd.s32 @!p0 s1  }
0x790: {  	[bflag:$0x3] =	sbarrier.arrive $0xFFFF  }
0x791: {  	_ =	shalt  }

</sc_bundles>
